<compile_context>
chip_gen: v7x
topology: tpu7x:2x2x1
jax: 0.10.2.dev20260603
libtpu: 0.0.44.dev20260713+nightly
codegen_flags: <defaults>
</compile_context>

<pallas_src>
import jax
import jax.numpy as jnp
from jax import lax
from jax.experimental import pallas as pl
from jax.experimental.pallas import tpu as pltpu
from jax.experimental.pallas import tpu_sc as plsc

B = 1024
S = 512
DIM = 128
N = B * S
MAX_LEN = 512
N_SEG = 2
NW = 32
PER_W = N // NW
CH = 256
NCH = PER_W // CH
LANES = 16
CGRP = DIM // LANES


def _body(seg_hbm, pos_hbm, tok_hbm, segm_hbm, posm_hbm, tokm_hbm, out_hbm,
          idsA, idsB,
          tokA, tokB, pos_vmem, seg_vmem, pos_stage,
          semIA, semIB, semGA, semGB, semOA, semOB):
  nc = lax.axis_size("c")
  sid = lax.axis_index("s")
  wid = sid * nc + lax.axis_index("c")
  base = wid * PER_W

  pltpu.sync_copy(segm_hbm, seg_vmem)

  seg0 = [seg_vmem[pl.ds(cc * LANES, LANES)] for cc in range(CGRP)]
  d01 = [seg_vmem[pl.ds(DIM + cc * LANES, LANES)] - seg0[cc]
         for cc in range(CGRP)]

  STG = 128
  for k in range(MAX_LEN // STG):
    pltpu.sync_copy(posm_hbm.at[pl.ds(k * STG * DIM, STG * DIM)], pos_stage)

    @plsc.parallel_loop(0, STG)
    def _prow(p):
      for g in range(CGRP // 2):
        a = pos_stage[pl.ds(p * DIM + 2 * g * LANES, LANES)] + seg0[2 * g]
        b = (pos_stage[pl.ds(p * DIM + (2 * g + 1) * LANES, LANES)]
             + seg0[2 * g + 1])
        packed = plsc.pack(a, b, format=plsc.PackFormat.INTERLEAVED)
        pos_vmem[pl.ds((k * STG + p) * (DIM // 2) + g * LANES, LANES)] = (
            plsc.bitcast(packed, jnp.int32))

  def start_ids(c, ids, semI):
    off = base + c * CH
    pltpu.async_copy(seg_hbm.at[pl.ds(off, CH)], ids.at[pl.ds(0, CH)], semI)
    pltpu.async_copy(pos_hbm.at[pl.ds(off, CH)], ids.at[pl.ds(CH, CH)], semI)
    pltpu.async_copy(tok_hbm.at[pl.ds(off, CH)], ids.at[pl.ds(2 * CH, CH)],
                     semI)

  def wait_ids(ids, semI):
    pltpu.make_async_copy(tok_hbm.at[pl.ds(0, 3 * CH)], ids, semI).wait()

  def start_gather(ids, tokR, semG):
    for j in range(CH // 128):
      pltpu.async_copy(tokm_hbm.at[ids.at[pl.ds(2 * CH + j * 128, 128)]],
                       tokR.at[pl.ds(j * 128, 128)], semG)

  def wait_gather(tokR, semG):
    pltpu.make_async_copy(tokm_hbm.at[pl.ds(0, CH)], tokR, semG).wait()

  iota16 = lax.iota(jnp.int32, LANES)
  zeros16 = jnp.zeros((LANES,), jnp.int32)

  def add_chunk(sV, pV, tokR):
    @plsc.parallel_loop(0, CH, unroll=8)
    def _row(r):
      pr = plsc.load_gather(pV, [zeros16 + r])
      sr = plsc.load_gather(sV, [zeros16 + r])
      sf = sr.astype(jnp.float32)
      pbase = pr * (DIM // 2) + iota16
      for g in range(CGRP // 2):
        words = plsc.load_gather(pos_vmem, [pbase + g * LANES])
        pair = plsc.bitcast(words, jnp.bfloat16)
        a, b = plsc.unpack(pair, format=plsc.PackFormat.INTERLEAVED)
        plsc.addupdate(tokR.at[r, pl.ds(2 * g * LANES, LANES)],
                       a + sf * d01[2 * g])
        plsc.addupdate(tokR.at[r, pl.ds((2 * g + 1) * LANES, LANES)],
                       b + sf * d01[2 * g + 1])

  def write_out(c, tokR, semO):
    off = base + c * CH
    pltpu.async_copy(tokR, out_hbm.at[pl.ds(off, CH)], semO)

  def wait_out(tokR, semO):
    pltpu.make_async_copy(tokR, out_hbm.at[pl.ds(base, CH)], semO).wait()

  bufsA = (idsA, tokA, semIA, semGA, semOA)
  bufsB = (idsB, tokB, semIB, semGB, semOB)

  def process(c, cur, nxt):
    ids, tokR, semI, semG, semO = cur
    ids2, tokR2, semI2, semG2, semO2 = nxt
    wait_ids(ids, semI)
    pl.when(c >= 2)(lambda: wait_out(tokR, semO))
    start_gather(ids, tokR, semG)

    def finish_prev():
      wait_gather(tokR2, semG2)
      add_chunk(ids2.at[pl.ds(0, CH)], ids2.at[pl.ds(CH, CH)], tokR2)
      write_out(c - 1, tokR2, semO2)

    pl.when(c >= 1)(finish_prev)
    pl.when(c + 1 < NCH)(lambda: start_ids(c + 1, ids2, semI2))

  start_ids(0, idsA, semIA)

  def pair(j, carry):
    process(2 * j, bufsA, bufsB)
    process(2 * j + 1, bufsB, bufsA)
    return carry

  lax.fori_loop(0, NCH // 2, pair, None)

  wait_gather(tokB, semGB)
  add_chunk(idsB.at[pl.ds(0, CH)], idsB.at[pl.ds(CH, CH)], tokB)
  write_out(NCH - 1, tokB, semOB)
  wait_out(tokA, semOA)
  wait_out(tokB, semOB)


def kernel(segment_ids, pos_ids, token_ids, segment_matrix, pos_matrix,
           token_matrix):
  seg = segment_ids.reshape(N)
  pos = pos_ids.reshape(N)
  tok = token_ids.reshape(N)
  segm_flat = segment_matrix.reshape(N_SEG * DIM)
  posm_flat = pos_matrix.reshape(MAX_LEN * DIM)
  mesh = plsc.VectorSubcoreMesh(core_axis_name="c", subcore_axis_name="s")
  run = pl.kernel(
      _body,
      out_type=jax.ShapeDtypeStruct((N, DIM), jnp.float32),
      mesh=mesh,
      compiler_params=pltpu.CompilerParams(needs_layout_passes=False),
      scratch_types=[
          pltpu.VMEM((3 * CH,), jnp.int32),
          pltpu.VMEM((3 * CH,), jnp.int32),
          pltpu.VMEM((CH, DIM), jnp.float32),
          pltpu.VMEM((CH, DIM), jnp.float32),
          pltpu.VMEM((MAX_LEN * DIM // 2,), jnp.int32),
          pltpu.VMEM((N_SEG * DIM,), jnp.float32),
          pltpu.VMEM((128 * DIM,), jnp.float32),
          pltpu.SemaphoreType.DMA,
          pltpu.SemaphoreType.DMA,
          pltpu.SemaphoreType.DMA,
          pltpu.SemaphoreType.DMA,
          pltpu.SemaphoreType.DMA,
          pltpu.SemaphoreType.DMA,
      ],
  )
  out = run(seg, pos, tok, segm_flat, posm_flat, token_matrix)
  return out.reshape(B, S, DIM)

# --- scband reference (transcript-rebuilt; emitter-appended) ---
"""Pipeline reference for scband-bertcombined-embedding-31877247271144 (READ-ONLY COPY).

The authoritative reference and input builder live on the scoring server;
editing this copy changes nothing except your own understanding.
"""

import jax, jax.numpy as jnp
import numpy as np

VOCAB = 119547
MAX_LEN = 512
N_SEG = 2
DIM = 128
B = 1024
S = 512


def setup_inputs(seed: int = 0) -> dict:
    key = jax.random.key(seed)
    k1, k2, k3, k4, k5, k6 = jax.random.split(key, 6)
    segment_ids = jax.random.randint(k1, (B, S), 0, N_SEG, dtype=jnp.int64 if jax.config.jax_enable_x64 else jnp.int32)
    pos_ids = jax.random.randint(k2, (B, S), 0, MAX_LEN, dtype=jnp.int64 if jax.config.jax_enable_x64 else jnp.int32)
    token_ids = jax.random.randint(k3, (B, S), 0, VOCAB, dtype=jnp.int64 if jax.config.jax_enable_x64 else jnp.int32)
    # learned parameters (truncated-normal-ish init, stddev=0.02)
    segment_matrix = 0.02 * jax.random.truncated_normal(k4, -2.0, 2.0, (N_SEG, DIM), dtype=jnp.float32)
    pos_matrix = 0.02 * jax.random.truncated_normal(k5, -2.0, 2.0, (MAX_LEN, DIM), dtype=jnp.float32)
    token_matrix = 0.02 * jax.random.truncated_normal(k6, -2.0, 2.0, (VOCAB, DIM), dtype=jnp.float32)
    return {
        "segment_ids": segment_ids,
        "pos_ids": pos_ids,
        "token_ids": token_ids,
        "segment_matrix": segment_matrix,
        "pos_matrix": pos_matrix,
        "token_matrix": token_matrix,
    }


def reference(segment_ids, pos_ids, token_ids, segment_matrix, pos_matrix, token_matrix):
    segment_embeddings = jnp.take(segment_matrix, segment_ids, axis=0)
    pos_embeddings = jnp.take(pos_matrix, pos_ids, axis=0)
    token_embeddings = jnp.take(token_matrix, token_ids, axis=0)
    return segment_embeddings + pos_embeddings + token_embeddings

if __name__ == "__main__":
    import jax
    _d = setup_inputs()
    print(jax.jit(kernel)(*tuple(_d.values())))

</pallas_src>

<mosaic_0001>
#map = affine_map<(d0, d1) -> (0)>
#map1 = affine_map<(d0, d1) -> (0, 0)>
module attributes {stable_mosaic.version = 14 : i64} {
  func.func @_body(%arg0: i32, %arg1: i32, %arg2: memref<524288xi32, #tpu.memory_space<hbm>>, %arg3: memref<524288xi32, #tpu.memory_space<hbm>>, %arg4: memref<524288xi32, #tpu.memory_space<hbm>>, %arg5: memref<256xf32, #tpu.memory_space<hbm>>, %arg6: memref<65536xf32, #tpu.memory_space<hbm>>, %arg7: memref<119547x128xf32, #tpu.memory_space<hbm>>, %arg8: memref<524288x128xf32, #tpu.memory_space<hbm>>, %arg9: memref<768xi32, #tpu.memory_space<vmem>>, %arg10: memref<768xi32, #tpu.memory_space<vmem>>, %arg11: memref<256x128xf32, #tpu.memory_space<vmem>>, %arg12: memref<256x128xf32, #tpu.memory_space<vmem>>, %arg13: memref<32768xi32, #tpu.memory_space<vmem>>, %arg14: memref<256xf32, #tpu.memory_space<vmem>>, %arg15: memref<16384xf32, #tpu.memory_space<vmem>>, %arg16: memref<!tpu.dma_semaphore, #tpu.memory_space<semaphore_mem>>, %arg17: memref<!tpu.dma_semaphore, #tpu.memory_space<semaphore_mem>>, %arg18: memref<!tpu.dma_semaphore, #tpu.memory_space<semaphore_mem>>, %arg19: memref<!tpu.dma_semaphore, #tpu.memory_space<semaphore_mem>>, %arg20: memref<!tpu.dma_semaphore, #tpu.memory_space<semaphore_mem>>, %arg21: memref<!tpu.dma_semaphore, #tpu.memory_space<semaphore_mem>>) attributes {dimension_semantics = [#tpu.dimension_semantics<core_parallel>, #tpu.dimension_semantics<subcore_parallel>], iteration_bounds = array<i64: 2, 16>, scalar_prefetch = 0 : i64, scratch_operands = 13 : i64, tpu.core_type = #tpu.core_type<sc_vector_subcore>, window_params = [{transform_indices = #map}, {transform_indices = #map}, {transform_indices = #map}, {transform_indices = #map}, {transform_indices = #map}, {transform_indices = #map1}, {transform_indices = #map1}]} {
    %mul3A = arith.constant 2 : i32
    %mul3A_0 = arith.muli %arg1, %mul3A : i32
    %add3A = arith.addi %mul3A_0, %arg0 : i32
    %mul3A_1 = arith.constant 16384 : i32
    %mul3A_2 = arith.muli %add3A, %mul3A_1 : i32
    "tpu.region"() ({
      %run_scoped3A = tpu.sem_alloc : memref<!tpu.dma_semaphore, #tpu.memory_space<semaphore_mem>>
      tpu.enqueue_dma source(%arg5 : memref<256xf32, #tpu.memory_space<hbm>>) target(%arg14 : memref<256xf32, #tpu.memory_space<vmem>>) target_semaphore(%run_scoped3A : memref<!tpu.dma_semaphore, #tpu.memory_space<semaphore_mem>>)
      tpu.wait_dma2 semaphore(%run_scoped3A : memref<!tpu.dma_semaphore, #tpu.memory_space<semaphore_mem>>) src(%arg5 : memref<256xf32, #tpu.memory_space<hbm>>) dst(%arg14 : memref<256xf32, #tpu.memory_space<vmem>>)
      tpu.yield
    }) : () -> ()
    %get3A = arith.constant 0 : index
    %get3A_3 = tpu.vector_load %arg14[%get3A] {strides = array<i32>} : memref<256xf32, #tpu.memory_space<vmem>>, vector<16xf32>,
    %get3A_4 = arith.constant 16 : index
    %get3A_5 = tpu.vector_load %arg14[%get3A_4] {strides = array<i32>} : memref<256xf32, #tpu.memory_space<vmem>>, vector<16xf32>,
    %get3A_6 = arith.constant 32 : index
    %get3A_7 = tpu.vector_load %arg14[%get3A_6] {strides = array<i32>} : memref<256xf32, #tpu.memory_space<vmem>>, vector<16xf32>,
    %get3A_8 = arith.constant 48 : index
    %get3A_9 = tpu.vector_load %arg14[%get3A_8] {strides = array<i32>} : memref<256xf32, #tpu.memory_space<vmem>>, vector<16xf32>,
    %get3A_10 = arith.constant 64 : index
    %get3A_11 = tpu.vector_load %arg14[%get3A_10] {strides = array<i32>} : memref<256xf32, #tpu.memory_space<vmem>>, vector<16xf32>,
    %get3A_12 = arith.constant 80 : index
    %get3A_13 = tpu.vector_load %arg14[%get3A_12] {strides = array<i32>} : memref<256xf32, #tpu.memory_space<vmem>>, vector<16xf32>,
    %get3A_14 = arith.constant 96 : index
    %get3A_15 = tpu.vector_load %arg14[%get3A_14] {strides = array<i32>} : memref<256xf32, #tpu.memory_space<vmem>>, vector<16xf32>,
    %get3A_16 = arith.constant 112 : index
    %get3A_17 = tpu.vector_load %arg14[%get3A_16] {strides = array<i32>} : memref<256xf32, #tpu.memory_space<vmem>>, vector<16xf32>,
    %get3A_18 = arith.constant 128 : index
    %get3A_19 = tpu.vector_load %arg14[%get3A_18] {strides = array<i32>} : memref<256xf32, #tpu.memory_space<vmem>>, vector<16xf32>,
    %sub3A = arith.subf %get3A_19, %get3A_3 : vector<16xf32>
    %get3A_20 = arith.constant 144 : index
    %get3A_21 = tpu.vector_load %arg14[%get3A_20] {strides = array<i32>} : memref<256xf32, #tpu.memory_space<vmem>>, vector<16xf32>,
    %sub3A_22 = arith.subf %get3A_21, %get3A_5 : vector<16xf32>
    %get3A_23 = arith.constant 160 : index
    %get3A_24 = tpu.vector_load %arg14[%get3A_23] {strides = array<i32>} : memref<256xf32, #tpu.memory_space<vmem>>, vector<16xf32>,
    %sub3A_25 = arith.subf %get3A_24, %get3A_7 : vector<16xf32>
    %get3A_26 = arith.constant 176 : index
    %get3A_27 = tpu.vector_load %arg14[%get3A_26] {strides = array<i32>} : memref<256xf32, #tpu.memory_space<vmem>>, vector<16xf32>,
    %sub3A_28 = arith.subf %get3A_27, %get3A_9 : vector<16xf32>
    %get3A_29 = arith.constant 192 : index
    %get3A_30 = tpu.vector_load %arg14[%get3A_29] {strides = array<i32>} : memref<256xf32, #tpu.memory_space<vmem>>, vector<16xf32>,
    %sub3A_31 = arith.subf %get3A_30, %get3A_11 : vector<16xf32>
    %get3A_32 = arith.constant 208 : index
    %get3A_33 = tpu.vector_load %arg14[%get3A_32] {strides = array<i32>} : memref<256xf32, #tpu.memory_space<vmem>>, vector<16xf32>,
    %sub3A_34 = arith.subf %get3A_33, %get3A_13 : vector<16xf32>
    %get3A_35 = arith.constant 224 : index
    %get3A_36 = tpu.vector_load %arg14[%get3A_35] {strides = array<i32>} : memref<256xf32, #tpu.memory_space<vmem>>, vector<16xf32>,
    %sub3A_37 = arith.subf %get3A_36, %get3A_15 : vector<16xf32>
    %get3A_38 = arith.constant 240 : index
    %get3A_39 = tpu.vector_load %arg14[%get3A_38] {strides = array<i32>} : memref<256xf32, #tpu.memory_space<vmem>>, vector<16xf32>,
    %sub3A_40 = arith.subf %get3A_39, %get3A_17 : vector<16xf32>
    "tpu.region"() ({
      %run_scoped3A = tpu.sem_alloc : memref<!tpu.dma_semaphore, #tpu.memory_space<semaphore_mem>>
      %dma_start3A_98 = arith.constant 0 : i32
      %dma_start3A_99 = tpu.memref_slice %arg6[%dma_start3A_98] : memref<65536xf32, #tpu.memory_space<hbm>> -> memref<16384xf32, #tpu.memory_space<hbm>>
      %dma_start3A_100 = arith.constant 0 : i32
      %dma_start3A_101 = tpu.memref_slice %arg6[%dma_start3A_100] : memref<65536xf32, #tpu.memory_space<hbm>> -> memref<16384xf32, #tpu.memory_space<hbm>>
      tpu.enqueue_dma source(%dma_start3A_101 : memref<16384xf32, #tpu.memory_space<hbm>>) target(%arg15 : memref<16384xf32, #tpu.memory_space<vmem>>) target_semaphore(%run_scoped3A : memref<!tpu.dma_semaphore, #tpu.memory_space<semaphore_mem>>)
      %dma_wait3A_102 = arith.constant 0 : i32
      %dma_wait3A_103 = tpu.memref_slice %arg6[%dma_wait3A_102] : memref<65536xf32, #tpu.memory_space<hbm>> -> memref<16384xf32, #tpu.memory_space<hbm>>
      %dma_wait3A_104 = arith.constant 0 : i32
      %dma_wait3A_105 = tpu.memref_slice %arg6[%dma_wait3A_104] : memref<65536xf32, #tpu.memory_space<hbm>> -> memref<16384xf32, #tpu.memory_space<hbm>>
      tpu.wait_dma2 semaphore(%run_scoped3A : memref<!tpu.dma_semaphore, #tpu.memory_space<semaphore_mem>>) src(%dma_wait3A_105 : memref<16384xf32, #tpu.memory_space<hbm>>) dst(%arg15 : memref<16384xf32, #tpu.memory_space<vmem>>)
      tpu.yield
    }) : () -> ()
    %parallel_loop3A = arith.constant 0 : i32
    %parallel_loop3A_41 = arith.constant 128 : i32
    %parallel_loop3A_42 = arith.constant 1 : i32
    scf.for %parallel_loop3A_98 = %parallel_loop3A to %parallel_loop3A_41 step %parallel_loop3A_42  : i32 {
      %parallel_loop3A_99 = arith.constant 128 : i32
      %parallel_loop3A_100 = arith.muli %parallel_loop3A_98, %parallel_loop3A_99 : i32
      %parallel_loop3A_101 = arith.constant 0 : i32
      %parallel_loop3A_102 = arith.addi %parallel_loop3A_100, %parallel_loop3A_101 : i32
      %parallel_loop3A_103 = arith.index_cast %parallel_loop3A_102 : i32 to index
      %parallel_loop3A_104 = tpu.vector_load %arg15[%parallel_loop3A_103] {strides = array<i32>} : memref<16384xf32, #tpu.memory_space<vmem>>, vector<16xf32>,
      %parallel_loop3A_105 = arith.addf %parallel_loop3A_104, %get3A_3 : vector<16xf32>
      %parallel_loop3A_106 = arith.constant 128 : i32
      %parallel_loop3A_107 = arith.muli %parallel_loop3A_98, %parallel_loop3A_106 : i32
      %parallel_loop3A_108 = arith.constant 16 : i32
      %parallel_loop3A_109 = arith.addi %parallel_loop3A_107, %parallel_loop3A_108 : i32
      %parallel_loop3A_110 = arith.index_cast %parallel_loop3A_109 : i32 to index
      %parallel_loop3A_111 = tpu.vector_load %arg15[%parallel_loop3A_110] {strides = array<i32>} : memref<16384xf32, #tpu.memory_space<vmem>>, vector<16xf32>,
      %parallel_loop3A_112 = arith.addf %parallel_loop3A_111, %get3A_5 : vector<16xf32>
      %parallel_loop3A_113 = tpu.pack_subelements %parallel_loop3A_105, %parallel_loop3A_112 {pack_format = #tpu.pack_format<interleaved>, positions = array<i32: 0, 1>} : vector<16xf32>, vector<16xf32> -> vector<32xbf16>
      %parallel_loop3A_114 = vector.bitcast %parallel_loop3A_113 : vector<32xbf16> to vector<16xi32>
      %parallel_loop3A_115 = arith.constant 0 : i32
      %parallel_loop3A_116 = arith.addi %parallel_loop3A_115, %parallel_loop3A_98 : i32
      %parallel_loop3A_117 = arith.constant 64 : i32
      %parallel_loop3A_118 = arith.muli %parallel_loop3A_116, %parallel_loop3A_117 : i32
      %parallel_loop3A_119 = arith.constant 0 : i32
      %parallel_loop3A_120 = arith.addi %parallel_loop3A_118, %parallel_loop3A_119 : i32
      %parallel_loop3A_121 = arith.index_cast %parallel_loop3A_120 : i32 to index
      %parallel_loop3A_122 = tpu.vector_load %arg13[%parallel_loop3A_121] {strides = array<i32>} : memref<32768xi32, #tpu.memory_space<vmem>>, vector<16xi32>,
      tpu.vector_store %arg13[%parallel_loop3A_121], %parallel_loop3A_114 {strides = array<i32>} : memref<32768xi32, #tpu.memory_space<vmem>>, vector<16xi32>,
      %parallel_loop3A_123 = arith.constant 128 : i32
      %parallel_loop3A_124 = arith.muli %parallel_loop3A_98, %parallel_loop3A_123 : i32
      %parallel_loop3A_125 = arith.constant 32 : i32
      %parallel_loop3A_126 = arith.addi %parallel_loop3A_124, %parallel_loop3A_125 : i32
      %parallel_loop3A_127 = arith.index_cast %parallel_loop3A_126 : i32 to index
      %parallel_loop3A_128 = tpu.vector_load %arg15[%parallel_loop3A_127] {strides = array<i32>} : memref<16384xf32, #tpu.memory_space<vmem>>, vector<16xf32>,
      %parallel_loop3A_129 = arith.addf %parallel_loop3A_128, %get3A_7 : vector<16xf32>
      %parallel_loop3A_130 = arith.constant 128 : i32
      %parallel_loop3A_131 = arith.muli %parallel_loop3A_98, %parallel_loop3A_130 : i32
      %parallel_loop3A_132 = arith.constant 48 : i32
      %parallel_loop3A_133 = arith.addi %parallel_loop3A_131, %parallel_loop3A_132 : i32
      %parallel_loop3A_134 = arith.index_cast %parallel_loop3A_133 : i32 to index
      %parallel_loop3A_135 = tpu.vector_load %arg15[%parallel_loop3A_134] {strides = array<i32>} : memref<16384xf32, #tpu.memory_space<vmem>>, vector<16xf32>,
      %parallel_loop3A_136 = arith.addf %parallel_loop3A_135, %get3A_9 : vector<16xf32>
      %parallel_loop3A_137 = tpu.pack_subelements %parallel_loop3A_129, %parallel_loop3A_136 {pack_format = #tpu.pack_format<interleaved>, positions = array<i32: 0, 1>} : vector<16xf32>, vector<16xf32> -> vector<32xbf16>
      %parallel_loop3A_138 = vector.bitcast %parallel_loop3A_137 : vector<32xbf16> to vector<16xi32>
      %parallel_loop3A_139 = arith.constant 0 : i32
      %parallel_loop3A_140 = arith.addi %parallel_loop3A_139, %parallel_loop3A_98 : i32
      %parallel_loop3A_141 = arith.constant 64 : i32
      %parallel_loop3A_142 = arith.muli %parallel_loop3A_140, %parallel_loop3A_141 : i32
      %parallel_loop3A_143 = arith.constant 16 : i32
      %parallel_loop3A_144 = arith.addi %parallel_loop3A_142, %parallel_loop3A_143 : i32
      %parallel_loop3A_145 = arith.index_cast %parallel_loop3A_144 : i32 to index
      %parallel_loop3A_146 = tpu.vector_load %arg13[%parallel_loop3A_145] {strides = array<i32>} : memref<32768xi32, #tpu.memory_space<vmem>>, vector<16xi32>,
      tpu.vector_store %arg13[%parallel_loop3A_145], %parallel_loop3A_138 {strides = array<i32>} : memref<32768xi32, #tpu.memory_space<vmem>>, vector<16xi32>,
      %parallel_loop3A_147 = arith.constant 128 : i32
      %parallel_loop3A_148 = arith.muli %parallel_loop3A_98, %parallel_loop3A_147 : i32
      %parallel_loop3A_149 = arith.constant 64 : i32
      %parallel_loop3A_150 = arith.addi %parallel_loop3A_148, %parallel_loop3A_149 : i32
      %parallel_loop3A_151 = arith.index_cast %parallel_loop3A_150 : i32 to index
      %parallel_loop3A_152 = tpu.vector_load %arg15[%parallel_loop3A_151] {strides = array<i32>} : memref<16384xf32, #tpu.memory_space<vmem>>, vector<16xf32>,
      %parallel_loop3A_153 = arith.addf %parallel_loop3A_152, %get3A_11 : vector<16xf32>
      %parallel_loop3A_154 = arith.constant 128 : i32
      %parallel_loop3A_155 = arith.muli %parallel_loop3A_98, %parallel_loop3A_154 : i32
      %parallel_loop3A_156 = arith.constant 80 : i32
      %parallel_loop3A_157 = arith.addi %parallel_loop3A_155, %parallel_loop3A_156 : i32
      %parallel_loop3A_158 = arith.index_cast %parallel_loop3A_157 : i32 to index
      %parallel_loop3A_159 = tpu.vector_load %arg15[%parallel_loop3A_158] {strides = array<i32>} : memref<16384xf32, #tpu.memory_space<vmem>>, vector<16xf32>,
      %parallel_loop3A_160 = arith.addf %parallel_loop3A_159, %get3A_13 : vector<16xf32>
      %parallel_loop3A_161 = tpu.pack_subelements %parallel_loop3A_153, %parallel_loop3A_160 {pack_format = #tpu.pack_format<interleaved>, positions = array<i32: 0, 1>} : vector<16xf32>, vector<16xf32> -> vector<32xbf16>
      %parallel_loop3A_162 = vector.bitcast %parallel_loop3A_161 : vector<32xbf16> to vector<16xi32>
      %parallel_loop3A_163 = arith.constant 0 : i32
      %parallel_loop3A_164 = arith.addi %parallel_loop3A_163, %parallel_loop3A_98 : i32
      %parallel_loop3A_165 = arith.constant 64 : i32
      %parallel_loop3A_166 = arith.muli %parallel_loop3A_164, %parallel_loop3A_165 : i32
      %parallel_loop3A_167 = arith.constant 32 : i32
      %parallel_loop3A_168 = arith.addi %parallel_loop3A_166, %parallel_loop3A_167 : i32
      %parallel_loop3A_169 = arith.index_cast %parallel_loop3A_168 : i32 to index
      %parallel_loop3A_170 = tpu.vector_load %arg13[%parallel_loop3A_169] {strides = array<i32>} : memref<32768xi32, #tpu.memory_space<vmem>>, vector<16xi32>,
      tpu.vector_store %arg13[%parallel_loop3A_169], %parallel_loop3A_162 {strides = array<i32>} : memref<32768xi32, #tpu.memory_space<vmem>>, vector<16xi32>,
      %parallel_loop3A_171 = arith.constant 128 : i32
      %parallel_loop3A_172 = arith.muli %parallel_loop3A_98, %parallel_loop3A_171 : i32
      %parallel_loop3A_173 = arith.constant 96 : i32
      %parallel_loop3A_174 = arith.addi %parallel_loop3A_172, %parallel_loop3A_173 : i32
      %parallel_loop3A_175 = arith.index_cast %parallel_loop3A_174 : i32 to index
      %parallel_loop3A_176 = tpu.vector_load %arg15[%parallel_loop3A_175] {strides = array<i32>} : memref<16384xf32, #tpu.memory_space<vmem>>, vector<16xf32>,
      %parallel_loop3A_177 = arith.addf %parallel_loop3A_176, %get3A_15 : vector<16xf32>
      %parallel_loop3A_178 = arith.constant 128 : i32
      %parallel_loop3A_179 = arith.muli %parallel_loop3A_98, %parallel_loop3A_178 : i32
      %parallel_loop3A_180 = arith.constant 112 : i32
      %parallel_loop3A_181 = arith.addi %parallel_loop3A_179, %parallel_loop3A_180 : i32
      %parallel_loop3A_182 = arith.index_cast %parallel_loop3A_181 : i32 to index
      %parallel_loop3A_183 = tpu.vector_load %arg15[%parallel_loop3A_182] {strides = array<i32>} : memref<16384xf32, #tpu.memory_space<vmem>>, vector<16xf32>,
      %parallel_loop3A_184 = arith.addf %parallel_loop3A_183, %get3A_17 : vector<16xf32>
      %parallel_loop3A_185 = tpu.pack_subelements %parallel_loop3A_177, %parallel_loop3A_184 {pack_format = #tpu.pack_format<interleaved>, positions = array<i32: 0, 1>} : vector<16xf32>, vector<16xf32> -> vector<32xbf16>
      %parallel_loop3A_186 = vector.bitcast %parallel_loop3A_185 : vector<32xbf16> to vector<16xi32>
      %parallel_loop3A_187 = arith.constant 0 : i32
      %parallel_loop3A_188 = arith.addi %parallel_loop3A_187, %parallel_loop3A_98 : i32
      %parallel_loop3A_189 = arith.constant 64 : i32
      %parallel_loop3A_190 = arith.muli %parallel_loop3A_188, %parallel_loop3A_189 : i32
      %parallel_loop3A_191 = arith.constant 48 : i32
      %parallel_loop3A_192 = arith.addi %parallel_loop3A_190, %parallel_loop3A_191 : i32
      %parallel_loop3A_193 = arith.index_cast %parallel_loop3A_192 : i32 to index
      %parallel_loop3A_194 = tpu.vector_load %arg13[%parallel_loop3A_193] {strides = array<i32>} : memref<32768xi32, #tpu.memory_space<vmem>>, vector<16xi32>,
      tpu.vector_store %arg13[%parallel_loop3A_193], %parallel_loop3A_186 {strides = array<i32>} : memref<32768xi32, #tpu.memory_space<vmem>>, vector<16xi32>,
    } {sc.loop_unroll_factor = 1 : i64, sc.parallel_access}
    "tpu.region"() ({
      %run_scoped3A = tpu.sem_alloc : memref<!tpu.dma_semaphore, #tpu.memory_space<semaphore_mem>>
      %dma_start3A_98 = arith.constant 16384 : i32
      %dma_start3A_99 = tpu.memref_slice %arg6[%dma_start3A_98] : memref<65536xf32, #tpu.memory_space<hbm>> -> memref<16384xf32, #tpu.memory_space<hbm>>
      %dma_start3A_100 = arith.constant 16384 : i32
      %dma_start3A_101 = tpu.memref_slice %arg6[%dma_start3A_100] : memref<65536xf32, #tpu.memory_space<hbm>> -> memref<16384xf32, #tpu.memory_space<hbm>>
      tpu.enqueue_dma source(%dma_start3A_101 : memref<16384xf32, #tpu.memory_space<hbm>>) target(%arg15 : memref<16384xf32, #tpu.memory_space<vmem>>) target_semaphore(%run_scoped3A : memref<!tpu.dma_semaphore, #tpu.memory_space<semaphore_mem>>)
      %dma_wait3A_102 = arith.constant 16384 : i32
      %dma_wait3A_103 = tpu.memref_slice %arg6[%dma_wait3A_102] : memref<65536xf32, #tpu.memory_space<hbm>> -> memref<16384xf32, #tpu.memory_space<hbm>>
      %dma_wait3A_104 = arith.constant 16384 : i32
      %dma_wait3A_105 = tpu.memref_slice %arg6[%dma_wait3A_104] : memref<65536xf32, #tpu.memory_space<hbm>> -> memref<16384xf32, #tpu.memory_space<hbm>>
      tpu.wait_dma2 semaphore(%run_scoped3A : memref<!tpu.dma_semaphore, #tpu.memory_space<semaphore_mem>>) src(%dma_wait3A_105 : memref<16384xf32, #tpu.memory_space<hbm>>) dst(%arg15 : memref<16384xf32, #tpu.memory_space<vmem>>)
      tpu.yield
    }) : () -> ()
    %parallel_loop3A_43 = arith.constant 0 : i32
    %parallel_loop3A_44 = arith.constant 128 : i32
    %parallel_loop3A_45 = arith.constant 1 : i32
    scf.for %parallel_loop3A_98 = %parallel_loop3A_43 to %parallel_loop3A_44 step %parallel_loop3A_45  : i32 {
      %parallel_loop3A_99 = arith.constant 128 : i32
      %parallel_loop3A_100 = arith.muli %parallel_loop3A_98, %parallel_loop3A_99 : i32
      %parallel_loop3A_101 = arith.constant 0 : i32
      %parallel_loop3A_102 = arith.addi %parallel_loop3A_100, %parallel_loop3A_101 : i32
      %parallel_loop3A_103 = arith.index_cast %parallel_loop3A_102 : i32 to index
      %parallel_loop3A_104 = tpu.vector_load %arg15[%parallel_loop3A_103] {strides = array<i32>} : memref<16384xf32, #tpu.memory_space<vmem>>, vector<16xf32>,
      %parallel_loop3A_105 = arith.addf %parallel_loop3A_104, %get3A_3 : vector<16xf32>
      %parallel_loop3A_106 = arith.constant 128 : i32
      %parallel_loop3A_107 = arith.muli %parallel_loop3A_98, %parallel_loop3A_106 : i32
      %parallel_loop3A_108 = arith.constant 16 : i32
      %parallel_loop3A_109 = arith.addi %parallel_loop3A_107, %parallel_loop3A_108 : i32
      %parallel_loop3A_110 = arith.index_cast %parallel_loop3A_109 : i32 to index
      %parallel_loop3A_111 = tpu.vector_load %arg15[%parallel_loop3A_110] {strides = array<i32>} : memref<16384xf32, #tpu.memory_space<vmem>>, vector<16xf32>,
      %parallel_loop3A_112 = arith.addf %parallel_loop3A_111, %get3A_5 : vector<16xf32>
      %parallel_loop3A_113 = tpu.pack_subelements %parallel_loop3A_105, %parallel_loop3A_112 {pack_format = #tpu.pack_format<interleaved>, positions = array<i32: 0, 1>} : vector<16xf32>, vector<16xf32> -> vector<32xbf16>
      %parallel_loop3A_114 = vector.bitcast %parallel_loop3A_113 : vector<32xbf16> to vector<16xi32>
      %parallel_loop3A_115 = arith.constant 128 : i32
      %parallel_loop3A_116 = arith.addi %parallel_loop3A_115, %parallel_loop3A_98 : i32
      %parallel_loop3A_117 = arith.constant 64 : i32
      %parallel_loop3A_118 = arith.muli %parallel_loop3A_116, %parallel_loop3A_117 : i32
      %parallel_loop3A_119 = arith.constant 0 : i32
      %parallel_loop3A_120 = arith.addi %parallel_loop3A_118, %parallel_loop3A_119 : i32
      %parallel_loop3A_121 = arith.index_cast %parallel_loop3A_120 : i32 to index
      %parallel_loop3A_122 = tpu.vector_load %arg13[%parallel_loop3A_121] {strides = array<i32>} : memref<32768xi32, #tpu.memory_space<vmem>>, vector<16xi32>,
      tpu.vector_store %arg13[%parallel_loop3A_121], %parallel_loop3A_114 {strides = array<i32>} : memref<32768xi32, #tpu.memory_space<vmem>>, vector<16xi32>,
      %parallel_loop3A_123 = arith.constant 128 : i32
      %parallel_loop3A_124 = arith.muli %parallel_loop3A_98, %parallel_loop3A_123 : i32
      %parallel_loop3A_125 = arith.constant 32 : i32
      %parallel_loop3A_126 = arith.addi %parallel_loop3A_124, %parallel_loop3A_125 : i32
      %parallel_loop3A_127 = arith.index_cast %parallel_loop3A_126 : i32 to index
      %parallel_loop3A_128 = tpu.vector_load %arg15[%parallel_loop3A_127] {strides = array<i32>} : memref<16384xf32, #tpu.memory_space<vmem>>, vector<16xf32>,
      %parallel_loop3A_129 = arith.addf %parallel_loop3A_128, %get3A_7 : vector<16xf32>
      %parallel_loop3A_130 = arith.constant 128 : i32
      %parallel_loop3A_131 = arith.muli %parallel_loop3A_98, %parallel_loop3A_130 : i32
      %parallel_loop3A_132 = arith.constant 48 : i32
      %parallel_loop3A_133 = arith.addi %parallel_loop3A_131, %parallel_loop3A_132 : i32
      %parallel_loop3A_134 = arith.index_cast %parallel_loop3A_133 : i32 to index
      %parallel_loop3A_135 = tpu.vector_load %arg15[%parallel_loop3A_134] {strides = array<i32>} : memref<16384xf32, #tpu.memory_space<vmem>>, vector<16xf32>,
      %parallel_loop3A_136 = arith.addf %parallel_loop3A_135, %get3A_9 : vector<16xf32>
      %parallel_loop3A_137 = tpu.pack_subelements %parallel_loop3A_129, %parallel_loop3A_136 {pack_format = #tpu.pack_format<interleaved>, positions = array<i32: 0, 1>} : vector<16xf32>, vector<16xf32> -> vector<32xbf16>
      %parallel_loop3A_138 = vector.bitcast %parallel_loop3A_137 : vector<32xbf16> to vector<16xi32>
      %parallel_loop3A_139 = arith.constant 128 : i32
      %parallel_loop3A_140 = arith.addi %parallel_loop3A_139, %parallel_loop3A_98 : i32
      %parallel_loop3A_141 = arith.constant 64 : i32
      %parallel_loop3A_142 = arith.muli %parallel_loop3A_140, %parallel_loop3A_141 : i32
      %parallel_loop3A_143 = arith.constant 16 : i32
      %parallel_loop3A_144 = arith.addi %parallel_loop3A_142, %parallel_loop3A_143 : i32
      %parallel_loop3A_145 = arith.index_cast %parallel_loop3A_144 : i32 to index
      %parallel_loop3A_146 = tpu.vector_load %arg13[%parallel_loop3A_145] {strides = array<i32>} : memref<32768xi32, #tpu.memory_space<vmem>>, vector<16xi32>,
      tpu.vector_store %arg13[%parallel_loop3A_145], %parallel_loop3A_138 {strides = array<i32>} : memref<32768xi32, #tpu.memory_space<vmem>>, vector<16xi32>,
      %parallel_loop3A_147 = arith.constant 128 : i32
      %parallel_loop3A_148 = arith.muli %parallel_loop3A_98, %parallel_loop3A_147 : i32
      %parallel_loop3A_149 = arith.constant 64 : i32
      %parallel_loop3A_150 = arith.addi %parallel_loop3A_148, %parallel_loop3A_149 : i32
      %parallel_loop3A_151 = arith.index_cast %parallel_loop3A_150 : i32 to index
      %parallel_loop3A_152 = tpu.vector_load %arg15[%parallel_loop3A_151] {strides = array<i32>} : memref<16384xf32, #tpu.memory_space<vmem>>, vector<16xf32>,
      %parallel_loop3A_153 = arith.addf %parallel_loop3A_152, %get3A_11 : vector<16xf32>
      %parallel_loop3A_154 = arith.constant 128 : i32
      %parallel_loop3A_155 = arith.muli %parallel_loop3A_98, %parallel_loop3A_154 : i32
      %parallel_loop3A_156 = arith.constant 80 : i32
      %parallel_loop3A_157 = arith.addi %parallel_loop3A_155, %parallel_loop3A_156 : i32
      %parallel_loop3A_158 = arith.index_cast %parallel_loop3A_157 : i32 to index
      %parallel_loop3A_159 = tpu.vector_load %arg15[%parallel_loop3A_158] {strides = array<i32>} : memref<16384xf32, #tpu.memory_space<vmem>>, vector<16xf32>,
      %parallel_loop3A_160 = arith.addf %parallel_loop3A_159, %get3A_13 : vector<16xf32>
      %parallel_loop3A_161 = tpu.pack_subelements %parallel_loop3A_153, %parallel_loop3A_160 {pack_format = #tpu.pack_format<interleaved>, positions = array<i32: 0, 1>} : vector<16xf32>, vector<16xf32> -> vector<32xbf16>
      %parallel_loop3A_162 = vector.bitcast %parallel_loop3A_161 : vector<32xbf16> to vector<16xi32>
      %parallel_loop3A_163 = arith.constant 128 : i32
      %parallel_loop3A_164 = arith.addi %parallel_loop3A_163, %parallel_loop3A_98 : i32
      %parallel_loop3A_165 = arith.constant 64 : i32
      %parallel_loop3A_166 = arith.muli %parallel_loop3A_164, %parallel_loop3A_165 : i32
      %parallel_loop3A_167 = arith.constant 32 : i32
      %parallel_loop3A_168 = arith.addi %parallel_loop3A_166, %parallel_loop3A_167 : i32
      %parallel_loop3A_169 = arith.index_cast %parallel_loop3A_168 : i32 to index
      %parallel_loop3A_170 = tpu.vector_load %arg13[%parallel_loop3A_169] {strides = array<i32>} : memref<32768xi32, #tpu.memory_space<vmem>>, vector<16xi32>,
      tpu.vector_store %arg13[%parallel_loop3A_169], %parallel_loop3A_162 {strides = array<i32>} : memref<32768xi32, #tpu.memory_space<vmem>>, vector<16xi32>,
      %parallel_loop3A_171 = arith.constant 128 : i32
      %parallel_loop3A_172 = arith.muli %parallel_loop3A_98, %parallel_loop3A_171 : i32
      %parallel_loop3A_173 = arith.constant 96 : i32
      %parallel_loop3A_174 = arith.addi %parallel_loop3A_172, %parallel_loop3A_173 : i32
      %parallel_loop3A_175 = arith.index_cast %parallel_loop3A_174 : i32 to index
      %parallel_loop3A_176 = tpu.vector_load %arg15[%parallel_loop3A_175] {strides = array<i32>} : memref<16384xf32, #tpu.memory_space<vmem>>, vector<16xf32>,
      %parallel_loop3A_177 = arith.addf %parallel_loop3A_176, %get3A_15 : vector<16xf32>
      %parallel_loop3A_178 = arith.constant 128 : i32
      %parallel_loop3A_179 = arith.muli %parallel_loop3A_98, %parallel_loop3A_178 : i32
      %parallel_loop3A_180 = arith.constant 112 : i32
      %parallel_loop3A_181 = arith.addi %parallel_loop3A_179, %parallel_loop3A_180 : i32
      %parallel_loop3A_182 = arith.index_cast %parallel_loop3A_181 : i32 to index
      %parallel_loop3A_183 = tpu.vector_load %arg15[%parallel_loop3A_182] {strides = array<i32>} : memref<16384xf32, #tpu.memory_space<vmem>>, vector<16xf32>,
      %parallel_loop3A_184 = arith.addf %parallel_loop3A_183, %get3A_17 : vector<16xf32>
      %parallel_loop3A_185 = tpu.pack_subelements %parallel_loop3A_177, %parallel_loop3A_184 {pack_format = #tpu.pack_format<interleaved>, positions = array<i32: 0, 1>} : vector<16xf32>, vector<16xf32> -> vector<32xbf16>
      %parallel_loop3A_186 = vector.bitcast %parallel_loop3A_185 : vector<32xbf16> to vector<16xi32>
      %parallel_loop3A_187 = arith.constant 128 : i32
      %parallel_loop3A_188 = arith.addi %parallel_loop3A_187, %parallel_loop3A_98 : i32
      %parallel_loop3A_189 = arith.constant 64 : i32
      %parallel_loop3A_190 = arith.muli %parallel_loop3A_188, %parallel_loop3A_189 : i32
      %parallel_loop3A_191 = arith.constant 48 : i32
      %parallel_loop3A_192 = arith.addi %parallel_loop3A_190, %parallel_loop3A_191 : i32
      %parallel_loop3A_193 = arith.index_cast %parallel_loop3A_192 : i32 to index
      %parallel_loop3A_194 = tpu.vector_load %arg13[%parallel_loop3A_193] {strides = array<i32>} : memref<32768xi32, #tpu.memory_space<vmem>>, vector<16xi32>,
      tpu.vector_store %arg13[%parallel_loop3A_193], %parallel_loop3A_186 {strides = array<i32>} : memref<32768xi32, #tpu.memory_space<vmem>>, vector<16xi32>,
    } {sc.loop_unroll_factor = 1 : i64, sc.parallel_access}
    "tpu.region"() ({
      %run_scoped3A = tpu.sem_alloc : memref<!tpu.dma_semaphore, #tpu.memory_space<semaphore_mem>>
      %dma_start3A_98 = arith.constant 32768 : i32
      %dma_start3A_99 = tpu.memref_slice %arg6[%dma_start3A_98] : memref<65536xf32, #tpu.memory_space<hbm>> -> memref<16384xf32, #tpu.memory_space<hbm>>
      %dma_start3A_100 = arith.constant 32768 : i32
      %dma_start3A_101 = tpu.memref_slice %arg6[%dma_start3A_100] : memref<65536xf32, #tpu.memory_space<hbm>> -> memref<16384xf32, #tpu.memory_space<hbm>>
      tpu.enqueue_dma source(%dma_start3A_101 : memref<16384xf32, #tpu.memory_space<hbm>>) target(%arg15 : memref<16384xf32, #tpu.memory_space<vmem>>) target_semaphore(%run_scoped3A : memref<!tpu.dma_semaphore, #tpu.memory_space<semaphore_mem>>)
      %dma_wait3A_102 = arith.constant 32768 : i32
      %dma_wait3A_103 = tpu.memref_slice %arg6[%dma_wait3A_102] : memref<65536xf32, #tpu.memory_space<hbm>> -> memref<16384xf32, #tpu.memory_space<hbm>>
      %dma_wait3A_104 = arith.constant 32768 : i32
      %dma_wait3A_105 = tpu.memref_slice %arg6[%dma_wait3A_104] : memref<65536xf32, #tpu.memory_space<hbm>> -> memref<16384xf32, #tpu.memory_space<hbm>>
      tpu.wait_dma2 semaphore(%run_scoped3A : memref<!tpu.dma_semaphore, #tpu.memory_space<semaphore_mem>>) src(%dma_wait3A_105 : memref<16384xf32, #tpu.memory_space<hbm>>) dst(%arg15 : memref<16384xf32, #tpu.memory_space<vmem>>)
      tpu.yield
    }) : () -> ()
    %parallel_loop3A_46 = arith.constant 0 : i32
    %parallel_loop3A_47 = arith.constant 128 : i32
    %parallel_loop3A_48 = arith.constant 1 : i32
    scf.for %parallel_loop3A_98 = %parallel_loop3A_46 to %parallel_loop3A_47 step %parallel_loop3A_48  : i32 {
      %parallel_loop3A_99 = arith.constant 128 : i32
      %parallel_loop3A_100 = arith.muli %parallel_loop3A_98, %parallel_loop3A_99 : i32
      %parallel_loop3A_101 = arith.constant 0 : i32
      %parallel_loop3A_102 = arith.addi %parallel_loop3A_100, %parallel_loop3A_101 : i32
      %parallel_loop3A_103 = arith.index_cast %parallel_loop3A_102 : i32 to index
      %parallel_loop3A_104 = tpu.vector_load %arg15[%parallel_loop3A_103] {strides = array<i32>} : memref<16384xf32, #tpu.memory_space<vmem>>, vector<16xf32>,
      %parallel_loop3A_105 = arith.addf %parallel_loop3A_104, %get3A_3 : vector<16xf32>
      %parallel_loop3A_106 = arith.constant 128 : i32
      %parallel_loop3A_107 = arith.muli %parallel_loop3A_98, %parallel_loop3A_106 : i32
      %parallel_loop3A_108 = arith.constant 16 : i32
      %parallel_loop3A_109 = arith.addi %parallel_loop3A_107, %parallel_loop3A_108 : i32
      %parallel_loop3A_110 = arith.index_cast %parallel_loop3A_109 : i32 to index
      %parallel_loop3A_111 = tpu.vector_load %arg15[%parallel_loop3A_110] {strides = array<i32>} : memref<16384xf32, #tpu.memory_space<vmem>>, vector<16xf32>,
      %parallel_loop3A_112 = arith.addf %parallel_loop3A_111, %get3A_5 : vector<16xf32>
      %parallel_loop3A_113 = tpu.pack_subelements %parallel_loop3A_105, %parallel_loop3A_112 {pack_format = #tpu.pack_format<interleaved>, positions = array<i32: 0, 1>} : vector<16xf32>, vector<16xf32> -> vector<32xbf16>
      %parallel_loop3A_114 = vector.bitcast %parallel_loop3A_113 : vector<32xbf16> to vector<16xi32>
      %parallel_loop3A_115 = arith.constant 256 : i32
      %parallel_loop3A_116 = arith.addi %parallel_loop3A_115, %parallel_loop3A_98 : i32
      %parallel_loop3A_117 = arith.constant 64 : i32
      %parallel_loop3A_118 = arith.muli %parallel_loop3A_116, %parallel_loop3A_117 : i32
      %parallel_loop3A_119 = arith.constant 0 : i32
      %parallel_loop3A_120 = arith.addi %parallel_loop3A_118, %parallel_loop3A_119 : i32
      %parallel_loop3A_121 = arith.index_cast %parallel_loop3A_120 : i32 to index
      %parallel_loop3A_122 = tpu.vector_load %arg13[%parallel_loop3A_121] {strides = array<i32>} : memref<32768xi32, #tpu.memory_space<vmem>>, vector<16xi32>,
      tpu.vector_store %arg13[%parallel_loop3A_121], %parallel_loop3A_114 {strides = array<i32>} : memref<32768xi32, #tpu.memory_space<vmem>>, vector<16xi32>,
      %parallel_loop3A_123 = arith.constant 128 : i32
      %parallel_loop3A_124 = arith.muli %parallel_loop3A_98, %parallel_loop3A_123 : i32
      %parallel_loop3A_125 = arith.constant 32 : i32
      %parallel_loop3A_126 = arith.addi %parallel_loop3A_124, %parallel_loop3A_125 : i32
      %parallel_loop3A_127 = arith.index_cast %parallel_loop3A_126 : i32 to index
      %parallel_loop3A_128 = tpu.vector_load %arg15[%parallel_loop3A_127] {strides = array<i32>} : memref<16384xf32, #tpu.memory_space<vmem>>, vector<16xf32>,
      %parallel_loop3A_129 = arith.addf %parallel_loop3A_128, %get3A_7 : vector<16xf32>
      %parallel_loop3A_130 = arith.constant 128 : i32
      %parallel_loop3A_131 = arith.muli %parallel_loop3A_98, %parallel_loop3A_130 : i32
      %parallel_loop3A_132 = arith.constant 48 : i32
      %parallel_loop3A_133 = arith.addi %parallel_loop3A_131, %parallel_loop3A_132 : i32
      %parallel_loop3A_134 = arith.index_cast %parallel_loop3A_133 : i32 to index
      %parallel_loop3A_135 = tpu.vector_load %arg15[%parallel_loop3A_134] {strides = array<i32>} : memref<16384xf32, #tpu.memory_space<vmem>>, vector<16xf32>,
      %parallel_loop3A_136 = arith.addf %parallel_loop3A_135, %get3A_9 : vector<16xf32>
      %parallel_loop3A_137 = tpu.pack_subelements %parallel_loop3A_129, %parallel_loop3A_136 {pack_format = #tpu.pack_format<interleaved>, positions = array<i32: 0, 1>} : vector<16xf32>, vector<16xf32> -> vector<32xbf16>
      %parallel_loop3A_138 = vector.bitcast %parallel_loop3A_137 : vector<32xbf16> to vector<16xi32>
      %parallel_loop3A_139 = arith.constant 256 : i32
      %parallel_loop3A_140 = arith.addi %parallel_loop3A_139, %parallel_loop3A_98 : i32
      %parallel_loop3A_141 = arith.constant 64 : i32
      %parallel_loop3A_142 = arith.muli %parallel_loop3A_140, %parallel_loop3A_141 : i32
      %parallel_loop3A_143 = arith.constant 16 : i32
      %parallel_loop3A_144 = arith.addi %parallel_loop3A_142, %parallel_loop3A_143 : i32
      %parallel_loop3A_145 = arith.index_cast %parallel_loop3A_144 : i32 to index
      %parallel_loop3A_146 = tpu.vector_load %arg13[%parallel_loop3A_145] {strides = array<i32>} : memref<32768xi32, #tpu.memory_space<vmem>>, vector<16xi32>,
      tpu.vector_store %arg13[%parallel_loop3A_145], %parallel_loop3A_138 {strides = array<i32>} : memref<32768xi32, #tpu.memory_space<vmem>>, vector<16xi32>,
      %parallel_loop3A_147 = arith.constant 128 : i32
      %parallel_loop3A_148 = arith.muli %parallel_loop3A_98, %parallel_loop3A_147 : i32
      %parallel_loop3A_149 = arith.constant 64 : i32
      %parallel_loop3A_150 = arith.addi %parallel_loop3A_148, %parallel_loop3A_149 : i32
      %parallel_loop3A_151 = arith.index_cast %parallel_loop3A_150 : i32 to index
      %parallel_loop3A_152 = tpu.vector_load %arg15[%parallel_loop3A_151] {strides = array<i32>} : memref<16384xf32, #tpu.memory_space<vmem>>, vector<16xf32>,
      %parallel_loop3A_153 = arith.addf %parallel_loop3A_152, %get3A_11 : vector<16xf32>
      %parallel_loop3A_154 = arith.constant 128 : i32
      %parallel_loop3A_155 = arith.muli %parallel_loop3A_98, %parallel_loop3A_154 : i32
      %parallel_loop3A_156 = arith.constant 80 : i32
      %parallel_loop3A_157 = arith.addi %parallel_loop3A_155, %parallel_loop3A_156 : i32
      %parallel_loop3A_158 = arith.index_cast %parallel_loop3A_157 : i32 to index
      %parallel_loop3A_159 = tpu.vector_load %arg15[%parallel_loop3A_158] {strides = array<i32>} : memref<16384xf32, #tpu.memory_space<vmem>>, vector<16xf32>,
      %parallel_loop3A_160 = arith.addf %parallel_loop3A_159, %get3A_13 : vector<16xf32>
      %parallel_loop3A_161 = tpu.pack_subelements %parallel_loop3A_153, %parallel_loop3A_160 {pack_format = #tpu.pack_format<interleaved>, positions = array<i32: 0, 1>} : vector<16xf32>, vector<16xf32> -> vector<32xbf16>
      %parallel_loop3A_162 = vector.bitcast %parallel_loop3A_161 : vector<32xbf16> to vector<16xi32>
      %parallel_loop3A_163 = arith.constant 256 : i32
      %parallel_loop3A_164 = arith.addi %parallel_loop3A_163, %parallel_loop3A_98 : i32
      %parallel_loop3A_165 = arith.constant 64 : i32
      %parallel_loop3A_166 = arith.muli %parallel_loop3A_164, %parallel_loop3A_165 : i32
      %parallel_loop3A_167 = arith.constant 32 : i32
      %parallel_loop3A_168 = arith.addi %parallel_loop3A_166, %parallel_loop3A_167 : i32
      %parallel_loop3A_169 = arith.index_cast %parallel_loop3A_168 : i32 to index
      %parallel_loop3A_170 = tpu.vector_load %arg13[%parallel_loop3A_169] {strides = array<i32>} : memref<32768xi32, #tpu.memory_space<vmem>>, vector<16xi32>,
      tpu.vector_store %arg13[%parallel_loop3A_169], %parallel_loop3A_162 {strides = array<i32>} : memref<32768xi32, #tpu.memory_space<vmem>>, vector<16xi32>,
      %parallel_loop3A_171 = arith.constant 128 : i32
      %parallel_loop3A_172 = arith.muli %parallel_loop3A_98, %parallel_loop3A_171 : i32
      %parallel_loop3A_173 = arith.constant 96 : i32
      %parallel_loop3A_174 = arith.addi %parallel_loop3A_172, %parallel_loop3A_173 : i32
      %parallel_loop3A_175 = arith.index_cast %parallel_loop3A_174 : i32 to index
      %parallel_loop3A_176 = tpu.vector_load %arg15[%parallel_loop3A_175] {strides = array<i32>} : memref<16384xf32, #tpu.memory_space<vmem>>, vector<16xf32>,
      %parallel_loop3A_177 = arith.addf %parallel_loop3A_176, %get3A_15 : vector<16xf32>
      %parallel_loop3A_178 = arith.constant 128 : i32
      %parallel_loop3A_179 = arith.muli %parallel_loop3A_98, %parallel_loop3A_178 : i32
      %parallel_loop3A_180 = arith.constant 112 : i32
      %parallel_loop3A_181 = arith.addi %parallel_loop3A_179, %parallel_loop3A_180 : i32
      %parallel_loop3A_182 = arith.index_cast %parallel_loop3A_181 : i32 to index
      %parallel_loop3A_183 = tpu.vector_load %arg15[%parallel_loop3A_182] {strides = array<i32>} : memref<16384xf32, #tpu.memory_space<vmem>>, vector<16xf32>,
      %parallel_loop3A_184 = arith.addf %parallel_loop3A_183, %get3A_17 : vector<16xf32>
      %parallel_loop3A_185 = tpu.pack_subelements %parallel_loop3A_177, %parallel_loop3A_184 {pack_format = #tpu.pack_format<interleaved>, positions = array<i32: 0, 1>} : vector<16xf32>, vector<16xf32> -> vector<32xbf16>
      %parallel_loop3A_186 = vector.bitcast %parallel_loop3A_185 : vector<32xbf16> to vector<16xi32>
      %parallel_loop3A_187 = arith.constant 256 : i32
      %parallel_loop3A_188 = arith.addi %parallel_loop3A_187, %parallel_loop3A_98 : i32
      %parallel_loop3A_189 = arith.constant 64 : i32
      %parallel_loop3A_190 = arith.muli %parallel_loop3A_188, %parallel_loop3A_189 : i32
      %parallel_loop3A_191 = arith.constant 48 : i32
      %parallel_loop3A_192 = arith.addi %parallel_loop3A_190, %parallel_loop3A_191 : i32
      %parallel_loop3A_193 = arith.index_cast %parallel_loop3A_192 : i32 to index
      %parallel_loop3A_194 = tpu.vector_load %arg13[%parallel_loop3A_193] {strides = array<i32>} : memref<32768xi32, #tpu.memory_space<vmem>>, vector<16xi32>,
      tpu.vector_store %arg13[%parallel_loop3A_193], %parallel_loop3A_186 {strides = array<i32>} : memref<32768xi32, #tpu.memory_space<vmem>>, vector<16xi32>,
    } {sc.loop_unroll_factor = 1 : i64, sc.parallel_access}
    "tpu.region"() ({
      %run_scoped3A = tpu.sem_alloc : memref<!tpu.dma_semaphore, #tpu.memory_space<semaphore_mem>>
      %dma_start3A_98 = arith.constant 49152 : i32
      %dma_start3A_99 = tpu.memref_slice %arg6[%dma_start3A_98] : memref<65536xf32, #tpu.memory_space<hbm>> -> memref<16384xf32, #tpu.memory_space<hbm>>
      %dma_start3A_100 = arith.constant 49152 : i32
      %dma_start3A_101 = tpu.memref_slice %arg6[%dma_start3A_100] : memref<65536xf32, #tpu.memory_space<hbm>> -> memref<16384xf32, #tpu.memory_space<hbm>>
      tpu.enqueue_dma source(%dma_start3A_101 : memref<16384xf32, #tpu.memory_space<hbm>>) target(%arg15 : memref<16384xf32, #tpu.memory_space<vmem>>) target_semaphore(%run_scoped3A : memref<!tpu.dma_semaphore, #tpu.memory_space<semaphore_mem>>)
      %dma_wait3A_102 = arith.constant 49152 : i32
      %dma_wait3A_103 = tpu.memref_slice %arg6[%dma_wait3A_102] : memref<65536xf32, #tpu.memory_space<hbm>> -> memref<16384xf32, #tpu.memory_space<hbm>>
      %dma_wait3A_104 = arith.constant 49152 : i32
      %dma_wait3A_105 = tpu.memref_slice %arg6[%dma_wait3A_104] : memref<65536xf32, #tpu.memory_space<hbm>> -> memref<16384xf32, #tpu.memory_space<hbm>>
      tpu.wait_dma2 semaphore(%run_scoped3A : memref<!tpu.dma_semaphore, #tpu.memory_space<semaphore_mem>>) src(%dma_wait3A_105 : memref<16384xf32, #tpu.memory_space<hbm>>) dst(%arg15 : memref<16384xf32, #tpu.memory_space<vmem>>)
      tpu.yield
    }) : () -> ()
    %parallel_loop3A_49 = arith.constant 0 : i32
    %parallel_loop3A_50 = arith.constant 128 : i32
    %parallel_loop3A_51 = arith.constant 1 : i32
    scf.for %parallel_loop3A_98 = %parallel_loop3A_49 to %parallel_loop3A_50 step %parallel_loop3A_51  : i32 {
      %parallel_loop3A_99 = arith.constant 128 : i32
      %parallel_loop3A_100 = arith.muli %parallel_loop3A_98, %parallel_loop3A_99 : i32
      %parallel_loop3A_101 = arith.constant 0 : i32
      %parallel_loop3A_102 = arith.addi %parallel_loop3A_100, %parallel_loop3A_101 : i32
      %parallel_loop3A_103 = arith.index_cast %parallel_loop3A_102 : i32 to index
      %parallel_loop3A_104 = tpu.vector_load %arg15[%parallel_loop3A_103] {strides = array<i32>} : memref<16384xf32, #tpu.memory_space<vmem>>, vector<16xf32>,
      %parallel_loop3A_105 = arith.addf %parallel_loop3A_104, %get3A_3 : vector<16xf32>
      %parallel_loop3A_106 = arith.constant 128 : i32
      %parallel_loop3A_107 = arith.muli %parallel_loop3A_98, %parallel_loop3A_106 : i32
      %parallel_loop3A_108 = arith.constant 16 : i32
      %parallel_loop3A_109 = arith.addi %parallel_loop3A_107, %parallel_loop3A_108 : i32
      %parallel_loop3A_110 = arith.index_cast %parallel_loop3A_109 : i32 to index
      %parallel_loop3A_111 = tpu.vector_load %arg15[%parallel_loop3A_110] {strides = array<i32>} : memref<16384xf32, #tpu.memory_space<vmem>>, vector<16xf32>,
      %parallel_loop3A_112 = arith.addf %parallel_loop3A_111, %get3A_5 : vector<16xf32>
      %parallel_loop3A_113 = tpu.pack_subelements %parallel_loop3A_105, %parallel_loop3A_112 {pack_format = #tpu.pack_format<interleaved>, positions = array<i32: 0, 1>} : vector<16xf32>, vector<16xf32> -> vector<32xbf16>
      %parallel_loop3A_114 = vector.bitcast %parallel_loop3A_113 : vector<32xbf16> to vector<16xi32>
      %parallel_loop3A_115 = arith.constant 384 : i32
      %parallel_loop3A_116 = arith.addi %parallel_loop3A_115, %parallel_loop3A_98 : i32
      %parallel_loop3A_117 = arith.constant 64 : i32
      %parallel_loop3A_118 = arith.muli %parallel_loop3A_116, %parallel_loop3A_117 : i32
      %parallel_loop3A_119 = arith.constant 0 : i32
      %parallel_loop3A_120 = arith.addi %parallel_loop3A_118, %parallel_loop3A_119 : i32
      %parallel_loop3A_121 = arith.index_cast %parallel_loop3A_120 : i32 to index
      %parallel_loop3A_122 = tpu.vector_load %arg13[%parallel_loop3A_121] {strides = array<i32>} : memref<32768xi32, #tpu.memory_space<vmem>>, vector<16xi32>,
      tpu.vector_store %arg13[%parallel_loop3A_121], %parallel_loop3A_114 {strides = array<i32>} : memref<32768xi32, #tpu.memory_space<vmem>>, vector<16xi32>,
      %parallel_loop3A_123 = arith.constant 128 : i32
      %parallel_loop3A_124 = arith.muli %parallel_loop3A_98, %parallel_loop3A_123 : i32
      %parallel_loop3A_125 = arith.constant 32 : i32
      %parallel_loop3A_126 = arith.addi %parallel_loop3A_124, %parallel_loop3A_125 : i32
      %parallel_loop3A_127 = arith.index_cast %parallel_loop3A_126 : i32 to index
      %parallel_loop3A_128 = tpu.vector_load %arg15[%parallel_loop3A_127] {strides = array<i32>} : memref<16384xf32, #tpu.memory_space<vmem>>, vector<16xf32>,
      %parallel_loop3A_129 = arith.addf %parallel_loop3A_128, %get3A_7 : vector<16xf32>
      %parallel_loop3A_130 = arith.constant 128 : i32
      %parallel_loop3A_131 = arith.muli %parallel_loop3A_98, %parallel_loop3A_130 : i32
      %parallel_loop3A_132 = arith.constant 48 : i32
      %parallel_loop3A_133 = arith.addi %parallel_loop3A_131, %parallel_loop3A_132 : i32
      %parallel_loop3A_134 = arith.index_cast %parallel_loop3A_133 : i32 to index
      %parallel_loop3A_135 = tpu.vector_load %arg15[%parallel_loop3A_134] {strides = array<i32>} : memref<16384xf32, #tpu.memory_space<vmem>>, vector<16xf32>,
      %parallel_loop3A_136 = arith.addf %parallel_loop3A_135, %get3A_9 : vector<16xf32>
      %parallel_loop3A_137 = tpu.pack_subelements %parallel_loop3A_129, %parallel_loop3A_136 {pack_format = #tpu.pack_format<interleaved>, positions = array<i32: 0, 1>} : vector<16xf32>, vector<16xf32> -> vector<32xbf16>
      %parallel_loop3A_138 = vector.bitcast %parallel_loop3A_137 : vector<32xbf16> to vector<16xi32>
      %parallel_loop3A_139 = arith.constant 384 : i32
      %parallel_loop3A_140 = arith.addi %parallel_loop3A_139, %parallel_loop3A_98 : i32
      %parallel_loop3A_141 = arith.constant 64 : i32
      %parallel_loop3A_142 = arith.muli %parallel_loop3A_140, %parallel_loop3A_141 : i32
      %parallel_loop3A_143 = arith.constant 16 : i32
      %parallel_loop3A_144 = arith.addi %parallel_loop3A_142, %parallel_loop3A_143 : i32
      %parallel_loop3A_145 = arith.index_cast %parallel_loop3A_144 : i32 to index
      %parallel_loop3A_146 = tpu.vector_load %arg13[%parallel_loop3A_145] {strides = array<i32>} : memref<32768xi32, #tpu.memory_space<vmem>>, vector<16xi32>,
      tpu.vector_store %arg13[%parallel_loop3A_145], %parallel_loop3A_138 {strides = array<i32>} : memref<32768xi32, #tpu.memory_space<vmem>>, vector<16xi32>,
      %parallel_loop3A_147 = arith.constant 128 : i32
      %parallel_loop3A_148 = arith.muli %parallel_loop3A_98, %parallel_loop3A_147 : i32
      %parallel_loop3A_149 = arith.constant 64 : i32
      %parallel_loop3A_150 = arith.addi %parallel_loop3A_148, %parallel_loop3A_149 : i32
      %parallel_loop3A_151 = arith.index_cast %parallel_loop3A_150 : i32 to index
      %parallel_loop3A_152 = tpu.vector_load %arg15[%parallel_loop3A_151] {strides = array<i32>} : memref<16384xf32, #tpu.memory_space<vmem>>, vector<16xf32>,
      %parallel_loop3A_153 = arith.addf %parallel_loop3A_152, %get3A_11 : vector<16xf32>
      %parallel_loop3A_154 = arith.constant 128 : i32
      %parallel_loop3A_155 = arith.muli %parallel_loop3A_98, %parallel_loop3A_154 : i32
      %parallel_loop3A_156 = arith.constant 80 : i32
      %parallel_loop3A_157 = arith.addi %parallel_loop3A_155, %parallel_loop3A_156 : i32
      %parallel_loop3A_158 = arith.index_cast %parallel_loop3A_157 : i32 to index
      %parallel_loop3A_159 = tpu.vector_load %arg15[%parallel_loop3A_158] {strides = array<i32>} : memref<16384xf32, #tpu.memory_space<vmem>>, vector<16xf32>,
      %parallel_loop3A_160 = arith.addf %parallel_loop3A_159, %get3A_13 : vector<16xf32>
      %parallel_loop3A_161 = tpu.pack_subelements %parallel_loop3A_153, %parallel_loop3A_160 {pack_format = #tpu.pack_format<interleaved>, positions = array<i32: 0, 1>} : vector<16xf32>, vector<16xf32> -> vector<32xbf16>
      %parallel_loop3A_162 = vector.bitcast %parallel_loop3A_161 : vector<32xbf16> to vector<16xi32>
      %parallel_loop3A_163 = arith.constant 384 : i32
      %parallel_loop3A_164 = arith.addi %parallel_loop3A_163, %parallel_loop3A_98 : i32
      %parallel_loop3A_165 = arith.constant 64 : i32
      %parallel_loop3A_166 = arith.muli %parallel_loop3A_164, %parallel_loop3A_165 : i32
      %parallel_loop3A_167 = arith.constant 32 : i32
      %parallel_loop3A_168 = arith.addi %parallel_loop3A_166, %parallel_loop3A_167 : i32
      %parallel_loop3A_169 = arith.index_cast %parallel_loop3A_168 : i32 to index
      %parallel_loop3A_170 = tpu.vector_load %arg13[%parallel_loop3A_169] {strides = array<i32>} : memref<32768xi32, #tpu.memory_space<vmem>>, vector<16xi32>,
      tpu.vector_store %arg13[%parallel_loop3A_169], %parallel_loop3A_162 {strides = array<i32>} : memref<32768xi32, #tpu.memory_space<vmem>>, vector<16xi32>,
      %parallel_loop3A_171 = arith.constant 128 : i32
      %parallel_loop3A_172 = arith.muli %parallel_loop3A_98, %parallel_loop3A_171 : i32
      %parallel_loop3A_173 = arith.constant 96 : i32
      %parallel_loop3A_174 = arith.addi %parallel_loop3A_172, %parallel_loop3A_173 : i32
      %parallel_loop3A_175 = arith.index_cast %parallel_loop3A_174 : i32 to index
      %parallel_loop3A_176 = tpu.vector_load %arg15[%parallel_loop3A_175] {strides = array<i32>} : memref<16384xf32, #tpu.memory_space<vmem>>, vector<16xf32>,
      %parallel_loop3A_177 = arith.addf %parallel_loop3A_176, %get3A_15 : vector<16xf32>
      %parallel_loop3A_178 = arith.constant 128 : i32
      %parallel_loop3A_179 = arith.muli %parallel_loop3A_98, %parallel_loop3A_178 : i32
      %parallel_loop3A_180 = arith.constant 112 : i32
      %parallel_loop3A_181 = arith.addi %parallel_loop3A_179, %parallel_loop3A_180 : i32
      %parallel_loop3A_182 = arith.index_cast %parallel_loop3A_181 : i32 to index
      %parallel_loop3A_183 = tpu.vector_load %arg15[%parallel_loop3A_182] {strides = array<i32>} : memref<16384xf32, #tpu.memory_space<vmem>>, vector<16xf32>,
      %parallel_loop3A_184 = arith.addf %parallel_loop3A_183, %get3A_17 : vector<16xf32>
      %parallel_loop3A_185 = tpu.pack_subelements %parallel_loop3A_177, %parallel_loop3A_184 {pack_format = #tpu.pack_format<interleaved>, positions = array<i32: 0, 1>} : vector<16xf32>, vector<16xf32> -> vector<32xbf16>
      %parallel_loop3A_186 = vector.bitcast %parallel_loop3A_185 : vector<32xbf16> to vector<16xi32>
      %parallel_loop3A_187 = arith.constant 384 : i32
      %parallel_loop3A_188 = arith.addi %parallel_loop3A_187, %parallel_loop3A_98 : i32
      %parallel_loop3A_189 = arith.constant 64 : i32
      %parallel_loop3A_190 = arith.muli %parallel_loop3A_188, %parallel_loop3A_189 : i32
      %parallel_loop3A_191 = arith.constant 48 : i32
      %parallel_loop3A_192 = arith.addi %parallel_loop3A_190, %parallel_loop3A_191 : i32
      %parallel_loop3A_193 = arith.index_cast %parallel_loop3A_192 : i32 to index
      %parallel_loop3A_194 = tpu.vector_load %arg13[%parallel_loop3A_193] {strides = array<i32>} : memref<32768xi32, #tpu.memory_space<vmem>>, vector<16xi32>,
      tpu.vector_store %arg13[%parallel_loop3A_193], %parallel_loop3A_186 {strides = array<i32>} : memref<32768xi32, #tpu.memory_space<vmem>>, vector<16xi32>,
    } {sc.loop_unroll_factor = 1 : i64, sc.parallel_access}
    %iota3A = tpu.iota {dimensions = array<i32: 0>} : vector<16xi32>
    %broadcast_in_dim3A = arith.constant 0 : i32
    %broadcast_in_dim3A_52 = vector.broadcast %broadcast_in_dim3A : i32 to vector<16xi32>
    %add3A_53 = arith.constant 0 : i32
    %add3A_54 = arith.addi %mul3A_2, %add3A_53 : i32
    %dma_start3A = arith.constant 0 : i32
    %dma_start3A_55 = tpu.memref_slice %arg9[%dma_start3A] : memref<768xi32, #tpu.memory_space<vmem>> -> memref<256xi32, #tpu.memory_space<vmem>>
    %dma_start3A_56 = tpu.memref_slice %arg2[%add3A_54] : memref<524288xi32, #tpu.memory_space<hbm>> -> memref<256xi32, #tpu.memory_space<hbm>>
    %dma_start3A_57 = arith.constant 0 : i32
    %dma_start3A_58 = tpu.memref_slice %arg9[%dma_start3A_57] : memref<768xi32, #tpu.memory_space<vmem>> -> memref<256xi32, #tpu.memory_space<vmem>>
    %dma_start3A_59 = tpu.memref_slice %arg2[%add3A_54] : memref<524288xi32, #tpu.memory_space<hbm>> -> memref<256xi32, #tpu.memory_space<hbm>>
    tpu.enqueue_dma source(%dma_start3A_59 : memref<256xi32, #tpu.memory_space<hbm>>) target(%dma_start3A_58 : memref<256xi32, #tpu.memory_space<vmem>>) target_semaphore(%arg16 : memref<!tpu.dma_semaphore, #tpu.memory_space<semaphore_mem>>)
    %dma_start3A_60 = arith.constant 256 : i32
    %dma_start3A_61 = tpu.memref_slice %arg9[%dma_start3A_60] : memref<768xi32, #tpu.memory_space<vmem>> -> memref<256xi32, #tpu.memory_space<vmem>>
    %dma_start3A_62 = tpu.memref_slice %arg3[%add3A_54] : memref<524288xi32, #tpu.memory_space<hbm>> -> memref<256xi32, #tpu.memory_space<hbm>>
    %dma_start3A_63 = arith.constant 256 : i32
    %dma_start3A_64 = tpu.memref_slice %arg9[%dma_start3A_63] : memref<768xi32, #tpu.memory_space<vmem>> -> memref<256xi32, #tpu.memory_space<vmem>>
    %dma_start3A_65 = tpu.memref_slice %arg3[%add3A_54] : memref<524288xi32, #tpu.memory_space<hbm>> -> memref<256xi32, #tpu.memory_space<hbm>>
    tpu.enqueue_dma source(%dma_start3A_65 : memref<256xi32, #tpu.memory_space<hbm>>) target(%dma_start3A_64 : memref<256xi32, #tpu.memory_space<vmem>>) target_semaphore(%arg16 : memref<!tpu.dma_semaphore, #tpu.memory_space<semaphore_mem>>)
    %dma_start3A_66 = arith.constant 512 : i32
    %dma_start3A_67 = tpu.memref_slice %arg9[%dma_start3A_66] : memref<768xi32, #tpu.memory_space<vmem>> -> memref<256xi32, #tpu.memory_space<vmem>>
    %dma_start3A_68 = tpu.memref_slice %arg4[%add3A_54] : memref<524288xi32, #tpu.memory_space<hbm>> -> memref<256xi32, #tpu.memory_space<hbm>>
    %dma_start3A_69 = arith.constant 512 : i32
    %dma_start3A_70 = tpu.memref_slice %arg9[%dma_start3A_69] : memref<768xi32, #tpu.memory_space<vmem>> -> memref<256xi32, #tpu.memory_space<vmem>>
    %dma_start3A_71 = tpu.memref_slice %arg4[%add3A_54] : memref<524288xi32, #tpu.memory_space<hbm>> -> memref<256xi32, #tpu.memory_space<hbm>>
    tpu.enqueue_dma source(%dma_start3A_71 : memref<256xi32, #tpu.memory_space<hbm>>) target(%dma_start3A_70 : memref<256xi32, #tpu.memory_space<vmem>>) target_semaphore(%arg16 : memref<!tpu.dma_semaphore, #tpu.memory_space<semaphore_mem>>)
    %scan3A = arith.constant 0 : i32
    %scan3A_72 = arith.constant 32 : i32
    %scan3A_73 = arith.addi %scan3A, %scan3A_72 : i32
    %scan3A_74 = arith.constant 1 : i32
    scf.for %scan3A_98 = %scan3A to %scan3A_73 step %scan3A_74  : i32 {
      %mul3A_99 = arith.constant 2 : i32
      %mul3A_100 = arith.muli %mul3A_99, %scan3A_98 : i32
      %dma_wait3A_101 = arith.constant 0 : i32
      %dma_wait3A_102 = tpu.memref_slice %arg4[%dma_wait3A_101] : memref<524288xi32, #tpu.memory_space<hbm>> -> memref<768xi32, #tpu.memory_space<hbm>>
      %dma_wait3A_103 = arith.constant 0 : i32
      %dma_wait3A_104 = tpu.memref_slice %arg4[%dma_wait3A_103] : memref<524288xi32, #tpu.memory_space<hbm>> -> memref<768xi32, #tpu.memory_space<hbm>>
      tpu.wait_dma2 semaphore(%arg16 : memref<!tpu.dma_semaphore, #tpu.memory_space<semaphore_mem>>) src(%dma_wait3A_104 : memref<768xi32, #tpu.memory_space<hbm>>) dst(%arg9 : memref<768xi32, #tpu.memory_space<vmem>>)
      %ge3A = arith.constant 2 : i32
      %ge3A_105 = arith.cmpi sge, %mul3A_100, %ge3A : i32
      %convert_element_type3A = arith.extui %ge3A_105 : i1 to i32
      %cond3A = arith.constant 0 : i32
      %cond3A_106 = arith.cmpi ne, %convert_element_type3A, %cond3A : i32
      scf.if %cond3A_106 {
        %dma_wait3A_175 = arith.constant 0 : i32
        %dma_wait3A_176 = tpu.memref_slice %arg8[%mul3A_2, %dma_wait3A_175] : memref<524288x128xf32, #tpu.memory_space<hbm>> -> memref<256x128xf32, #tpu.memory_space<hbm>>
        %dma_wait3A_177 = arith.constant 0 : i32
        %dma_wait3A_178 = tpu.memref_slice %arg8[%mul3A_2, %dma_wait3A_177] : memref<524288x128xf32, #tpu.memory_space<hbm>> -> memref<256x128xf32, #tpu.memory_space<hbm>>
        tpu.wait_dma2 semaphore(%arg20 : memref<!tpu.dma_semaphore, #tpu.memory_space<semaphore_mem>>) src(%arg11 : memref<256x128xf32, #tpu.memory_space<vmem>>) dst(%dma_wait3A_178 : memref<256x128xf32, #tpu.memory_space<hbm>>)
      } else {
      }
      %dma_start3A_107 = arith.constant 0 : i32
      %dma_start3A_108 = arith.constant 0 : i32
      %dma_start3A_109 = tpu.memref_slice %arg11[%dma_start3A_107, %dma_start3A_108] : memref<256x128xf32, #tpu.memory_space<vmem>> -> memref<128x128xf32, #tpu.memory_space<vmem>>
      %dma_start3A_110 = arith.constant 512 : i32
      %dma_start3A_111 = tpu.memref_slice %arg9[%dma_start3A_110] : memref<768xi32, #tpu.memory_space<vmem>> -> memref<128xi32, #tpu.memory_space<vmem>>
      %dma_start3A_112 = arith.constant 0 : i32
      %dma_start3A_113 = arith.constant 0 : i32
      %dma_start3A_114 = tpu.memref_slice %arg7[%dma_start3A_112, %dma_start3A_113] : memref<119547x128xf32, #tpu.memory_space<hbm>> -> memref<119547x128xf32, #tpu.memory_space<hbm>>
      tpu.enqueue_indirect_dma source(%dma_start3A_114 : memref<119547x128xf32, #tpu.memory_space<hbm>>) target(%dma_start3A_109 : memref<128x128xf32, #tpu.memory_space<vmem>>) offsets(%dma_start3A_111 : memref<128xi32, #tpu.memory_space<vmem>>) semaphore(%arg18 : memref<!tpu.dma_semaphore, #tpu.memory_space<semaphore_mem>>)
      %dma_start3A_115 = arith.constant 128 : i32
      %dma_start3A_116 = arith.constant 0 : i32
      %dma_start3A_117 = tpu.memref_slice %arg11[%dma_start3A_115, %dma_start3A_116] : memref<256x128xf32, #tpu.memory_space<vmem>> -> memref<128x128xf32, #tpu.memory_space<vmem>>
      %dma_start3A_118 = arith.constant 640 : i32
      %dma_start3A_119 = tpu.memref_slice %arg9[%dma_start3A_118] : memref<768xi32, #tpu.memory_space<vmem>> -> memref<128xi32, #tpu.memory_space<vmem>>
      %dma_start3A_120 = arith.constant 0 : i32
      %dma_start3A_121 = arith.constant 0 : i32
      %dma_start3A_122 = tpu.memref_slice %arg7[%dma_start3A_120, %dma_start3A_121] : memref<119547x128xf32, #tpu.memory_space<hbm>> -> memref<119547x128xf32, #tpu.memory_space<hbm>>
      tpu.enqueue_indirect_dma source(%dma_start3A_122 : memref<119547x128xf32, #tpu.memory_space<hbm>>) target(%dma_start3A_117 : memref<128x128xf32, #tpu.memory_space<vmem>>) offsets(%dma_start3A_119 : memref<128xi32, #tpu.memory_space<vmem>>) semaphore(%arg18 : memref<!tpu.dma_semaphore, #tpu.memory_space<semaphore_mem>>)
      %ge3A_123 = arith.constant 1 : i32
      %ge3A_124 = arith.cmpi sge, %mul3A_100, %ge3A_123 : i32
      %convert_element_type3A_125 = arith.extui %ge3A_124 : i1 to i32
      %cond3A_126 = arith.constant 0 : i32
      %cond3A_127 = arith.cmpi ne, %convert_element_type3A_125, %cond3A_126 : i32
      scf.if %cond3A_127 {
        %dma_wait3A_175 = arith.constant 0 : i32
        %dma_wait3A_176 = arith.constant 0 : i32
        %dma_wait3A_177 = tpu.memref_slice %arg7[%dma_wait3A_175, %dma_wait3A_176] : memref<119547x128xf32, #tpu.memory_space<hbm>> -> memref<256x128xf32, #tpu.memory_space<hbm>>
        %dma_wait3A_178 = arith.constant 0 : i32
        %dma_wait3A_179 = arith.constant 0 : i32
        %dma_wait3A_180 = tpu.memref_slice %arg7[%dma_wait3A_178, %dma_wait3A_179] : memref<119547x128xf32, #tpu.memory_space<hbm>> -> memref<256x128xf32, #tpu.memory_space<hbm>>
        tpu.wait_dma2 semaphore(%arg19 : memref<!tpu.dma_semaphore, #tpu.memory_space<semaphore_mem>>) src(%dma_wait3A_180 : memref<256x128xf32, #tpu.memory_space<hbm>>) dst(%arg12 : memref<256x128xf32, #tpu.memory_space<vmem>>)
        %parallel_loop3A_181 = arith.constant 0 : i32
        %parallel_loop3A_182 = arith.constant 256 : i32
        %parallel_loop3A_183 = arith.constant 1 : i32
        scf.for %parallel_loop3A_193 = %parallel_loop3A_181 to %parallel_loop3A_182 step %parallel_loop3A_183  : i32 {
          %parallel_loop3A_194 = vector.broadcast %parallel_loop3A_193 : i32 to vector<16xi32>
          %parallel_loop3A_195 = arith.addi %broadcast_in_dim3A_52, %parallel_loop3A_194 : vector<16xi32>
          %parallel_loop3A_196 = arith.constant 256 : i32
          %parallel_loop3A_197 = tpu.memref_slice %arg10[%parallel_loop3A_196] : memref<768xi32, #tpu.memory_space<vmem>> -> memref<256xi32, #tpu.memory_space<vmem>>
          %parallel_loop3A_198 = tpu.vector_load_idx %parallel_loop3A_197[%parallel_loop3A_195] : memref<256xi32, #tpu.memory_space<vmem>>[vector<16xi32>], vector<16xi32>,
          %parallel_loop3A_199 = vector.broadcast %parallel_loop3A_193 : i32 to vector<16xi32>
          %parallel_loop3A_200 = arith.addi %broadcast_in_dim3A_52, %parallel_loop3A_199 : vector<16xi32>
          %parallel_loop3A_201 = arith.constant 0 : i32
          %parallel_loop3A_202 = tpu.memref_slice %arg10[%parallel_loop3A_201] : memref<768xi32, #tpu.memory_space<vmem>> -> memref<256xi32, #tpu.memory_space<vmem>>
          %parallel_loop3A_203 = tpu.vector_load_idx %parallel_loop3A_202[%parallel_loop3A_200] : memref<256xi32, #tpu.memory_space<vmem>>[vector<16xi32>], vector<16xi32>,
          %parallel_loop3A_204 = arith.sitofp %parallel_loop3A_203 : vector<16xi32> to vector<16xf32>
          %parallel_loop3A_205 = arith.constant 64 : i32
          %parallel_loop3A_206 = vector.broadcast %parallel_loop3A_205 : i32 to vector<16xi32>
          %parallel_loop3A_207 = arith.muli %parallel_loop3A_198, %parallel_loop3A_206 : vector<16xi32>
          %parallel_loop3A_208 = arith.addi %parallel_loop3A_207, %iota3A : vector<16xi32>
          %parallel_loop3A_209 = arith.constant 0 : i32
          %parallel_loop3A_210 = vector.broadcast %parallel_loop3A_209 : i32 to vector<16xi32>
          %parallel_loop3A_211 = arith.addi %parallel_loop3A_208, %parallel_loop3A_210 : vector<16xi32>
          %parallel_loop3A_212 = tpu.vector_load_idx %arg13[%parallel_loop3A_211] : memref<32768xi32, #tpu.memory_space<vmem>>[vector<16xi32>], vector<16xi32>,
          %parallel_loop3A_213 = vector.bitcast %parallel_loop3A_212 : vector<16xi32> to vector<32xbf16>
          %parallel_loop3A_214 = tpu.unpack_subelements %parallel_loop3A_213, 0 {pack_format = #tpu.pack_format<interleaved>} : vector<32xbf16> -> vector<16xf32>
          %parallel_loop3A_215 = tpu.unpack_subelements %parallel_loop3A_213, 1 {pack_format = #tpu.pack_format<interleaved>} : vector<32xbf16> -> vector<16xf32>
          %parallel_loop3A_216 = arith.mulf %parallel_loop3A_204, %sub3A : vector<16xf32>
          %parallel_loop3A_217 = arith.addf %parallel_loop3A_214, %parallel_loop3A_216 : vector<16xf32>
          %parallel_loop3A_218 = arith.index_cast %parallel_loop3A_193 : i32 to index
          %parallel_loop3A_219 = arith.constant 0 : index
          %parallel_loop3A_220 = tpu.vector_load %arg12[%parallel_loop3A_218, %parallel_loop3A_219] {strides = array<i32>} : memref<256x128xf32, #tpu.memory_space<vmem>>, vector<16xf32>,
          tpu.vector_store %arg12[%parallel_loop3A_218, %parallel_loop3A_219], %parallel_loop3A_217 {add = true, strides = array<i32>} : memref<256x128xf32, #tpu.memory_space<vmem>>, vector<16xf32>,
          %parallel_loop3A_221 = arith.mulf %parallel_loop3A_204, %sub3A_22 : vector<16xf32>
          %parallel_loop3A_222 = arith.addf %parallel_loop3A_215, %parallel_loop3A_221 : vector<16xf32>
          %parallel_loop3A_223 = arith.index_cast %parallel_loop3A_193 : i32 to index
          %parallel_loop3A_224 = arith.constant 16 : index
          %parallel_loop3A_225 = tpu.vector_load %arg12[%parallel_loop3A_223, %parallel_loop3A_224] {strides = array<i32>} : memref<256x128xf32, #tpu.memory_space<vmem>>, vector<16xf32>,
          tpu.vector_store %arg12[%parallel_loop3A_223, %parallel_loop3A_224], %parallel_loop3A_222 {add = true, strides = array<i32>} : memref<256x128xf32, #tpu.memory_space<vmem>>, vector<16xf32>,
          %parallel_loop3A_226 = arith.constant 16 : i32
          %parallel_loop3A_227 = vector.broadcast %parallel_loop3A_226 : i32 to vector<16xi32>
          %parallel_loop3A_228 = arith.addi %parallel_loop3A_208, %parallel_loop3A_227 : vector<16xi32>
          %parallel_loop3A_229 = tpu.vector_load_idx %arg13[%parallel_loop3A_228] : memref<32768xi32, #tpu.memory_space<vmem>>[vector<16xi32>], vector<16xi32>,
          %parallel_loop3A_230 = vector.bitcast %parallel_loop3A_229 : vector<16xi32> to vector<32xbf16>
          %parallel_loop3A_231 = tpu.unpack_subelements %parallel_loop3A_230, 0 {pack_format = #tpu.pack_format<interleaved>} : vector<32xbf16> -> vector<16xf32>
          %parallel_loop3A_232 = tpu.unpack_subelements %parallel_loop3A_230, 1 {pack_format = #tpu.pack_format<interleaved>} : vector<32xbf16> -> vector<16xf32>
          %parallel_loop3A_233 = arith.mulf %parallel_loop3A_204, %sub3A_25 : vector<16xf32>
          %parallel_loop3A_234 = arith.addf %parallel_loop3A_231, %parallel_loop3A_233 : vector<16xf32>
          %parallel_loop3A_235 = arith.index_cast %parallel_loop3A_193 : i32 to index
          %parallel_loop3A_236 = arith.constant 32 : index
          %parallel_loop3A_237 = tpu.vector_load %arg12[%parallel_loop3A_235, %parallel_loop3A_236] {strides = array<i32>} : memref<256x128xf32, #tpu.memory_space<vmem>>, vector<16xf32>,
          tpu.vector_store %arg12[%parallel_loop3A_235, %parallel_loop3A_236], %parallel_loop3A_234 {add = true, strides = array<i32>} : memref<256x128xf32, #tpu.memory_space<vmem>>, vector<16xf32>,
          %parallel_loop3A_238 = arith.mulf %parallel_loop3A_204, %sub3A_28 : vector<16xf32>
          %parallel_loop3A_239 = arith.addf %parallel_loop3A_232, %parallel_loop3A_238 : vector<16xf32>
          %parallel_loop3A_240 = arith.index_cast %parallel_loop3A_193 : i32 to index
          %parallel_loop3A_241 = arith.constant 48 : index
          %parallel_loop3A_242 = tpu.vector_load %arg12[%parallel_loop3A_240, %parallel_loop3A_241] {strides = array<i32>} : memref<256x128xf32, #tpu.memory_space<vmem>>, vector<16xf32>,
          tpu.vector_store %arg12[%parallel_loop3A_240, %parallel_loop3A_241], %parallel_loop3A_239 {add = true, strides = array<i32>} : memref<256x128xf32, #tpu.memory_space<vmem>>, vector<16xf32>,
          %parallel_loop3A_243 = arith.constant 32 : i32
          %parallel_loop3A_244 = vector.broadcast %parallel_loop3A_243 : i32 to vector<16xi32>
          %parallel_loop3A_245 = arith.addi %parallel_loop3A_208, %parallel_loop3A_244 : vector<16xi32>
          %parallel_loop3A_246 = tpu.vector_load_idx %arg13[%parallel_loop3A_245] : memref<32768xi32, #tpu.memory_space<vmem>>[vector<16xi32>], vector<16xi32>,
          %parallel_loop3A_247 = vector.bitcast %parallel_loop3A_246 : vector<16xi32> to vector<32xbf16>
          %parallel_loop3A_248 = tpu.unpack_subelements %parallel_loop3A_247, 0 {pack_format = #tpu.pack_format<interleaved>} : vector<32xbf16> -> vector<16xf32>
          %parallel_loop3A_249 = tpu.unpack_subelements %parallel_loop3A_247, 1 {pack_format = #tpu.pack_format<interleaved>} : vector<32xbf16> -> vector<16xf32>
          %parallel_loop3A_250 = arith.mulf %parallel_loop3A_204, %sub3A_31 : vector<16xf32>
          %parallel_loop3A_251 = arith.addf %parallel_loop3A_248, %parallel_loop3A_250 : vector<16xf32>
          %parallel_loop3A_252 = arith.index_cast %parallel_loop3A_193 : i32 to index
          %parallel_loop3A_253 = arith.constant 64 : index
          %parallel_loop3A_254 = tpu.vector_load %arg12[%parallel_loop3A_252, %parallel_loop3A_253] {strides = array<i32>} : memref<256x128xf32, #tpu.memory_space<vmem>>, vector<16xf32>,
          tpu.vector_store %arg12[%parallel_loop3A_252, %parallel_loop3A_253], %parallel_loop3A_251 {add = true, strides = array<i32>} : memref<256x128xf32, #tpu.memory_space<vmem>>, vector<16xf32>,
          %parallel_loop3A_255 = arith.mulf %parallel_loop3A_204, %sub3A_34 : vector<16xf32>
          %parallel_loop3A_256 = arith.addf %parallel_loop3A_249, %parallel_loop3A_255 : vector<16xf32>
          %parallel_loop3A_257 = arith.index_cast %parallel_loop3A_193 : i32 to index
          %parallel_loop3A_258 = arith.constant 80 : index
          %parallel_loop3A_259 = tpu.vector_load %arg12[%parallel_loop3A_257, %parallel_loop3A_258] {strides = array<i32>} : memref<256x128xf32, #tpu.memory_space<vmem>>, vector<16xf32>,
          tpu.vector_store %arg12[%parallel_loop3A_257, %parallel_loop3A_258], %parallel_loop3A_256 {add = true, strides = array<i32>} : memref<256x128xf32, #tpu.memory_space<vmem>>, vector<16xf32>,
          %parallel_loop3A_260 = arith.constant 48 : i32
          %parallel_loop3A_261 = vector.broadcast %parallel_loop3A_260 : i32 to vector<16xi32>
          %parallel_loop3A_262 = arith.addi %parallel_loop3A_208, %parallel_loop3A_261 : vector<16xi32>
          %parallel_loop3A_263 = tpu.vector_load_idx %arg13[%parallel_loop3A_262] : memref<32768xi32, #tpu.memory_space<vmem>>[vector<16xi32>], vector<16xi32>,
          %parallel_loop3A_264 = vector.bitcast %parallel_loop3A_263 : vector<16xi32> to vector<32xbf16>
          %parallel_loop3A_265 = tpu.unpack_subelements %parallel_loop3A_264, 0 {pack_format = #tpu.pack_format<interleaved>} : vector<32xbf16> -> vector<16xf32>
          %parallel_loop3A_266 = tpu.unpack_subelements %parallel_loop3A_264, 1 {pack_format = #tpu.pack_format<interleaved>} : vector<32xbf16> -> vector<16xf32>
          %parallel_loop3A_267 = arith.mulf %parallel_loop3A_204, %sub3A_37 : vector<16xf32>
          %parallel_loop3A_268 = arith.addf %parallel_loop3A_265, %parallel_loop3A_267 : vector<16xf32>
          %parallel_loop3A_269 = arith.index_cast %parallel_loop3A_193 : i32 to index
          %parallel_loop3A_270 = arith.constant 96 : index
          %parallel_loop3A_271 = tpu.vector_load %arg12[%parallel_loop3A_269, %parallel_loop3A_270] {strides = array<i32>} : memref<256x128xf32, #tpu.memory_space<vmem>>, vector<16xf32>,
          tpu.vector_store %arg12[%parallel_loop3A_269, %parallel_loop3A_270], %parallel_loop3A_268 {add = true, strides = array<i32>} : memref<256x128xf32, #tpu.memory_space<vmem>>, vector<16xf32>,
          %parallel_loop3A_272 = arith.mulf %parallel_loop3A_204, %sub3A_40 : vector<16xf32>
          %parallel_loop3A_273 = arith.addf %parallel_loop3A_266, %parallel_loop3A_272 : vector<16xf32>
          %parallel_loop3A_274 = arith.index_cast %parallel_loop3A_193 : i32 to index
          %parallel_loop3A_275 = arith.constant 112 : index
          %parallel_loop3A_276 = tpu.vector_load %arg12[%parallel_loop3A_274, %parallel_loop3A_275] {strides = array<i32>} : memref<256x128xf32, #tpu.memory_space<vmem>>, vector<16xf32>,
          tpu.vector_store %arg12[%parallel_loop3A_274, %parallel_loop3A_275], %parallel_loop3A_273 {add = true, strides = array<i32>} : memref<256x128xf32, #tpu.memory_space<vmem>>, vector<16xf32>,
        } {sc.loop_unroll_factor = 8 : i64, sc.parallel_access}
        %sub3A_184 = arith.constant 1 : i32
        %sub3A_185 = arith.subi %mul3A_100, %sub3A_184 : i32
        %mul3A_186 = arith.constant 256 : i32
        %mul3A_187 = arith.muli %sub3A_185, %mul3A_186 : i32
        %add3A_188 = arith.addi %mul3A_2, %mul3A_187 : i32
        %dma_start3A_189 = arith.constant 0 : i32
        %dma_start3A_190 = tpu.memref_slice %arg8[%add3A_188, %dma_start3A_189] : memref<524288x128xf32, #tpu.memory_space<hbm>> -> memref<256x128xf32, #tpu.memory_space<hbm>>
        %dma_start3A_191 = arith.constant 0 : i32
        %dma_start3A_192 = tpu.memref_slice %arg8[%add3A_188, %dma_start3A_191] : memref<524288x128xf32, #tpu.memory_space<hbm>> -> memref<256x128xf32, #tpu.memory_space<hbm>>
        tpu.enqueue_dma source(%arg12 : memref<256x128xf32, #tpu.memory_space<vmem>>) target(%dma_start3A_192 : memref<256x128xf32, #tpu.memory_space<hbm>>) target_semaphore(%arg21 : memref<!tpu.dma_semaphore, #tpu.memory_space<semaphore_mem>>)
      } else {
      }
      %add3A_128 = arith.constant 1 : i32
      %add3A_129 = arith.addi %mul3A_100, %add3A_128 : i32
      %lt3A = arith.constant 64 : i32
      %lt3A_130 = arith.cmpi slt, %add3A_129, %lt3A : i32
      %convert_element_type3A_131 = arith.extui %lt3A_130 : i1 to i32
      %cond3A_132 = arith.constant 0 : i32
      %cond3A_133 = arith.cmpi ne, %convert_element_type3A_131, %cond3A_132 : i32
      scf.if %cond3A_133 {
        %add3A_175 = arith.constant 1 : i32
        %add3A_176 = arith.addi %mul3A_100, %add3A_175 : i32
        %mul3A_177 = arith.constant 256 : i32
        %mul3A_178 = arith.muli %add3A_176, %mul3A_177 : i32
        %add3A_179 = arith.addi %mul3A_2, %mul3A_178 : i32
        %dma_start3A_180 = arith.constant 0 : i32
        %dma_start3A_181 = tpu.memref_slice %arg10[%dma_start3A_180] : memref<768xi32, #tpu.memory_space<vmem>> -> memref<256xi32, #tpu.memory_space<vmem>>
        %dma_start3A_182 = tpu.memref_slice %arg2[%add3A_179] : memref<524288xi32, #tpu.memory_space<hbm>> -> memref<256xi32, #tpu.memory_space<hbm>>
        %dma_start3A_183 = arith.constant 0 : i32
        %dma_start3A_184 = tpu.memref_slice %arg10[%dma_start3A_183] : memref<768xi32, #tpu.memory_space<vmem>> -> memref<256xi32, #tpu.memory_space<vmem>>
        %dma_start3A_185 = tpu.memref_slice %arg2[%add3A_179] : memref<524288xi32, #tpu.memory_space<hbm>> -> memref<256xi32, #tpu.memory_space<hbm>>
        tpu.enqueue_dma source(%dma_start3A_185 : memref<256xi32, #tpu.memory_space<hbm>>) target(%dma_start3A_184 : memref<256xi32, #tpu.memory_space<vmem>>) target_semaphore(%arg17 : memref<!tpu.dma_semaphore, #tpu.memory_space<semaphore_mem>>)
        %dma_start3A_186 = arith.constant 256 : i32
        %dma_start3A_187 = tpu.memref_slice %arg10[%dma_start3A_186] : memref<768xi32, #tpu.memory_space<vmem>> -> memref<256xi32, #tpu.memory_space<vmem>>
        %dma_start3A_188 = tpu.memref_slice %arg3[%add3A_179] : memref<524288xi32, #tpu.memory_space<hbm>> -> memref<256xi32, #tpu.memory_space<hbm>>
        %dma_start3A_189 = arith.constant 256 : i32
        %dma_start3A_190 = tpu.memref_slice %arg10[%dma_start3A_189] : memref<768xi32, #tpu.memory_space<vmem>> -> memref<256xi32, #tpu.memory_space<vmem>>
        %dma_start3A_191 = tpu.memref_slice %arg3[%add3A_179] : memref<524288xi32, #tpu.memory_space<hbm>> -> memref<256xi32, #tpu.memory_space<hbm>>
        tpu.enqueue_dma source(%dma_start3A_191 : memref<256xi32, #tpu.memory_space<hbm>>) target(%dma_start3A_190 : memref<256xi32, #tpu.memory_space<vmem>>) target_semaphore(%arg17 : memref<!tpu.dma_semaphore, #tpu.memory_space<semaphore_mem>>)
        %dma_start3A_192 = arith.constant 512 : i32
        %dma_start3A_193 = tpu.memref_slice %arg10[%dma_start3A_192] : memref<768xi32, #tpu.memory_space<vmem>> -> memref<256xi32, #tpu.memory_space<vmem>>
        %dma_start3A_194 = tpu.memref_slice %arg4[%add3A_179] : memref<524288xi32, #tpu.memory_space<hbm>> -> memref<256xi32, #tpu.memory_space<hbm>>
        %dma_start3A_195 = arith.constant 512 : i32
        %dma_start3A_196 = tpu.memref_slice %arg10[%dma_start3A_195] : memref<768xi32, #tpu.memory_space<vmem>> -> memref<256xi32, #tpu.memory_space<vmem>>
        %dma_start3A_197 = tpu.memref_slice %arg4[%add3A_179] : memref<524288xi32, #tpu.memory_space<hbm>> -> memref<256xi32, #tpu.memory_space<hbm>>
        tpu.enqueue_dma source(%dma_start3A_197 : memref<256xi32, #tpu.memory_space<hbm>>) target(%dma_start3A_196 : memref<256xi32, #tpu.memory_space<vmem>>) target_semaphore(%arg17 : memref<!tpu.dma_semaphore, #tpu.memory_space<semaphore_mem>>)
      } else {
      }
      %mul3A_134 = arith.constant 2 : i32
      %mul3A_135 = arith.muli %mul3A_134, %scan3A_98 : i32
      %add3A_136 = arith.constant 1 : i32
      %add3A_137 = arith.addi %mul3A_135, %add3A_136 : i32
      %dma_wait3A_138 = arith.constant 0 : i32
      %dma_wait3A_139 = tpu.memref_slice %arg4[%dma_wait3A_138] : memref<524288xi32, #tpu.memory_space<hbm>> -> memref<768xi32, #tpu.memory_space<hbm>>
      %dma_wait3A_140 = arith.constant 0 : i32
      %dma_wait3A_141 = tpu.memref_slice %arg4[%dma_wait3A_140] : memref<524288xi32, #tpu.memory_space<hbm>> -> memref<768xi32, #tpu.memory_space<hbm>>
      tpu.wait_dma2 semaphore(%arg17 : memref<!tpu.dma_semaphore, #tpu.memory_space<semaphore_mem>>) src(%dma_wait3A_141 : memref<768xi32, #tpu.memory_space<hbm>>) dst(%arg10 : memref<768xi32, #tpu.memory_space<vmem>>)
      %ge3A_142 = arith.constant 2 : i32
      %ge3A_143 = arith.cmpi sge, %add3A_137, %ge3A_142 : i32
      %convert_element_type3A_144 = arith.extui %ge3A_143 : i1 to i32
      %cond3A_145 = arith.constant 0 : i32
      %cond3A_146 = arith.cmpi ne, %convert_element_type3A_144, %cond3A_145 : i32
      scf.if %cond3A_146 {
        %dma_wait3A_175 = arith.constant 0 : i32
        %dma_wait3A_176 = tpu.memref_slice %arg8[%mul3A_2, %dma_wait3A_175] : memref<524288x128xf32, #tpu.memory_space<hbm>> -> memref<256x128xf32, #tpu.memory_space<hbm>>
        %dma_wait3A_177 = arith.constant 0 : i32
        %dma_wait3A_178 = tpu.memref_slice %arg8[%mul3A_2, %dma_wait3A_177] : memref<524288x128xf32, #tpu.memory_space<hbm>> -> memref<256x128xf32, #tpu.memory_space<hbm>>
        tpu.wait_dma2 semaphore(%arg21 : memref<!tpu.dma_semaphore, #tpu.memory_space<semaphore_mem>>) src(%arg12 : memref<256x128xf32, #tpu.memory_space<vmem>>) dst(%dma_wait3A_178 : memref<256x128xf32, #tpu.memory_space<hbm>>)
      } else {
      }
      %dma_start3A_147 = arith.constant 0 : i32
      %dma_start3A_148 = arith.constant 0 : i32
      %dma_start3A_149 = tpu.memref_slice %arg12[%dma_start3A_147, %dma_start3A_148] : memref<256x128xf32, #tpu.memory_space<vmem>> -> memref<128x128xf32, #tpu.memory_space<vmem>>
      %dma_start3A_150 = arith.constant 512 : i32
      %dma_start3A_151 = tpu.memref_slice %arg10[%dma_start3A_150] : memref<768xi32, #tpu.memory_space<vmem>> -> memref<128xi32, #tpu.memory_space<vmem>>
      %dma_start3A_152 = arith.constant 0 : i32
      %dma_start3A_153 = arith.constant 0 : i32
      %dma_start3A_154 = tpu.memref_slice %arg7[%dma_start3A_152, %dma_start3A_153] : memref<119547x128xf32, #tpu.memory_space<hbm>> -> memref<119547x128xf32, #tpu.memory_space<hbm>>
      tpu.enqueue_indirect_dma source(%dma_start3A_154 : memref<119547x128xf32, #tpu.memory_space<hbm>>) target(%dma_start3A_149 : memref<128x128xf32, #tpu.memory_space<vmem>>) offsets(%dma_start3A_151 : memref<128xi32, #tpu.memory_space<vmem>>) semaphore(%arg19 : memref<!tpu.dma_semaphore, #tpu.memory_space<semaphore_mem>>)
      %dma_start3A_155 = arith.constant 128 : i32
      %dma_start3A_156 = arith.constant 0 : i32
      %dma_start3A_157 = tpu.memref_slice %arg12[%dma_start3A_155, %dma_start3A_156] : memref<256x128xf32, #tpu.memory_space<vmem>> -> memref<128x128xf32, #tpu.memory_space<vmem>>
      %dma_start3A_158 = arith.constant 640 : i32
      %dma_start3A_159 = tpu.memref_slice %arg10[%dma_start3A_158] : memref<768xi32, #tpu.memory_space<vmem>> -> memref<128xi32, #tpu.memory_space<vmem>>
      %dma_start3A_160 = arith.constant 0 : i32
      %dma_start3A_161 = arith.constant 0 : i32
      %dma_start3A_162 = tpu.memref_slice %arg7[%dma_start3A_160, %dma_start3A_161] : memref<119547x128xf32, #tpu.memory_space<hbm>> -> memref<119547x128xf32, #tpu.memory_space<hbm>>
      tpu.enqueue_indirect_dma source(%dma_start3A_162 : memref<119547x128xf32, #tpu.memory_space<hbm>>) target(%dma_start3A_157 : memref<128x128xf32, #tpu.memory_space<vmem>>) offsets(%dma_start3A_159 : memref<128xi32, #tpu.memory_space<vmem>>) semaphore(%arg19 : memref<!tpu.dma_semaphore, #tpu.memory_space<semaphore_mem>>)
      %ge3A_163 = arith.constant 1 : i32
      %ge3A_164 = arith.cmpi sge, %add3A_137, %ge3A_163 : i32
      %convert_element_type3A_165 = arith.extui %ge3A_164 : i1 to i32
      %cond3A_166 = arith.constant 0 : i32
      %cond3A_167 = arith.cmpi ne, %convert_element_type3A_165, %cond3A_166 : i32
      scf.if %cond3A_167 {
        %dma_wait3A_175 = arith.constant 0 : i32
        %dma_wait3A_176 = arith.constant 0 : i32
        %dma_wait3A_177 = tpu.memref_slice %arg7[%dma_wait3A_175, %dma_wait3A_176] : memref<119547x128xf32, #tpu.memory_space<hbm>> -> memref<256x128xf32, #tpu.memory_space<hbm>>
        %dma_wait3A_178 = arith.constant 0 : i32
        %dma_wait3A_179 = arith.constant 0 : i32
        %dma_wait3A_180 = tpu.memref_slice %arg7[%dma_wait3A_178, %dma_wait3A_179] : memref<119547x128xf32, #tpu.memory_space<hbm>> -> memref<256x128xf32, #tpu.memory_space<hbm>>
        tpu.wait_dma2 semaphore(%arg18 : memref<!tpu.dma_semaphore, #tpu.memory_space<semaphore_mem>>) src(%dma_wait3A_180 : memref<256x128xf32, #tpu.memory_space<hbm>>) dst(%arg11 : memref<256x128xf32, #tpu.memory_space<vmem>>)
        %parallel_loop3A_181 = arith.constant 0 : i32
        %parallel_loop3A_182 = arith.constant 256 : i32
        %parallel_loop3A_183 = arith.constant 1 : i32
        scf.for %parallel_loop3A_193 = %parallel_loop3A_181 to %parallel_loop3A_182 step %parallel_loop3A_183  : i32 {
          %parallel_loop3A_194 = vector.broadcast %parallel_loop3A_193 : i32 to vector<16xi32>
          %parallel_loop3A_195 = arith.addi %broadcast_in_dim3A_52, %parallel_loop3A_194 : vector<16xi32>
          %parallel_loop3A_196 = arith.constant 256 : i32
          %parallel_loop3A_197 = tpu.memref_slice %arg9[%parallel_loop3A_196] : memref<768xi32, #tpu.memory_space<vmem>> -> memref<256xi32, #tpu.memory_space<vmem>>
          %parallel_loop3A_198 = tpu.vector_load_idx %parallel_loop3A_197[%parallel_loop3A_195] : memref<256xi32, #tpu.memory_space<vmem>>[vector<16xi32>], vector<16xi32>,
          %parallel_loop3A_199 = vector.broadcast %parallel_loop3A_193 : i32 to vector<16xi32>
          %parallel_loop3A_200 = arith.addi %broadcast_in_dim3A_52, %parallel_loop3A_199 : vector<16xi32>
          %parallel_loop3A_201 = arith.constant 0 : i32
          %parallel_loop3A_202 = tpu.memref_slice %arg9[%parallel_loop3A_201] : memref<768xi32, #tpu.memory_space<vmem>> -> memref<256xi32, #tpu.memory_space<vmem>>
          %parallel_loop3A_203 = tpu.vector_load_idx %parallel_loop3A_202[%parallel_loop3A_200] : memref<256xi32, #tpu.memory_space<vmem>>[vector<16xi32>], vector<16xi32>,
          %parallel_loop3A_204 = arith.sitofp %parallel_loop3A_203 : vector<16xi32> to vector<16xf32>
          %parallel_loop3A_205 = arith.constant 64 : i32
          %parallel_loop3A_206 = vector.broadcast %parallel_loop3A_205 : i32 to vector<16xi32>
          %parallel_loop3A_207 = arith.muli %parallel_loop3A_198, %parallel_loop3A_206 : vector<16xi32>
          %parallel_loop3A_208 = arith.addi %parallel_loop3A_207, %iota3A : vector<16xi32>
          %parallel_loop3A_209 = arith.constant 0 : i32
          %parallel_loop3A_210 = vector.broadcast %parallel_loop3A_209 : i32 to vector<16xi32>
          %parallel_loop3A_211 = arith.addi %parallel_loop3A_208, %parallel_loop3A_210 : vector<16xi32>
          %parallel_loop3A_212 = tpu.vector_load_idx %arg13[%parallel_loop3A_211] : memref<32768xi32, #tpu.memory_space<vmem>>[vector<16xi32>], vector<16xi32>,
          %parallel_loop3A_213 = vector.bitcast %parallel_loop3A_212 : vector<16xi32> to vector<32xbf16>
          %parallel_loop3A_214 = tpu.unpack_subelements %parallel_loop3A_213, 0 {pack_format = #tpu.pack_format<interleaved>} : vector<32xbf16> -> vector<16xf32>
          %parallel_loop3A_215 = tpu.unpack_subelements %parallel_loop3A_213, 1 {pack_format = #tpu.pack_format<interleaved>} : vector<32xbf16> -> vector<16xf32>
          %parallel_loop3A_216 = arith.mulf %parallel_loop3A_204, %sub3A : vector<16xf32>
          %parallel_loop3A_217 = arith.addf %parallel_loop3A_214, %parallel_loop3A_216 : vector<16xf32>
          %parallel_loop3A_218 = arith.index_cast %parallel_loop3A_193 : i32 to index
          %parallel_loop3A_219 = arith.constant 0 : index
          %parallel_loop3A_220 = tpu.vector_load %arg11[%parallel_loop3A_218, %parallel_loop3A_219] {strides = array<i32>} : memref<256x128xf32, #tpu.memory_space<vmem>>, vector<16xf32>,
          tpu.vector_store %arg11[%parallel_loop3A_218, %parallel_loop3A_219], %parallel_loop3A_217 {add = true, strides = array<i32>} : memref<256x128xf32, #tpu.memory_space<vmem>>, vector<16xf32>,
          %parallel_loop3A_221 = arith.mulf %parallel_loop3A_204, %sub3A_22 : vector<16xf32>
          %parallel_loop3A_222 = arith.addf %parallel_loop3A_215, %parallel_loop3A_221 : vector<16xf32>
          %parallel_loop3A_223 = arith.index_cast %parallel_loop3A_193 : i32 to index
          %parallel_loop3A_224 = arith.constant 16 : index
          %parallel_loop3A_225 = tpu.vector_load %arg11[%parallel_loop3A_223, %parallel_loop3A_224] {strides = array<i32>} : memref<256x128xf32, #tpu.memory_space<vmem>>, vector<16xf32>,
          tpu.vector_store %arg11[%parallel_loop3A_223, %parallel_loop3A_224], %parallel_loop3A_222 {add = true, strides = array<i32>} : memref<256x128xf32, #tpu.memory_space<vmem>>, vector<16xf32>,
          %parallel_loop3A_226 = arith.constant 16 : i32
          %parallel_loop3A_227 = vector.broadcast %parallel_loop3A_226 : i32 to vector<16xi32>
          %parallel_loop3A_228 = arith.addi %parallel_loop3A_208, %parallel_loop3A_227 : vector<16xi32>
          %parallel_loop3A_229 = tpu.vector_load_idx %arg13[%parallel_loop3A_228] : memref<32768xi32, #tpu.memory_space<vmem>>[vector<16xi32>], vector<16xi32>,
          %parallel_loop3A_230 = vector.bitcast %parallel_loop3A_229 : vector<16xi32> to vector<32xbf16>
          %parallel_loop3A_231 = tpu.unpack_subelements %parallel_loop3A_230, 0 {pack_format = #tpu.pack_format<interleaved>} : vector<32xbf16> -> vector<16xf32>
          %parallel_loop3A_232 = tpu.unpack_subelements %parallel_loop3A_230, 1 {pack_format = #tpu.pack_format<interleaved>} : vector<32xbf16> -> vector<16xf32>
          %parallel_loop3A_233 = arith.mulf %parallel_loop3A_204, %sub3A_25 : vector<16xf32>
          %parallel_loop3A_234 = arith.addf %parallel_loop3A_231, %parallel_loop3A_233 : vector<16xf32>
          %parallel_loop3A_235 = arith.index_cast %parallel_loop3A_193 : i32 to index
          %parallel_loop3A_236 = arith.constant 32 : index
          %parallel_loop3A_237 = tpu.vector_load %arg11[%parallel_loop3A_235, %parallel_loop3A_236] {strides = array<i32>} : memref<256x128xf32, #tpu.memory_space<vmem>>, vector<16xf32>,
          tpu.vector_store %arg11[%parallel_loop3A_235, %parallel_loop3A_236], %parallel_loop3A_234 {add = true, strides = array<i32>} : memref<256x128xf32, #tpu.memory_space<vmem>>, vector<16xf32>,
          %parallel_loop3A_238 = arith.mulf %parallel_loop3A_204, %sub3A_28 : vector<16xf32>
          %parallel_loop3A_239 = arith.addf %parallel_loop3A_232, %parallel_loop3A_238 : vector<16xf32>
          %parallel_loop3A_240 = arith.index_cast %parallel_loop3A_193 : i32 to index
          %parallel_loop3A_241 = arith.constant 48 : index
          %parallel_loop3A_242 = tpu.vector_load %arg11[%parallel_loop3A_240, %parallel_loop3A_241] {strides = array<i32>} : memref<256x128xf32, #tpu.memory_space<vmem>>, vector<16xf32>,
          tpu.vector_store %arg11[%parallel_loop3A_240, %parallel_loop3A_241], %parallel_loop3A_239 {add = true, strides = array<i32>} : memref<256x128xf32, #tpu.memory_space<vmem>>, vector<16xf32>,
          %parallel_loop3A_243 = arith.constant 32 : i32
          %parallel_loop3A_244 = vector.broadcast %parallel_loop3A_243 : i32 to vector<16xi32>
          %parallel_loop3A_245 = arith.addi %parallel_loop3A_208, %parallel_loop3A_244 : vector<16xi32>
          %parallel_loop3A_246 = tpu.vector_load_idx %arg13[%parallel_loop3A_245] : memref<32768xi32, #tpu.memory_space<vmem>>[vector<16xi32>], vector<16xi32>,
          %parallel_loop3A_247 = vector.bitcast %parallel_loop3A_246 : vector<16xi32> to vector<32xbf16>
          %parallel_loop3A_248 = tpu.unpack_subelements %parallel_loop3A_247, 0 {pack_format = #tpu.pack_format<interleaved>} : vector<32xbf16> -> vector<16xf32>
          %parallel_loop3A_249 = tpu.unpack_subelements %parallel_loop3A_247, 1 {pack_format = #tpu.pack_format<interleaved>} : vector<32xbf16> -> vector<16xf32>
          %parallel_loop3A_250 = arith.mulf %parallel_loop3A_204, %sub3A_31 : vector<16xf32>
          %parallel_loop3A_251 = arith.addf %parallel_loop3A_248, %parallel_loop3A_250 : vector<16xf32>
          %parallel_loop3A_252 = arith.index_cast %parallel_loop3A_193 : i32 to index
          %parallel_loop3A_253 = arith.constant 64 : index
          %parallel_loop3A_254 = tpu.vector_load %arg11[%parallel_loop3A_252, %parallel_loop3A_253] {strides = array<i32>} : memref<256x128xf32, #tpu.memory_space<vmem>>, vector<16xf32>,
          tpu.vector_store %arg11[%parallel_loop3A_252, %parallel_loop3A_253], %parallel_loop3A_251 {add = true, strides = array<i32>} : memref<256x128xf32, #tpu.memory_space<vmem>>, vector<16xf32>,
          %parallel_loop3A_255 = arith.mulf %parallel_loop3A_204, %sub3A_34 : vector<16xf32>
          %parallel_loop3A_256 = arith.addf %parallel_loop3A_249, %parallel_loop3A_255 : vector<16xf32>
          %parallel_loop3A_257 = arith.index_cast %parallel_loop3A_193 : i32 to index
          %parallel_loop3A_258 = arith.constant 80 : index
          %parallel_loop3A_259 = tpu.vector_load %arg11[%parallel_loop3A_257, %parallel_loop3A_258] {strides = array<i32>} : memref<256x128xf32, #tpu.memory_space<vmem>>, vector<16xf32>,
          tpu.vector_store %arg11[%parallel_loop3A_257, %parallel_loop3A_258], %parallel_loop3A_256 {add = true, strides = array<i32>} : memref<256x128xf32, #tpu.memory_space<vmem>>, vector<16xf32>,
          %parallel_loop3A_260 = arith.constant 48 : i32
          %parallel_loop3A_261 = vector.broadcast %parallel_loop3A_260 : i32 to vector<16xi32>
          %parallel_loop3A_262 = arith.addi %parallel_loop3A_208, %parallel_loop3A_261 : vector<16xi32>
          %parallel_loop3A_263 = tpu.vector_load_idx %arg13[%parallel_loop3A_262] : memref<32768xi32, #tpu.memory_space<vmem>>[vector<16xi32>], vector<16xi32>,
          %parallel_loop3A_264 = vector.bitcast %parallel_loop3A_263 : vector<16xi32> to vector<32xbf16>
          %parallel_loop3A_265 = tpu.unpack_subelements %parallel_loop3A_264, 0 {pack_format = #tpu.pack_format<interleaved>} : vector<32xbf16> -> vector<16xf32>
          %parallel_loop3A_266 = tpu.unpack_subelements %parallel_loop3A_264, 1 {pack_format = #tpu.pack_format<interleaved>} : vector<32xbf16> -> vector<16xf32>
          %parallel_loop3A_267 = arith.mulf %parallel_loop3A_204, %sub3A_37 : vector<16xf32>
          %parallel_loop3A_268 = arith.addf %parallel_loop3A_265, %parallel_loop3A_267 : vector<16xf32>
          %parallel_loop3A_269 = arith.index_cast %parallel_loop3A_193 : i32 to index
          %parallel_loop3A_270 = arith.constant 96 : index
          %parallel_loop3A_271 = tpu.vector_load %arg11[%parallel_loop3A_269, %parallel_loop3A_270] {strides = array<i32>} : memref<256x128xf32, #tpu.memory_space<vmem>>, vector<16xf32>,
          tpu.vector_store %arg11[%parallel_loop3A_269, %parallel_loop3A_270], %parallel_loop3A_268 {add = true, strides = array<i32>} : memref<256x128xf32, #tpu.memory_space<vmem>>, vector<16xf32>,
          %parallel_loop3A_272 = arith.mulf %parallel_loop3A_204, %sub3A_40 : vector<16xf32>
          %parallel_loop3A_273 = arith.addf %parallel_loop3A_266, %parallel_loop3A_272 : vector<16xf32>
          %parallel_loop3A_274 = arith.index_cast %parallel_loop3A_193 : i32 to index
          %parallel_loop3A_275 = arith.constant 112 : index
          %parallel_loop3A_276 = tpu.vector_load %arg11[%parallel_loop3A_274, %parallel_loop3A_275] {strides = array<i32>} : memref<256x128xf32, #tpu.memory_space<vmem>>, vector<16xf32>,
          tpu.vector_store %arg11[%parallel_loop3A_274, %parallel_loop3A_275], %parallel_loop3A_273 {add = true, strides = array<i32>} : memref<256x128xf32, #tpu.memory_space<vmem>>, vector<16xf32>,
        } {sc.loop_unroll_factor = 8 : i64, sc.parallel_access}
        %sub3A_184 = arith.constant 1 : i32
        %sub3A_185 = arith.subi %add3A_137, %sub3A_184 : i32
        %mul3A_186 = arith.constant 256 : i32
        %mul3A_187 = arith.muli %sub3A_185, %mul3A_186 : i32
        %add3A_188 = arith.addi %mul3A_2, %mul3A_187 : i32
        %dma_start3A_189 = arith.constant 0 : i32
        %dma_start3A_190 = tpu.memref_slice %arg8[%add3A_188, %dma_start3A_189] : memref<524288x128xf32, #tpu.memory_space<hbm>> -> memref<256x128xf32, #tpu.memory_space<hbm>>
        %dma_start3A_191 = arith.constant 0 : i32
        %dma_start3A_192 = tpu.memref_slice %arg8[%add3A_188, %dma_start3A_191] : memref<524288x128xf32, #tpu.memory_space<hbm>> -> memref<256x128xf32, #tpu.memory_space<hbm>>
        tpu.enqueue_dma source(%arg11 : memref<256x128xf32, #tpu.memory_space<vmem>>) target(%dma_start3A_192 : memref<256x128xf32, #tpu.memory_space<hbm>>) target_semaphore(%arg20 : memref<!tpu.dma_semaphore, #tpu.memory_space<semaphore_mem>>)
      } else {
      }
      %add3A_168 = arith.constant 1 : i32
      %add3A_169 = arith.addi %add3A_137, %add3A_168 : i32
      %lt3A_170 = arith.constant 64 : i32
      %lt3A_171 = arith.cmpi slt, %add3A_169, %lt3A_170 : i32
      %convert_element_type3A_172 = arith.extui %lt3A_171 : i1 to i32
      %cond3A_173 = arith.constant 0 : i32
      %cond3A_174 = arith.cmpi ne, %convert_element_type3A_172, %cond3A_173 : i32
      scf.if %cond3A_174 {
        %add3A_175 = arith.constant 1 : i32
        %add3A_176 = arith.addi %add3A_137, %add3A_175 : i32
        %mul3A_177 = arith.constant 256 : i32
        %mul3A_178 = arith.muli %add3A_176, %mul3A_177 : i32
        %add3A_179 = arith.addi %mul3A_2, %mul3A_178 : i32
        %dma_start3A_180 = arith.constant 0 : i32
        %dma_start3A_181 = tpu.memref_slice %arg9[%dma_start3A_180] : memref<768xi32, #tpu.memory_space<vmem>> -> memref<256xi32, #tpu.memory_space<vmem>>
        %dma_start3A_182 = tpu.memref_slice %arg2[%add3A_179] : memref<524288xi32, #tpu.memory_space<hbm>> -> memref<256xi32, #tpu.memory_space<hbm>>
        %dma_start3A_183 = arith.constant 0 : i32
        %dma_start3A_184 = tpu.memref_slice %arg9[%dma_start3A_183] : memref<768xi32, #tpu.memory_space<vmem>> -> memref<256xi32, #tpu.memory_space<vmem>>
        %dma_start3A_185 = tpu.memref_slice %arg2[%add3A_179] : memref<524288xi32, #tpu.memory_space<hbm>> -> memref<256xi32, #tpu.memory_space<hbm>>
        tpu.enqueue_dma source(%dma_start3A_185 : memref<256xi32, #tpu.memory_space<hbm>>) target(%dma_start3A_184 : memref<256xi32, #tpu.memory_space<vmem>>) target_semaphore(%arg16 : memref<!tpu.dma_semaphore, #tpu.memory_space<semaphore_mem>>)
        %dma_start3A_186 = arith.constant 256 : i32
        %dma_start3A_187 = tpu.memref_slice %arg9[%dma_start3A_186] : memref<768xi32, #tpu.memory_space<vmem>> -> memref<256xi32, #tpu.memory_space<vmem>>
        %dma_start3A_188 = tpu.memref_slice %arg3[%add3A_179] : memref<524288xi32, #tpu.memory_space<hbm>> -> memref<256xi32, #tpu.memory_space<hbm>>
        %dma_start3A_189 = arith.constant 256 : i32
        %dma_start3A_190 = tpu.memref_slice %arg9[%dma_start3A_189] : memref<768xi32, #tpu.memory_space<vmem>> -> memref<256xi32, #tpu.memory_space<vmem>>
        %dma_start3A_191 = tpu.memref_slice %arg3[%add3A_179] : memref<524288xi32, #tpu.memory_space<hbm>> -> memref<256xi32, #tpu.memory_space<hbm>>
        tpu.enqueue_dma source(%dma_start3A_191 : memref<256xi32, #tpu.memory_space<hbm>>) target(%dma_start3A_190 : memref<256xi32, #tpu.memory_space<vmem>>) target_semaphore(%arg16 : memref<!tpu.dma_semaphore, #tpu.memory_space<semaphore_mem>>)
        %dma_start3A_192 = arith.constant 512 : i32
        %dma_start3A_193 = tpu.memref_slice %arg9[%dma_start3A_192] : memref<768xi32, #tpu.memory_space<vmem>> -> memref<256xi32, #tpu.memory_space<vmem>>
        %dma_start3A_194 = tpu.memref_slice %arg4[%add3A_179] : memref<524288xi32, #tpu.memory_space<hbm>> -> memref<256xi32, #tpu.memory_space<hbm>>
        %dma_start3A_195 = arith.constant 512 : i32
        %dma_start3A_196 = tpu.memref_slice %arg9[%dma_start3A_195] : memref<768xi32, #tpu.memory_space<vmem>> -> memref<256xi32, #tpu.memory_space<vmem>>
        %dma_start3A_197 = tpu.memref_slice %arg4[%add3A_179] : memref<524288xi32, #tpu.memory_space<hbm>> -> memref<256xi32, #tpu.memory_space<hbm>>
        tpu.enqueue_dma source(%dma_start3A_197 : memref<256xi32, #tpu.memory_space<hbm>>) target(%dma_start3A_196 : memref<256xi32, #tpu.memory_space<vmem>>) target_semaphore(%arg16 : memref<!tpu.dma_semaphore, #tpu.memory_space<semaphore_mem>>)
      } else {
      }
    }
    %scan3A_75 = arith.constant 32 : i32
    %dma_wait3A = arith.constant 0 : i32
    %dma_wait3A_76 = arith.constant 0 : i32
    %dma_wait3A_77 = tpu.memref_slice %arg7[%dma_wait3A, %dma_wait3A_76] : memref<119547x128xf32, #tpu.memory_space<hbm>> -> memref<256x128xf32, #tpu.memory_space<hbm>>
    %dma_wait3A_78 = arith.constant 0 : i32
    %dma_wait3A_79 = arith.constant 0 : i32
    %dma_wait3A_80 = tpu.memref_slice %arg7[%dma_wait3A_78, %dma_wait3A_79] : memref<119547x128xf32, #tpu.memory_space<hbm>> -> memref<256x128xf32, #tpu.memory_space<hbm>>
    tpu.wait_dma2 semaphore(%arg19 : memref<!tpu.dma_semaphore, #tpu.memory_space<semaphore_mem>>) src(%dma_wait3A_80 : memref<256x128xf32, #tpu.memory_space<hbm>>) dst(%arg12 : memref<256x128xf32, #tpu.memory_space<vmem>>)
    %parallel_loop3A_81 = arith.constant 0 : i32
    %parallel_loop3A_82 = arith.constant 256 : i32
    %parallel_loop3A_83 = arith.constant 1 : i32
    scf.for %parallel_loop3A_98 = %parallel_loop3A_81 to %parallel_loop3A_82 step %parallel_loop3A_83  : i32 {
      %parallel_loop3A_99 = vector.broadcast %parallel_loop3A_98 : i32 to vector<16xi32>
      %parallel_loop3A_100 = arith.addi %broadcast_in_dim3A_52, %parallel_loop3A_99 : vector<16xi32>
      %parallel_loop3A_101 = arith.constant 256 : i32
      %parallel_loop3A_102 = tpu.memref_slice %arg10[%parallel_loop3A_101] : memref<768xi32, #tpu.memory_space<vmem>> -> memref<256xi32, #tpu.memory_space<vmem>>
      %parallel_loop3A_103 = tpu.vector_load_idx %parallel_loop3A_102[%parallel_loop3A_100] : memref<256xi32, #tpu.memory_space<vmem>>[vector<16xi32>], vector<16xi32>,
      %parallel_loop3A_104 = vector.broadcast %parallel_loop3A_98 : i32 to vector<16xi32>
      %parallel_loop3A_105 = arith.addi %broadcast_in_dim3A_52, %parallel_loop3A_104 : vector<16xi32>
      %parallel_loop3A_106 = arith.constant 0 : i32
      %parallel_loop3A_107 = tpu.memref_slice %arg10[%parallel_loop3A_106] : memref<768xi32, #tpu.memory_space<vmem>> -> memref<256xi32, #tpu.memory_space<vmem>>
      %parallel_loop3A_108 = tpu.vector_load_idx %parallel_loop3A_107[%parallel_loop3A_105] : memref<256xi32, #tpu.memory_space<vmem>>[vector<16xi32>], vector<16xi32>,
      %parallel_loop3A_109 = arith.sitofp %parallel_loop3A_108 : vector<16xi32> to vector<16xf32>
      %parallel_loop3A_110 = arith.constant 64 : i32
      %parallel_loop3A_111 = vector.broadcast %parallel_loop3A_110 : i32 to vector<16xi32>
      %parallel_loop3A_112 = arith.muli %parallel_loop3A_103, %parallel_loop3A_111 : vector<16xi32>
      %parallel_loop3A_113 = arith.addi %parallel_loop3A_112, %iota3A : vector<16xi32>
      %parallel_loop3A_114 = arith.constant 0 : i32
      %parallel_loop3A_115 = vector.broadcast %parallel_loop3A_114 : i32 to vector<16xi32>
      %parallel_loop3A_116 = arith.addi %parallel_loop3A_113, %parallel_loop3A_115 : vector<16xi32>
      %parallel_loop3A_117 = tpu.vector_load_idx %arg13[%parallel_loop3A_116] : memref<32768xi32, #tpu.memory_space<vmem>>[vector<16xi32>], vector<16xi32>,
      %parallel_loop3A_118 = vector.bitcast %parallel_loop3A_117 : vector<16xi32> to vector<32xbf16>
      %parallel_loop3A_119 = tpu.unpack_subelements %parallel_loop3A_118, 0 {pack_format = #tpu.pack_format<interleaved>} : vector<32xbf16> -> vector<16xf32>
      %parallel_loop3A_120 = tpu.unpack_subelements %parallel_loop3A_118, 1 {pack_format = #tpu.pack_format<interleaved>} : vector<32xbf16> -> vector<16xf32>
      %parallel_loop3A_121 = arith.mulf %parallel_loop3A_109, %sub3A : vector<16xf32>
      %parallel_loop3A_122 = arith.addf %parallel_loop3A_119, %parallel_loop3A_121 : vector<16xf32>
      %parallel_loop3A_123 = arith.index_cast %parallel_loop3A_98 : i32 to index
      %parallel_loop3A_124 = arith.constant 0 : index
      %parallel_loop3A_125 = tpu.vector_load %arg12[%parallel_loop3A_123, %parallel_loop3A_124] {strides = array<i32>} : memref<256x128xf32, #tpu.memory_space<vmem>>, vector<16xf32>,
      tpu.vector_store %arg12[%parallel_loop3A_123, %parallel_loop3A_124], %parallel_loop3A_122 {add = true, strides = array<i32>} : memref<256x128xf32, #tpu.memory_space<vmem>>, vector<16xf32>,
      %parallel_loop3A_126 = arith.mulf %parallel_loop3A_109, %sub3A_22 : vector<16xf32>
      %parallel_loop3A_127 = arith.addf %parallel_loop3A_120, %parallel_loop3A_126 : vector<16xf32>
      %parallel_loop3A_128 = arith.index_cast %parallel_loop3A_98 : i32 to index
      %parallel_loop3A_129 = arith.constant 16 : index
      %parallel_loop3A_130 = tpu.vector_load %arg12[%parallel_loop3A_128, %parallel_loop3A_129] {strides = array<i32>} : memref<256x128xf32, #tpu.memory_space<vmem>>, vector<16xf32>,
      tpu.vector_store %arg12[%parallel_loop3A_128, %parallel_loop3A_129], %parallel_loop3A_127 {add = true, strides = array<i32>} : memref<256x128xf32, #tpu.memory_space<vmem>>, vector<16xf32>,
      %parallel_loop3A_131 = arith.constant 16 : i32
      %parallel_loop3A_132 = vector.broadcast %parallel_loop3A_131 : i32 to vector<16xi32>
      %parallel_loop3A_133 = arith.addi %parallel_loop3A_113, %parallel_loop3A_132 : vector<16xi32>
      %parallel_loop3A_134 = tpu.vector_load_idx %arg13[%parallel_loop3A_133] : memref<32768xi32, #tpu.memory_space<vmem>>[vector<16xi32>], vector<16xi32>,
      %parallel_loop3A_135 = vector.bitcast %parallel_loop3A_134 : vector<16xi32> to vector<32xbf16>
      %parallel_loop3A_136 = tpu.unpack_subelements %parallel_loop3A_135, 0 {pack_format = #tpu.pack_format<interleaved>} : vector<32xbf16> -> vector<16xf32>
      %parallel_loop3A_137 = tpu.unpack_subelements %parallel_loop3A_135, 1 {pack_format = #tpu.pack_format<interleaved>} : vector<32xbf16> -> vector<16xf32>
      %parallel_loop3A_138 = arith.mulf %parallel_loop3A_109, %sub3A_25 : vector<16xf32>
      %parallel_loop3A_139 = arith.addf %parallel_loop3A_136, %parallel_loop3A_138 : vector<16xf32>
      %parallel_loop3A_140 = arith.index_cast %parallel_loop3A_98 : i32 to index
      %parallel_loop3A_141 = arith.constant 32 : index
      %parallel_loop3A_142 = tpu.vector_load %arg12[%parallel_loop3A_140, %parallel_loop3A_141] {strides = array<i32>} : memref<256x128xf32, #tpu.memory_space<vmem>>, vector<16xf32>,
      tpu.vector_store %arg12[%parallel_loop3A_140, %parallel_loop3A_141], %parallel_loop3A_139 {add = true, strides = array<i32>} : memref<256x128xf32, #tpu.memory_space<vmem>>, vector<16xf32>,
      %parallel_loop3A_143 = arith.mulf %parallel_loop3A_109, %sub3A_28 : vector<16xf32>
      %parallel_loop3A_144 = arith.addf %parallel_loop3A_137, %parallel_loop3A_143 : vector<16xf32>
      %parallel_loop3A_145 = arith.index_cast %parallel_loop3A_98 : i32 to index
      %parallel_loop3A_146 = arith.constant 48 : index
      %parallel_loop3A_147 = tpu.vector_load %arg12[%parallel_loop3A_145, %parallel_loop3A_146] {strides = array<i32>} : memref<256x128xf32, #tpu.memory_space<vmem>>, vector<16xf32>,
      tpu.vector_store %arg12[%parallel_loop3A_145, %parallel_loop3A_146], %parallel_loop3A_144 {add = true, strides = array<i32>} : memref<256x128xf32, #tpu.memory_space<vmem>>, vector<16xf32>,
      %parallel_loop3A_148 = arith.constant 32 : i32
      %parallel_loop3A_149 = vector.broadcast %parallel_loop3A_148 : i32 to vector<16xi32>
      %parallel_loop3A_150 = arith.addi %parallel_loop3A_113, %parallel_loop3A_149 : vector<16xi32>
      %parallel_loop3A_151 = tpu.vector_load_idx %arg13[%parallel_loop3A_150] : memref<32768xi32, #tpu.memory_space<vmem>>[vector<16xi32>], vector<16xi32>,
      %parallel_loop3A_152 = vector.bitcast %parallel_loop3A_151 : vector<16xi32> to vector<32xbf16>
      %parallel_loop3A_153 = tpu.unpack_subelements %parallel_loop3A_152, 0 {pack_format = #tpu.pack_format<interleaved>} : vector<32xbf16> -> vector<16xf32>
      %parallel_loop3A_154 = tpu.unpack_subelements %parallel_loop3A_152, 1 {pack_format = #tpu.pack_format<interleaved>} : vector<32xbf16> -> vector<16xf32>
      %parallel_loop3A_155 = arith.mulf %parallel_loop3A_109, %sub3A_31 : vector<16xf32>
      %parallel_loop3A_156 = arith.addf %parallel_loop3A_153, %parallel_loop3A_155 : vector<16xf32>
      %parallel_loop3A_157 = arith.index_cast %parallel_loop3A_98 : i32 to index
      %parallel_loop3A_158 = arith.constant 64 : index
      %parallel_loop3A_159 = tpu.vector_load %arg12[%parallel_loop3A_157, %parallel_loop3A_158] {strides = array<i32>} : memref<256x128xf32, #tpu.memory_space<vmem>>, vector<16xf32>,
      tpu.vector_store %arg12[%parallel_loop3A_157, %parallel_loop3A_158], %parallel_loop3A_156 {add = true, strides = array<i32>} : memref<256x128xf32, #tpu.memory_space<vmem>>, vector<16xf32>,
      %parallel_loop3A_160 = arith.mulf %parallel_loop3A_109, %sub3A_34 : vector<16xf32>
      %parallel_loop3A_161 = arith.addf %parallel_loop3A_154, %parallel_loop3A_160 : vector<16xf32>
      %parallel_loop3A_162 = arith.index_cast %parallel_loop3A_98 : i32 to index
      %parallel_loop3A_163 = arith.constant 80 : index
      %parallel_loop3A_164 = tpu.vector_load %arg12[%parallel_loop3A_162, %parallel_loop3A_163] {strides = array<i32>} : memref<256x128xf32, #tpu.memory_space<vmem>>, vector<16xf32>,
      tpu.vector_store %arg12[%parallel_loop3A_162, %parallel_loop3A_163], %parallel_loop3A_161 {add = true, strides = array<i32>} : memref<256x128xf32, #tpu.memory_space<vmem>>, vector<16xf32>,
      %parallel_loop3A_165 = arith.constant 48 : i32
      %parallel_loop3A_166 = vector.broadcast %parallel_loop3A_165 : i32 to vector<16xi32>
      %parallel_loop3A_167 = arith.addi %parallel_loop3A_113, %parallel_loop3A_166 : vector<16xi32>
      %parallel_loop3A_168 = tpu.vector_load_idx %arg13[%parallel_loop3A_167] : memref<32768xi32, #tpu.memory_space<vmem>>[vector<16xi32>], vector<16xi32>,
      %parallel_loop3A_169 = vector.bitcast %parallel_loop3A_168 : vector<16xi32> to vector<32xbf16>
      %parallel_loop3A_170 = tpu.unpack_subelements %parallel_loop3A_169, 0 {pack_format = #tpu.pack_format<interleaved>} : vector<32xbf16> -> vector<16xf32>
      %parallel_loop3A_171 = tpu.unpack_subelements %parallel_loop3A_169, 1 {pack_format = #tpu.pack_format<interleaved>} : vector<32xbf16> -> vector<16xf32>
      %parallel_loop3A_172 = arith.mulf %parallel_loop3A_109, %sub3A_37 : vector<16xf32>
      %parallel_loop3A_173 = arith.addf %parallel_loop3A_170, %parallel_loop3A_172 : vector<16xf32>
      %parallel_loop3A_174 = arith.index_cast %parallel_loop3A_98 : i32 to index
      %parallel_loop3A_175 = arith.constant 96 : index
      %parallel_loop3A_176 = tpu.vector_load %arg12[%parallel_loop3A_174, %parallel_loop3A_175] {strides = array<i32>} : memref<256x128xf32, #tpu.memory_space<vmem>>, vector<16xf32>,
      tpu.vector_store %arg12[%parallel_loop3A_174, %parallel_loop3A_175], %parallel_loop3A_173 {add = true, strides = array<i32>} : memref<256x128xf32, #tpu.memory_space<vmem>>, vector<16xf32>,
      %parallel_loop3A_177 = arith.mulf %parallel_loop3A_109, %sub3A_40 : vector<16xf32>
      %parallel_loop3A_178 = arith.addf %parallel_loop3A_171, %parallel_loop3A_177 : vector<16xf32>
      %parallel_loop3A_179 = arith.index_cast %parallel_loop3A_98 : i32 to index
      %parallel_loop3A_180 = arith.constant 112 : index
      %parallel_loop3A_181 = tpu.vector_load %arg12[%parallel_loop3A_179, %parallel_loop3A_180] {strides = array<i32>} : memref<256x128xf32, #tpu.memory_space<vmem>>, vector<16xf32>,
      tpu.vector_store %arg12[%parallel_loop3A_179, %parallel_loop3A_180], %parallel_loop3A_178 {add = true, strides = array<i32>} : memref<256x128xf32, #tpu.memory_space<vmem>>, vector<16xf32>,
    } {sc.loop_unroll_factor = 8 : i64, sc.parallel_access}
    %add3A_84 = arith.constant 16128 : i32
    %add3A_85 = arith.addi %mul3A_2, %add3A_84 : i32
    %dma_start3A_86 = arith.constant 0 : i32
    %dma_start3A_87 = tpu.memref_slice %arg8[%add3A_85, %dma_start3A_86] : memref<524288x128xf32, #tpu.memory_space<hbm>> -> memref<256x128xf32, #tpu.memory_space<hbm>>
    %dma_start3A_88 = arith.constant 0 : i32
    %dma_start3A_89 = tpu.memref_slice %arg8[%add3A_85, %dma_start3A_88] : memref<524288x128xf32, #tpu.memory_space<hbm>> -> memref<256x128xf32, #tpu.memory_space<hbm>>
    tpu.enqueue_dma source(%arg12 : memref<256x128xf32, #tpu.memory_space<vmem>>) target(%dma_start3A_89 : memref<256x128xf32, #tpu.memory_space<hbm>>) target_semaphore(%arg21 : memref<!tpu.dma_semaphore, #tpu.memory_space<semaphore_mem>>)
    %dma_wait3A_90 = arith.constant 0 : i32
    %dma_wait3A_91 = tpu.memref_slice %arg8[%mul3A_2, %dma_wait3A_90] : memref<524288x128xf32, #tpu.memory_space<hbm>> -> memref<256x128xf32, #tpu.memory_space<hbm>>
    %dma_wait3A_92 = arith.constant 0 : i32
    %dma_wait3A_93 = tpu.memref_slice %arg8[%mul3A_2, %dma_wait3A_92] : memref<524288x128xf32, #tpu.memory_space<hbm>> -> memref<256x128xf32, #tpu.memory_space<hbm>>
    tpu.wait_dma2 semaphore(%arg20 : memref<!tpu.dma_semaphore, #tpu.memory_space<semaphore_mem>>) src(%arg11 : memref<256x128xf32, #tpu.memory_space<vmem>>) dst(%dma_wait3A_93 : memref<256x128xf32, #tpu.memory_space<hbm>>)
    %dma_wait3A_94 = arith.constant 0 : i32
    %dma_wait3A_95 = tpu.memref_slice %arg8[%mul3A_2, %dma_wait3A_94] : memref<524288x128xf32, #tpu.memory_space<hbm>> -> memref<256x128xf32, #tpu.memory_space<hbm>>
    %dma_wait3A_96 = arith.constant 0 : i32
    %dma_wait3A_97 = tpu.memref_slice %arg8[%mul3A_2, %dma_wait3A_96] : memref<524288x128xf32, #tpu.memory_space<hbm>> -> memref<256x128xf32, #tpu.memory_space<hbm>>
    tpu.wait_dma2 semaphore(%arg21 : memref<!tpu.dma_semaphore, #tpu.memory_space<semaphore_mem>>) src(%arg12 : memref<256x128xf32, #tpu.memory_space<vmem>>) dst(%dma_wait3A_97 : memref<256x128xf32, #tpu.memory_space<hbm>>)
    return
  }
}

</mosaic_0001>

<sc_bundles>
// kernel: kernel.3.cloned.1.call-start
scs
__scs_entry_jumppad:
0x0: {  	(pc) =	sbr.rel $0x88, $3  }
0x1: {  	(tag) =	ssettag $0x0;
	lr =	simm.s32 $0x1  }
0x2: {  	[smem:$0x3F9B] =	sst lr;
	_ =	strace $0xD0000000  }
0x3: {  	_ = 	snop  }
0x4: {  	_ = 	snop  }
0x5: {  	_ = 	snop  }
0x6: {  	_ = 	snop  }
0x7: {  	_ = 	snop  }
__scs_overlays_trampoline_lowered:
0x8: {  	[smem:$0x3FAA] =	sst s0  }
0x9: {  	[smem:$0x3FAB] =	sst s1  }
0xa: {  	[smem:$0x3FAC] =	sst s2  }
0xb: {  	[smem:$0x3FAD] =	sst s3  }
0xc: {  	[smem:$0x3FAE] =	sst s4  }
0xd: {  	[smem:$0x3FAF] =	sst s5  }
0xe: {  	[smem:$0x3FB0] =	sst s6  }
0xf: {  	[smem:$0x3FB1] =	sst s7  }
0x10: {  	[smem:$0x3FB2] =	sst s8  }
0x11: {  	[smem:$0x3FB3] =	sst s9;
	s0 =	simm.s32 @!p0 $0x0  }
0x12: {  	s1 =	sld [smem:$0x3F99];
	s0 =	simm.s32 @p0 $0x1  }
0x13: {  	[smem:$0x3FB4] =	sst s0;
	s0 =	simm.s32 @!p1 $0x0  }
0x14: {  	s2 =	sld [smem:$0x3F98];
	s0 =	simm.s32 @p1 $0x1  }
0x15: {  	[smem:$0x3FB5] =	sst s0;
	s0 =	simm.s32 @!p2 $0x0  }
0x16: {  	s3 =	sld [smem:$0x3FDB];
	s0 =	simm.s32 @p2 $0x1  }
0x17: {  	s4 =	simm.s32 $0x1BF5;
	[smem:$0x3FB7] =	sst s0  }
0x18: {  	s0 =	sld [smem:$0x3F9A];
	_ =	swait.ge [sflag:s4], $0x0  }
0x19: {  	s7 =	sld [smem:$0x3F9B]  }
0x1a: {  	s8 =	sadd.s32 $0xFFFFE003, lr  }
0x1b: {  	s9 =	sadd.s32 $0xFFFFFEF7, lr;
	s5 =	simm.s32 $0xFFFFFFFF;
	p2 =	slt.u32 s8, $0xFFFFF086  }
0x1c: {  	p1 =	slt.u32 s9, $0xF7A;
	s5 =	simm.s32 @!p2 $0x0  }
0x1d: {  	s5 =	simm.s32 @p1 $0x1;
	p0 =	seq.s32 s7, s2  }
0x1e: {  	s7 =	smul.u32 @!p0 $0xF7A, s2;
	p2 =	seq.s32 @!p0 s5, $0x0  }
0x1f: {  	s9 =	smul.u32 $0xF7A, s1;
	s8 =	simm.s32 @!p0 $0x1BF5;
	p2 =	por !p2, p0  }
0x20: {  	[sflag:s8] =	ssyncset.s32 @!p0 $0xFFFFF086;
	s6 =	sadd.s32 @!p0 s3, s7;
	s7 =	simm.s32 @!p0 $0x108  }
0x21: {  	s3 =	sadd.s32 s3, s9;
	s6 =	sadd.s32 @!p0 $0x88, s6;
	s7 =	simm.s32 @p2 $0x1082  }
0x22: {  	[simem:s7], [sflag:s8] =	dma.local @!p0 [hbm:s6], $0xF7A  }
0x23: {  	s9 =	sor.u32 $0xD0000000, s2;
	s6 =	simm.s32 $0x108;
	_ =	swait.ge @!p0 [sflag:s8], $0x0  }
0x24: {  	s3 =	sadd.s32 $0x88, s3;
	s6 =	simm.s32 @!p1 $0x1082;
	[sflag:s4] =	ssyncset.s32 $0xFFFFF086  }
0x25: {  	[simem:s6], [sflag:s4] =	dma.local [hbm:s3], $0xF7A  }
0x26: {  	[smem:$0x3F9B] =	sst s1;
	(tag) =	ssettag s2;
	_ =	strace s9  }
0x27: {  	s1 =	sld [smem:$0x3FAB]  }
0x28: {  	s2 =	sld [smem:$0x3FAC]  }
0x29: {  	s4 =	sld [smem:$0x3FAE]  }
0x2a: {  	p0 =	seq.s32 s5, $0x0;
	s5 =	sld [smem:$0x3FAF]  }
0x2b: {  	s6 =	sld [smem:$0x3FB0]  }
0x2c: {  	s7 =	sld [smem:$0x3FB1]  }
0x2d: {  	s3 =	simm.s32 $0x108;
	s8 =	sld [smem:$0x3FB2]  }
0x2e: {  	s3 =	simm.s32 @!p0 $0x1082;
	s9 =	sld [smem:$0x3FB3]  }
0x2f: {  	lr =	sadd.s32 s0, s3;
	s0 =	sld [smem:$0x3FAA]  }
0x30: {  	s3 =	sld [smem:$0x3FAD]  }
0x31: {  	[smem:$0x3FB6] =	sst s10  }
0x32: {  	s10 =	sld [smem:$0x3FB4];
	_ =	sdelay $0x3  }
0x33: {  	p0 =	seq.s32 s10, $0x1;
	s10 =	sld [smem:$0x3FB6];
	_ =	sdelay $0x3  }
0x34: {  	[smem:$0x3FB6] =	sst s10  }
0x35: {  	s10 =	sld [smem:$0x3FB5];
	_ =	sdelay $0x3  }
0x36: {  	p1 =	seq.s32 s10, $0x1;
	s10 =	sld [smem:$0x3FB6];
	_ =	sdelay $0x3  }
0x37: {  	[smem:$0x3FB6] =	sst s10  }
0x38: {  	s10 =	sld [smem:$0x3FB7]  }
0x39: {  	_ = 	snop;
	(pc) =	sbr.ind lr, $3  }
0x3a: {  	_ = 	snop  }
0x3b: {  	_ = 	snop  }
0x3c: {  	p2 =	seq.s32 s10, $0x1;
	s10 =	sld [smem:$0x3FB6]  }
0x3d: {  	_ =	shalt  }
0x3e: {  	_ =	shalt  }
0x3f: {  	_ =	shalt  }
0x40: {  	_ =	shalt  }
0x41: {  	_ =	shalt  }
0x42: {  	_ =	shalt  }
0x43: {  	_ =	shalt  }
0x44: {  	_ =	shalt  }
0x45: {  	_ =	shalt  }
0x46: {  	_ =	shalt  }
0x47: {  	_ =	shalt  }
0x48: {  	_ =	shalt  }
0x49: {  	_ =	shalt  }
0x4a: {  	_ =	shalt  }
0x4b: {  	_ =	shalt  }
0x4c: {  	_ =	shalt  }
0x4d: {  	_ =	shalt  }
0x4e: {  	_ =	shalt  }
0x4f: {  	_ =	shalt  }
0x50: {  	_ =	shalt  }
0x51: {  	_ =	shalt  }
0x52: {  	_ =	shalt  }
0x53: {  	_ =	shalt  }
0x54: {  	_ =	shalt  }
0x55: {  	_ =	shalt  }
0x56: {  	_ =	shalt  }
0x57: {  	_ =	shalt  }
0x58: {  	_ =	shalt  }
0x59: {  	_ =	shalt  }
0x5a: {  	_ =	shalt  }
0x5b: {  	_ =	shalt  }
0x5c: {  	_ =	shalt  }
0x5d: {  	_ =	shalt  }
0x5e: {  	_ =	shalt  }
0x5f: {  	_ =	shalt  }
0x60: {  	_ =	shalt  }
0x61: {  	_ =	shalt  }
0x62: {  	_ =	shalt  }
0x63: {  	_ =	shalt  }
0x64: {  	_ =	shalt  }
0x65: {  	_ =	shalt  }
0x66: {  	_ =	shalt  }
0x67: {  	_ =	shalt  }
0x68: {  	_ =	shalt  }
0x69: {  	_ =	shalt  }
0x6a: {  	_ =	shalt  }
0x6b: {  	_ =	shalt  }
0x6c: {  	_ =	shalt  }
0x6d: {  	_ =	shalt  }
0x6e: {  	_ =	shalt  }
0x6f: {  	_ =	shalt  }
0x70: {  	_ =	shalt  }
0x71: {  	_ =	shalt  }
0x72: {  	_ =	shalt  }
0x73: {  	_ =	shalt  }
0x74: {  	_ =	shalt  }
0x75: {  	_ =	shalt  }
0x76: {  	_ =	shalt  }
0x77: {  	_ =	shalt  }
0x78: {  	_ =	shalt  }
0x79: {  	_ =	shalt  }
0x7a: {  	_ =	shalt  }
0x7b: {  	_ =	shalt  }
0x7c: {  	_ =	shalt  }
0x7d: {  	_ =	shalt  }
0x7e: {  	_ =	shalt  }
0x7f: {  	_ =	shalt  }
0x80: {  	_ =	shalt  }
0x81: {  	_ =	shalt  }
0x82: {  	_ =	shalt  }
0x83: {  	_ =	shalt  }
0x84: {  	_ =	shalt  }
0x85: {  	_ =	shalt  }
0x86: {  	_ =	shalt  }
0x87: {  	_ =	shalt  }
.Lfunc_end0:
.L_simem_size_0:
called_computation_lowered:
.L_overlay_start_0:
0x88: {  	s2 =	sld [smem:$0x3FD9]  }
0x89: {  	s3 =	sld [smem:$0x3FFE];
	_ =	sdelay $0x1  }
0x8a: {  	s1 =	srdreg.scid  }
0x8b: {  	s0 =	sand.u32 $0x1, s1  }
0x8c: {  	s17 =	sshll.u32 s0, $0xA;
	s2 =	sadd.s32 s3, s2  }
0x8d: {  	s2 =	sadd.s32 s2, s17  }
0x8e: {  	[smem:$0x3FC2] =	sst s2  }
0x8f: {  	_ = 	snop  }
0x90: {  	s2 =	sld [smem:$0x3FC6]  }
0x91: {  	s18 =	sld [smem:$0x3FC5]  }
0x92: {  	s4 =	sld [smem:$0x3FC4]  }
0x93: {  	s5 =	sld [smem:$0x3FD0];
	(tm) =	ssettm $0x1  }
0x94: {  	s6 =	sld [smem:$0x3FFB];
	_ =	sdelay $0x3  }
0x95: {  	_ =	strace s6  }
0x96: {  	s6 =	sld [smem:$0x3FFC];
	_ =	sdelay $0x3  }
0x97: {  	_ =	strace s6  }
0x98: {  	s6 =	sld [smem:$0x3FFD];
	_ =	sdelay $0x3  }
0x99: {  	_ =	strace s6  }
0x9a: {  	_ =	strace $0x8FFFFFFF  }
0x9b: {  	s19 =	sld [smem:$0x3FDB];
	_ =	sdelay $0x1  }
0x9c: {  	s7 =	simm.s32 $_scs_section_size  }
0x9d: {  	s8 =	simm.s32 $_size__tile_overlayer_lowered;
	s9 =	simm.s32 $_tile_overlayer_lowered  }
0x9e: {  	s22 =	simm.s32 $0x1BFF;
	s21 =	sshll.u32 s9, $0x1;
	s6 =	sadd.s32 s7, s19  }
0x9f: {  	s10 =	simm.s32 $0x0;
	s20 =	sshll.u32 s8, $0x1;
	s8 =	sadd.s32 s21, s6  }
0xa0: {  	[timem:s10], [sflag:s22] =	dma.local [hbm:s8], s20  }
0xa1: {  	_ =	swait.ge [sflag:s22], s20  }
0xa2: {  	s7 =	ssub.s32 $0x0, s20;
	[sflag:s22] =	ssyncset.done $0x0  }
0xa3: {  	[sflag:s22] =	ssyncadd.s32 s7;
	_ =	sdelay $0x1  }
0xa4: {  	s23 =	simm.s32 $0x1B8B  }
0xa5: {  	_ =	swait.ge [sflag:s23], $0x1  }
0xa6: {  	[sflag:s23] =	ssyncset.done $0x0  }
0xa7: {  	s25 =	simm.s32 $0x1B8E;
	s24 =	sld [smem:$0x3FFE];
	[sflag:s23] =	ssyncadd.s32 $0xFFFFFFFF  }
0xa8: {  	s26 =	simm.s32 $execute0_lowered;
	[smem:$0x3FD2] =	sst s25  }
0xa9: {  	s8 =	sshll.u32 s26, $0x1;
	_ =	strace $0x80000046;
	[dreg:$0x1] =	wrdreg $0xFFFFFFFF  }
0xaa: {  	s28 =	simm.s32 $_size_execute0_lowered;
	s6 =	sadd.s32 s6, s8;
	[dreg:$0x0] =	wrdreg $0x0  }
0xab: {  	s8 =	sshll.u32 s28, $0x1;
	[dreg:$0x2] =	wrdreg s6  }
0xac: {  	[dreg:$0x3] =	wrdreg s8  }
0xad: {  	[dreg:$0x4] =	wrdreg $0xC0  }
0xae: {  	_ =	task [dreg:s10], $0x5FFFF  }
0xaf: {  	[dreg:$0x1] =	wrdreg $0xFFFFFFFF  }
0xb0: {  	[dreg:$0x0] =	wrdreg $0x60  }
0xb1: {  	[dreg:$0x2] =	wrdreg s24  }
0xb2: {  	[dreg:$0x3] =	wrdreg s2  }
0xb3: {  	[dreg:$0x4] =	wrdreg s18  }
0xb4: {  	[dreg:$0x5] =	wrdreg s4  }
0xb5: {  	[dreg:$0x6] =	wrdreg s5  }
0xb6: {  	[dreg:$0x7] =	wrdreg $0x9  }
0xb7: {  	_ =	task.clear_ibuf [dreg:s10], $0x8FFFF;
	_ =	strace $0x90000046  }
0xb8: {  	s29 =	simm.s32 $0x9;
	_ =	strace $0x80000048  }
0xb9: {  	_ =	swait.ge [sflag:s29], $0x1  }
0xba: {  	[sflag:s29] =	ssyncadd.s32 $0xFFFFFFFF  }
0xbb: {  	_ =	strace $0x90000048  }
0xbc: {  	_ =	sfence  }
0xbd: {  	s30 =	sld [smem:$0x0];
	_ =	sdelay $0x2  }
0xbe: {  	s31 =	sshll.u32 s1, $0xD;
	s1 =	sshrl.u32 s1, $0x2  }
0xbf: {  	s3 =	sand.u32 $0x4000, s31;
	s1 =	sadd.s32 s1, s30  }
0xc0: {  	s0 =	sor.u32 s3, s0;
	s1 =	sshll.u32 s1, $0x11  }
0xc1: {  	s0 =	sor.u32 s1, s0  }
0xc2: {  	s0 =	sadd.s32 $0x8F2B, s0  }
0xc3: {  	[sflag:s0] =	ssyncadd.remote.s32 $0x1  }
0xc4: {  	_ =	sfence.sel $0xFFFF  }
0xc5: {  	[dreg:$0x0] =	wrdreg $0xFFFFFFFF;
	(pc) =	sbr.abs _section_cstart, $3  }
0xc6: {  	[dreg:$0x1] =	wrdreg $0xFFFFFFFF  }
0xc7: {  	_ =	task.clear_ibuf [dreg:s10], $0x2FFFF;
	_ =	strace $0x9FFFFFFF  }
0xc8: {  	(tm) =	ssettm $0x7FFFFFFF  }
0xc9: {  	_ =	shalt  }
tec
execute0_lowered:
.L_overlay_start_1:
0x0: {  	(tag) =	ssettag $0x1  }
0x1: {  	s0 =	rddreg [dreg:$0x0]  }
0x2: {  	s11 =	rddreg [dreg:$0x2]  }
0x3: {  	s3 =	rddreg [dreg:$0x3]  }
0x4: {  	s12 =	rddreg [dreg:$0x4];
	s5 =	simm.s32 $0x0;
	s1 =	srdreg.scid  }
0x5: {  	s6 =	stileid.u32;
	s25 =	simm.s32 $0x100;
	s26 =	simm.s32 $0x200  }
0x6: {  	s28 =	simm.s32 $0x1;
	s29 =	simm.s32 $0x80;
	s30 =	simm.s32 $0x600  }
0x7: {  	s14 =	simm.s32 $0x3;
	s15 =	simm.s32 $0x10600;
	[smem:$0x7FF] =	sst s5  }
0x8: {  	s7 =	sadd.s32 $0x800, s0;
	s1 =	sand.u32 $0x1, s1;
	s8 =	sadd.s32 $0x10800, s0  }
0x9: {  	s6 =	sshll.u32 s6, $0xF;
	s9 =	sadd.s32 $0x20800, s0;
	s17 =	sadd.s32 $0x800, s11  }
0xa: {  	s18 =	sadd.s32 $0x1000, s11;
	_ =	strace $0x80000047;
	[dreg:$0x6] =	wrdreg s17  }
0xb: {  	s20 =	sadd.s32 $0x1800, s11;
	s11 =	simm.s32 $0x0;
	[dreg:$0x7] =	wrdreg s18  }
0xc: {  	s2 =	ssub.s32 $0x2, s1;
	s1 =	sshll.u32 s1, $0xE;
	[dreg:$0x8] =	wrdreg s20  }
0xd: {  	s20 =	simm.s32 $0x5;
	s4 =	sshrl.u32 s2, $0x1;
	s10 =	sor.u32 s1, s6  }
0xe: {  	s6 =	simm.s32 $0x300;
	s16 =	ssub.s32 s2, s4;
	s24 =	sadd.s32 $0xFFFFFF00, s10  }
0xf: {  	s19 =	sshrl.u32 s10, $0x3;
	s13 =	sor.u32 $0x200, s10;
	[dreg:$0xc] =	wrdreg s24  }
0x10: {  	s22 =	sshll.u32 s10, $0x4;
	s21 =	sadd.s32 s7, s19;
	[dreg:$0xd] =	wrdreg s13  }
0x11: {  	s2 =	simm.s32 $0x2;
	s23 =	sadd.s32 s8, s19;
	[dreg:$0x9] =	wrdreg s21  }
0x12: {  	s1 =	sadd.s32 s9, s19;
	s17 =	sadd.s32 s12, s22;
	[dreg:$0xa] =	wrdreg s23  }
0x13: {  	s0 =	smax.u32 s16, $0x1;
	s19 =	simm.s32 $0x7;
	[dreg:$0xb] =	wrdreg s1  }
0x14: {  	v0 =	vlaneseq.u32;
	s22 =	simm.s32 $0x500;
	s31 =	sadd.s32 $0x3F000, s17;
	[dreg:$0xf] =	wrdreg s0  }
0x15: {  	v1 =	vor.u32 $0x10, v0;
	v2 =	vor.u32 $0x20, v0;
	v3 =	vor.u32 $0x30, v0;
	s16 =	simm.s32 $0x4;
	s1 =	simm.s32 $0x400;
	[dreg:$0xe] =	wrdreg s31  }
.LBB2_1:
0x16: {  	[dreg:$0x10] =	wrdreg s11  }
0x17: {  	s0 =	rddreg [dreg:$0x1];
	s4 =	simm.s32 $0x18600  }
0x18: {  	[tilespmem:s4], [sflag:$0x7] =	stream.linear.gather [hbm4b:s0+s5], $0x100, $0x38;
	[tilespmem:$0x1C700] =	vst v63  }
0x19: {  	_ =	swait.ge [sflag:s19], $0x100  }
0x1a: {  	[sflag:s19] =	ssyncset.done $0x0  }
0x1b: {  	[sflag:s19] =	ssyncadd.s32 $0xFFFFFF00  }
0x1c: {  	v6 =	vld [tilespmem:$0x18600]  }
0x1d: {  	v7 =	vld [tilespmem:$0x18610]  }
0x1e: {  	v8 =	vld [tilespmem:$0x18620]  }
0x1f: {  	v14 =	vld [tilespmem:$0x18630]  }
0x20: {  	v4 =	vld [tilespmem:$0x18640]  }
0x21: {  	v5 =	vld [tilespmem:$0x18650]  }
0x22: {  	v12 =	vld [tilespmem:$0x18660]  }
0x23: {  	v13 =	vld [tilespmem:$0x18670]  }
0x24: {  	v9 =	vld [tilespmem:$0x18680]  }
0x25: {  	v10 =	vld [tilespmem:$0x18690]  }
0x26: {  	v19 =	vld [tilespmem:$0x186A0]  }
0x27: {  	v20 =	vld [tilespmem:$0x186B0]  }
0x28: {  	v15 =	vld [tilespmem:$0x186C0]  }
0x29: {  	v16 =	vld [tilespmem:$0x186D0]  }
0x2a: {  	s18 =	simm.s32 $0x18700;
	v17 =	vld [tilespmem:$0x186E0];
	s13 =	rddreg [dreg:$0x2]  }
0x2b: {  	v18 =	vld [tilespmem:$0x186F0];
	[tilespmem:s18], [sflag:$0x7] =	stream.linear.gather [hbm4b:s13+s5], $0x4000, $0x38  }
0x2c: {  	_ =	swait.ge [sflag:s19], $0x4000  }
0x2d: {  	[sflag:s19] =	ssyncset.done $0x0  }
0x2e: {  	[sflag:s19] =	ssyncadd.s32 $0xFFFFC000;
	s19 =	simm.s32 $0x18740  }
0x2f: {  	v11 =	vld [tilespmem:s19+$0xFFFFFFC0]  }
0x30: {  	v21 =	vld [tilespmem:s19+$0xFFFFFFD0];
	_ =	sdelay $0x4  }
0x31: {  	v11 =	vadd.f32 v11, v6;
	v21 =	vadd.f32 v21, v7  }
0x32: {  	s23 =	simm.s32 $0x187C0  }
0x33: {  	s21 =	simm.s32 $0x0;
	v22 =	vld [tilespmem:s23+$0xFFFFFFC0];
	v11 =	vpack.i.f32.bf16 v21, v11  }
0x34: {  	v21 =	vld [tilespmem:s23+$0xFFFFFFD0];
	[tilespmem:s21+$0x10600] =	vst v11  }
0x35: {  	v11 =	vld [tilespmem:s19+$0xFFFFFFE0]  }
0x36: {  	v23 =	vld [tilespmem:s19+$0xFFFFFFF0];
	_ =	sdelay $0x2  }
0x37: {  	v22 =	vadd.f32 v22, v6;
	v21 =	vadd.f32 v21, v7  }
0x38: {  	s24 =	simm.s32 $0x18840  }
0x39: {  	s4 =	simm.s32 $0x40;
	v24 =	vld [tilespmem:s24+$0xFFFFFFC0];
	v21 =	vpack.i.f32.bf16 v21, v22;
	v11 =	vadd.f32 v11, v8;
	v22 =	vadd.f32 v23, v14  }
0x3a: {  	v23 =	vld [tilespmem:s24+$0xFFFFFFD0];
	[tilespmem:s4+$0x10600] =	vst v21  }
0x3b: {  	v21 =	vld [tilespmem:s23+$0xFFFFFFE0];
	v11 =	vpack.i.f32.bf16 v22, v11  }
0x3c: {  	v22 =	vld [tilespmem:s23+$0xFFFFFFF0];
	[tilespmem:s21+$0x10610] =	vst v11  }
0x3d: {  	v11 =	vld [tilespmem:s19+$0x0]  }
0x3e: {  	v25 =	vld [tilespmem:s19+$0x10]  }
0x3f: {  	v24 =	vadd.f32 v24, v6;
	v23 =	vadd.f32 v23, v7  }
0x40: {  	s0 =	simm.s32 $0x188C0  }
0x41: {  	s31 =	simm.s32 $0x80;
	v26 =	vld [tilespmem:s0+$0xFFFFFFC0];
	v23 =	vpack.i.f32.bf16 v23, v24;
	v21 =	vadd.f32 v21, v8;
	v22 =	vadd.f32 v22, v14  }
0x42: {  	v24 =	vld [tilespmem:s0+$0xFFFFFFD0];
	[tilespmem:s31+$0x10600] =	vst v23  }
0x43: {  	v27 =	vld [tilespmem:s24+$0xFFFFFFE0];
	v21 =	vpack.i.f32.bf16 v22, v21;
	v11 =	vadd.f32 v11, v4;
	v22 =	vadd.f32 v25, v5  }
0x44: {  	v25 =	vld [tilespmem:s24+$0xFFFFFFF0];
	[tilespmem:s4+$0x10610] =	vst v21  }
0x45: {  	v21 =	vld [tilespmem:s23+$0x0];
	v11 =	vpack.i.f32.bf16 v22, v11  }
0x46: {  	v28 =	vld [tilespmem:s23+$0x10];
	[tilespmem:s21+$0x10620] =	vst v11  }
0x47: {  	v11 =	vadd.f32 v26, v6;
	v22 =	vadd.f32 v24, v7;
	v24 =	vld [tilespmem:s19+$0x20]  }
0x48: {  	s18 =	simm.s32 $0x18940;
	v29 =	vld [tilespmem:s19+$0x30]  }
0x49: {  	s12 =	simm.s32 $0xC0;
	v23 =	vld [tilespmem:s18+$0xFFFFFFC0];
	v11 =	vpack.i.f32.bf16 v22, v11;
	v27 =	vadd.f32 v27, v8;
	v25 =	vadd.f32 v25, v14  }
0x4a: {  	v26 =	vld [tilespmem:s18+$0xFFFFFFD0];
	[tilespmem:s12+$0x10600] =	vst v11  }
0x4b: {  	v22 =	vld [tilespmem:s0+$0xFFFFFFE0];
	v11 =	vpack.i.f32.bf16 v25, v27;
	v21 =	vadd.f32 v21, v4;
	v27 =	vadd.f32 v28, v5  }
0x4c: {  	v25 =	vld [tilespmem:s0+$0xFFFFFFF0];
	[tilespmem:s31+$0x10610] =	vst v11  }
0x4d: {  	s11 =	simm.s32 $0x500;
	s13 =	simm.s32 $0x18940;
	s19 =	simm.s32 $0x400;
	v11 =	vld [tilespmem:s24+$0x0];
	v27 =	vpack.i.f32.bf16 v27, v21;
	v21 =	vadd.f32 v24, v12;
	v24 =	vadd.f32 v29, v13  }
.LBB2_2:
0x4e: {  	p0 =	sne.s32 s11, $0x7F00;
	v28 =	vld [tilespmem:s24+$0x10];
	[tilespmem:s4+$0x10620] =	vst v27  }
0x4f: {  	v27 =	vadd.f32 v23, v6;
	v26 =	vadd.f32 v26, v7;
	v29 =	vld [tilespmem:s23+$0x20];
	v21 =	vpack.i.f32.bf16 v24, v21  }
0x50: {  	s18 =	sadd.s32 $0x80, s18;
	v24 =	vld [tilespmem:s23+$0x30];
	[tilespmem:s21+$0x10630] =	vst v21;
	s23 =	smov.u32 s24;
	s24 =	smov.u32 s0  }
.Ltmp0:
0x51: {  	s19 =	sshra.s32 s19, $0x2;
	s0 =	smov.u32 s13;
	v23 =	vld [tilespmem:s18+$0xFFFFFFC0];
	v21 =	vpack.i.f32.bf16 v26, v27;
	v27 =	vadd.f32 v22, v8;
	v25 =	vadd.f32 v25, v14;
	(pc) =	sbr.rel @p0 .LBB2_2-.Ltmp0, $4  }
0x52: {  	s13 =	smov.u32 s18;
	s21 =	smov.u32 s4;
	s4 =	smov.u32 s31;
	v26 =	vld [tilespmem:s18+$0xFFFFFFD0];
	[tilespmem:s19+$0x10600] =	vst v21  }
0x53: {  	s31 =	smov.u32 s12;
	s12 =	smov.u32 s19;
	s19 =	smov.u32 s11;
	v22 =	vld [tilespmem:s0+$0xFFFFFFE0];
	v21 =	vpack.i.f32.bf16 v25, v27;
	v27 =	vadd.f32 v11, v4;
	v28 =	vadd.f32 v28, v5  }
0x54: {  	v25 =	vld [tilespmem:s0+$0xFFFFFFF0];
	[tilespmem:s31+$0x10610] =	vst v21  }
0x55: {  	s11 =	sadd.s32 $0x100, s11;
	v21 =	vadd.f32 v29, v12;
	v11 =	vld [tilespmem:s24+$0x0];
	v27 =	vpack.i.f32.bf16 v28, v27;
	v24 =	vadd.f32 v24, v13  }
0x56: {  	_ = 	snop  }
0x57: {  	v23 =	vadd.f32 v23, v6;
	v26 =	vadd.f32 v26, v7;
	_ =	sdelay $0x1  }
0x58: {  	s11 =	sshra.s32 s19, $0x2;
	v23 =	vpack.i.f32.bf16 v26, v23  }
0x59: {  	[tilespmem:s11+$0x10600] =	vst v23  }
0x5a: {  	v23 =	vld [tilespmem:s13+$0xFFFFFFE0]  }
0x5b: {  	v26 =	vld [tilespmem:s13+$0xFFFFFFF0];
	_ =	sdelay $0x2  }
0x5c: {  	v22 =	vadd.f32 v22, v8;
	v25 =	vadd.f32 v25, v14;
	_ =	sdelay $0x1  }
0x5d: {  	v22 =	vpack.i.f32.bf16 v25, v22;
	v23 =	vadd.f32 v23, v8;
	v25 =	vadd.f32 v26, v14  }
0x5e: {  	[tilespmem:s12+$0x10610] =	vst v22;
	v26 =	vld [tilespmem:s24+$0x10]  }
0x5f: {  	v22 =	vld [tilespmem:s0+$0x0];
	v23 =	vpack.i.f32.bf16 v25, v23  }
0x60: {  	v25 =	vld [tilespmem:s0+$0x10];
	[tilespmem:s11+$0x10610] =	vst v23  }
0x61: {  	v23 =	vld [tilespmem:s13+$0x0]  }
0x62: {  	v28 =	vld [tilespmem:s13+$0x10]  }
0x63: {  	v11 =	vadd.f32 v11, v4;
	v26 =	vadd.f32 v26, v5  }
0x64: {  	[tilespmem:s4+$0x10620] =	vst v27  }
0x65: {  	v27 =	vld [tilespmem:s23+$0x20];
	v22 =	vadd.f32 v22, v4;
	v11 =	vpack.i.f32.bf16 v26, v11;
	v25 =	vadd.f32 v25, v5  }
0x66: {  	v26 =	vld [tilespmem:s23+$0x30];
	[tilespmem:s31+$0x10620] =	vst v11  }
0x67: {  	v11 =	vld [tilespmem:s24+$0x20];
	v22 =	vpack.i.f32.bf16 v25, v22;
	v23 =	vadd.f32 v23, v4;
	v25 =	vadd.f32 v28, v5  }
0x68: {  	v28 =	vld [tilespmem:s24+$0x30];
	[tilespmem:s12+$0x10620] =	vst v22  }
0x69: {  	v22 =	vld [tilespmem:s0+$0x20];
	v23 =	vpack.i.f32.bf16 v25, v23  }
0x6a: {  	v25 =	vld [tilespmem:s0+$0x30];
	[tilespmem:s11+$0x10620] =	vst v23  }
0x6b: {  	v23 =	vld [tilespmem:s13+$0x20]  }
0x6c: {  	v29 =	vld [tilespmem:s13+$0x30];
	_ =	sdelay $0x1  }
0x6d: {  	v27 =	vadd.f32 v27, v12;
	v26 =	vadd.f32 v26, v13  }
0x6e: {  	v21 =	vpack.i.f32.bf16 v24, v21;
	v11 =	vadd.f32 v11, v12;
	v24 =	vadd.f32 v28, v13  }
0x6f: {  	[tilespmem:s21+$0x10630] =	vst v21;
	v21 =	vpack.i.f32.bf16 v26, v27;
	v22 =	vadd.f32 v22, v12;
	v25 =	vadd.f32 v25, v13  }
0x70: {  	[tilespmem:s4+$0x10630] =	vst v21;
	v11 =	vpack.i.f32.bf16 v24, v11;
	v21 =	vadd.f32 v23, v12;
	v23 =	vadd.f32 v29, v13  }
0x71: {  	[tilespmem:s31+$0x10630] =	vst v11;
	v11 =	vpack.i.f32.bf16 v25, v22  }
0x72: {  	[tilespmem:s12+$0x10630] =	vst v11;
	v11 =	vpack.i.f32.bf16 v23, v21  }
0x73: {  	s19 =	simm.s32 $0x7;
	[tilespmem:s11+$0x10630] =	vst v11  }
0x74: {  	s23 =	simm.s32 $0x0;
	s24 =	simm.s32 $0x18700;
	s4 =	rddreg [dreg:$0x6]  }
0x75: {  	[tilespmem:s24], [sflag:$0x7] =	stream.linear.gather [hbm4b:s4+s23], $0x4000, $0x38;
	[tilespmem:$0x1C700] =	vst v63  }
0x76: {  	_ =	swait.ge [sflag:s19], $0x4000  }
0x77: {  	[sflag:s19] =	ssyncset.done $0x0  }
0x78: {  	s11 =	simm.s32 $0x18740;
	[sflag:s19] =	ssyncadd.s32 $0xFFFFC000  }
0x79: {  	v11 =	vld [tilespmem:s11+$0xFFFFFFC0]  }
0x7a: {  	v21 =	vld [tilespmem:s11+$0xFFFFFFD0];
	_ =	sdelay $0x4  }
0x7b: {  	v11 =	vadd.f32 v11, v6;
	v21 =	vadd.f32 v21, v7  }
0x7c: {  	s4 =	simm.s32 $0x187C0  }
0x7d: {  	s0 =	sand.u32 $0x1FC0, s23;
	v22 =	vld [tilespmem:s4+$0xFFFFFFC0];
	v11 =	vpack.i.f32.bf16 v21, v11  }
0x7e: {  	v21 =	vld [tilespmem:s4+$0xFFFFFFD0];
	[tilespmem:s0+$0x12600] =	vst v11  }
0x7f: {  	v11 =	vld [tilespmem:s11+$0xFFFFFFE0]  }
0x80: {  	v23 =	vld [tilespmem:s11+$0xFFFFFFF0];
	_ =	sdelay $0x2  }
0x81: {  	v22 =	vadd.f32 v22, v6;
	v21 =	vadd.f32 v21, v7  }
0x82: {  	s21 =	simm.s32 $0x18840;
	s12 =	simm.s32 $0x40  }
0x83: {  	v24 =	vld [tilespmem:s21+$0xFFFFFFC0];
	s0 =	sand.u32 $0x1FC0, s12;
	v21 =	vpack.i.f32.bf16 v21, v22;
	v11 =	vadd.f32 v11, v8;
	v22 =	vadd.f32 v23, v14  }
0x84: {  	v23 =	vld [tilespmem:s21+$0xFFFFFFD0];
	[tilespmem:s0+$0x12600] =	vst v21  }
0x85: {  	s23 =	simm.s32 $0x12630;
	v21 =	vld [tilespmem:s4+$0xFFFFFFE0];
	v11 =	vpack.i.f32.bf16 v22, v11  }
0x86: {  	v22 =	vld [tilespmem:s4+$0xFFFFFFF0];
	[tilespmem:s23+$0xFFFFFFE0] =	vst v11  }
0x87: {  	v11 =	vld [tilespmem:s11+$0x0]  }
0x88: {  	v25 =	vld [tilespmem:s11+$0x10]  }
0x89: {  	v24 =	vadd.f32 v24, v6;
	v23 =	vadd.f32 v23, v7  }
0x8a: {  	s13 =	simm.s32 $0x80;
	s31 =	simm.s32 $0x188C0  }
0x8b: {  	v26 =	vld [tilespmem:s31+$0xFFFFFFC0];
	s0 =	sand.u32 $0x1FC0, s13;
	v23 =	vpack.i.f32.bf16 v23, v24;
	v21 =	vadd.f32 v21, v8;
	v22 =	vadd.f32 v22, v14  }
0x8c: {  	v24 =	vld [tilespmem:s31+$0xFFFFFFD0];
	[tilespmem:s0+$0x12600] =	vst v23  }
0x8d: {  	s24 =	simm.s32 $0x12670;
	v23 =	vld [tilespmem:s21+$0xFFFFFFE0];
	v21 =	vpack.i.f32.bf16 v22, v21;
	v11 =	vadd.f32 v11, v4;
	v22 =	vadd.f32 v25, v5  }
0x8e: {  	v25 =	vld [tilespmem:s21+$0xFFFFFFF0];
	[tilespmem:s24+$0xFFFFFFE0] =	vst v21  }
0x8f: {  	v21 =	vld [tilespmem:s4+$0x0];
	v11 =	vpack.i.f32.bf16 v22, v11  }
0x90: {  	v22 =	vld [tilespmem:s4+$0x10];
	[tilespmem:s23+$0xFFFFFFF0] =	vst v11  }
0x91: {  	v11 =	vadd.f32 v26, v6;
	v26 =	vadd.f32 v24, v7;
	v28 =	vld [tilespmem:s11+$0x20]  }
0x92: {  	s18 =	simm.s32 $0xC0;
	s13 =	simm.s32 $0x18940;
	v29 =	vld [tilespmem:s11+$0x30]  }
0x93: {  	s0 =	sand.u32 $0x1FC0, s18;
	v24 =	vld [tilespmem:s13+$0xFFFFFFC0];
	v11 =	vpack.i.f32.bf16 v26, v11;
	v27 =	vadd.f32 v23, v8;
	v25 =	vadd.f32 v25, v14  }
0x94: {  	v26 =	vld [tilespmem:s13+$0xFFFFFFD0];
	[tilespmem:s0+$0x12600] =	vst v11  }
0x95: {  	s0 =	simm.s32 $0x126B0;
	v23 =	vld [tilespmem:s31+$0xFFFFFFE0];
	v11 =	vpack.i.f32.bf16 v25, v27;
	v21 =	vadd.f32 v21, v4;
	v22 =	vadd.f32 v22, v5  }
0x96: {  	v25 =	vld [tilespmem:s31+$0xFFFFFFF0];
	[tilespmem:s0+$0xFFFFFFE0] =	vst v11  }
0x97: {  	s12 =	simm.s32 $0x18940;
	s18 =	simm.s32 $0x100;
	s11 =	simm.s32 $0x140;
	v11 =	vld [tilespmem:s21+$0x0];
	v27 =	vpack.i.f32.bf16 v22, v21;
	v21 =	vadd.f32 v28, v12;
	v22 =	vadd.f32 v29, v13  }
.LBB2_4:
0x98: {  	p0 =	sne.s32 s11, $0x1FC0;
	v28 =	vld [tilespmem:s21+$0x10];
	[tilespmem:s24+$0xFFFFFFF0] =	vst v27  }
0x99: {  	v27 =	vadd.f32 v24, v6;
	v26 =	vadd.f32 v26, v7;
	v29 =	vld [tilespmem:s4+$0x20];
	v21 =	vpack.i.f32.bf16 v22, v21  }
0x9a: {  	s13 =	sadd.s32 $0x80, s13;
	v22 =	vld [tilespmem:s4+$0x30];
	[tilespmem:s23+$0x0] =	vst v21;
	s4 =	smov.u32 s21;
	s21 =	smov.u32 s31  }
.Ltmp1:
0x9b: {  	s18 =	sand.u32 $0x1FC0, s18;
	s31 =	smov.u32 s12;
	v24 =	vld [tilespmem:s13+$0xFFFFFFC0];
	v21 =	vpack.i.f32.bf16 v26, v27;
	v27 =	vadd.f32 v23, v8;
	v25 =	vadd.f32 v25, v14;
	(pc) =	sbr.rel @p0 .LBB2_4-.Ltmp1, $4  }
0x9c: {  	s12 =	smov.u32 s13;
	s23 =	smov.u32 s24;
	s24 =	smov.u32 s0;
	v26 =	vld [tilespmem:s13+$0xFFFFFFD0];
	[tilespmem:s18+$0x12600] =	vst v21  }
0x9d: {  	s0 =	sadd.s32 $0x40, s0;
	s18 =	smov.u32 s11;
	v23 =	vld [tilespmem:s31+$0xFFFFFFE0];
	v21 =	vpack.i.f32.bf16 v25, v27;
	v27 =	vadd.f32 v11, v4;
	v28 =	vadd.f32 v28, v5  }
0x9e: {  	v25 =	vld [tilespmem:s31+$0xFFFFFFF0];
	[tilespmem:s0+$0xFFFFFFE0] =	vst v21  }
0x9f: {  	s11 =	sadd.s32 $0x40, s11;
	v21 =	vadd.f32 v29, v12;
	v11 =	vld [tilespmem:s21+$0x0];
	v27 =	vpack.i.f32.bf16 v28, v27;
	v22 =	vadd.f32 v22, v13  }
0xa0: {  	_ = 	snop  }
0xa1: {  	v24 =	vadd.f32 v24, v6;
	v26 =	vadd.f32 v26, v7;
	_ =	sdelay $0x1  }
0xa2: {  	s11 =	sand.u32 $0x1FC0, s18;
	v24 =	vpack.i.f32.bf16 v26, v24  }
0xa3: {  	[tilespmem:s11+$0x12600] =	vst v24  }
0xa4: {  	v24 =	vld [tilespmem:s12+$0xFFFFFFE0]  }
0xa5: {  	v26 =	vld [tilespmem:s12+$0xFFFFFFF0];
	_ =	sdelay $0x2  }
0xa6: {  	v23 =	vadd.f32 v23, v8;
	v25 =	vadd.f32 v25, v14;
	_ =	sdelay $0x1  }
0xa7: {  	s18 =	sadd.s32 $0x40, s0;
	v23 =	vpack.i.f32.bf16 v25, v23;
	v24 =	vadd.f32 v24, v8;
	v25 =	vadd.f32 v26, v14  }
0xa8: {  	[tilespmem:s18+$0xFFFFFFE0] =	vst v23;
	v26 =	vld [tilespmem:s21+$0x10]  }
0xa9: {  	s13 =	sadd.s32 $0x40, s18;
	v23 =	vld [tilespmem:s31+$0x0];
	v24 =	vpack.i.f32.bf16 v25, v24  }
0xaa: {  	v25 =	vld [tilespmem:s31+$0x10];
	[tilespmem:s13+$0xFFFFFFE0] =	vst v24  }
0xab: {  	v24 =	vld [tilespmem:s12+$0x0]  }
0xac: {  	v28 =	vld [tilespmem:s12+$0x10]  }
0xad: {  	v11 =	vadd.f32 v11, v4;
	v26 =	vadd.f32 v26, v5  }
0xae: {  	[tilespmem:s24+$0xFFFFFFF0] =	vst v27  }
0xaf: {  	v27 =	vld [tilespmem:s4+$0x20];
	v23 =	vadd.f32 v23, v4;
	v11 =	vpack.i.f32.bf16 v26, v11;
	v25 =	vadd.f32 v25, v5  }
0xb0: {  	v26 =	vld [tilespmem:s4+$0x30];
	[tilespmem:s0+$0xFFFFFFF0] =	vst v11  }
0xb1: {  	v11 =	vld [tilespmem:s21+$0x20];
	v23 =	vpack.i.f32.bf16 v25, v23;
	v24 =	vadd.f32 v24, v4;
	v25 =	vadd.f32 v28, v5  }
0xb2: {  	v28 =	vld [tilespmem:s21+$0x30];
	[tilespmem:s18+$0xFFFFFFF0] =	vst v23  }
0xb3: {  	v23 =	vld [tilespmem:s31+$0x20];
	v24 =	vpack.i.f32.bf16 v25, v24  }
0xb4: {  	v25 =	vld [tilespmem:s31+$0x30];
	[tilespmem:s13+$0xFFFFFFF0] =	vst v24  }
0xb5: {  	v24 =	vld [tilespmem:s12+$0x20]  }
0xb6: {  	v29 =	vld [tilespmem:s12+$0x30];
	_ =	sdelay $0x1  }
0xb7: {  	v27 =	vadd.f32 v27, v12;
	v26 =	vadd.f32 v26, v13  }
0xb8: {  	v21 =	vpack.i.f32.bf16 v22, v21;
	v11 =	vadd.f32 v11, v12;
	v22 =	vadd.f32 v28, v13  }
0xb9: {  	[tilespmem:s23+$0x0] =	vst v21;
	v21 =	vpack.i.f32.bf16 v26, v27;
	v23 =	vadd.f32 v23, v12;
	v25 =	vadd.f32 v25, v13  }
0xba: {  	[tilespmem:s24+$0x0] =	vst v21;
	v11 =	vpack.i.f32.bf16 v22, v11;
	v21 =	vadd.f32 v24, v12;
	v22 =	vadd.f32 v29, v13  }
0xbb: {  	[tilespmem:s0+$0x0] =	vst v11;
	v11 =	vpack.i.f32.bf16 v25, v23  }
0xbc: {  	[tilespmem:s18+$0x0] =	vst v11;
	v11 =	vpack.i.f32.bf16 v22, v21  }
0xbd: {  	[tilespmem:s13+$0x0] =	vst v11  }
0xbe: {  	s21 =	simm.s32 $0x0;
	s24 =	simm.s32 $0x18700;
	s23 =	rddreg [dreg:$0x7]  }
0xbf: {  	[tilespmem:s24], [sflag:$0x7] =	stream.linear.gather [hbm4b:s23+s21], $0x4000, $0x38;
	[tilespmem:$0x1C700] =	vst v63  }
0xc0: {  	_ =	swait.ge [sflag:s19], $0x4000  }
0xc1: {  	[sflag:s19] =	ssyncset.done $0x0  }
0xc2: {  	s11 =	simm.s32 $0x18740;
	[sflag:s19] =	ssyncadd.s32 $0xFFFFC000  }
0xc3: {  	v11 =	vld [tilespmem:s11+$0xFFFFFFC0]  }
0xc4: {  	v21 =	vld [tilespmem:s11+$0xFFFFFFD0];
	_ =	sdelay $0x4  }
0xc5: {  	v11 =	vadd.f32 v11, v6;
	v21 =	vadd.f32 v21, v7  }
0xc6: {  	s4 =	simm.s32 $0x187C0  }
0xc7: {  	s0 =	sand.u32 $0x1FC0, s21;
	v22 =	vld [tilespmem:s4+$0xFFFFFFC0];
	v11 =	vpack.i.f32.bf16 v21, v11  }
0xc8: {  	v21 =	vld [tilespmem:s4+$0xFFFFFFD0];
	[tilespmem:s0+$0x14600] =	vst v11  }
0xc9: {  	v11 =	vld [tilespmem:s11+$0xFFFFFFE0]  }
0xca: {  	v23 =	vld [tilespmem:s11+$0xFFFFFFF0];
	_ =	sdelay $0x2  }
0xcb: {  	v22 =	vadd.f32 v22, v6;
	v21 =	vadd.f32 v21, v7  }
0xcc: {  	s12 =	simm.s32 $0x40;
	s21 =	simm.s32 $0x18840  }
0xcd: {  	v24 =	vld [tilespmem:s21+$0xFFFFFFC0];
	s0 =	sand.u32 $0x1FC0, s12;
	v21 =	vpack.i.f32.bf16 v21, v22;
	v11 =	vadd.f32 v11, v8;
	v22 =	vadd.f32 v23, v14  }
0xce: {  	v23 =	vld [tilespmem:s21+$0xFFFFFFD0];
	[tilespmem:s0+$0x14600] =	vst v21  }
0xcf: {  	s23 =	simm.s32 $0x14630;
	v21 =	vld [tilespmem:s4+$0xFFFFFFE0];
	v11 =	vpack.i.f32.bf16 v22, v11  }
0xd0: {  	v22 =	vld [tilespmem:s4+$0xFFFFFFF0];
	[tilespmem:s23+$0xFFFFFFE0] =	vst v11  }
0xd1: {  	v11 =	vld [tilespmem:s11+$0x0]  }
0xd2: {  	v25 =	vld [tilespmem:s11+$0x10]  }
0xd3: {  	v24 =	vadd.f32 v24, v6;
	v23 =	vadd.f32 v23, v7  }
0xd4: {  	s31 =	simm.s32 $0x188C0;
	s13 =	simm.s32 $0x80  }
0xd5: {  	v26 =	vld [tilespmem:s31+$0xFFFFFFC0];
	s0 =	sand.u32 $0x1FC0, s13;
	v23 =	vpack.i.f32.bf16 v23, v24;
	v21 =	vadd.f32 v21, v8;
	v22 =	vadd.f32 v22, v14  }
0xd6: {  	v24 =	vld [tilespmem:s31+$0xFFFFFFD0];
	[tilespmem:s0+$0x14600] =	vst v23  }
0xd7: {  	s24 =	simm.s32 $0x14670;
	v23 =	vld [tilespmem:s21+$0xFFFFFFE0];
	v21 =	vpack.i.f32.bf16 v22, v21;
	v11 =	vadd.f32 v11, v4;
	v22 =	vadd.f32 v25, v5  }
0xd8: {  	v25 =	vld [tilespmem:s21+$0xFFFFFFF0];
	[tilespmem:s24+$0xFFFFFFE0] =	vst v21  }
0xd9: {  	v21 =	vld [tilespmem:s4+$0x0];
	v11 =	vpack.i.f32.bf16 v22, v11  }
0xda: {  	v22 =	vld [tilespmem:s4+$0x10];
	[tilespmem:s23+$0xFFFFFFF0] =	vst v11  }
0xdb: {  	v11 =	vadd.f32 v26, v6;
	v26 =	vadd.f32 v24, v7;
	v28 =	vld [tilespmem:s11+$0x20]  }
0xdc: {  	s18 =	simm.s32 $0xC0;
	s13 =	simm.s32 $0x18940;
	v29 =	vld [tilespmem:s11+$0x30]  }
0xdd: {  	s0 =	sand.u32 $0x1FC0, s18;
	v24 =	vld [tilespmem:s13+$0xFFFFFFC0];
	v11 =	vpack.i.f32.bf16 v26, v11;
	v27 =	vadd.f32 v23, v8;
	v25 =	vadd.f32 v25, v14  }
0xde: {  	v26 =	vld [tilespmem:s13+$0xFFFFFFD0];
	[tilespmem:s0+$0x14600] =	vst v11  }
0xdf: {  	s0 =	simm.s32 $0x146B0;
	v23 =	vld [tilespmem:s31+$0xFFFFFFE0];
	v11 =	vpack.i.f32.bf16 v25, v27;
	v21 =	vadd.f32 v21, v4;
	v22 =	vadd.f32 v22, v5  }
0xe0: {  	v25 =	vld [tilespmem:s31+$0xFFFFFFF0];
	[tilespmem:s0+$0xFFFFFFE0] =	vst v11  }
0xe1: {  	s12 =	simm.s32 $0x18940;
	s18 =	simm.s32 $0x100;
	s11 =	simm.s32 $0x140;
	v11 =	vld [tilespmem:s21+$0x0];
	v27 =	vpack.i.f32.bf16 v22, v21;
	v21 =	vadd.f32 v28, v12;
	v22 =	vadd.f32 v29, v13  }
.LBB2_6:
0xe2: {  	p0 =	sne.s32 s11, $0x1FC0;
	v28 =	vld [tilespmem:s21+$0x10];
	[tilespmem:s24+$0xFFFFFFF0] =	vst v27  }
0xe3: {  	v27 =	vadd.f32 v24, v6;
	v26 =	vadd.f32 v26, v7;
	v29 =	vld [tilespmem:s4+$0x20];
	v21 =	vpack.i.f32.bf16 v22, v21  }
0xe4: {  	s13 =	sadd.s32 $0x80, s13;
	v22 =	vld [tilespmem:s4+$0x30];
	[tilespmem:s23+$0x0] =	vst v21;
	s4 =	smov.u32 s21;
	s21 =	smov.u32 s31  }
.Ltmp2:
0xe5: {  	s18 =	sand.u32 $0x1FC0, s18;
	s31 =	smov.u32 s12;
	v24 =	vld [tilespmem:s13+$0xFFFFFFC0];
	v21 =	vpack.i.f32.bf16 v26, v27;
	v27 =	vadd.f32 v23, v8;
	v25 =	vadd.f32 v25, v14;
	(pc) =	sbr.rel @p0 .LBB2_6-.Ltmp2, $4  }
0xe6: {  	s12 =	smov.u32 s13;
	s23 =	smov.u32 s24;
	s24 =	smov.u32 s0;
	v26 =	vld [tilespmem:s13+$0xFFFFFFD0];
	[tilespmem:s18+$0x14600] =	vst v21  }
0xe7: {  	s0 =	sadd.s32 $0x40, s0;
	s18 =	smov.u32 s11;
	v23 =	vld [tilespmem:s31+$0xFFFFFFE0];
	v21 =	vpack.i.f32.bf16 v25, v27;
	v27 =	vadd.f32 v11, v4;
	v28 =	vadd.f32 v28, v5  }
0xe8: {  	v25 =	vld [tilespmem:s31+$0xFFFFFFF0];
	[tilespmem:s0+$0xFFFFFFE0] =	vst v21  }
0xe9: {  	s11 =	sadd.s32 $0x40, s11;
	v21 =	vadd.f32 v29, v12;
	v11 =	vld [tilespmem:s21+$0x0];
	v27 =	vpack.i.f32.bf16 v28, v27;
	v22 =	vadd.f32 v22, v13  }
0xea: {  	_ = 	snop  }
0xeb: {  	v24 =	vadd.f32 v24, v6;
	v26 =	vadd.f32 v26, v7;
	_ =	sdelay $0x1  }
0xec: {  	s11 =	sand.u32 $0x1FC0, s18;
	v24 =	vpack.i.f32.bf16 v26, v24  }
0xed: {  	[tilespmem:s11+$0x14600] =	vst v24  }
0xee: {  	v24 =	vld [tilespmem:s12+$0xFFFFFFE0]  }
0xef: {  	v26 =	vld [tilespmem:s12+$0xFFFFFFF0];
	_ =	sdelay $0x2  }
0xf0: {  	v23 =	vadd.f32 v23, v8;
	v25 =	vadd.f32 v25, v14;
	_ =	sdelay $0x1  }
0xf1: {  	s18 =	sadd.s32 $0x40, s0;
	v23 =	vpack.i.f32.bf16 v25, v23;
	v24 =	vadd.f32 v24, v8;
	v25 =	vadd.f32 v26, v14  }
0xf2: {  	[tilespmem:s18+$0xFFFFFFE0] =	vst v23;
	v26 =	vld [tilespmem:s21+$0x10]  }
0xf3: {  	s13 =	sadd.s32 $0x40, s18;
	v23 =	vld [tilespmem:s31+$0x0];
	v24 =	vpack.i.f32.bf16 v25, v24  }
0xf4: {  	v25 =	vld [tilespmem:s31+$0x10];
	[tilespmem:s13+$0xFFFFFFE0] =	vst v24  }
0xf5: {  	v24 =	vld [tilespmem:s12+$0x0]  }
0xf6: {  	v28 =	vld [tilespmem:s12+$0x10]  }
0xf7: {  	v11 =	vadd.f32 v11, v4;
	v26 =	vadd.f32 v26, v5  }
0xf8: {  	[tilespmem:s24+$0xFFFFFFF0] =	vst v27  }
0xf9: {  	v27 =	vld [tilespmem:s4+$0x20];
	v23 =	vadd.f32 v23, v4;
	v11 =	vpack.i.f32.bf16 v26, v11;
	v25 =	vadd.f32 v25, v5  }
0xfa: {  	v26 =	vld [tilespmem:s4+$0x30];
	[tilespmem:s0+$0xFFFFFFF0] =	vst v11  }
0xfb: {  	v11 =	vld [tilespmem:s21+$0x20];
	v23 =	vpack.i.f32.bf16 v25, v23;
	v24 =	vadd.f32 v24, v4;
	v25 =	vadd.f32 v28, v5  }
0xfc: {  	v28 =	vld [tilespmem:s21+$0x30];
	[tilespmem:s18+$0xFFFFFFF0] =	vst v23  }
0xfd: {  	v23 =	vld [tilespmem:s31+$0x20];
	v24 =	vpack.i.f32.bf16 v25, v24  }
0xfe: {  	v25 =	vld [tilespmem:s31+$0x30];
	[tilespmem:s13+$0xFFFFFFF0] =	vst v24  }
0xff: {  	v24 =	vld [tilespmem:s12+$0x20]  }
0x100: {  	v29 =	vld [tilespmem:s12+$0x30];
	_ =	sdelay $0x1  }
0x101: {  	v27 =	vadd.f32 v27, v12;
	v26 =	vadd.f32 v26, v13  }
0x102: {  	v21 =	vpack.i.f32.bf16 v22, v21;
	v11 =	vadd.f32 v11, v12;
	v22 =	vadd.f32 v28, v13  }
0x103: {  	[tilespmem:s23+$0x0] =	vst v21;
	v21 =	vpack.i.f32.bf16 v26, v27;
	v23 =	vadd.f32 v23, v12;
	v25 =	vadd.f32 v25, v13  }
0x104: {  	[tilespmem:s24+$0x0] =	vst v21;
	v11 =	vpack.i.f32.bf16 v22, v11;
	v21 =	vadd.f32 v24, v12;
	v22 =	vadd.f32 v29, v13  }
0x105: {  	[tilespmem:s0+$0x0] =	vst v11;
	v11 =	vpack.i.f32.bf16 v25, v23  }
0x106: {  	[tilespmem:s18+$0x0] =	vst v11;
	v11 =	vpack.i.f32.bf16 v22, v21  }
0x107: {  	[tilespmem:s13+$0x0] =	vst v11  }
0x108: {  	s21 =	simm.s32 $0x0;
	s24 =	simm.s32 $0x18700;
	s23 =	rddreg [dreg:$0x8]  }
0x109: {  	[tilespmem:s24], [sflag:$0x7] =	stream.linear.gather [hbm4b:s23+s21], $0x4000, $0x38;
	[tilespmem:$0x1C700] =	vst v63  }
0x10a: {  	_ =	swait.ge [sflag:s19], $0x4000  }
0x10b: {  	[sflag:s19] =	ssyncset.done $0x0  }
0x10c: {  	s11 =	simm.s32 $0x18740;
	[sflag:s19] =	ssyncadd.s32 $0xFFFFC000  }
0x10d: {  	v11 =	vld [tilespmem:s11+$0xFFFFFFC0]  }
0x10e: {  	v21 =	vld [tilespmem:s11+$0xFFFFFFD0];
	_ =	sdelay $0x4  }
0x10f: {  	v11 =	vadd.f32 v11, v6;
	v21 =	vadd.f32 v21, v7  }
0x110: {  	s4 =	simm.s32 $0x187C0  }
0x111: {  	s0 =	sand.u32 $0x1FC0, s21;
	v22 =	vld [tilespmem:s4+$0xFFFFFFC0];
	v11 =	vpack.i.f32.bf16 v21, v11  }
0x112: {  	v21 =	vld [tilespmem:s4+$0xFFFFFFD0];
	[tilespmem:s0+$0x16600] =	vst v11  }
0x113: {  	v11 =	vld [tilespmem:s11+$0xFFFFFFE0]  }
0x114: {  	v23 =	vld [tilespmem:s11+$0xFFFFFFF0];
	_ =	sdelay $0x2  }
0x115: {  	v22 =	vadd.f32 v22, v6;
	v21 =	vadd.f32 v21, v7  }
0x116: {  	s12 =	simm.s32 $0x40;
	s21 =	simm.s32 $0x18840  }
0x117: {  	v24 =	vld [tilespmem:s21+$0xFFFFFFC0];
	s0 =	sand.u32 $0x1FC0, s12;
	v21 =	vpack.i.f32.bf16 v21, v22;
	v11 =	vadd.f32 v11, v8;
	v22 =	vadd.f32 v23, v14  }
0x118: {  	v23 =	vld [tilespmem:s21+$0xFFFFFFD0];
	[tilespmem:s0+$0x16600] =	vst v21  }
0x119: {  	s23 =	simm.s32 $0x16630;
	v21 =	vld [tilespmem:s4+$0xFFFFFFE0];
	v11 =	vpack.i.f32.bf16 v22, v11  }
0x11a: {  	v22 =	vld [tilespmem:s4+$0xFFFFFFF0];
	[tilespmem:s23+$0xFFFFFFE0] =	vst v11  }
0x11b: {  	v11 =	vld [tilespmem:s11+$0x0]  }
0x11c: {  	v25 =	vld [tilespmem:s11+$0x10]  }
0x11d: {  	v24 =	vadd.f32 v24, v6;
	v23 =	vadd.f32 v23, v7  }
0x11e: {  	s31 =	simm.s32 $0x188C0;
	s13 =	simm.s32 $0x80  }
0x11f: {  	v26 =	vld [tilespmem:s31+$0xFFFFFFC0];
	s0 =	sand.u32 $0x1FC0, s13;
	v23 =	vpack.i.f32.bf16 v23, v24;
	v21 =	vadd.f32 v21, v8;
	v22 =	vadd.f32 v22, v14  }
0x120: {  	v24 =	vld [tilespmem:s31+$0xFFFFFFD0];
	[tilespmem:s0+$0x16600] =	vst v23  }
0x121: {  	s24 =	simm.s32 $0x16670;
	v23 =	vld [tilespmem:s21+$0xFFFFFFE0];
	v21 =	vpack.i.f32.bf16 v22, v21;
	v11 =	vadd.f32 v11, v4;
	v22 =	vadd.f32 v25, v5  }
0x122: {  	v25 =	vld [tilespmem:s21+$0xFFFFFFF0];
	[tilespmem:s24+$0xFFFFFFE0] =	vst v21  }
0x123: {  	v21 =	vld [tilespmem:s4+$0x0];
	v11 =	vpack.i.f32.bf16 v22, v11  }
0x124: {  	v22 =	vld [tilespmem:s4+$0x10];
	[tilespmem:s23+$0xFFFFFFF0] =	vst v11  }
0x125: {  	v11 =	vadd.f32 v26, v6;
	v26 =	vadd.f32 v24, v7;
	v28 =	vld [tilespmem:s11+$0x20]  }
0x126: {  	s18 =	simm.s32 $0xC0;
	s13 =	simm.s32 $0x18940;
	v29 =	vld [tilespmem:s11+$0x30]  }
0x127: {  	s0 =	sand.u32 $0x1FC0, s18;
	v24 =	vld [tilespmem:s13+$0xFFFFFFC0];
	v11 =	vpack.i.f32.bf16 v26, v11;
	v27 =	vadd.f32 v23, v8;
	v25 =	vadd.f32 v25, v14  }
0x128: {  	v26 =	vld [tilespmem:s13+$0xFFFFFFD0];
	[tilespmem:s0+$0x16600] =	vst v11  }
0x129: {  	s0 =	simm.s32 $0x166B0;
	v23 =	vld [tilespmem:s31+$0xFFFFFFE0];
	v11 =	vpack.i.f32.bf16 v25, v27;
	v21 =	vadd.f32 v21, v4;
	v22 =	vadd.f32 v22, v5  }
0x12a: {  	v25 =	vld [tilespmem:s31+$0xFFFFFFF0];
	[tilespmem:s0+$0xFFFFFFE0] =	vst v11  }
0x12b: {  	s12 =	simm.s32 $0x18940;
	s18 =	simm.s32 $0x100;
	s11 =	simm.s32 $0x140;
	v11 =	vld [tilespmem:s21+$0x0];
	v27 =	vpack.i.f32.bf16 v22, v21;
	v21 =	vadd.f32 v28, v12;
	v22 =	vadd.f32 v29, v13  }
.LBB2_8:
0x12c: {  	p0 =	sne.s32 s11, $0x1FC0;
	v28 =	vld [tilespmem:s21+$0x10];
	[tilespmem:s24+$0xFFFFFFF0] =	vst v27  }
0x12d: {  	v27 =	vadd.f32 v24, v6;
	v26 =	vadd.f32 v26, v7;
	v29 =	vld [tilespmem:s4+$0x20];
	v21 =	vpack.i.f32.bf16 v22, v21  }
0x12e: {  	s13 =	sadd.s32 $0x80, s13;
	v22 =	vld [tilespmem:s4+$0x30];
	[tilespmem:s23+$0x0] =	vst v21;
	s4 =	smov.u32 s21;
	s21 =	smov.u32 s31  }
.Ltmp3:
0x12f: {  	s18 =	sand.u32 $0x1FC0, s18;
	s31 =	smov.u32 s12;
	v24 =	vld [tilespmem:s13+$0xFFFFFFC0];
	v21 =	vpack.i.f32.bf16 v26, v27;
	v27 =	vadd.f32 v23, v8;
	v25 =	vadd.f32 v25, v14;
	(pc) =	sbr.rel @p0 .LBB2_8-.Ltmp3, $4  }
0x130: {  	s12 =	smov.u32 s13;
	s23 =	smov.u32 s24;
	s24 =	smov.u32 s0;
	v26 =	vld [tilespmem:s13+$0xFFFFFFD0];
	[tilespmem:s18+$0x16600] =	vst v21  }
0x131: {  	s0 =	sadd.s32 $0x40, s0;
	s18 =	smov.u32 s11;
	v23 =	vld [tilespmem:s31+$0xFFFFFFE0];
	v21 =	vpack.i.f32.bf16 v25, v27;
	v27 =	vadd.f32 v11, v4;
	v28 =	vadd.f32 v28, v5  }
0x132: {  	v25 =	vld [tilespmem:s31+$0xFFFFFFF0];
	[tilespmem:s0+$0xFFFFFFE0] =	vst v21  }
0x133: {  	s11 =	sadd.s32 $0x40, s11;
	v21 =	vadd.f32 v29, v12;
	v11 =	vld [tilespmem:s21+$0x0];
	v27 =	vpack.i.f32.bf16 v28, v27;
	v22 =	vadd.f32 v22, v13  }
0x134: {  	_ = 	snop  }
0x135: {  	v24 =	vadd.f32 v24, v6;
	v26 =	vadd.f32 v26, v7;
	_ =	sdelay $0x1  }
0x136: {  	s11 =	sand.u32 $0x1FC0, s18;
	v24 =	vpack.i.f32.bf16 v26, v24  }
0x137: {  	[tilespmem:s11+$0x16600] =	vst v24  }
0x138: {  	v24 =	vld [tilespmem:s12+$0xFFFFFFE0]  }
0x139: {  	v52 =	vld [tilespmem:s12+$0xFFFFFFF0];
	_ =	sdelay $0x2  }
0x13a: {  	v23 =	vadd.f32 v23, v8;
	v25 =	vadd.f32 v25, v14;
	_ =	sdelay $0x1  }
0x13b: {  	s18 =	sadd.s32 $0x40, s0;
	v23 =	vpack.i.f32.bf16 v25, v23;
	v24 =	vadd.f32 v24, v8;
	v53 =	vadd.f32 v52, v14  }
0x13c: {  	v54 =	vld [tilespmem:s21+$0x10];
	[tilespmem:s18+$0xFFFFFFE0] =	vst v23  }
0x13d: {  	s13 =	sadd.s32 $0x40, s18;
	v23 =	vld [tilespmem:s31+$0x0];
	v24 =	vpack.i.f32.bf16 v53, v24  }
0x13e: {  	v55 =	vld [tilespmem:s31+$0x10];
	[tilespmem:s13+$0xFFFFFFE0] =	vst v24  }
0x13f: {  	v24 =	vld [tilespmem:s12+$0x0]  }
0x140: {  	v28 =	vld [tilespmem:s12+$0x10]  }
0x141: {  	v11 =	vadd.f32 v11, v4;
	v26 =	vadd.f32 v54, v5  }
0x142: {  	[tilespmem:s24+$0xFFFFFFF0] =	vst v27  }
0x143: {  	v27 =	vld [tilespmem:s4+$0x20];
	v11 =	vpack.i.f32.bf16 v26, v11;
	v23 =	vadd.f32 v23, v4;
	v25 =	vadd.f32 v55, v5  }
0x144: {  	v56 =	vld [tilespmem:s4+$0x30];
	[tilespmem:s0+$0xFFFFFFF0] =	vst v11  }
0x145: {  	v11 =	vld [tilespmem:s21+$0x20];
	v23 =	vpack.i.f32.bf16 v25, v23;
	v24 =	vadd.f32 v24, v4;
	v57 =	vadd.f32 v28, v5  }
0x146: {  	v58 =	vld [tilespmem:s21+$0x30];
	[tilespmem:s18+$0xFFFFFFF0] =	vst v23  }
0x147: {  	v23 =	vld [tilespmem:s31+$0x20];
	v24 =	vpack.i.f32.bf16 v57, v24  }
0x148: {  	v59 =	vld [tilespmem:s31+$0x30];
	[tilespmem:s13+$0xFFFFFFF0] =	vst v24  }
0x149: {  	v24 =	vld [tilespmem:s12+$0x20]  }
0x14a: {  	v29 =	vld [tilespmem:s12+$0x30];
	_ =	sdelay $0x1  }
0x14b: {  	v27 =	vadd.f32 v27, v12;
	v26 =	vadd.f32 v56, v13  }
0x14c: {  	v21 =	vpack.i.f32.bf16 v22, v21;
	v11 =	vadd.f32 v11, v12;
	v60 =	vadd.f32 v58, v13  }
0x14d: {  	[tilespmem:s23+$0x0] =	vst v21;
	v61 =	vpack.i.f32.bf16 v26, v27;
	v23 =	vadd.f32 v23, v12;
	v25 =	vadd.f32 v59, v13  }
0x14e: {  	[tilespmem:s24+$0x0] =	vst v61;
	v11 =	vpack.i.f32.bf16 v60, v11;
	v62 =	vadd.f32 v24, v12;
	v63 =	vadd.f32 v29, v13  }
0x14f: {  	[tilespmem:s0+$0x0] =	vst v11;
	v11 =	vpack.i.f32.bf16 v25, v23  }
0x150: {  	[tilespmem:s18+$0x0] =	vst v11;
	v11 =	vpack.i.f32.bf16 v63, v62  }
0x151: {  	s11 =	rddreg [dreg:$0x4];
	[tilespmem:s13+$0x0] =	vst v11  }
0x152: {  	s0 =	rddreg [dreg:$0x9]  }
0x153: {  	s23 =	rddreg [dreg:$0xa]  }
0x154: {  	s24 =	simm.s32 $0x0;
	s31 =	rddreg [dreg:$0xb]  }
0x155: {  	[tilespmem:s24], [sflag:$0x1] =	stream.linear.gather [hbm4b:s0+s24], $0x100, $0x38;
	[tilespmem:$0x1C700] =	vst v63  }
0x156: {  	v10 =	vsub.f32 v10, v7;
	v7 =	vsub.f32 v15, v4;
	s12 =	rddreg [dreg:$0xc]  }
0x157: {  	v4 =	vsub.f32 v18, v13;
	v11 =	vsub.f32 v9, v6;
	[tilespmem:s25], [sflag:$0x1] =	stream.linear.gather [hbm4b:s23+s24], $0x100, $0x38;
	[tilespmem:$0x1C700] =	vst v63  }
0x158: {  	s18 =	simm.s32 $0x280;
	v9 =	vsub.f32 v19, v8;
	v8 =	vsub.f32 v20, v14;
	s13 =	rddreg [dreg:$0xd]  }
0x159: {  	v6 =	vsub.f32 v16, v5;
	v5 =	vsub.f32 v17, v12;
	[tilespmem:s26], [sflag:$0x1] =	stream.linear.gather [hbm4b:s31+s24], $0x100, $0x38;
	[tilespmem:$0x1C700] =	vst v63  }
.LBB2_10:
0x15a: {  	p0 =	sne.s32 s24, $0x0  }
.Ltmp4:
0x15b: {  	_ = 	snop;
	(pc) =	sbr.rel @!p0 .LBB2_11-.Ltmp4, $4  }
0x15c: {  	_ = 	snop  }
0x15d: {  	_ =	swait.ge [sflag:s28], $0x300  }
0x15e: {  	[sflag:s28] =	ssyncset.done $0x0  }
0x15f: {  	s21 =	sshll.u32 s24, $0x9;
	[sflag:s28] =	ssyncadd.s32 $0xFFFFFD00  }
0x160: {  	_ =	swait.ge [sflag:s20], $0x8000  }
0x161: {  	[sflag:s20] =	ssyncset.done $0x0  }
0x162: {  	s0 =	simm.s32 $0x0;
	s4 =	simm.s32 $0x7;
	[sflag:s20] =	ssyncadd.s32 $0xFFFF8000  }
0x163: {  	v12 =	vmov s0;
	[tilespmem:s30], [sflag:$0x3] =	stream.indirect.gather [hbm4b:s3+s29], $0x80, s26, s29, $0xb8;
	[tilespmem:$0x1C700] =	vst v63  }
0x164: {  	s23 =	simm.s32 $0x4600;
	v13 =	vmov s4;
	s4 =	simm.s32 $0x2;
	v12 =	vand.u32 $0xFFFFFFF8, v12  }
0x165: {  	v16 =	vmov s4;
	v12 =	vbroadcast v12, $0x0;
	[tilespmem:s23], [sflag:$0x3] =	stream.indirect.gather [hbm4b:s3+s29], $0x80, s18, s29, $0xb8;
	[tilespmem:$0x1C700] =	vst v63  }
0x166: {  	s0 =	simm.s32 $0x6;
	v16 =	vand.u32 $0xFFFFFFFA, v16;
	_ =	swait.ge [sflag:s16], $0x8000  }
0x167: {  	v14 =	vmov s0;
	s4 =	simm.s32 $0x4;
	v16 =	vbroadcast v16, $0x0;
	[sflag:s16] =	ssyncset.done $0x0  }
0x168: {  	v14 =	vand.u32 $0xFFFFFFFE, v14;
	v18 =	vmov s4;
	s23 =	simm.s32 $0x1;
	[sflag:s16] =	ssyncadd.s32 $0xFFFF8000  }
0x169: {  	v14 =	vbroadcast v14, $0x0;
	v18 =	vand.u32 $0xFFFFFFFC, v18;
	v15 =	vmov s23;
	v25 =	vld.idx.msk [tilespmem:v13+s6+$0x0], $0xffff  }
0x16a: {  	v18 =	vbroadcast v18, $0x0;
	v15 =	vand.u32 $0xFFFFFFF9, v15;
	v13 =	vld.idx.msk [tilespmem:v13+s1+$0x0], $0xffff  }
0x16b: {  	s23 =	simm.s32 $0x3;
	v15 =	vbroadcast v15, $0x0;
	v26 =	vld.idx.msk [tilespmem:v12+s6+$0x0], $0xffff  }
0x16c: {  	v17 =	vmov s23;
	s23 =	simm.s32 $0x5;
	v12 =	vld.idx.msk [tilespmem:v12+s1+$0x0], $0xffff  }
0x16d: {  	v17 =	vand.u32 $0xFFFFFFFB, v17;
	v19 =	vmov s23;
	v28 =	vld.idx.msk [tilespmem:v16+s6+$0x0], $0xffff  }
0x16e: {  	v17 =	vbroadcast v17, $0x0;
	v19 =	vand.u32 $0xFFFFFFFD, v19;
	v16 =	vld.idx.msk [tilespmem:v16+s1+$0x0], $0xffff  }
0x16f: {  	v20 =	vld.idx.msk [tilespmem:v14+s1+$0x0], $0xffff;
	v19 =	vbroadcast v19, $0x0  }
0x170: {  	v23 =	vld.idx.msk [tilespmem:v18+s1+$0x0], $0xffff  }
0x171: {  	v27 =	vld.idx.msk [tilespmem:v15+s6+$0x0], $0xffff  }
0x172: {  	v15 =	vld.idx.msk [tilespmem:v15+s1+$0x0], $0xffff  }
0x173: {  	v18 =	vld.idx.msk [tilespmem:v18+s6+$0x0], $0xffff;
	v22 =	vshll.u32 v16, $0x6  }
0x174: {  	v21 =	vld.idx.msk [tilespmem:v17+s1+$0x0], $0xffff;
	v29 =	vshll.u32 v20, $0x6;
	v34 =	vor.u32 v0, v22  }
0x175: {  	v24 =	vor.u32 v0, v29;
	v30 =	vld.idx.msk [tilespmem:v19+s1+$0x0], $0xffff;
	v23 =	vshll.u32 v23, $0x6  }
0x176: {  	v13 =	vshll.u32 v13, $0x6;
	v32 =	vld.idx.msk [tilespmem:v17+s6+$0x0], $0xffff;
	v37 =	vor.u32 v0, v23  }
0x177: {  	v31 =	vor.u32 v0, v13;
	v19 =	vld.idx.msk [tilespmem:v19+s6+$0x0], $0xffff;
	v20 =	vshll.u32 v15, $0x6  }
0x178: {  	v15 =	vld.idx.msk [tilespmem:v14+s6+$0x0], $0xffff;
	v14 =	vshll.u32 v12, $0x6;
	v12 =	vor.u32 v0, v20  }
0x179: {  	v33 =	vor.u32 v0, v14;
	v21 =	vshll.u32 v21, $0x6;
	v54 =	vld.idx.msk [tilespmem:v34+s15+$0x0], $0xffff  }
0x17a: {  	v16 =	vcvt.s32.f32 v28;
	v35 =	vld.idx.msk [tilespmem:v24+s15+$0x0], $0xffff;
	v36 =	vor.u32 v0, v21;
	v24 =	vshll.u32 v30, $0x6  }
0x17b: {  	v18 =	vcvt.s32.f32 v18;
	v38 =	vor.u32 v0, v24;
	v37 =	vld.idx.msk [tilespmem:v37+s15+$0x0], $0xffff  }
0x17c: {  	v25 =	vcvt.s32.f32 v25;
	v41 =	vmul.f32 v16, v11;
	v30 =	vld.idx.msk [tilespmem:v31+s15+$0x0], $0xffff  }
0x17d: {  	v39 =	vor.u32 v1, v29;
	v62 =	vmul.f32 v16, v10;
	v46 =	vmul.f32 v18, v11;
	v53 =	vld.idx.msk [tilespmem:v12+s15+$0x0], $0xffff  }
0x17e: {  	v17 =	vcvt.s32.f32 v27;
	v12 =	vcvt.s32.f32 v15;
	v27 =	vld.idx.msk [tilespmem:v33+s15+$0x0], $0xffff;
	v63 =	vunpack.i.l.bf16.f32 v54  }
0x17f: {  	v48 =	vmul.f32 v18, v10;
	v56 =	vld.idx.msk [tilespmem:v36+s15+$0x0], $0xffff;
	v28 =	vunpack.i.u.bf16.f32 v54;
	v43 =	vadd.f32 v63, v41  }
0x180: {  	s23 =	simm.s32 $0x89F0;
	v55 =	vmul.f32 v12, v11;
	v38 =	vld.idx.msk [tilespmem:v38+s15+$0x0], $0xffff;
	v28 =	vadd.f32 v62, v28;
	v51 =	vunpack.i.l.bf16.f32 v37  }
0x181: {  	v57 =	vunpack.i.l.bf16.f32 v35;
	v58 =	vmul.f32 v12, v10;
	v52 =	vadd.f32 v51, v46;
	[tilespmem:s23+$0xFFFFFD10] =	vst.add.f32.msk $0xffff, v43  }
0x182: {  	v15 =	vcvt.s32.f32 v32;
	v35 =	vunpack.i.u.bf16.f32 v35;
	v32 =	vadd.f32 v57, v55;
	[tilespmem:s23+$0xFFFFFD20] =	vst.add.f32.msk $0xffff, v28  }
0x183: {  	v59 =	vmul.f32 v17, v11;
	v19 =	vcvt.s32.f32 v19;
	v35 =	vadd.f32 v58, v35;
	[tilespmem:s23+$0xFFFFFE10] =	vst.add.f32.msk $0xffff, v52  }
0x184: {  	v40 =	vmul.f32 v17, v10;
	v42 =	vmul.f32 v15, v11;
	v60 =	vunpack.i.l.bf16.f32 v53;
	[tilespmem:s23+$0xFFFFFF10] =	vst.add.f32.msk $0xffff, v32  }
0x185: {  	v44 =	vmul.f32 v15, v10;
	v31 =	vunpack.i.u.bf16.f32 v53;
	v61 =	vadd.f32 v60, v59;
	[tilespmem:s23+$0xFFFFFF20] =	vst.add.f32.msk $0xffff, v35  }
0x186: {  	v50 =	vunpack.i.u.bf16.f32 v37;
	v41 =	vmul.f32 v25, v10;
	v31 =	vadd.f32 v40, v31;
	v39 =	vld.idx.msk [tilespmem:v39+s15+$0x0], $0xffff  }
0x187: {  	v58 =	vmul.f32 v19, v11;
	v47 =	vunpack.i.u.bf16.f32 v56;
	v32 =	vadd.f32 v48, v50;
	[tilespmem:s23+$0xFFFFFC90] =	vst.add.f32.msk $0xffff, v61  }
0x188: {  	v43 =	vunpack.i.l.bf16.f32 v30;
	v45 =	vunpack.i.l.bf16.f32 v56;
	v49 =	vadd.f32 v44, v47;
	[tilespmem:s23+$0xFFFFFCA0] =	vst.add.f32.msk $0xffff, v31  }
0x189: {  	v60 =	vmul.f32 v19, v10;
	v59 =	vunpack.i.l.bf16.f32 v38;
	v31 =	vadd.f32 v45, v42;
	[tilespmem:s23+$0xFFFFFE20] =	vst.add.f32.msk $0xffff, v32  }
0x18a: {  	v50 =	vor.u32 v1, v21;
	v63 =	vunpack.i.u.bf16.f32 v38;
	v32 =	vadd.f32 v59, v58;
	[tilespmem:s23+$0xFFFFFDA0] =	vst.add.f32.msk $0xffff, v49  }
0x18b: {  	v30 =	vunpack.i.u.bf16.f32 v30;
	v44 =	vor.u32 v1, v22;
	v34 =	vadd.f32 v60, v63;
	[tilespmem:s23+$0xFFFFFD90] =	vst.add.f32.msk $0xffff, v31  }
0x18c: {  	v42 =	vor.u32 v1, v20;
	v45 =	vadd.f32 v41, v30;
	[tilespmem:s23+$0xFFFFFE90] =	vst.add.f32.msk $0xffff, v32  }
0x18d: {  	[tilespmem:s23+$0xFFFFFEA0] =	vst.add.f32.msk $0xffff, v34  }
0x18e: {  	v26 =	vcvt.s32.f32 v26;
	v53 =	vmul.f32 v12, v9;
	[tilespmem:s23+$0xFFFFFFA0] =	vst.add.f32.msk $0xffff, v45  }
0x18f: {  	v55 =	vmul.f32 v12, v8;
	v56 =	vor.u32 v2, v29;
	v33 =	vld.idx.msk [tilespmem:v50+s15+$0x0], $0xffff;
	v54 =	vunpack.i.l.bf16.f32 v39  }
0x190: {  	v40 =	vmul.f32 v26, v10;
	v57 =	vunpack.i.u.bf16.f32 v39;
	v52 =	vld.idx.msk [tilespmem:v44+s15+$0x0], $0xffff;
	v28 =	vadd.f32 v54, v53  }
0x191: {  	v39 =	vunpack.i.l.bf16.f32 v27;
	v27 =	vunpack.i.u.bf16.f32 v27;
	v31 =	vadd.f32 v57, v55;
	v49 =	vld.idx.msk [tilespmem:v42+s15+$0x0], $0xffff  }
0x192: {  	v62 =	vmul.f32 v26, v11;
	v27 =	vadd.f32 v40, v27;
	[tilespmem:s23+$0xFFFFFF30] =	vst.add.f32.msk $0xffff, v28  }
0x193: {  	v61 =	vmul.f32 v25, v11;
	v53 =	vor.u32 v1, v23;
	[tilespmem:s23+$0xFFFFFF40] =	vst.add.f32.msk $0xffff, v31  }
0x194: {  	v54 =	vor.u32 v1, v24;
	v31 =	vadd.f32 v39, v62;
	[tilespmem:s23+$0xFFFFFC20] =	vst.add.f32.msk $0xffff, v27  }
0x195: {  	v28 =	vadd.f32 v43, v61;
	v35 =	vld.idx.msk [tilespmem:v56+s15+$0x0], $0xffff  }
0x196: {  	v46 =	vmul.f32 v12, v7;
	v60 =	vmul.f32 v16, v9;
	[tilespmem:s23+$0xFFFFFC10] =	vst.add.f32.msk $0xffff, v31  }
0x197: {  	v48 =	vmul.f32 v12, v6;
	v63 =	vmul.f32 v16, v8;
	[tilespmem:s23+$0xFFFFFF90] =	vst.add.f32.msk $0xffff, v28;
	v61 =	vunpack.i.l.bf16.f32 v52  }
0x198: {  	v58 =	vmul.f32 v17, v8;
	v30 =	vunpack.i.u.bf16.f32 v52;
	v31 =	vld.idx.msk [tilespmem:v53+s15+$0x0], $0xffff;
	v38 =	vadd.f32 v61, v60  }
0x199: {  	v57 =	vmul.f32 v17, v9;
	v34 =	vld.idx.msk [tilespmem:v54+s15+$0x0], $0xffff;
	v27 =	vunpack.i.u.bf16.f32 v49;
	v30 =	vadd.f32 v30, v63  }
0x19a: {  	v55 =	vor.u32 v1, v14;
	v59 =	vunpack.i.l.bf16.f32 v49;
	v27 =	vadd.f32 v27, v58;
	[tilespmem:s23+$0xFFFFFD30] =	vst.add.f32.msk $0xffff, v38  }
0x19b: {  	[tilespmem:s23+$0xFFFFFD40] =	vst.add.f32.msk $0xffff, v30;
	v47 =	vunpack.i.l.bf16.f32 v35;
	v51 =	vunpack.i.u.bf16.f32 v35;
	v35 =	vadd.f32 v59, v57  }
0x19c: {  	v56 =	vor.u32 v1, v13;
	[tilespmem:s23+$0xFFFFFCC0] =	vst.add.f32.msk $0xffff, v27;
	v28 =	vadd.f32 v47, v46  }
0x19d: {  	v63 =	vor.u32 v2, v20;
	v32 =	vadd.f32 v51, v48;
	[tilespmem:s23+$0xFFFFFCB0] =	vst.add.f32.msk $0xffff, v35  }
0x19e: {  	v29 =	vor.u32 v3, v29;
	[tilespmem:s23+$0xFFFFFF50] =	vst.add.f32.msk $0xffff, v28  }
0x19f: {  	[tilespmem:s23+$0xFFFFFF60] =	vst.add.f32.msk $0xffff, v32  }
0x1a0: {  	v45 =	vmul.f32 v15, v9;
	v28 =	vld.idx.msk [tilespmem:v55+s15+$0x0], $0xffff  }
0x1a1: {  	v36 =	vmul.f32 v25, v9;
	v47 =	vmul.f32 v15, v8;
	v48 =	vunpack.i.l.bf16.f32 v33;
	v32 =	vld.idx.msk [tilespmem:v56+s15+$0x0], $0xffff  }
0x1a2: {  	v49 =	vmul.f32 v18, v9;
	v33 =	vunpack.i.u.bf16.f32 v33;
	v37 =	vadd.f32 v48, v45;
	v42 =	vld.idx.msk [tilespmem:v63+s15+$0x0], $0xffff  }
0x1a3: {  	v50 =	vmul.f32 v18, v8;
	v51 =	vunpack.i.l.bf16.f32 v31;
	v33 =	vadd.f32 v33, v47;
	v29 =	vld.idx.msk [tilespmem:v29+s15+$0x0], $0xffff  }
0x1a4: {  	v52 =	vmul.f32 v19, v9;
	v31 =	vunpack.i.u.bf16.f32 v31;
	v53 =	vadd.f32 v51, v49;
	[tilespmem:s23+$0xFFFFFDB0] =	vst.add.f32.msk $0xffff, v37  }
0x1a5: {  	v54 =	vmul.f32 v19, v8;
	v55 =	vunpack.i.l.bf16.f32 v34;
	v27 =	vadd.f32 v31, v50;
	[tilespmem:s23+$0xFFFFFDC0] =	vst.add.f32.msk $0xffff, v33  }
0x1a6: {  	v57 =	vunpack.i.u.bf16.f32 v34;
	v56 =	vmul.f32 v26, v9;
	v30 =	vadd.f32 v55, v52;
	[tilespmem:s23+$0xFFFFFE30] =	vst.add.f32.msk $0xffff, v53  }
0x1a7: {  	v58 =	vmul.f32 v26, v8;
	v33 =	vadd.f32 v57, v54;
	[tilespmem:s23+$0xFFFFFE40] =	vst.add.f32.msk $0xffff, v27;
	v59 =	vunpack.i.l.bf16.f32 v28  }
0x1a8: {  	v37 =	vor.u32 v2, v22;
	[tilespmem:s23+$0xFFFFFEB0] =	vst.add.f32.msk $0xffff, v30;
	v60 =	vunpack.i.u.bf16.f32 v28;
	v31 =	vadd.f32 v59, v56  }
0x1a9: {  	v38 =	vor.u32 v2, v21;
	[tilespmem:s23+$0xFFFFFEC0] =	vst.add.f32.msk $0xffff, v33;
	v61 =	vunpack.i.l.bf16.f32 v32;
	v27 =	vadd.f32 v60, v58  }
0x1aa: {  	v40 =	vor.u32 v2, v24;
	v28 =	vadd.f32 v61, v36;
	[tilespmem:s23+$0xFFFFFC30] =	vst.add.f32.msk $0xffff, v31  }
0x1ab: {  	[tilespmem:s23+$0xFFFFFC40] =	vst.add.f32.msk $0xffff, v27  }
0x1ac: {  	v62 =	vmul.f32 v12, v4;
	v39 =	vor.u32 v2, v23;
	[tilespmem:s23+$0xFFFFFFB0] =	vst.add.f32.msk $0xffff, v28  }
0x1ad: {  	s4 =	simm.s32 $0xF;
	v44 =	vunpack.i.u.bf16.f32 v29;
	v31 =	vld.idx.msk [tilespmem:v37+s15+$0x0], $0xffff  }
0x1ae: {  	v12 =	vmul.f32 v12, v5;
	v35 =	vmov s4;
	v46 =	vadd.f32 v44, v62;
	v27 =	vld.idx.msk [tilespmem:v38+s15+$0x0], $0xffff  }
0x1af: {  	v29 =	vunpack.i.l.bf16.f32 v29;
	v62 =	vmul.f32 v25, v8;
	v28 =	vld.idx.msk [tilespmem:v40+s15+$0x0], $0xffff  }
0x1b0: {  	v41 =	vor.u32 v2, v14;
	v32 =	vunpack.i.u.bf16.f32 v32;
	v12 =	vadd.f32 v29, v12;
	[tilespmem:s23+$0xFFFFFF80] =	vst.add.f32.msk $0xffff, v46  }
0x1b1: {  	v30 =	vadd.f32 v32, v62;
	v32 =	vld.idx.msk [tilespmem:v39+s15+$0x0], $0xffff  }
0x1b2: {  	v43 =	vor.u32 v2, v13;
	v44 =	vmul.f32 v17, v7;
	[tilespmem:s23+$0xFFFFFF70] =	vst.add.f32.msk $0xffff, v12  }
0x1b3: {  	v47 =	vunpack.i.l.bf16.f32 v42;
	v12 =	vld.idx.msk [tilespmem:v35+s6+$0x0], $0xffff  }
0x1b4: {  	v20 =	vor.u32 v3, v20;
	v46 =	vmul.f32 v17, v6;
	v29 =	vadd.f32 v47, v44;
	[tilespmem:s23+$0xFFFFFFC0] =	vst.add.f32.msk $0xffff, v30  }
0x1b5: {  	v33 =	vunpack.i.u.bf16.f32 v42;
	v30 =	vld.idx.msk [tilespmem:v41+s15+$0x0], $0xffff  }
0x1b6: {  	v21 =	vor.u32 v3, v21;
	v48 =	vmul.f32 v16, v7;
	v33 =	vadd.f32 v33, v46;
	[tilespmem:s23+$0xFFFFFCD0] =	vst.add.f32.msk $0xffff, v29  }
0x1b7: {  	v49 =	vmul.f32 v16, v6;
	v51 =	vmul.f32 v15, v7;
	v34 =	vld.idx.msk [tilespmem:v43+s15+$0x0], $0xffff;
	v50 =	vunpack.i.l.bf16.f32 v31  }
0x1b8: {  	v55 =	vmul.f32 v18, v7;
	v31 =	vunpack.i.u.bf16.f32 v31;
	[tilespmem:s23+$0xFFFFFCE0] =	vst.add.f32.msk $0xffff, v33;
	v52 =	vadd.f32 v50, v48  }
0x1b9: {  	v53 =	vmul.f32 v15, v6;
	v54 =	vunpack.i.l.bf16.f32 v27;
	v31 =	vadd.f32 v31, v49;
	v20 =	vld.idx.msk [tilespmem:v20+s15+$0x0], $0xffff  }
0x1ba: {  	v61 =	vmul.f32 v19, v6;
	v27 =	vunpack.i.u.bf16.f32 v27;
	v56 =	vadd.f32 v54, v51;
	[tilespmem:s23+$0xFFFFFD50] =	vst.add.f32.msk $0xffff, v52  }
0x1bb: {  	v62 =	vunpack.i.l.bf16.f32 v28;
	v28 =	vunpack.i.u.bf16.f32 v28;
	v27 =	vadd.f32 v27, v53;
	[tilespmem:s23+$0xFFFFFD60] =	vst.add.f32.msk $0xffff, v31  }
0x1bc: {  	v57 =	vmul.f32 v18, v6;
	v58 =	vunpack.i.l.bf16.f32 v32;
	v28 =	vadd.f32 v28, v61;
	[tilespmem:s23+$0xFFFFFDD0] =	vst.add.f32.msk $0xffff, v56  }
0x1bd: {  	v32 =	vunpack.i.u.bf16.f32 v32;
	v60 =	vadd.f32 v58, v55;
	[tilespmem:s23+$0xFFFFFDE0] =	vst.add.f32.msk $0xffff, v27  }
0x1be: {  	v23 =	vor.u32 v3, v23;
	v59 =	vmul.f32 v19, v7;
	v32 =	vadd.f32 v32, v57;
	[tilespmem:s23+$0xFFFFFEE0] =	vst.add.f32.msk $0xffff, v28  }
0x1bf: {  	[tilespmem:s23+$0xFFFFFE50] =	vst.add.f32.msk $0xffff, v60  }
0x1c0: {  	v63 =	vmul.f32 v26, v7;
	v31 =	vadd.f32 v62, v59;
	[tilespmem:s23+$0xFFFFFE60] =	vst.add.f32.msk $0xffff, v32  }
0x1c1: {  	v41 =	vmul.f32 v26, v6;
	v46 =	vor.u32 v3, v22;
	v40 =	vunpack.i.l.bf16.f32 v30;
	v21 =	vld.idx.msk [tilespmem:v21+s15+$0x0], $0xffff  }
0x1c2: {  	v24 =	vor.u32 v3, v24;
	v30 =	vunpack.i.u.bf16.f32 v30;
	v27 =	vadd.f32 v40, v63;
	[tilespmem:s23+$0xFFFFFED0] =	vst.add.f32.msk $0xffff, v31  }
0x1c3: {  	v30 =	vadd.f32 v30, v41;
	v23 =	vld.idx.msk [tilespmem:v23+s15+$0x0], $0xffff  }
0x1c4: {  	v14 =	vor.u32 v3, v14;
	v13 =	vor.u32 v3, v13;
	v45 =	vmul.f32 v25, v7;
	[tilespmem:s23+$0xFFFFFC50] =	vst.add.f32.msk $0xffff, v27  }
0x1c5: {  	v43 =	vmul.f32 v25, v6;
	v48 =	vmul.f32 v25, v5;
	v42 =	vunpack.i.l.bf16.f32 v34;
	[tilespmem:s23+$0xFFFFFC60] =	vst.add.f32.msk $0xffff, v30  }
0x1c6: {  	v49 =	vmul.f32 v26, v5;
	v44 =	vunpack.i.u.bf16.f32 v34;
	v45 =	vadd.f32 v42, v45;
	v27 =	vld.idx.msk [tilespmem:v46+s15+$0x0], $0xffff  }
0x1c7: {  	s4 =	simm.s32 $0x8;
	v50 =	vmul.f32 v17, v5;
	v17 =	vmul.f32 v17, v4;
	v22 =	vadd.f32 v44, v43;
	v24 =	vld.idx.msk [tilespmem:v24+s15+$0x0], $0xffff  }
0x1c8: {  	v47 =	vmov s4;
	v51 =	vmul.f32 v16, v5;
	v16 =	vmul.f32 v16, v4;
	[tilespmem:s23+$0xFFFFFFD0] =	vst.add.f32.msk $0xffff, v45  }
0x1c9: {  	v53 =	vmul.f32 v18, v5;
	v18 =	vmul.f32 v18, v4;
	v28 =	vand.u32 $0xFFFFFFF8, v47;
	[tilespmem:s23+$0xFFFFFFE0] =	vst.add.f32.msk $0xffff, v22  }
0x1ca: {  	v52 =	vmul.f32 v15, v5;
	v15 =	vmul.f32 v15, v4;
	v56 =	vunpack.i.u.bf16.f32 v20;
	v54 =	vld.idx.msk [tilespmem:v14+s15+$0x0], $0xffff  }
0x1cb: {  	v22 =	vbroadcast v28, $0x0;
	v14 =	vunpack.i.l.bf16.f32 v20;
	v17 =	vadd.f32 v56, v17;
	v20 =	vld.idx.msk [tilespmem:v13+s15+$0x0], $0xffff  }
0x1cc: {  	v13 =	vld.idx.msk [tilespmem:v35+s1+$0x0], $0xffff;
	v30 =	vadd.f32 v14, v50;
	v58 =	vunpack.i.u.bf16.f32 v21;
	v21 =	vunpack.i.l.bf16.f32 v21  }
0x1cd: {  	s0 =	simm.s32 $0xE;
	v55 =	vmul.f32 v19, v5;
	v19 =	vmul.f32 v19, v4;
	[tilespmem:s23+$0xFFFFFD00] =	vst.add.f32.msk $0xffff, v17;
	v21 =	vadd.f32 v21, v52  }
0x1ce: {  	v63 =	vmov s0;
	[tilespmem:s23+$0xFFFFFCF0] =	vst.add.f32.msk $0xffff, v30;
	v59 =	vunpack.i.u.bf16.f32 v23;
	v15 =	vadd.f32 v58, v15  }
0x1cf: {  	v23 =	vunpack.i.l.bf16.f32 v23;
	v57 =	vunpack.i.u.bf16.f32 v27;
	v27 =	vunpack.i.l.bf16.f32 v27;
	[tilespmem:s23+$0xFFFFFDF0] =	vst.add.f32.msk $0xffff, v21  }
0x1d0: {  	v17 =	vunpack.i.u.bf16.f32 v24;
	v24 =	vunpack.i.l.bf16.f32 v24;
	v18 =	vadd.f32 v59, v18;
	[tilespmem:s23+$0xFFFFFE00] =	vst.add.f32.msk $0xffff, v15  }
0x1d1: {  	v27 =	vadd.f32 v27, v51;
	v16 =	vadd.f32 v57, v16;
	v60 =	vunpack.i.u.bf16.f32 v54;
	v14 =	vld.idx.msk [tilespmem:v22+s6+$0x0], $0xffff  }
0x1d2: {  	v61 =	vunpack.i.l.bf16.f32 v54;
	v21 =	vadd.f32 v23, v53;
	v23 =	vmul.f32 v26, v4;
	[tilespmem:s23+$0xFFFFFE80] =	vst.add.f32.msk $0xffff, v18  }
0x1d3: {  	v24 =	vadd.f32 v24, v55;
	v19 =	vadd.f32 v17, v19;
	v15 =	vmul.f32 v25, v4;
	[tilespmem:s23+$0xFFFFFD70] =	vst.add.f32.msk $0xffff, v27  }
0x1d4: {  	v62 =	vunpack.i.l.bf16.f32 v20;
	[tilespmem:s23+$0xFFFFFD80] =	vst.add.f32.msk $0xffff, v16;
	v16 =	vunpack.i.u.bf16.f32 v20;
	v20 =	vadd.f32 v61, v49  }
0x1d5: {  	s0 =	simm.s32 $0x9;
	[tilespmem:s23+$0xFFFFFE70] =	vst.add.f32.msk $0xffff, v21;
	v17 =	vadd.f32 v60, v23;
	v23 =	vand.u32 $0xFFFFFFFE, v63;
	v18 =	vadd.f32 v62, v48  }
0x1d6: {  	s31 =	simm.s32 $0x10;
	v21 =	vmov s0;
	[tilespmem:s23+$0xFFFFFEF0] =	vst.add.f32.msk $0xffff, v24;
	v16 =	vadd.f32 v16, v15;
	v15 =	vbroadcast v23, $0x0  }
.LBB2_13:
0x1d7: {  	p0 =	slt.u32 s31, $0xF8;
	v21 =	vand.u32 $0xFFFFFFF9, v21;
	s0 =	sadd.s32 $0x2, s4;
	[tilespmem:s23+$0xFFFFFF00] =	vst.add.f32.msk $0xffff, v19  }
0x1d8: {  	v19 =	vbroadcast v21, $0x0;
	v21 =	vmov s0;
	[tilespmem:s23+$0xFFFFFC70] =	vst.add.f32.msk $0xffff, v20  }
0x1d9: {  	s0 =	sadd.s32 $0x3, s4;
	v20 =	vand.u32 $0xFFFFFFFA, v21;
	[tilespmem:s23+$0xFFFFFC80] =	vst.add.f32.msk $0xffff, v17  }
0x1da: {  	v17 =	vbroadcast v20, $0x0;
	v20 =	vmov s0;
	s0 =	sadd.s32 $0x4, s4;
	[tilespmem:s23+$0xFFFFFFF0] =	vst.add.f32.msk $0xffff, v18  }
0x1db: {  	v18 =	vand.u32 $0xFFFFFFFB, v20;
	v20 =	vmov s0;
	s0 =	sadd.s32 $0x5, s4;
	[tilespmem:s23+$0x0] =	vst.add.f32.msk $0xffff, v16;
	s4 =	smov.u32 s31  }
0x1dc: {  	v16 =	vbroadcast v18, $0x0;
	v18 =	vand.u32 $0xFFFFFFFC, v20;
	v20 =	vmov s0;
	v21 =	vld.idx.msk [tilespmem:v15+s1+$0x0], $0xffff  }
0x1dd: {  	v22 =	vld.idx.msk [tilespmem:v22+s1+$0x0], $0xffff;
	v18 =	vbroadcast v18, $0x0;
	v20 =	vand.u32 $0xFFFFFFFD, v20  }
0x1de: {  	v26 =	vld.idx.msk [tilespmem:v19+s6+$0x0], $0xffff;
	v20 =	vbroadcast v20, $0x0  }
0x1df: {  	v19 =	vld.idx.msk [tilespmem:v19+s1+$0x0], $0xffff  }
0x1e0: {  	v27 =	vld.idx.msk [tilespmem:v17+s6+$0x0], $0xffff  }
0x1e1: {  	v17 =	vld.idx.msk [tilespmem:v17+s1+$0x0], $0xffff  }
0x1e2: {  	v30 =	vshll.u32 v21, $0x6;
	v23 =	vld.idx.msk [tilespmem:v16+s1+$0x0], $0xffff  }
0x1e3: {  	v24 =	vor.u32 v0, v30;
	v21 =	vld.idx.msk [tilespmem:v18+s1+$0x0], $0xffff  }
0x1e4: {  	v13 =	vshll.u32 v13, $0x6;
	v25 =	vld.idx.msk [tilespmem:v20+s1+$0x0], $0xffff  }
0x1e5: {  	v29 =	vor.u32 v0, v13;
	v19 =	vshll.u32 v19, $0x6;
	v28 =	vld.idx.msk [tilespmem:v15+s6+$0x0], $0xffff  }
0x1e6: {  	v15 =	vshll.u32 v22, $0x6;
	v31 =	vor.u32 v0, v19;
	v16 =	vld.idx.msk [tilespmem:v16+s6+$0x0], $0xffff  }
0x1e7: {  	v32 =	vor.u32 v0, v15;
	v22 =	vshll.u32 v17, $0x6;
	v33 =	vld.idx.msk [tilespmem:v18+s6+$0x0], $0xffff  }
0x1e8: {  	v34 =	vor.u32 v0, v22;
	v23 =	vshll.u32 v23, $0x6;
	v35 =	vld.idx.msk [tilespmem:v24+s15+$0x0], $0xffff  }
0x1e9: {  	v36 =	vor.u32 v0, v23;
	v24 =	vshll.u32 v21, $0x6;
	v21 =	vld.idx.msk [tilespmem:v20+s6+$0x0], $0xffff  }
0x1ea: {  	v37 =	vor.u32 v0, v24;
	v25 =	vshll.u32 v25, $0x6;
	v38 =	vld.idx.msk [tilespmem:v29+s15+$0x0], $0xffff  }
0x1eb: {  	v17 =	vcvt.s32.f32 v26;
	v29 =	vcvt.s32.f32 v28;
	v26 =	vld.idx.msk [tilespmem:v31+s15+$0x0], $0xffff;
	v31 =	vor.u32 v0, v25  }
0x1ec: {  	v18 =	vcvt.s32.f32 v27;
	v16 =	vcvt.s32.f32 v16;
	v32 =	vld.idx.msk [tilespmem:v32+s15+$0x0], $0xffff  }
0x1ed: {  	v28 =	vmul.f32 v29, v5;
	v27 =	vld.idx.msk [tilespmem:v34+s15+$0x0], $0xffff;
	v34 =	vmul.f32 v29, v11  }
0x1ee: {  	v41 =	vor.u32 v1, v30;
	v40 =	vmul.f32 v29, v10;
	v39 =	vunpack.i.l.bf16.f32 v35;
	v36 =	vld.idx.msk [tilespmem:v36+s15+$0x0], $0xffff  }
0x1ef: {  	v20 =	vcvt.s32.f32 v33;
	v35 =	vunpack.i.u.bf16.f32 v35;
	v33 =	vld.idx.msk [tilespmem:v37+s15+$0x0], $0xffff;
	v34 =	vadd.f32 v39, v34  }
0x1f0: {  	s23 =	sadd.s32 $0x400, s23;
	v21 =	vcvt.s32.f32 v21;
	v35 =	vadd.f32 v40, v35;
	v37 =	vmul.f32 v17, v11;
	v31 =	vld.idx.msk [tilespmem:v31+s15+$0x0], $0xffff  }
0x1f1: {  	v42 =	vmul.f32 v18, v11;
	v40 =	vmul.f32 v17, v10;
	v39 =	vunpack.i.l.bf16.f32 v26;
	[tilespmem:s23+$0xFFFFFF10] =	vst.add.f32.msk $0xffff, v34  }
0x1f2: {  	v26 =	vunpack.i.u.bf16.f32 v26;
	v34 =	vadd.f32 v39, v37;
	v37 =	vmul.f32 v18, v10;
	[tilespmem:s23+$0xFFFFFF20] =	vst.add.f32.msk $0xffff, v35  }
0x1f3: {  	v26 =	vadd.f32 v40, v26;
	v39 =	vmul.f32 v16, v11;
	v35 =	vunpack.i.l.bf16.f32 v27;
	v40 =	vld.idx.msk [tilespmem:v41+s15+$0x0], $0xffff  }
0x1f4: {  	v27 =	vunpack.i.u.bf16.f32 v27;
	[tilespmem:s23+$0xFFFFFC90] =	vst.add.f32.msk $0xffff, v34;
	v34 =	vadd.f32 v35, v42;
	v35 =	vmul.f32 v16, v10  }
0x1f5: {  	[tilespmem:s23+$0xFFFFFCA0] =	vst.add.f32.msk $0xffff, v26;
	v26 =	vadd.f32 v37, v27;
	v27 =	vunpack.i.l.bf16.f32 v36;
	v37 =	vmul.f32 v20, v11  }
0x1f6: {  	[tilespmem:s23+$0xFFFFFD10] =	vst.add.f32.msk $0xffff, v34;
	v34 =	vunpack.i.u.bf16.f32 v36;
	v27 =	vadd.f32 v27, v39;
	v36 =	vmul.f32 v20, v10  }
0x1f7: {  	[tilespmem:s23+$0xFFFFFD20] =	vst.add.f32.msk $0xffff, v26;
	v26 =	vadd.f32 v35, v34;
	v34 =	vunpack.i.u.bf16.f32 v33;
	v33 =	vunpack.i.l.bf16.f32 v33  }
0x1f8: {  	[tilespmem:s23+$0xFFFFFD90] =	vst.add.f32.msk $0xffff, v27;
	v27 =	vadd.f32 v33, v37;
	v33 =	vadd.f32 v36, v34;
	v34 =	vmul.f32 v29, v9  }
0x1f9: {  	v35 =	vmul.f32 v29, v8;
	v36 =	vor.u32 v2, v30;
	[tilespmem:s23+$0xFFFFFDA0] =	vst.add.f32.msk $0xffff, v26;
	v26 =	vunpack.i.l.bf16.f32 v40  }
0x1fa: {  	v37 =	vunpack.i.u.bf16.f32 v40;
	[tilespmem:s23+$0xFFFFFE10] =	vst.add.f32.msk $0xffff, v27;
	v34 =	vadd.f32 v26, v34;
	v26 =	vcvt.s32.f32 v12  }
0x1fb: {  	v27 =	vcvt.s32.f32 v14;
	v12 =	vmul.f32 v21, v11;
	v14 =	vadd.f32 v37, v35;
	[tilespmem:s23+$0xFFFFFE20] =	vst.add.f32.msk $0xffff, v33  }
0x1fc: {  	v35 =	vmul.f32 v21, v10;
	v33 =	vunpack.i.l.bf16.f32 v31;
	[tilespmem:s23+$0xFFFFFF30] =	vst.add.f32.msk $0xffff, v34;
	v34 =	vmul.f32 v26, v11  }
0x1fd: {  	v31 =	vunpack.i.u.bf16.f32 v31;
	v37 =	vmul.f32 v27, v11;
	v12 =	vadd.f32 v33, v12;
	[tilespmem:s23+$0xFFFFFF40] =	vst.add.f32.msk $0xffff, v14  }
0x1fe: {  	v33 =	vmul.f32 v27, v10;
	v31 =	vadd.f32 v35, v31;
	v14 =	vunpack.i.l.bf16.f32 v32;
	v35 =	vld.idx.msk [tilespmem:v36+s15+$0x0], $0xffff  }
0x1ff: {  	v32 =	vunpack.i.u.bf16.f32 v32;
	v14 =	vadd.f32 v14, v37;
	[tilespmem:s23+$0xFFFFFE90] =	vst.add.f32.msk $0xffff, v12;
	v12 =	vmul.f32 v26, v10  }
0x200: {  	v32 =	vadd.f32 v33, v32;
	v33 =	vor.u32 v1, v19;
	[tilespmem:s23+$0xFFFFFEA0] =	vst.add.f32.msk $0xffff, v31;
	v31 =	vunpack.i.l.bf16.f32 v38  }
0x201: {  	v36 =	vunpack.i.u.bf16.f32 v38;
	[tilespmem:s23+$0xFFFFFC10] =	vst.add.f32.msk $0xffff, v14;
	v14 =	vor.u32 v1, v22;
	v31 =	vadd.f32 v31, v34  }
0x202: {  	v12 =	vadd.f32 v12, v36;
	[tilespmem:s23+$0xFFFFFC20] =	vst.add.f32.msk $0xffff, v32  }
0x203: {  	v32 =	vmul.f32 v29, v7;
	[tilespmem:s23+$0xFFFFFF90] =	vst.add.f32.msk $0xffff, v31  }
0x204: {  	v30 =	vor.u32 v3, v30;
	v34 =	vmul.f32 v29, v6;
	v31 =	vunpack.i.l.bf16.f32 v35;
	[tilespmem:s23+$0xFFFFFFA0] =	vst.add.f32.msk $0xffff, v12  }
0x205: {  	v35 =	vunpack.i.u.bf16.f32 v35;
	v31 =	vadd.f32 v31, v32;
	v12 =	vld.idx.msk [tilespmem:v33+s15+$0x0], $0xffff;
	v33 =	vor.u32 v1, v23  }
0x206: {  	v32 =	vor.u32 v1, v24;
	v34 =	vadd.f32 v35, v34;
	v35 =	vmul.f32 v26, v9;
	v14 =	vld.idx.msk [tilespmem:v14+s15+$0x0], $0xffff  }
0x207: {  	v37 =	vmul.f32 v27, v8;
	v38 =	vor.u32 v1, v25;
	v36 =	vmul.f32 v27, v9;
	[tilespmem:s23+$0xFFFFFF50] =	vst.add.f32.msk $0xffff, v31  }
0x208: {  	v39 =	vmul.f32 v17, v9;
	v40 =	vmul.f32 v17, v8;
	v31 =	vor.u32 v1, v15;
	[tilespmem:s23+$0xFFFFFF60] =	vst.add.f32.msk $0xffff, v34  }
0x209: {  	v41 =	vmul.f32 v18, v8;
	v42 =	vor.u32 v1, v13;
	v34 =	vmul.f32 v18, v9;
	v30 =	vld.idx.msk [tilespmem:v30+s15+$0x0], $0xffff  }
0x20a: {  	v43 =	vmul.f32 v16, v9;
	v44 =	vmul.f32 v16, v8;
	v33 =	vld.idx.msk [tilespmem:v33+s15+$0x0], $0xffff  }
0x20b: {  	v46 =	vmul.f32 v20, v9;
	v45 =	vunpack.i.u.bf16.f32 v12;
	v12 =	vunpack.i.l.bf16.f32 v12;
	v32 =	vld.idx.msk [tilespmem:v32+s15+$0x0], $0xffff  }
0x20c: {  	v12 =	vadd.f32 v12, v39;
	v39 =	vunpack.i.u.bf16.f32 v14;
	v14 =	vunpack.i.l.bf16.f32 v14;
	v38 =	vld.idx.msk [tilespmem:v38+s15+$0x0], $0xffff  }
0x20d: {  	v40 =	vadd.f32 v45, v40;
	v14 =	vadd.f32 v14, v34;
	v34 =	vmul.f32 v20, v8;
	v31 =	vld.idx.msk [tilespmem:v31+s15+$0x0], $0xffff  }
0x20e: {  	v29 =	vmul.f32 v29, v4;
	v39 =	vadd.f32 v39, v41;
	v41 =	vmul.f32 v21, v9;
	v42 =	vld.idx.msk [tilespmem:v42+s15+$0x0], $0xffff  }
0x20f: {  	v45 =	vunpack.i.u.bf16.f32 v30;
	v30 =	vunpack.i.l.bf16.f32 v30;
	[tilespmem:s23+$0xFFFFFCB0] =	vst.add.f32.msk $0xffff, v12;
	v12 =	vmul.f32 v21, v8  }
0x210: {  	v29 =	vadd.f32 v45, v29;
	[tilespmem:s23+$0xFFFFFCC0] =	vst.add.f32.msk $0xffff, v40;
	v40 =	vunpack.i.u.bf16.f32 v33;
	v33 =	vunpack.i.l.bf16.f32 v33  }
0x211: {  	[tilespmem:s23+$0xFFFFFD30] =	vst.add.f32.msk $0xffff, v14;
	v14 =	vadd.f32 v33, v43;
	v33 =	vunpack.i.u.bf16.f32 v32;
	v32 =	vunpack.i.l.bf16.f32 v32  }
0x212: {  	v40 =	vadd.f32 v40, v44;
	v43 =	vunpack.i.u.bf16.f32 v38;
	v38 =	vunpack.i.l.bf16.f32 v38;
	[tilespmem:s23+$0xFFFFFF80] =	vst.add.f32.msk $0xffff, v29  }
0x213: {  	v29 =	vunpack.i.u.bf16.f32 v31;
	v31 =	vunpack.i.l.bf16.f32 v31;
	v32 =	vadd.f32 v32, v46;
	[tilespmem:s23+$0xFFFFFD40] =	vst.add.f32.msk $0xffff, v39  }
0x214: {  	[tilespmem:s23+$0xFFFFFDB0] =	vst.add.f32.msk $0xffff, v14;
	v14 =	vadd.f32 v33, v34;
	v33 =	vunpack.i.u.bf16.f32 v42;
	v34 =	vunpack.i.l.bf16.f32 v42  }
0x215: {  	v38 =	vadd.f32 v38, v41;
	v12 =	vadd.f32 v43, v12;
	v39 =	vmul.f32 v26, v8;
	[tilespmem:s23+$0xFFFFFDC0] =	vst.add.f32.msk $0xffff, v40  }
0x216: {  	v31 =	vadd.f32 v31, v36;
	v29 =	vadd.f32 v29, v37;
	[tilespmem:s23+$0xFFFFFE30] =	vst.add.f32.msk $0xffff, v32  }
0x217: {  	v32 =	vadd.f32 v33, v39;
	[tilespmem:s23+$0xFFFFFE40] =	vst.add.f32.msk $0xffff, v14;
	v14 =	vadd.f32 v34, v35  }
0x218: {  	v28 =	vadd.f32 v30, v28;
	[tilespmem:s23+$0xFFFFFEB0] =	vst.add.f32.msk $0xffff, v38  }
0x219: {  	v30 =	vor.u32 v2, v19;
	[tilespmem:s23+$0xFFFFFEC0] =	vst.add.f32.msk $0xffff, v12  }
0x21a: {  	v12 =	vor.u32 v2, v22;
	[tilespmem:s23+$0xFFFFFC30] =	vst.add.f32.msk $0xffff, v31  }
0x21b: {  	[tilespmem:s23+$0xFFFFFC40] =	vst.add.f32.msk $0xffff, v29;
	v29 =	vor.u32 v2, v23  }
0x21c: {  	v31 =	vor.u32 v2, v24;
	[tilespmem:s23+$0xFFFFFFB0] =	vst.add.f32.msk $0xffff, v14  }
0x21d: {  	v14 =	vor.u32 v2, v25;
	[tilespmem:s23+$0xFFFFFFC0] =	vst.add.f32.msk $0xffff, v32  }
0x21e: {  	v33 =	vmul.f32 v26, v7;
	v32 =	vor.u32 v2, v15;
	v30 =	vld.idx.msk [tilespmem:v30+s15+$0x0], $0xffff  }
0x21f: {  	v36 =	vor.u32 v2, v13;
	v34 =	vmul.f32 v27, v7;
	v35 =	vmul.f32 v17, v7;
	v12 =	vld.idx.msk [tilespmem:v12+s15+$0x0], $0xffff  }
0x220: {  	s0 =	sadd.s32 $0x7, s31;
	v37 =	vmul.f32 v17, v6;
	v38 =	vmul.f32 v18, v7;
	v29 =	vld.idx.msk [tilespmem:v29+s15+$0x0], $0xffff  }
0x221: {  	v41 =	vmul.f32 v16, v7;
	v40 =	vmul.f32 v18, v6;
	v39 =	vmov s0;
	v31 =	vld.idx.msk [tilespmem:v31+s15+$0x0], $0xffff  }
0x222: {  	v43 =	vmul.f32 v20, v7;
	v42 =	vmul.f32 v16, v6;
	v14 =	vld.idx.msk [tilespmem:v14+s15+$0x0], $0xffff  }
0x223: {  	v45 =	vmul.f32 v21, v7;
	v44 =	vmul.f32 v20, v6;
	v32 =	vld.idx.msk [tilespmem:v32+s15+$0x0], $0xffff  }
0x224: {  	v47 =	vmul.f32 v21, v6;
	v46 =	vunpack.i.u.bf16.f32 v30;
	v30 =	vunpack.i.l.bf16.f32 v30;
	v36 =	vld.idx.msk [tilespmem:v36+s15+$0x0], $0xffff  }
0x225: {  	v30 =	vadd.f32 v30, v35;
	v35 =	vunpack.i.u.bf16.f32 v12;
	v48 =	vunpack.i.l.bf16.f32 v12;
	[tilespmem:s23+$0xFFFFFF70] =	vst.add.f32.msk $0xffff, v28  }
0x226: {  	v28 =	vadd.f32 v46, v37;
	v37 =	vunpack.i.u.bf16.f32 v29;
	v29 =	vunpack.i.l.bf16.f32 v29;
	v12 =	vld.idx.msk [tilespmem:v39+s6+$0x0], $0xffff  }
0x227: {  	[tilespmem:s23+$0xFFFFFCD0] =	vst.add.f32.msk $0xffff, v30;
	v30 =	vadd.f32 v48, v38;
	v38 =	vunpack.i.u.bf16.f32 v31;
	v31 =	vunpack.i.l.bf16.f32 v31  }
0x228: {  	[tilespmem:s23+$0xFFFFFCE0] =	vst.add.f32.msk $0xffff, v28;
	v28 =	vadd.f32 v35, v40;
	v35 =	vunpack.i.u.bf16.f32 v14;
	v14 =	vunpack.i.l.bf16.f32 v14  }
0x229: {  	v29 =	vadd.f32 v29, v41;
	v40 =	vunpack.i.u.bf16.f32 v32;
	v32 =	vunpack.i.l.bf16.f32 v32;
	[tilespmem:s23+$0xFFFFFD50] =	vst.add.f32.msk $0xffff, v30  }
0x22a: {  	v30 =	vunpack.i.u.bf16.f32 v36;
	v36 =	vunpack.i.l.bf16.f32 v36;
	[tilespmem:s23+$0xFFFFFD60] =	vst.add.f32.msk $0xffff, v28;
	v28 =	vadd.f32 v37, v42  }
0x22b: {  	v37 =	vmul.f32 v27, v6;
	[tilespmem:s23+$0xFFFFFDD0] =	vst.add.f32.msk $0xffff, v29;
	v29 =	vadd.f32 v31, v43;
	v31 =	vadd.f32 v38, v44  }
0x22c: {  	v14 =	vadd.f32 v14, v45;
	[tilespmem:s23+$0xFFFFFDE0] =	vst.add.f32.msk $0xffff, v28;
	v28 =	vadd.f32 v35, v47;
	v35 =	vmul.f32 v26, v6  }
0x22d: {  	v32 =	vadd.f32 v32, v34;
	v34 =	vadd.f32 v40, v37;
	[tilespmem:s23+$0xFFFFFE50] =	vst.add.f32.msk $0xffff, v29  }
0x22e: {  	v29 =	vadd.f32 v36, v33;
	[tilespmem:s23+$0xFFFFFE60] =	vst.add.f32.msk $0xffff, v31;
	v30 =	vadd.f32 v30, v35  }
0x22f: {  	[tilespmem:s23+$0xFFFFFED0] =	vst.add.f32.msk $0xffff, v14  }
0x230: {  	v14 =	vor.u32 v3, v19;
	[tilespmem:s23+$0xFFFFFEE0] =	vst.add.f32.msk $0xffff, v28  }
0x231: {  	v19 =	vor.u32 v3, v22;
	[tilespmem:s23+$0xFFFFFC50] =	vst.add.f32.msk $0xffff, v32  }
0x232: {  	v23 =	vor.u32 v3, v23;
	[tilespmem:s23+$0xFFFFFC60] =	vst.add.f32.msk $0xffff, v34  }
0x233: {  	v24 =	vor.u32 v3, v24;
	v22 =	vmov s31;
	[tilespmem:s23+$0xFFFFFFD0] =	vst.add.f32.msk $0xffff, v29  }
0x234: {  	v25 =	vor.u32 v3, v25;
	v22 =	vand.u32 $0xFFFFFFF8, v22;
	[tilespmem:s23+$0xFFFFFFE0] =	vst.add.f32.msk $0xffff, v30  }
0x235: {  	v15 =	vor.u32 v3, v15;
	v28 =	vmul.f32 v26, v5;
	v22 =	vbroadcast v22, $0x0;
	v14 =	vld.idx.msk [tilespmem:v14+s15+$0x0], $0xffff  }
0x236: {  	v13 =	vor.u32 v3, v13;
	v29 =	vmul.f32 v27, v5;
	v30 =	vmul.f32 v17, v5;
	v19 =	vld.idx.msk [tilespmem:v19+s15+$0x0], $0xffff  }
0x237: {  	v31 =	vmul.f32 v18, v5;
	v17 =	vmul.f32 v17, v4;
	v23 =	vld.idx.msk [tilespmem:v23+s15+$0x0], $0xffff  }
0x238: {  	v18 =	vmul.f32 v18, v4;
	v32 =	vmul.f32 v16, v5;
	v24 =	vld.idx.msk [tilespmem:v24+s15+$0x0], $0xffff  }
0x239: {  	v33 =	vmul.f32 v20, v5;
	v16 =	vmul.f32 v16, v4;
	v25 =	vld.idx.msk [tilespmem:v25+s15+$0x0], $0xffff  }
0x23a: {  	v20 =	vmul.f32 v20, v4;
	v34 =	vmul.f32 v21, v5;
	v15 =	vld.idx.msk [tilespmem:v15+s15+$0x0], $0xffff  }
0x23b: {  	v21 =	vmul.f32 v21, v4;
	v35 =	vunpack.i.u.bf16.f32 v14;
	v14 =	vunpack.i.l.bf16.f32 v14;
	v36 =	vld.idx.msk [tilespmem:v13+s15+$0x0], $0xffff  }
0x23c: {  	v30 =	vadd.f32 v14, v30;
	v37 =	vunpack.i.u.bf16.f32 v19;
	v19 =	vunpack.i.l.bf16.f32 v19;
	v13 =	vld.idx.msk [tilespmem:v39+s1+$0x0], $0xffff  }
0x23d: {  	v17 =	vadd.f32 v35, v17;
	v35 =	vunpack.i.u.bf16.f32 v23;
	v23 =	vunpack.i.l.bf16.f32 v23;
	v14 =	vld.idx.msk [tilespmem:v22+s6+$0x0], $0xffff  }
0x23e: {  	v19 =	vadd.f32 v19, v31;
	[tilespmem:s23+$0xFFFFFCF0] =	vst.add.f32.msk $0xffff, v30;
	v30 =	vunpack.i.u.bf16.f32 v24;
	v24 =	vunpack.i.l.bf16.f32 v24  }
0x23f: {  	[tilespmem:s23+$0xFFFFFD00] =	vst.add.f32.msk $0xffff, v17;
	v17 =	vadd.f32 v37, v18;
	v18 =	vunpack.i.u.bf16.f32 v25;
	v25 =	vunpack.i.l.bf16.f32 v25  }
0x240: {  	v31 =	vunpack.i.u.bf16.f32 v15;
	v15 =	vunpack.i.l.bf16.f32 v15;
	[tilespmem:s23+$0xFFFFFD70] =	vst.add.f32.msk $0xffff, v19;
	v19 =	vadd.f32 v23, v32  }
0x241: {  	v16 =	vadd.f32 v35, v16;
	v23 =	vunpack.i.u.bf16.f32 v36;
	v32 =	vunpack.i.l.bf16.f32 v36;
	[tilespmem:s23+$0xFFFFFD80] =	vst.add.f32.msk $0xffff, v17  }
.Ltmp5:
0x242: {  	v24 =	vadd.f32 v24, v33;
	v17 =	vmul.f32 v27, v4;
	v27 =	vadd.f32 v30, v20;
	[tilespmem:s23+$0xFFFFFDF0] =	vst.add.f32.msk $0xffff, v19;
	(pc) =	sbr.rel @p0 .LBB2_13-.Ltmp5, $4  }
0x243: {  	s0 =	sadd.s32 $0x6, s31;
	v25 =	vadd.f32 v25, v34;
	v19 =	vadd.f32 v18, v21;
	[tilespmem:s23+$0xFFFFFE00] =	vst.add.f32.msk $0xffff, v16;
	v16 =	vmul.f32 v26, v4  }
0x244: {  	v20 =	vadd.f32 v15, v29;
	v18 =	vmov s0;
	v17 =	vadd.f32 v31, v17;
	[tilespmem:s23+$0xFFFFFE70] =	vst.add.f32.msk $0xffff, v24  }
0x245: {  	s0 =	sadd.s32 $0x1, s31;
	v15 =	vand.u32 $0xFFFFFFFE, v18;
	v18 =	vadd.f32 v32, v28;
	[tilespmem:s23+$0xFFFFFE80] =	vst.add.f32.msk $0xffff, v27;
	v16 =	vadd.f32 v23, v16  }
0x246: {  	s31 =	sadd.s32 $0x8, s31;
	v21 =	vmov s0;
	v15 =	vbroadcast v15, $0x0;
	[tilespmem:s23+$0xFFFFFEF0] =	vst.add.f32.msk $0xffff, v25  }
0x247: {  	[tilespmem:s23+$0xFFFFFF00] =	vst.add.f32.msk $0xffff, v19  }
0x248: {  	v21 =	vand.u32 $0xFFFFFFF9, v21;
	s0 =	sadd.s32 $0x2, s4;
	[tilespmem:s23+$0xFFFFFC70] =	vst.add.f32.msk $0xffff, v20  }
0x249: {  	[tilespmem:s23+$0xFFFFFC80] =	vst.add.f32.msk $0xffff, v17;
	v42 =	vbroadcast v21, $0x0;
	v43 =	vmov s0  }
0x24a: {  	s31 =	sadd.s32 $0x3, s4;
	[tilespmem:s23+$0xFFFFFFF0] =	vst.add.f32.msk $0xffff, v18;
	v44 =	vand.u32 $0xFFFFFFFA, v43  }
0x24b: {  	[tilespmem:s23+$0x0] =	vst.add.f32.msk $0xffff, v16;
	v46 =	vmov s31;
	v45 =	vbroadcast v44, $0x0  }
0x24c: {  	s31 =	sadd.s32 $0x4, s4;
	v52 =	vld.idx.msk [tilespmem:v15+s1+$0x0], $0xffff;
	v47 =	vand.u32 $0xFFFFFFFB, v46  }
0x24d: {  	v22 =	vld.idx.msk [tilespmem:v22+s1+$0x0], $0xffff;
	s4 =	sadd.s32 $0x5, s4;
	v48 =	vmov s31;
	v49 =	vbroadcast v47, $0x0  }
0x24e: {  	v53 =	vld.idx.msk [tilespmem:v15+s6+$0x0], $0xffff;
	v51 =	vmov s4;
	v50 =	vand.u32 $0xFFFFFFFC, v48  }
0x24f: {  	v20 =	vand.u32 $0xFFFFFFFD, v51;
	v18 =	vbroadcast v50, $0x0;
	v27 =	vld.idx.msk [tilespmem:v42+s6+$0x0], $0xffff  }
0x250: {  	v20 =	vbroadcast v20, $0x0;
	v19 =	vld.idx.msk [tilespmem:v42+s1+$0x0], $0xffff  }
0x251: {  	v29 =	vshll.u32 v52, $0x6;
	v28 =	vld.idx.msk [tilespmem:v45+s6+$0x0], $0xffff  }
0x252: {  	v26 =	vor.u32 v0, v29;
	v23 =	vld.idx.msk [tilespmem:v45+s1+$0x0], $0xffff  }
0x253: {  	v24 =	vld.idx.msk [tilespmem:v49+s1+$0x0], $0xffff  }
0x254: {  	v17 =	vshll.u32 v22, $0x6;
	v16 =	vld.idx.msk [tilespmem:v49+s6+$0x0], $0xffff  }
0x255: {  	v13 =	vshll.u32 v13, $0x6;
	v32 =	vor.u32 v0, v17;
	v25 =	vld.idx.msk [tilespmem:v18+s1+$0x0], $0xffff  }
0x256: {  	v54 =	vor.u32 v0, v13;
	v30 =	vld.idx.msk [tilespmem:v20+s1+$0x0], $0xffff;
	v21 =	vshll.u32 v19, $0x6  }
0x257: {  	v35 =	vld.idx.msk [tilespmem:v26+s15+$0x0], $0xffff;
	v31 =	vor.u32 v0, v21;
	v22 =	vshll.u32 v23, $0x6  }
0x258: {  	v12 =	vcvt.s32.f32 v12;
	v33 =	vld.idx.msk [tilespmem:v18+s6+$0x0], $0xffff;
	v23 =	vshll.u32 v24, $0x6;
	v34 =	vor.u32 v0, v22  }
0x259: {  	v14 =	vcvt.s32.f32 v14;
	v37 =	vld.idx.msk [tilespmem:v20+s6+$0x0], $0xffff;
	v26 =	vcvt.s32.f32 v53;
	v36 =	vor.u32 v0, v23  }
0x25a: {  	v40 =	vor.u32 v1, v29;
	v20 =	vcvt.s32.f32 v27;
	v27 =	vld.idx.msk [tilespmem:v32+s15+$0x0], $0xffff;
	v24 =	vshll.u32 v25, $0x6  }
0x25b: {  	v58 =	vmul.f32 v26, v10;
	v25 =	vshll.u32 v30, $0x6;
	v30 =	vld.idx.msk [tilespmem:v54+s15+$0x0], $0xffff;
	v38 =	vor.u32 v0, v24  }
0x25c: {  	v19 =	vcvt.s32.f32 v28;
	v57 =	vunpack.i.l.bf16.f32 v35;
	v35 =	vunpack.i.u.bf16.f32 v35;
	v31 =	vld.idx.msk [tilespmem:v31+s15+$0x0], $0xffff  }
0x25d: {  	v18 =	vcvt.s32.f32 v16;
	v15 =	vmul.f32 v26, v11;
	v35 =	vadd.f32 v58, v35;
	v55 =	vld.idx.msk [tilespmem:v34+s15+$0x0], $0xffff  }
0x25e: {  	s23 =	sadd.s32 $0x400, s23;
	v60 =	vmul.f32 v20, v11;
	v62 =	vmul.f32 v20, v10;
	v39 =	vor.u32 v0, v25;
	v56 =	vld.idx.msk [tilespmem:v36+s15+$0x0], $0xffff  }
0x25f: {  	v16 =	vcvt.s32.f32 v33;
	v54 =	vmul.f32 v26, v9;
	v34 =	vadd.f32 v57, v15;
	[tilespmem:s23+$0xFFFFFF20] =	vst.add.f32.msk $0xffff, v35  }
0x260: {  	v41 =	vmul.f32 v19, v11;
	v42 =	vmul.f32 v19, v10;
	v59 =	vld.idx.msk [tilespmem:v38+s15+$0x0], $0xffff  }
0x261: {  	v44 =	vmul.f32 v18, v11;
	v15 =	vcvt.s32.f32 v37;
	[tilespmem:s23+$0xFFFFFF10] =	vst.add.f32.msk $0xffff, v34;
	v61 =	vunpack.i.l.bf16.f32 v31  }
0x262: {  	v31 =	vunpack.i.u.bf16.f32 v31;
	v45 =	vld.idx.msk [tilespmem:v40+s15+$0x0], $0xffff;
	v40 =	vmul.f32 v14, v10;
	v63 =	vadd.f32 v61, v60  }
0x263: {  	v37 =	vld.idx.msk [tilespmem:v39+s15+$0x0], $0xffff;
	v39 =	vunpack.i.l.bf16.f32 v27;
	v27 =	vunpack.i.u.bf16.f32 v27;
	v31 =	vadd.f32 v62, v31  }
0x264: {  	v47 =	vmul.f32 v18, v10;
	v43 =	vunpack.i.l.bf16.f32 v55;
	v27 =	vadd.f32 v40, v27;
	[tilespmem:s23+$0xFFFFFC90] =	vst.add.f32.msk $0xffff, v63  }
0x265: {  	v49 =	vmul.f32 v16, v11;
	v28 =	vunpack.i.u.bf16.f32 v55;
	v46 =	vadd.f32 v43, v41;
	[tilespmem:s23+$0xFFFFFCA0] =	vst.add.f32.msk $0xffff, v31  }
0x266: {  	v50 =	vmul.f32 v16, v10;
	v48 =	vunpack.i.l.bf16.f32 v56;
	v28 =	vadd.f32 v42, v28;
	[tilespmem:s23+$0xFFFFFC20] =	vst.add.f32.msk $0xffff, v27  }
0x267: {  	v61 =	vmul.f32 v15, v10;
	v32 =	vunpack.i.u.bf16.f32 v56;
	v31 =	vadd.f32 v48, v44;
	[tilespmem:s23+$0xFFFFFD10] =	vst.add.f32.msk $0xffff, v46  }
0x268: {  	v56 =	vmul.f32 v26, v8;
	v51 =	vadd.f32 v47, v32;
	v33 =	vunpack.i.l.bf16.f32 v59;
	[tilespmem:s23+$0xFFFFFD20] =	vst.add.f32.msk $0xffff, v28  }
0x269: {  	v52 =	vunpack.i.u.bf16.f32 v59;
	v60 =	vunpack.i.l.bf16.f32 v37;
	v53 =	vadd.f32 v33, v49;
	[tilespmem:s23+$0xFFFFFD90] =	vst.add.f32.msk $0xffff, v31  }
0x26a: {  	v37 =	vunpack.i.u.bf16.f32 v37;
	v41 =	vmul.f32 v12, v10;
	v32 =	vadd.f32 v50, v52;
	[tilespmem:s23+$0xFFFFFDA0] =	vst.add.f32.msk $0xffff, v51  }
0x26b: {  	v43 =	vunpack.i.l.bf16.f32 v30;
	v30 =	vunpack.i.u.bf16.f32 v30;
	v34 =	vadd.f32 v61, v37;
	[tilespmem:s23+$0xFFFFFE10] =	vst.add.f32.msk $0xffff, v53  }
0x26c: {  	v55 =	vunpack.i.l.bf16.f32 v45;
	v58 =	vunpack.i.u.bf16.f32 v45;
	v45 =	vadd.f32 v41, v30;
	[tilespmem:s23+$0xFFFFFE20] =	vst.add.f32.msk $0xffff, v32  }
0x26d: {  	v59 =	vmul.f32 v15, v11;
	v42 =	vor.u32 v1, v21;
	v28 =	vadd.f32 v55, v54;
	[tilespmem:s23+$0xFFFFFEA0] =	vst.add.f32.msk $0xffff, v34  }
0x26e: {  	v57 =	vor.u32 v2, v29;
	v31 =	vadd.f32 v58, v56;
	[tilespmem:s23+$0xFFFFFFA0] =	vst.add.f32.msk $0xffff, v45  }
0x26f: {  	v44 =	vor.u32 v1, v22;
	v32 =	vadd.f32 v60, v59;
	[tilespmem:s23+$0xFFFFFF30] =	vst.add.f32.msk $0xffff, v28  }
0x270: {  	v50 =	vor.u32 v1, v23;
	[tilespmem:s23+$0xFFFFFF40] =	vst.add.f32.msk $0xffff, v31  }
0x271: {  	[tilespmem:s23+$0xFFFFFE90] =	vst.add.f32.msk $0xffff, v32  }
0x272: {  	v63 =	vmul.f32 v14, v11;
	v49 =	vld.idx.msk [tilespmem:v42+s15+$0x0], $0xffff  }
0x273: {  	v62 =	vmul.f32 v12, v11;
	v53 =	vor.u32 v1, v24;
	v35 =	vld.idx.msk [tilespmem:v57+s15+$0x0], $0xffff  }
0x274: {  	v54 =	vor.u32 v1, v25;
	v31 =	vadd.f32 v39, v63;
	v52 =	vld.idx.msk [tilespmem:v44+s15+$0x0], $0xffff  }
0x275: {  	v28 =	vadd.f32 v43, v62;
	v33 =	vld.idx.msk [tilespmem:v50+s15+$0x0], $0xffff  }
0x276: {  	v58 =	vmul.f32 v20, v8;
	v57 =	vmul.f32 v20, v9;
	[tilespmem:s23+$0xFFFFFC10] =	vst.add.f32.msk $0xffff, v31  }
0x277: {  	v60 =	vmul.f32 v19, v9;
	[tilespmem:s23+$0xFFFFFF90] =	vst.add.f32.msk $0xffff, v28;
	v59 =	vunpack.i.l.bf16.f32 v49;
	v27 =	vunpack.i.u.bf16.f32 v49  }
0x278: {  	v31 =	vld.idx.msk [tilespmem:v53+s15+$0x0], $0xffff;
	v47 =	vunpack.i.l.bf16.f32 v35;
	v51 =	vunpack.i.u.bf16.f32 v35;
	v35 =	vadd.f32 v59, v57  }
0x279: {  	v63 =	vmul.f32 v19, v8;
	v34 =	vld.idx.msk [tilespmem:v54+s15+$0x0], $0xffff;
	v61 =	vunpack.i.l.bf16.f32 v52;
	v27 =	vadd.f32 v27, v58  }
0x27a: {  	v46 =	vmul.f32 v26, v7;
	v30 =	vunpack.i.u.bf16.f32 v52;
	v38 =	vadd.f32 v61, v60;
	[tilespmem:s23+$0xFFFFFCB0] =	vst.add.f32.msk $0xffff, v35  }
0x27b: {  	v48 =	vmul.f32 v26, v6;
	v55 =	vor.u32 v1, v17;
	v30 =	vadd.f32 v30, v63;
	[tilespmem:s23+$0xFFFFFCC0] =	vst.add.f32.msk $0xffff, v27  }
0x27c: {  	v56 =	vor.u32 v1, v13;
	v28 =	vadd.f32 v47, v46;
	[tilespmem:s23+$0xFFFFFD30] =	vst.add.f32.msk $0xffff, v38  }
0x27d: {  	v29 =	vor.u32 v3, v29;
	v32 =	vadd.f32 v51, v48;
	[tilespmem:s23+$0xFFFFFD40] =	vst.add.f32.msk $0xffff, v30  }
0x27e: {  	[tilespmem:s23+$0xFFFFFF50] =	vst.add.f32.msk $0xffff, v28  }
0x27f: {  	v45 =	vmul.f32 v18, v9;
	[tilespmem:s23+$0xFFFFFF60] =	vst.add.f32.msk $0xffff, v32  }
0x280: {  	v50 =	vmul.f32 v16, v8;
	v47 =	vmul.f32 v18, v8;
	v48 =	vunpack.i.l.bf16.f32 v33;
	v28 =	vld.idx.msk [tilespmem:v55+s15+$0x0], $0xffff  }
0x281: {  	v49 =	vmul.f32 v16, v9;
	v33 =	vunpack.i.u.bf16.f32 v33;
	v37 =	vadd.f32 v48, v45;
	v32 =	vld.idx.msk [tilespmem:v56+s15+$0x0], $0xffff  }
0x282: {  	v63 =	vor.u32 v2, v21;
	v51 =	vunpack.i.l.bf16.f32 v31;
	v33 =	vadd.f32 v33, v47;
	v29 =	vld.idx.msk [tilespmem:v29+s15+$0x0], $0xffff  }
0x283: {  	v31 =	vunpack.i.u.bf16.f32 v31;
	v53 =	vadd.f32 v51, v49;
	[tilespmem:s23+$0xFFFFFDB0] =	vst.add.f32.msk $0xffff, v37  }
0x284: {  	v52 =	vmul.f32 v15, v9;
	v27 =	vadd.f32 v31, v50;
	[tilespmem:s23+$0xFFFFFDC0] =	vst.add.f32.msk $0xffff, v33  }
0x285: {  	v36 =	vmul.f32 v12, v9;
	v54 =	vmul.f32 v15, v8;
	v55 =	vunpack.i.l.bf16.f32 v34;
	[tilespmem:s23+$0xFFFFFE30] =	vst.add.f32.msk $0xffff, v53  }
0x286: {  	v57 =	vunpack.i.u.bf16.f32 v34;
	v56 =	vmul.f32 v14, v9;
	v30 =	vadd.f32 v55, v52;
	[tilespmem:s23+$0xFFFFFE40] =	vst.add.f32.msk $0xffff, v27  }
0x287: {  	v58 =	vmul.f32 v14, v8;
	v33 =	vadd.f32 v57, v54;
	v41 =	vld.idx.msk [tilespmem:v63+s15+$0x0], $0xffff;
	v59 =	vunpack.i.l.bf16.f32 v28  }
0x288: {  	v37 =	vor.u32 v2, v23;
	[tilespmem:s23+$0xFFFFFEB0] =	vst.add.f32.msk $0xffff, v30;
	v60 =	vunpack.i.u.bf16.f32 v28;
	v31 =	vadd.f32 v59, v56  }
0x289: {  	v39 =	vor.u32 v2, v25;
	[tilespmem:s23+$0xFFFFFEC0] =	vst.add.f32.msk $0xffff, v33;
	v61 =	vunpack.i.l.bf16.f32 v32;
	v27 =	vadd.f32 v60, v58  }
0x28a: {  	v28 =	vadd.f32 v61, v36;
	[tilespmem:s23+$0xFFFFFC30] =	vst.add.f32.msk $0xffff, v31  }
0x28b: {  	v62 =	vmul.f32 v26, v4;
	v38 =	vor.u32 v2, v24;
	[tilespmem:s23+$0xFFFFFC40] =	vst.add.f32.msk $0xffff, v27  }
0x28c: {  	v44 =	vunpack.i.u.bf16.f32 v29;
	[tilespmem:s23+$0xFFFFFFB0] =	vst.add.f32.msk $0xffff, v28  }
0x28d: {  	v26 =	vmul.f32 v26, v5;
	v43 =	vmul.f32 v20, v7;
	v46 =	vadd.f32 v44, v62;
	v27 =	vld.idx.msk [tilespmem:v37+s15+$0x0], $0xffff  }
0x28e: {  	v32 =	vunpack.i.u.bf16.f32 v32;
	v29 =	vunpack.i.l.bf16.f32 v29;
	v62 =	vmul.f32 v12, v8;
	v28 =	vld.idx.msk [tilespmem:v39+s15+$0x0], $0xffff  }
0x28f: {  	v36 =	vor.u32 v2, v22;
	v26 =	vadd.f32 v29, v26;
	v45 =	vunpack.i.l.bf16.f32 v41;
	[tilespmem:s23+$0xFFFFFF80] =	vst.add.f32.msk $0xffff, v46  }
0x290: {  	v40 =	vor.u32 v2, v17;
	v29 =	vadd.f32 v45, v43;
	v30 =	vadd.f32 v32, v62;
	v32 =	vld.idx.msk [tilespmem:v38+s15+$0x0], $0xffff  }
0x291: {  	[tilespmem:s23+$0xFFFFFF70] =	vst.add.f32.msk $0xffff, v26  }
0x292: {  	v42 =	vor.u32 v2, v13;
	v44 =	vmul.f32 v20, v6;
	[tilespmem:s23+$0xFFFFFCD0] =	vst.add.f32.msk $0xffff, v29  }
0x293: {  	v21 =	vor.u32 v3, v21;
	v33 =	vunpack.i.u.bf16.f32 v41;
	[tilespmem:s23+$0xFFFFFFC0] =	vst.add.f32.msk $0xffff, v30  }
0x294: {  	v49 =	vadd.f32 v33, v44;
	v31 =	vld.idx.msk [tilespmem:v36+s15+$0x0], $0xffff  }
0x295: {  	v50 =	vmul.f32 v18, v7;
	v30 =	vld.idx.msk [tilespmem:v40+s15+$0x0], $0xffff  }
0x296: {  	v52 =	vmul.f32 v18, v6;
	v55 =	vmul.f32 v16, v7;
	[tilespmem:s23+$0xFFFFFCE0] =	vst.add.f32.msk $0xffff, v49;
	v53 =	vunpack.i.l.bf16.f32 v27  }
0x297: {  	v60 =	vmul.f32 v15, v7;
	v34 =	vld.idx.msk [tilespmem:v42+s15+$0x0], $0xffff;
	v27 =	vunpack.i.u.bf16.f32 v27;
	v56 =	vadd.f32 v53, v50  }
0x298: {  	v62 =	vmul.f32 v15, v6;
	v21 =	vld.idx.msk [tilespmem:v21+s15+$0x0], $0xffff;
	v63 =	vunpack.i.l.bf16.f32 v28;
	v59 =	vadd.f32 v27, v52  }
0x299: {  	v23 =	vor.u32 v3, v23;
	v28 =	vunpack.i.u.bf16.f32 v28;
	v27 =	vadd.f32 v63, v60;
	[tilespmem:s23+$0xFFFFFDD0] =	vst.add.f32.msk $0xffff, v56  }
0x29a: {  	v57 =	vmul.f32 v16, v6;
	v58 =	vunpack.i.l.bf16.f32 v32;
	v28 =	vadd.f32 v28, v62;
	[tilespmem:s23+$0xFFFFFDE0] =	vst.add.f32.msk $0xffff, v59  }
0x29b: {  	v25 =	vor.u32 v3, v25;
	v32 =	vunpack.i.u.bf16.f32 v32;
	v61 =	vadd.f32 v58, v55;
	[tilespmem:s23+$0xFFFFFED0] =	vst.add.f32.msk $0xffff, v27  }
0x29c: {  	v24 =	vor.u32 v3, v24;
	v32 =	vadd.f32 v32, v57;
	[tilespmem:s23+$0xFFFFFEE0] =	vst.add.f32.msk $0xffff, v28  }
0x29d: {  	[tilespmem:s23+$0xFFFFFE50] =	vst.add.f32.msk $0xffff, v61  }
0x29e: {  	v46 =	vmul.f32 v19, v7;
	[tilespmem:s23+$0xFFFFFE60] =	vst.add.f32.msk $0xffff, v32  }
0x29f: {  	v35 =	vmul.f32 v12, v7;
	v47 =	vmul.f32 v19, v6;
	v48 =	vunpack.i.l.bf16.f32 v31;
	v23 =	vld.idx.msk [tilespmem:v23+s15+$0x0], $0xffff  }
0x2a0: {  	v38 =	vmul.f32 v14, v7;
	v31 =	vunpack.i.u.bf16.f32 v31;
	v51 =	vadd.f32 v48, v46;
	v25 =	vld.idx.msk [tilespmem:v25+s15+$0x0], $0xffff  }
0x2a1: {  	v40 =	vmul.f32 v14, v6;
	v39 =	vunpack.i.l.bf16.f32 v30;
	v54 =	vadd.f32 v31, v47;
	v24 =	vld.idx.msk [tilespmem:v24+s15+$0x0], $0xffff  }
0x2a2: {  	v22 =	vor.u32 v3, v22;
	v30 =	vunpack.i.u.bf16.f32 v30;
	v26 =	vadd.f32 v39, v38;
	[tilespmem:s23+$0xFFFFFD50] =	vst.add.f32.msk $0xffff, v51  }
0x2a3: {  	v17 =	vor.u32 v3, v17;
	v41 =	vunpack.i.l.bf16.f32 v34;
	v42 =	vadd.f32 v30, v40;
	[tilespmem:s23+$0xFFFFFD60] =	vst.add.f32.msk $0xffff, v54  }
0x2a4: {  	v27 =	vadd.f32 v41, v35;
	[tilespmem:s23+$0xFFFFFC50] =	vst.add.f32.msk $0xffff, v26  }
0x2a5: {  	v13 =	vor.u32 v3, v13;
	v45 =	vmul.f32 v20, v5;
	v20 =	vmul.f32 v20, v4;
	[tilespmem:s23+$0xFFFFFC60] =	vst.add.f32.msk $0xffff, v42  }
0x2a6: {  	v43 =	vmul.f32 v12, v6;
	v46 =	vunpack.i.l.bf16.f32 v21;
	v21 =	vunpack.i.u.bf16.f32 v21;
	[tilespmem:s23+$0xFFFFFFD0] =	vst.add.f32.msk $0xffff, v27  }
0x2a7: {  	v44 =	vunpack.i.u.bf16.f32 v34;
	v20 =	vadd.f32 v21, v20;
	v22 =	vld.idx.msk [tilespmem:v22+s15+$0x0], $0xffff  }
0x2a8: {  	v26 =	vadd.f32 v44, v43;
	v17 =	vld.idx.msk [tilespmem:v17+s15+$0x0], $0xffff  }
0x2a9: {  	v49 =	vmul.f32 v18, v5;
	v18 =	vmul.f32 v18, v4;
	[tilespmem:s23+$0xFFFFFD00] =	vst.add.f32.msk $0xffff, v20  }
0x2aa: {  	v55 =	vmul.f32 v15, v5;
	[tilespmem:s23+$0xFFFFFFE0] =	vst.add.f32.msk $0xffff, v26;
	v26 =	vadd.f32 v46, v45;
	v51 =	vunpack.i.l.bf16.f32 v23  }
0x2ab: {  	v15 =	vmul.f32 v15, v4;
	v13 =	vld.idx.msk [tilespmem:v13+s15+$0x0], $0xffff;
	v53 =	vunpack.i.u.bf16.f32 v23;
	v21 =	vadd.f32 v51, v49  }
0x2ac: {  	v52 =	vmul.f32 v16, v5;
	v59 =	vunpack.i.u.bf16.f32 v25;
	[tilespmem:s23+$0xFFFFFCF0] =	vst.add.f32.msk $0xffff, v26;
	v18 =	vadd.f32 v53, v18  }
0x2ad: {  	v16 =	vmul.f32 v16, v4;
	v54 =	vunpack.i.l.bf16.f32 v24;
	v15 =	vadd.f32 v59, v15;
	[tilespmem:s23+$0xFFFFFDF0] =	vst.add.f32.msk $0xffff, v21  }
0x2ae: {  	v47 =	vmul.f32 v19, v5;
	v56 =	vunpack.i.u.bf16.f32 v24;
	v20 =	vadd.f32 v54, v52;
	[tilespmem:s23+$0xFFFFFE00] =	vst.add.f32.msk $0xffff, v18  }
0x2af: {  	v19 =	vmul.f32 v19, v4;
	v16 =	vadd.f32 v56, v16;
	v48 =	vunpack.i.l.bf16.f32 v22;
	[tilespmem:s23+$0xFFFFFF00] =	vst.add.f32.msk $0xffff, v15  }
0x2b0: {  	v58 =	vmul.f32 v14, v5;
	v22 =	vunpack.i.u.bf16.f32 v22;
	v50 =	vadd.f32 v48, v47;
	[tilespmem:s23+$0xFFFFFE70] =	vst.add.f32.msk $0xffff, v20  }
0x2b1: {  	v14 =	vmul.f32 v14, v4;
	v60 =	vunpack.i.l.bf16.f32 v17;
	v19 =	vadd.f32 v22, v19;
	[tilespmem:s23+$0xFFFFFE80] =	vst.add.f32.msk $0xffff, v16  }
0x2b2: {  	v17 =	vunpack.i.u.bf16.f32 v17;
	v18 =	vadd.f32 v60, v58;
	[tilespmem:s23+$0xFFFFFD70] =	vst.add.f32.msk $0xffff, v50  }
0x2b3: {  	v61 =	vmul.f32 v12, v5;
	v57 =	vunpack.i.l.bf16.f32 v25;
	v14 =	vadd.f32 v17, v14;
	[tilespmem:s23+$0xFFFFFD80] =	vst.add.f32.msk $0xffff, v19  }
0x2b4: {  	v12 =	vmul.f32 v12, v4;
	v62 =	vunpack.i.l.bf16.f32 v13;
	v19 =	vadd.f32 v57, v55;
	[tilespmem:s23+$0xFFFFFC70] =	vst.add.f32.msk $0xffff, v18  }
.Ltmp6:
0x2b5: {  	v13 =	vunpack.i.u.bf16.f32 v13;
	v63 =	vadd.f32 v62, v61;
	[tilespmem:s23+$0xFFFFFC80] =	vst.add.f32.msk $0xffff, v14;
	(pc) =	sbr.rel .LBB2_15-.Ltmp6, $4  }
0x2b6: {  	s31 =	sadd.s32 s21, s12;
	v12 =	vadd.f32 v13, v12;
	[tilespmem:s23+$0xFFFFFEF0] =	vst.add.f32.msk $0xffff, v19  }
0x2b7: {  	s0 =	sshll.u32 s31, $0x4;
	[tilespmem:s23+$0xFFFFFFF0] =	vst.add.f32.msk $0xffff, v63  }
0x2b8: {  	s0 =	sadd.s32 s11, s0;
	[tilespmem:s23+$0x0] =	vst.add.f32.msk $0xffff, v12;
	s23 =	simm.s32 $0x8600  }
0x2b9: {  	[hbm4b:s0+s5] =	stream.linear.scatter [tilespmem:s23], [sflag:$0x6], $0x8000, $0x38;
	[tilespmem:$0x1C700] =	vst v63  }
.LBB2_11:
0x2ba: {  	[tilespmem:s30], [sflag:$0x3] =	stream.indirect.gather [hbm4b:s3+s29], $0x80, s26, s29, $0xb8;
	[tilespmem:$0x1C700] =	vst v63  }
0x2bb: {  	s0 =	simm.s32 $0x4600;
	s23 =	simm.s32 $0x8600  }
0x2bc: {  	[tilespmem:s0], [sflag:$0x3] =	stream.indirect.gather [hbm4b:s3+s29], $0x80, s18, s29, $0xb8;
	[tilespmem:$0x1C700] =	vst v63  }
.LBB2_15:
0x2bd: {  	s0 =	sor.u32 s21, s10  }
0x2be: {  	s0 =	sshrl.u32 s0, $0x3  }
0x2bf: {  	s0 =	sor.u32 $0x20, s0  }
0x2c0: {  	s4 =	sadd.s32 s7, s0  }
0x2c1: {  	[tilespmem:s6], [sflag:$0x2] =	stream.linear.gather [hbm4b:s4+s5], $0x100, $0x38;
	[tilespmem:$0x1C700] =	vst v63  }
0x2c2: {  	s4 =	sadd.s32 s8, s0  }
0x2c3: {  	[tilespmem:s1], [sflag:$0x2] =	stream.linear.gather [hbm4b:s4+s5], $0x100, $0x38;
	[tilespmem:$0x1C700] =	vst v63  }
0x2c4: {  	s0 =	sadd.s32 s9, s0  }
0x2c5: {  	[tilespmem:s22], [sflag:$0x2] =	stream.linear.gather [hbm4b:s0+s5], $0x100, $0x38;
	[tilespmem:$0x1C700] =	vst v63  }
0x2c6: {  	_ =	swait.ge [sflag:s2], $0x300  }
0x2c7: {  	p0 =	seq.s32 s24, $0x0;
	[sflag:s2] =	ssyncset.done $0x0  }
0x2c8: {  	s0 =	simm.s32 @!p0 $0x6;
	[sflag:s2] =	ssyncadd.s32 $0xFFFFFD00  }
0x2c9: {  	_ =	swait.ge @!p0 [sflag:s0], $0x8000  }
0x2ca: {  	s4 =	simm.s32 $0x7;
	[sflag:s0] =	ssyncset.done @!p0 $0x0  }
0x2cb: {  	v13 =	vmov s4;
	s4 =	simm.s32 $0x2;
	[sflag:s0] =	ssyncadd.s32 @!p0 $0xFFFF8000  }
0x2cc: {  	[tilespmem:s23], [sflag:$0x4] =	stream.indirect.gather [hbm4b:s3+s29], $0x80, s22, s29, $0xb8;
	[tilespmem:$0x1C700] =	vst v63  }
0x2cd: {  	v16 =	vmov s4;
	s23 =	simm.s32 $0x0  }
0x2ce: {  	s31 =	simm.s32 $0xC600;
	s4 =	simm.s32 $0x4;
	v16 =	vand.u32 $0xFFFFFFFA, v16;
	v12 =	vmov s23;
	s23 =	simm.s32 $0x580  }
0x2cf: {  	v18 =	vmov s4;
	v16 =	vbroadcast v16, $0x0;
	[tilespmem:s31], [sflag:$0x4] =	stream.indirect.gather [hbm4b:s3+s29], $0x80, s23, s29, $0xb8;
	[tilespmem:$0x1C700] =	vst v63  }
0x2d0: {  	v18 =	vand.u32 $0xFFFFFFFC, v18;
	s0 =	simm.s32 $0x6;
	_ =	swait.ge [sflag:s14], $0x8000  }
0x2d1: {  	v18 =	vbroadcast v18, $0x0;
	v14 =	vmov s0;
	[sflag:s14] =	ssyncset.done $0x0  }
0x2d2: {  	v14 =	vand.u32 $0xFFFFFFFE, v14;
	s23 =	simm.s32 $0x1;
	[sflag:s14] =	ssyncadd.s32 $0xFFFF8000  }
0x2d3: {  	v12 =	vand.u32 $0xFFFFFFF8, v12;
	v14 =	vbroadcast v14, $0x0;
	v15 =	vmov s23;
	v25 =	vld.idx.msk [tilespmem:v13+s5+$0x0], $0xffff  }
0x2d4: {  	v12 =	vbroadcast v12, $0x0;
	v15 =	vand.u32 $0xFFFFFFF9, v15;
	v13 =	vld.idx.msk [tilespmem:v13+s25+$0x0], $0xffff  }
0x2d5: {  	s23 =	simm.s32 $0x3;
	v15 =	vbroadcast v15, $0x0;
	v28 =	vld.idx.msk [tilespmem:v16+s5+$0x0], $0xffff  }
0x2d6: {  	v17 =	vmov s23;
	s23 =	simm.s32 $0x5;
	v16 =	vld.idx.msk [tilespmem:v16+s25+$0x0], $0xffff  }
0x2d7: {  	v17 =	vand.u32 $0xFFFFFFFB, v17;
	v19 =	vmov s23;
	v23 =	vld.idx.msk [tilespmem:v18+s25+$0x0], $0xffff  }
0x2d8: {  	v17 =	vbroadcast v17, $0x0;
	v19 =	vand.u32 $0xFFFFFFFD, v19;
	v18 =	vld.idx.msk [tilespmem:v18+s5+$0x0], $0xffff  }
0x2d9: {  	v19 =	vbroadcast v19, $0x0;
	v20 =	vld.idx.msk [tilespmem:v14+s25+$0x0], $0xffff  }
0x2da: {  	v26 =	vld.idx.msk [tilespmem:v12+s5+$0x0], $0xffff  }
0x2db: {  	v27 =	vld.idx.msk [tilespmem:v15+s5+$0x0], $0xffff  }
0x2dc: {  	v15 =	vld.idx.msk [tilespmem:v15+s25+$0x0], $0xffff  }
0x2dd: {  	v12 =	vld.idx.msk [tilespmem:v12+s25+$0x0], $0xffff;
	v22 =	vshll.u32 v16, $0x6  }
0x2de: {  	v21 =	vld.idx.msk [tilespmem:v17+s25+$0x0], $0xffff;
	v34 =	vor.u32 v0, v22;
	v29 =	vshll.u32 v20, $0x6  }
0x2df: {  	v23 =	vshll.u32 v23, $0x6;
	v30 =	vld.idx.msk [tilespmem:v19+s25+$0x0], $0xffff;
	v24 =	vor.u32 v0, v29  }
0x2e0: {  	v13 =	vshll.u32 v13, $0x6;
	v32 =	vld.idx.msk [tilespmem:v17+s5+$0x0], $0xffff;
	v37 =	vor.u32 v0, v23  }
0x2e1: {  	v31 =	vor.u32 v0, v13;
	v19 =	vld.idx.msk [tilespmem:v19+s5+$0x0], $0xffff;
	v20 =	vshll.u32 v15, $0x6  }
0x2e2: {  	v15 =	vld.idx.msk [tilespmem:v14+s5+$0x0], $0xffff;
	v14 =	vshll.u32 v12, $0x6;
	v12 =	vor.u32 v0, v20  }
0x2e3: {  	v33 =	vor.u32 v0, v14;
	v21 =	vshll.u32 v21, $0x6;
	v54 =	vld.idx.msk [tilespmem:v34+s15+$0x0], $0xffff  }
0x2e4: {  	v16 =	vcvt.s32.f32 v28;
	v36 =	vor.u32 v0, v21;
	v35 =	vld.idx.msk [tilespmem:v24+s15+$0x0], $0xffff;
	v24 =	vshll.u32 v30, $0x6  }
0x2e5: {  	v18 =	vcvt.s32.f32 v18;
	v25 =	vcvt.s32.f32 v25;
	v37 =	vld.idx.msk [tilespmem:v37+s15+$0x0], $0xffff;
	v38 =	vor.u32 v0, v24  }
0x2e6: {  	v41 =	vmul.f32 v16, v11;
	v62 =	vmul.f32 v16, v10;
	v30 =	vld.idx.msk [tilespmem:v31+s15+$0x0], $0xffff  }
0x2e7: {  	v46 =	vmul.f32 v18, v11;
	v48 =	vmul.f32 v18, v10;
	v53 =	vld.idx.msk [tilespmem:v12+s15+$0x0], $0xffff  }
0x2e8: {  	v17 =	vcvt.s32.f32 v27;
	v12 =	vcvt.s32.f32 v15;
	v27 =	vld.idx.msk [tilespmem:v33+s15+$0x0], $0xffff;
	v63 =	vunpack.i.l.bf16.f32 v54  }
0x2e9: {  	v39 =	vor.u32 v1, v29;
	v28 =	vunpack.i.u.bf16.f32 v54;
	v56 =	vld.idx.msk [tilespmem:v36+s15+$0x0], $0xffff;
	v43 =	vadd.f32 v63, v41  }
0x2ea: {  	s23 =	simm.s32 $0x9F0;
	v51 =	vunpack.i.l.bf16.f32 v37;
	v28 =	vadd.f32 v62, v28;
	v55 =	vmul.f32 v12, v11;
	v38 =	vld.idx.msk [tilespmem:v38+s15+$0x0], $0xffff  }
0x2eb: {  	v52 =	vadd.f32 v51, v46;
	v57 =	vunpack.i.l.bf16.f32 v35;
	v58 =	vmul.f32 v12, v10;
	[tilespmem:s23+$0xFFFFFD10] =	vst.add.f32.msk $0xffff, v43  }
0x2ec: {  	v15 =	vcvt.s32.f32 v32;
	v35 =	vunpack.i.u.bf16.f32 v35;
	[tilespmem:s23+$0xFFFFFD20] =	vst.add.f32.msk $0xffff, v28;
	v32 =	vadd.f32 v57, v55  }
0x2ed: {  	v59 =	vmul.f32 v17, v11;
	v19 =	vcvt.s32.f32 v19;
	[tilespmem:s23+$0xFFFFFE10] =	vst.add.f32.msk $0xffff, v52;
	v35 =	vadd.f32 v58, v35  }
0x2ee: {  	v40 =	vmul.f32 v17, v10;
	v50 =	vunpack.i.u.bf16.f32 v37;
	v60 =	vunpack.i.l.bf16.f32 v53;
	[tilespmem:s23+$0xFFFFFF10] =	vst.add.f32.msk $0xffff, v32  }
0x2ef: {  	v41 =	vmul.f32 v25, v10;
	v31 =	vunpack.i.u.bf16.f32 v53;
	v61 =	vadd.f32 v60, v59;
	[tilespmem:s23+$0xFFFFFF20] =	vst.add.f32.msk $0xffff, v35  }
0x2f0: {  	v42 =	vmul.f32 v15, v11;
	v44 =	vmul.f32 v15, v10;
	v31 =	vadd.f32 v40, v31;
	v39 =	vld.idx.msk [tilespmem:v39+s15+$0x0], $0xffff  }
0x2f1: {  	v43 =	vunpack.i.l.bf16.f32 v30;
	v47 =	vunpack.i.u.bf16.f32 v56;
	v32 =	vadd.f32 v48, v50;
	[tilespmem:s23+$0xFFFFFC90] =	vst.add.f32.msk $0xffff, v61  }
0x2f2: {  	v30 =	vunpack.i.u.bf16.f32 v30;
	v45 =	vunpack.i.l.bf16.f32 v56;
	v49 =	vadd.f32 v44, v47;
	[tilespmem:s23+$0xFFFFFCA0] =	vst.add.f32.msk $0xffff, v31  }
0x2f3: {  	v58 =	vmul.f32 v19, v11;
	v60 =	vmul.f32 v19, v10;
	v31 =	vadd.f32 v45, v42;
	[tilespmem:s23+$0xFFFFFE20] =	vst.add.f32.msk $0xffff, v32  }
0x2f4: {  	v50 =	vor.u32 v1, v21;
	v59 =	vunpack.i.l.bf16.f32 v38;
	v45 =	vadd.f32 v41, v30;
	[tilespmem:s23+$0xFFFFFDA0] =	vst.add.f32.msk $0xffff, v49  }
0x2f5: {  	v44 =	vor.u32 v1, v22;
	v63 =	vunpack.i.u.bf16.f32 v38;
	v32 =	vadd.f32 v59, v58;
	[tilespmem:s23+$0xFFFFFD90] =	vst.add.f32.msk $0xffff, v31  }
0x2f6: {  	v42 =	vor.u32 v1, v20;
	v34 =	vadd.f32 v60, v63;
	[tilespmem:s23+$0xFFFFFFA0] =	vst.add.f32.msk $0xffff, v45  }
0x2f7: {  	[tilespmem:s23+$0xFFFFFE90] =	vst.add.f32.msk $0xffff, v32  }
0x2f8: {  	v26 =	vcvt.s32.f32 v26;
	v53 =	vmul.f32 v12, v9;
	[tilespmem:s23+$0xFFFFFEA0] =	vst.add.f32.msk $0xffff, v34  }
0x2f9: {  	v55 =	vmul.f32 v12, v8;
	v56 =	vor.u32 v2, v29;
	v33 =	vld.idx.msk [tilespmem:v50+s15+$0x0], $0xffff;
	v54 =	vunpack.i.l.bf16.f32 v39  }
0x2fa: {  	v40 =	vmul.f32 v26, v10;
	v57 =	vunpack.i.u.bf16.f32 v39;
	v52 =	vld.idx.msk [tilespmem:v44+s15+$0x0], $0xffff;
	v28 =	vadd.f32 v54, v53  }
0x2fb: {  	v39 =	vunpack.i.l.bf16.f32 v27;
	v27 =	vunpack.i.u.bf16.f32 v27;
	v31 =	vadd.f32 v57, v55;
	v49 =	vld.idx.msk [tilespmem:v42+s15+$0x0], $0xffff  }
0x2fc: {  	v62 =	vmul.f32 v26, v11;
	v27 =	vadd.f32 v40, v27;
	[tilespmem:s23+$0xFFFFFF30] =	vst.add.f32.msk $0xffff, v28  }
0x2fd: {  	v61 =	vmul.f32 v25, v11;
	v53 =	vor.u32 v1, v23;
	[tilespmem:s23+$0xFFFFFF40] =	vst.add.f32.msk $0xffff, v31  }
0x2fe: {  	v54 =	vor.u32 v1, v24;
	v31 =	vadd.f32 v39, v62;
	[tilespmem:s23+$0xFFFFFC20] =	vst.add.f32.msk $0xffff, v27  }
0x2ff: {  	v28 =	vadd.f32 v43, v61;
	v35 =	vld.idx.msk [tilespmem:v56+s15+$0x0], $0xffff  }
0x300: {  	v46 =	vmul.f32 v12, v7;
	v60 =	vmul.f32 v16, v9;
	[tilespmem:s23+$0xFFFFFC10] =	vst.add.f32.msk $0xffff, v31  }
0x301: {  	v48 =	vmul.f32 v12, v6;
	v63 =	vmul.f32 v16, v8;
	[tilespmem:s23+$0xFFFFFF90] =	vst.add.f32.msk $0xffff, v28;
	v61 =	vunpack.i.l.bf16.f32 v52  }
0x302: {  	v58 =	vmul.f32 v17, v8;
	v30 =	vunpack.i.u.bf16.f32 v52;
	v31 =	vld.idx.msk [tilespmem:v53+s15+$0x0], $0xffff;
	v38 =	vadd.f32 v61, v60  }
0x303: {  	v57 =	vmul.f32 v17, v9;
	v34 =	vld.idx.msk [tilespmem:v54+s15+$0x0], $0xffff;
	v27 =	vunpack.i.u.bf16.f32 v49;
	v30 =	vadd.f32 v30, v63  }
0x304: {  	v55 =	vor.u32 v1, v14;
	v59 =	vunpack.i.l.bf16.f32 v49;
	v27 =	vadd.f32 v27, v58;
	[tilespmem:s23+$0xFFFFFD30] =	vst.add.f32.msk $0xffff, v38  }
0x305: {  	[tilespmem:s23+$0xFFFFFD40] =	vst.add.f32.msk $0xffff, v30;
	v47 =	vunpack.i.l.bf16.f32 v35;
	v51 =	vunpack.i.u.bf16.f32 v35;
	v35 =	vadd.f32 v59, v57  }
0x306: {  	v56 =	vor.u32 v1, v13;
	[tilespmem:s23+$0xFFFFFCC0] =	vst.add.f32.msk $0xffff, v27;
	v28 =	vadd.f32 v47, v46  }
0x307: {  	v63 =	vor.u32 v2, v20;
	v32 =	vadd.f32 v51, v48;
	[tilespmem:s23+$0xFFFFFCB0] =	vst.add.f32.msk $0xffff, v35  }
0x308: {  	v29 =	vor.u32 v3, v29;
	[tilespmem:s23+$0xFFFFFF50] =	vst.add.f32.msk $0xffff, v28  }
0x309: {  	[tilespmem:s23+$0xFFFFFF60] =	vst.add.f32.msk $0xffff, v32  }
0x30a: {  	v45 =	vmul.f32 v15, v9;
	v28 =	vld.idx.msk [tilespmem:v55+s15+$0x0], $0xffff  }
0x30b: {  	v36 =	vmul.f32 v25, v9;
	v47 =	vmul.f32 v15, v8;
	v48 =	vunpack.i.l.bf16.f32 v33;
	v32 =	vld.idx.msk [tilespmem:v56+s15+$0x0], $0xffff  }
0x30c: {  	v49 =	vmul.f32 v18, v9;
	v33 =	vunpack.i.u.bf16.f32 v33;
	v37 =	vadd.f32 v48, v45;
	v42 =	vld.idx.msk [tilespmem:v63+s15+$0x0], $0xffff  }
0x30d: {  	v50 =	vmul.f32 v18, v8;
	v51 =	vunpack.i.l.bf16.f32 v31;
	v33 =	vadd.f32 v33, v47;
	v29 =	vld.idx.msk [tilespmem:v29+s15+$0x0], $0xffff  }
0x30e: {  	v52 =	vmul.f32 v19, v9;
	v31 =	vunpack.i.u.bf16.f32 v31;
	v53 =	vadd.f32 v51, v49;
	[tilespmem:s23+$0xFFFFFDB0] =	vst.add.f32.msk $0xffff, v37  }
0x30f: {  	v54 =	vmul.f32 v19, v8;
	v55 =	vunpack.i.l.bf16.f32 v34;
	v27 =	vadd.f32 v31, v50;
	[tilespmem:s23+$0xFFFFFDC0] =	vst.add.f32.msk $0xffff, v33  }
0x310: {  	v57 =	vunpack.i.u.bf16.f32 v34;
	v56 =	vmul.f32 v26, v9;
	v30 =	vadd.f32 v55, v52;
	[tilespmem:s23+$0xFFFFFE30] =	vst.add.f32.msk $0xffff, v53  }
0x311: {  	v58 =	vmul.f32 v26, v8;
	v33 =	vadd.f32 v57, v54;
	[tilespmem:s23+$0xFFFFFE40] =	vst.add.f32.msk $0xffff, v27;
	v59 =	vunpack.i.l.bf16.f32 v28  }
0x312: {  	v37 =	vor.u32 v2, v22;
	[tilespmem:s23+$0xFFFFFEB0] =	vst.add.f32.msk $0xffff, v30;
	v60 =	vunpack.i.u.bf16.f32 v28;
	v31 =	vadd.f32 v59, v56  }
0x313: {  	v38 =	vor.u32 v2, v21;
	[tilespmem:s23+$0xFFFFFEC0] =	vst.add.f32.msk $0xffff, v33;
	v61 =	vunpack.i.l.bf16.f32 v32;
	v27 =	vadd.f32 v60, v58  }
0x314: {  	v40 =	vor.u32 v2, v24;
	v28 =	vadd.f32 v61, v36;
	[tilespmem:s23+$0xFFFFFC30] =	vst.add.f32.msk $0xffff, v31  }
0x315: {  	[tilespmem:s23+$0xFFFFFC40] =	vst.add.f32.msk $0xffff, v27  }
0x316: {  	v62 =	vmul.f32 v12, v4;
	v39 =	vor.u32 v2, v23;
	[tilespmem:s23+$0xFFFFFFB0] =	vst.add.f32.msk $0xffff, v28  }
0x317: {  	s4 =	simm.s32 $0xF;
	v44 =	vunpack.i.u.bf16.f32 v29;
	v31 =	vld.idx.msk [tilespmem:v37+s15+$0x0], $0xffff  }
0x318: {  	v12 =	vmul.f32 v12, v5;
	v35 =	vmov s4;
	v46 =	vadd.f32 v44, v62;
	v27 =	vld.idx.msk [tilespmem:v38+s15+$0x0], $0xffff  }
0x319: {  	v29 =	vunpack.i.l.bf16.f32 v29;
	v62 =	vmul.f32 v25, v8;
	v28 =	vld.idx.msk [tilespmem:v40+s15+$0x0], $0xffff  }
0x31a: {  	v41 =	vor.u32 v2, v14;
	v32 =	vunpack.i.u.bf16.f32 v32;
	v12 =	vadd.f32 v29, v12;
	[tilespmem:s23+$0xFFFFFF80] =	vst.add.f32.msk $0xffff, v46  }
0x31b: {  	v30 =	vadd.f32 v32, v62;
	v32 =	vld.idx.msk [tilespmem:v39+s15+$0x0], $0xffff  }
0x31c: {  	v43 =	vor.u32 v2, v13;
	v44 =	vmul.f32 v17, v7;
	[tilespmem:s23+$0xFFFFFF70] =	vst.add.f32.msk $0xffff, v12  }
0x31d: {  	v47 =	vunpack.i.l.bf16.f32 v42;
	v12 =	vld.idx.msk [tilespmem:v35+s5+$0x0], $0xffff  }
0x31e: {  	v20 =	vor.u32 v3, v20;
	v46 =	vmul.f32 v17, v6;
	v29 =	vadd.f32 v47, v44;
	[tilespmem:s23+$0xFFFFFFC0] =	vst.add.f32.msk $0xffff, v30  }
0x31f: {  	v33 =	vunpack.i.u.bf16.f32 v42;
	v30 =	vld.idx.msk [tilespmem:v41+s15+$0x0], $0xffff  }
0x320: {  	v21 =	vor.u32 v3, v21;
	v48 =	vmul.f32 v16, v7;
	v33 =	vadd.f32 v33, v46;
	[tilespmem:s23+$0xFFFFFCD0] =	vst.add.f32.msk $0xffff, v29  }
0x321: {  	v49 =	vmul.f32 v16, v6;
	v51 =	vmul.f32 v15, v7;
	v34 =	vld.idx.msk [tilespmem:v43+s15+$0x0], $0xffff;
	v50 =	vunpack.i.l.bf16.f32 v31  }
0x322: {  	v55 =	vmul.f32 v18, v7;
	v31 =	vunpack.i.u.bf16.f32 v31;
	[tilespmem:s23+$0xFFFFFCE0] =	vst.add.f32.msk $0xffff, v33;
	v52 =	vadd.f32 v50, v48  }
0x323: {  	v53 =	vmul.f32 v15, v6;
	v54 =	vunpack.i.l.bf16.f32 v27;
	v31 =	vadd.f32 v31, v49;
	v20 =	vld.idx.msk [tilespmem:v20+s15+$0x0], $0xffff  }
0x324: {  	v61 =	vmul.f32 v19, v6;
	v27 =	vunpack.i.u.bf16.f32 v27;
	v56 =	vadd.f32 v54, v51;
	[tilespmem:s23+$0xFFFFFD50] =	vst.add.f32.msk $0xffff, v52  }
0x325: {  	v62 =	vunpack.i.l.bf16.f32 v28;
	v28 =	vunpack.i.u.bf16.f32 v28;
	v27 =	vadd.f32 v27, v53;
	[tilespmem:s23+$0xFFFFFD60] =	vst.add.f32.msk $0xffff, v31  }
0x326: {  	v57 =	vmul.f32 v18, v6;
	v58 =	vunpack.i.l.bf16.f32 v32;
	v28 =	vadd.f32 v28, v61;
	[tilespmem:s23+$0xFFFFFDD0] =	vst.add.f32.msk $0xffff, v56  }
0x327: {  	v32 =	vunpack.i.u.bf16.f32 v32;
	v60 =	vadd.f32 v58, v55;
	[tilespmem:s23+$0xFFFFFDE0] =	vst.add.f32.msk $0xffff, v27  }
0x328: {  	v23 =	vor.u32 v3, v23;
	v59 =	vmul.f32 v19, v7;
	v32 =	vadd.f32 v32, v57;
	[tilespmem:s23+$0xFFFFFEE0] =	vst.add.f32.msk $0xffff, v28  }
0x329: {  	[tilespmem:s23+$0xFFFFFE50] =	vst.add.f32.msk $0xffff, v60  }
0x32a: {  	v63 =	vmul.f32 v26, v7;
	v31 =	vadd.f32 v62, v59;
	[tilespmem:s23+$0xFFFFFE60] =	vst.add.f32.msk $0xffff, v32  }
0x32b: {  	v41 =	vmul.f32 v26, v6;
	v46 =	vor.u32 v3, v22;
	v40 =	vunpack.i.l.bf16.f32 v30;
	v21 =	vld.idx.msk [tilespmem:v21+s15+$0x0], $0xffff  }
0x32c: {  	v24 =	vor.u32 v3, v24;
	v30 =	vunpack.i.u.bf16.f32 v30;
	v27 =	vadd.f32 v40, v63;
	[tilespmem:s23+$0xFFFFFED0] =	vst.add.f32.msk $0xffff, v31  }
0x32d: {  	v30 =	vadd.f32 v30, v41;
	v23 =	vld.idx.msk [tilespmem:v23+s15+$0x0], $0xffff  }
0x32e: {  	v14 =	vor.u32 v3, v14;
	v13 =	vor.u32 v3, v13;
	v45 =	vmul.f32 v25, v7;
	[tilespmem:s23+$0xFFFFFC50] =	vst.add.f32.msk $0xffff, v27  }
0x32f: {  	v43 =	vmul.f32 v25, v6;
	v48 =	vmul.f32 v25, v5;
	v42 =	vunpack.i.l.bf16.f32 v34;
	[tilespmem:s23+$0xFFFFFC60] =	vst.add.f32.msk $0xffff, v30  }
0x330: {  	v49 =	vmul.f32 v26, v5;
	v44 =	vunpack.i.u.bf16.f32 v34;
	v45 =	vadd.f32 v42, v45;
	v27 =	vld.idx.msk [tilespmem:v46+s15+$0x0], $0xffff  }
0x331: {  	s4 =	simm.s32 $0x8;
	v50 =	vmul.f32 v17, v5;
	v17 =	vmul.f32 v17, v4;
	v22 =	vadd.f32 v44, v43;
	v24 =	vld.idx.msk [tilespmem:v24+s15+$0x0], $0xffff  }
0x332: {  	v47 =	vmov s4;
	v51 =	vmul.f32 v16, v5;
	v16 =	vmul.f32 v16, v4;
	[tilespmem:s23+$0xFFFFFFD0] =	vst.add.f32.msk $0xffff, v45  }
0x333: {  	v53 =	vmul.f32 v18, v5;
	v18 =	vmul.f32 v18, v4;
	v28 =	vand.u32 $0xFFFFFFF8, v47;
	[tilespmem:s23+$0xFFFFFFE0] =	vst.add.f32.msk $0xffff, v22  }
0x334: {  	v52 =	vmul.f32 v15, v5;
	v15 =	vmul.f32 v15, v4;
	v56 =	vunpack.i.u.bf16.f32 v20;
	v54 =	vld.idx.msk [tilespmem:v14+s15+$0x0], $0xffff  }
0x335: {  	v22 =	vbroadcast v28, $0x0;
	v14 =	vunpack.i.l.bf16.f32 v20;
	v17 =	vadd.f32 v56, v17;
	v20 =	vld.idx.msk [tilespmem:v13+s15+$0x0], $0xffff  }
0x336: {  	v13 =	vld.idx.msk [tilespmem:v35+s25+$0x0], $0xffff;
	v30 =	vadd.f32 v14, v50;
	v58 =	vunpack.i.u.bf16.f32 v21;
	v21 =	vunpack.i.l.bf16.f32 v21  }
0x337: {  	s0 =	simm.s32 $0xE;
	v55 =	vmul.f32 v19, v5;
	v19 =	vmul.f32 v19, v4;
	[tilespmem:s23+$0xFFFFFD00] =	vst.add.f32.msk $0xffff, v17;
	v21 =	vadd.f32 v21, v52  }
0x338: {  	v63 =	vmov s0;
	[tilespmem:s23+$0xFFFFFCF0] =	vst.add.f32.msk $0xffff, v30;
	v59 =	vunpack.i.u.bf16.f32 v23;
	v15 =	vadd.f32 v58, v15  }
0x339: {  	v23 =	vunpack.i.l.bf16.f32 v23;
	v57 =	vunpack.i.u.bf16.f32 v27;
	v27 =	vunpack.i.l.bf16.f32 v27;
	[tilespmem:s23+$0xFFFFFDF0] =	vst.add.f32.msk $0xffff, v21  }
0x33a: {  	v17 =	vunpack.i.u.bf16.f32 v24;
	v24 =	vunpack.i.l.bf16.f32 v24;
	v18 =	vadd.f32 v59, v18;
	[tilespmem:s23+$0xFFFFFE00] =	vst.add.f32.msk $0xffff, v15  }
0x33b: {  	v27 =	vadd.f32 v27, v51;
	v16 =	vadd.f32 v57, v16;
	v60 =	vunpack.i.u.bf16.f32 v54;
	v14 =	vld.idx.msk [tilespmem:v22+s5+$0x0], $0xffff  }
0x33c: {  	v61 =	vunpack.i.l.bf16.f32 v54;
	v21 =	vadd.f32 v23, v53;
	v23 =	vmul.f32 v26, v4;
	[tilespmem:s23+$0xFFFFFE80] =	vst.add.f32.msk $0xffff, v18  }
0x33d: {  	v24 =	vadd.f32 v24, v55;
	v19 =	vadd.f32 v17, v19;
	v15 =	vmul.f32 v25, v4;
	[tilespmem:s23+$0xFFFFFD70] =	vst.add.f32.msk $0xffff, v27  }
0x33e: {  	v62 =	vunpack.i.l.bf16.f32 v20;
	[tilespmem:s23+$0xFFFFFD80] =	vst.add.f32.msk $0xffff, v16;
	v16 =	vunpack.i.u.bf16.f32 v20;
	v20 =	vadd.f32 v61, v49  }
0x33f: {  	s0 =	simm.s32 $0x9;
	[tilespmem:s23+$0xFFFFFE70] =	vst.add.f32.msk $0xffff, v21;
	v17 =	vadd.f32 v60, v23;
	v23 =	vand.u32 $0xFFFFFFFE, v63;
	v18 =	vadd.f32 v62, v48  }
0x340: {  	s31 =	simm.s32 $0x10;
	v21 =	vmov s0;
	[tilespmem:s23+$0xFFFFFEF0] =	vst.add.f32.msk $0xffff, v24;
	v16 =	vadd.f32 v16, v15;
	v15 =	vbroadcast v23, $0x0  }
.LBB2_16:
0x341: {  	p0 =	slt.u32 s31, $0xF8;
	v21 =	vand.u32 $0xFFFFFFF9, v21;
	s0 =	sadd.s32 $0x2, s4;
	[tilespmem:s23+$0xFFFFFF00] =	vst.add.f32.msk $0xffff, v19  }
0x342: {  	v19 =	vbroadcast v21, $0x0;
	v21 =	vmov s0;
	[tilespmem:s23+$0xFFFFFC70] =	vst.add.f32.msk $0xffff, v20  }
0x343: {  	s0 =	sadd.s32 $0x3, s4;
	v20 =	vand.u32 $0xFFFFFFFA, v21;
	[tilespmem:s23+$0xFFFFFC80] =	vst.add.f32.msk $0xffff, v17  }
0x344: {  	v17 =	vbroadcast v20, $0x0;
	v20 =	vmov s0;
	s0 =	sadd.s32 $0x4, s4;
	[tilespmem:s23+$0xFFFFFFF0] =	vst.add.f32.msk $0xffff, v18  }
0x345: {  	v18 =	vand.u32 $0xFFFFFFFB, v20;
	v20 =	vmov s0;
	s0 =	sadd.s32 $0x5, s4;
	[tilespmem:s23+$0x0] =	vst.add.f32.msk $0xffff, v16;
	s4 =	smov.u32 s31  }
0x346: {  	v16 =	vbroadcast v18, $0x0;
	v18 =	vand.u32 $0xFFFFFFFC, v20;
	v20 =	vmov s0;
	v21 =	vld.idx.msk [tilespmem:v15+s25+$0x0], $0xffff  }
0x347: {  	v22 =	vld.idx.msk [tilespmem:v22+s25+$0x0], $0xffff;
	v18 =	vbroadcast v18, $0x0;
	v20 =	vand.u32 $0xFFFFFFFD, v20  }
0x348: {  	v26 =	vld.idx.msk [tilespmem:v19+s5+$0x0], $0xffff;
	v20 =	vbroadcast v20, $0x0  }
0x349: {  	v19 =	vld.idx.msk [tilespmem:v19+s25+$0x0], $0xffff  }
0x34a: {  	v27 =	vld.idx.msk [tilespmem:v17+s5+$0x0], $0xffff  }
0x34b: {  	v17 =	vld.idx.msk [tilespmem:v17+s25+$0x0], $0xffff  }
0x34c: {  	v30 =	vshll.u32 v21, $0x6;
	v23 =	vld.idx.msk [tilespmem:v16+s25+$0x0], $0xffff  }
0x34d: {  	v24 =	vor.u32 v0, v30;
	v21 =	vld.idx.msk [tilespmem:v18+s25+$0x0], $0xffff  }
0x34e: {  	v13 =	vshll.u32 v13, $0x6;
	v25 =	vld.idx.msk [tilespmem:v20+s25+$0x0], $0xffff  }
0x34f: {  	v29 =	vor.u32 v0, v13;
	v19 =	vshll.u32 v19, $0x6;
	v28 =	vld.idx.msk [tilespmem:v15+s5+$0x0], $0xffff  }
0x350: {  	v15 =	vshll.u32 v22, $0x6;
	v31 =	vor.u32 v0, v19;
	v16 =	vld.idx.msk [tilespmem:v16+s5+$0x0], $0xffff  }
0x351: {  	v32 =	vor.u32 v0, v15;
	v22 =	vshll.u32 v17, $0x6;
	v33 =	vld.idx.msk [tilespmem:v18+s5+$0x0], $0xffff  }
0x352: {  	v34 =	vor.u32 v0, v22;
	v23 =	vshll.u32 v23, $0x6;
	v35 =	vld.idx.msk [tilespmem:v24+s15+$0x0], $0xffff  }
0x353: {  	v36 =	vor.u32 v0, v23;
	v24 =	vshll.u32 v21, $0x6;
	v21 =	vld.idx.msk [tilespmem:v20+s5+$0x0], $0xffff  }
0x354: {  	v37 =	vor.u32 v0, v24;
	v25 =	vshll.u32 v25, $0x6;
	v38 =	vld.idx.msk [tilespmem:v29+s15+$0x0], $0xffff  }
0x355: {  	v17 =	vcvt.s32.f32 v26;
	v29 =	vcvt.s32.f32 v28;
	v26 =	vld.idx.msk [tilespmem:v31+s15+$0x0], $0xffff;
	v31 =	vor.u32 v0, v25  }
0x356: {  	v18 =	vcvt.s32.f32 v27;
	v16 =	vcvt.s32.f32 v16;
	v32 =	vld.idx.msk [tilespmem:v32+s15+$0x0], $0xffff  }
0x357: {  	v28 =	vmul.f32 v29, v5;
	v27 =	vld.idx.msk [tilespmem:v34+s15+$0x0], $0xffff;
	v34 =	vmul.f32 v29, v11  }
0x358: {  	v41 =	vor.u32 v1, v30;
	v40 =	vmul.f32 v29, v10;
	v39 =	vunpack.i.l.bf16.f32 v35;
	v36 =	vld.idx.msk [tilespmem:v36+s15+$0x0], $0xffff  }
0x359: {  	v20 =	vcvt.s32.f32 v33;
	v35 =	vunpack.i.u.bf16.f32 v35;
	v33 =	vld.idx.msk [tilespmem:v37+s15+$0x0], $0xffff;
	v34 =	vadd.f32 v39, v34  }
0x35a: {  	s23 =	sadd.s32 $0x400, s23;
	v21 =	vcvt.s32.f32 v21;
	v35 =	vadd.f32 v40, v35;
	v37 =	vmul.f32 v17, v11;
	v31 =	vld.idx.msk [tilespmem:v31+s15+$0x0], $0xffff  }
0x35b: {  	v42 =	vmul.f32 v18, v11;
	v40 =	vmul.f32 v17, v10;
	v39 =	vunpack.i.l.bf16.f32 v26;
	[tilespmem:s23+$0xFFFFFF10] =	vst.add.f32.msk $0xffff, v34  }
0x35c: {  	v26 =	vunpack.i.u.bf16.f32 v26;
	v34 =	vadd.f32 v39, v37;
	v37 =	vmul.f32 v18, v10;
	[tilespmem:s23+$0xFFFFFF20] =	vst.add.f32.msk $0xffff, v35  }
0x35d: {  	v26 =	vadd.f32 v40, v26;
	v39 =	vmul.f32 v16, v11;
	v35 =	vunpack.i.l.bf16.f32 v27;
	v40 =	vld.idx.msk [tilespmem:v41+s15+$0x0], $0xffff  }
0x35e: {  	v27 =	vunpack.i.u.bf16.f32 v27;
	[tilespmem:s23+$0xFFFFFC90] =	vst.add.f32.msk $0xffff, v34;
	v34 =	vadd.f32 v35, v42;
	v35 =	vmul.f32 v16, v10  }
0x35f: {  	[tilespmem:s23+$0xFFFFFCA0] =	vst.add.f32.msk $0xffff, v26;
	v26 =	vadd.f32 v37, v27;
	v27 =	vunpack.i.l.bf16.f32 v36;
	v37 =	vmul.f32 v20, v11  }
0x360: {  	[tilespmem:s23+$0xFFFFFD10] =	vst.add.f32.msk $0xffff, v34;
	v34 =	vunpack.i.u.bf16.f32 v36;
	v27 =	vadd.f32 v27, v39;
	v36 =	vmul.f32 v20, v10  }
0x361: {  	[tilespmem:s23+$0xFFFFFD20] =	vst.add.f32.msk $0xffff, v26;
	v26 =	vadd.f32 v35, v34;
	v34 =	vunpack.i.u.bf16.f32 v33;
	v33 =	vunpack.i.l.bf16.f32 v33  }
0x362: {  	[tilespmem:s23+$0xFFFFFD90] =	vst.add.f32.msk $0xffff, v27;
	v27 =	vadd.f32 v33, v37;
	v33 =	vadd.f32 v36, v34;
	v34 =	vmul.f32 v29, v9  }
0x363: {  	v35 =	vmul.f32 v29, v8;
	v36 =	vor.u32 v2, v30;
	[tilespmem:s23+$0xFFFFFDA0] =	vst.add.f32.msk $0xffff, v26;
	v26 =	vunpack.i.l.bf16.f32 v40  }
0x364: {  	v37 =	vunpack.i.u.bf16.f32 v40;
	[tilespmem:s23+$0xFFFFFE10] =	vst.add.f32.msk $0xffff, v27;
	v34 =	vadd.f32 v26, v34;
	v26 =	vcvt.s32.f32 v12  }
0x365: {  	v27 =	vcvt.s32.f32 v14;
	v12 =	vmul.f32 v21, v11;
	v14 =	vadd.f32 v37, v35;
	[tilespmem:s23+$0xFFFFFE20] =	vst.add.f32.msk $0xffff, v33  }
0x366: {  	v35 =	vmul.f32 v21, v10;
	v33 =	vunpack.i.l.bf16.f32 v31;
	[tilespmem:s23+$0xFFFFFF30] =	vst.add.f32.msk $0xffff, v34;
	v34 =	vmul.f32 v26, v11  }
0x367: {  	v31 =	vunpack.i.u.bf16.f32 v31;
	v37 =	vmul.f32 v27, v11;
	v12 =	vadd.f32 v33, v12;
	[tilespmem:s23+$0xFFFFFF40] =	vst.add.f32.msk $0xffff, v14  }
0x368: {  	v33 =	vmul.f32 v27, v10;
	v31 =	vadd.f32 v35, v31;
	v14 =	vunpack.i.l.bf16.f32 v32;
	v35 =	vld.idx.msk [tilespmem:v36+s15+$0x0], $0xffff  }
0x369: {  	v32 =	vunpack.i.u.bf16.f32 v32;
	v14 =	vadd.f32 v14, v37;
	[tilespmem:s23+$0xFFFFFE90] =	vst.add.f32.msk $0xffff, v12;
	v12 =	vmul.f32 v26, v10  }
0x36a: {  	v32 =	vadd.f32 v33, v32;
	v33 =	vor.u32 v1, v19;
	[tilespmem:s23+$0xFFFFFEA0] =	vst.add.f32.msk $0xffff, v31;
	v31 =	vunpack.i.l.bf16.f32 v38  }
0x36b: {  	v36 =	vunpack.i.u.bf16.f32 v38;
	[tilespmem:s23+$0xFFFFFC10] =	vst.add.f32.msk $0xffff, v14;
	v14 =	vor.u32 v1, v22;
	v31 =	vadd.f32 v31, v34  }
0x36c: {  	v12 =	vadd.f32 v12, v36;
	[tilespmem:s23+$0xFFFFFC20] =	vst.add.f32.msk $0xffff, v32  }
0x36d: {  	v32 =	vmul.f32 v29, v7;
	[tilespmem:s23+$0xFFFFFF90] =	vst.add.f32.msk $0xffff, v31  }
0x36e: {  	v30 =	vor.u32 v3, v30;
	v34 =	vmul.f32 v29, v6;
	v31 =	vunpack.i.l.bf16.f32 v35;
	[tilespmem:s23+$0xFFFFFFA0] =	vst.add.f32.msk $0xffff, v12  }
0x36f: {  	v35 =	vunpack.i.u.bf16.f32 v35;
	v31 =	vadd.f32 v31, v32;
	v12 =	vld.idx.msk [tilespmem:v33+s15+$0x0], $0xffff;
	v33 =	vor.u32 v1, v23  }
0x370: {  	v32 =	vor.u32 v1, v24;
	v34 =	vadd.f32 v35, v34;
	v35 =	vmul.f32 v26, v9;
	v14 =	vld.idx.msk [tilespmem:v14+s15+$0x0], $0xffff  }
0x371: {  	v37 =	vmul.f32 v27, v8;
	v38 =	vor.u32 v1, v25;
	v36 =	vmul.f32 v27, v9;
	[tilespmem:s23+$0xFFFFFF50] =	vst.add.f32.msk $0xffff, v31  }
0x372: {  	v39 =	vmul.f32 v17, v9;
	v40 =	vmul.f32 v17, v8;
	v31 =	vor.u32 v1, v15;
	[tilespmem:s23+$0xFFFFFF60] =	vst.add.f32.msk $0xffff, v34  }
0x373: {  	v41 =	vmul.f32 v18, v8;
	v42 =	vor.u32 v1, v13;
	v34 =	vmul.f32 v18, v9;
	v30 =	vld.idx.msk [tilespmem:v30+s15+$0x0], $0xffff  }
0x374: {  	v43 =	vmul.f32 v16, v9;
	v44 =	vmul.f32 v16, v8;
	v33 =	vld.idx.msk [tilespmem:v33+s15+$0x0], $0xffff  }
0x375: {  	v46 =	vmul.f32 v20, v9;
	v45 =	vunpack.i.u.bf16.f32 v12;
	v12 =	vunpack.i.l.bf16.f32 v12;
	v32 =	vld.idx.msk [tilespmem:v32+s15+$0x0], $0xffff  }
0x376: {  	v12 =	vadd.f32 v12, v39;
	v39 =	vunpack.i.u.bf16.f32 v14;
	v14 =	vunpack.i.l.bf16.f32 v14;
	v38 =	vld.idx.msk [tilespmem:v38+s15+$0x0], $0xffff  }
0x377: {  	v40 =	vadd.f32 v45, v40;
	v14 =	vadd.f32 v14, v34;
	v34 =	vmul.f32 v20, v8;
	v31 =	vld.idx.msk [tilespmem:v31+s15+$0x0], $0xffff  }
0x378: {  	v29 =	vmul.f32 v29, v4;
	v39 =	vadd.f32 v39, v41;
	v41 =	vmul.f32 v21, v9;
	v42 =	vld.idx.msk [tilespmem:v42+s15+$0x0], $0xffff  }
0x379: {  	v45 =	vunpack.i.u.bf16.f32 v30;
	v30 =	vunpack.i.l.bf16.f32 v30;
	[tilespmem:s23+$0xFFFFFCB0] =	vst.add.f32.msk $0xffff, v12;
	v12 =	vmul.f32 v21, v8  }
0x37a: {  	v29 =	vadd.f32 v45, v29;
	[tilespmem:s23+$0xFFFFFCC0] =	vst.add.f32.msk $0xffff, v40;
	v40 =	vunpack.i.u.bf16.f32 v33;
	v33 =	vunpack.i.l.bf16.f32 v33  }
0x37b: {  	[tilespmem:s23+$0xFFFFFD30] =	vst.add.f32.msk $0xffff, v14;
	v14 =	vadd.f32 v33, v43;
	v33 =	vunpack.i.u.bf16.f32 v32;
	v32 =	vunpack.i.l.bf16.f32 v32  }
0x37c: {  	v40 =	vadd.f32 v40, v44;
	v43 =	vunpack.i.u.bf16.f32 v38;
	v38 =	vunpack.i.l.bf16.f32 v38;
	[tilespmem:s23+$0xFFFFFF80] =	vst.add.f32.msk $0xffff, v29  }
0x37d: {  	v29 =	vunpack.i.u.bf16.f32 v31;
	v31 =	vunpack.i.l.bf16.f32 v31;
	v32 =	vadd.f32 v32, v46;
	[tilespmem:s23+$0xFFFFFD40] =	vst.add.f32.msk $0xffff, v39  }
0x37e: {  	[tilespmem:s23+$0xFFFFFDB0] =	vst.add.f32.msk $0xffff, v14;
	v14 =	vadd.f32 v33, v34;
	v33 =	vunpack.i.u.bf16.f32 v42;
	v34 =	vunpack.i.l.bf16.f32 v42  }
0x37f: {  	v38 =	vadd.f32 v38, v41;
	v12 =	vadd.f32 v43, v12;
	v39 =	vmul.f32 v26, v8;
	[tilespmem:s23+$0xFFFFFDC0] =	vst.add.f32.msk $0xffff, v40  }
0x380: {  	v31 =	vadd.f32 v31, v36;
	v29 =	vadd.f32 v29, v37;
	[tilespmem:s23+$0xFFFFFE30] =	vst.add.f32.msk $0xffff, v32  }
0x381: {  	v32 =	vadd.f32 v33, v39;
	[tilespmem:s23+$0xFFFFFE40] =	vst.add.f32.msk $0xffff, v14;
	v14 =	vadd.f32 v34, v35  }
0x382: {  	v28 =	vadd.f32 v30, v28;
	[tilespmem:s23+$0xFFFFFEB0] =	vst.add.f32.msk $0xffff, v38  }
0x383: {  	v30 =	vor.u32 v2, v19;
	[tilespmem:s23+$0xFFFFFEC0] =	vst.add.f32.msk $0xffff, v12  }
0x384: {  	v12 =	vor.u32 v2, v22;
	[tilespmem:s23+$0xFFFFFC30] =	vst.add.f32.msk $0xffff, v31  }
0x385: {  	[tilespmem:s23+$0xFFFFFC40] =	vst.add.f32.msk $0xffff, v29;
	v29 =	vor.u32 v2, v23  }
0x386: {  	v31 =	vor.u32 v2, v24;
	[tilespmem:s23+$0xFFFFFFB0] =	vst.add.f32.msk $0xffff, v14  }
0x387: {  	v14 =	vor.u32 v2, v25;
	[tilespmem:s23+$0xFFFFFFC0] =	vst.add.f32.msk $0xffff, v32  }
0x388: {  	v33 =	vmul.f32 v26, v7;
	v32 =	vor.u32 v2, v15;
	v30 =	vld.idx.msk [tilespmem:v30+s15+$0x0], $0xffff  }
0x389: {  	v36 =	vor.u32 v2, v13;
	v34 =	vmul.f32 v27, v7;
	v35 =	vmul.f32 v17, v7;
	v12 =	vld.idx.msk [tilespmem:v12+s15+$0x0], $0xffff  }
0x38a: {  	s0 =	sadd.s32 $0x7, s31;
	v37 =	vmul.f32 v17, v6;
	v38 =	vmul.f32 v18, v7;
	v29 =	vld.idx.msk [tilespmem:v29+s15+$0x0], $0xffff  }
0x38b: {  	v41 =	vmul.f32 v16, v7;
	v40 =	vmul.f32 v18, v6;
	v39 =	vmov s0;
	v31 =	vld.idx.msk [tilespmem:v31+s15+$0x0], $0xffff  }
0x38c: {  	v43 =	vmul.f32 v20, v7;
	v42 =	vmul.f32 v16, v6;
	v14 =	vld.idx.msk [tilespmem:v14+s15+$0x0], $0xffff  }
0x38d: {  	v45 =	vmul.f32 v21, v7;
	v44 =	vmul.f32 v20, v6;
	v32 =	vld.idx.msk [tilespmem:v32+s15+$0x0], $0xffff  }
0x38e: {  	v47 =	vmul.f32 v21, v6;
	v46 =	vunpack.i.u.bf16.f32 v30;
	v30 =	vunpack.i.l.bf16.f32 v30;
	v36 =	vld.idx.msk [tilespmem:v36+s15+$0x0], $0xffff  }
0x38f: {  	v30 =	vadd.f32 v30, v35;
	v35 =	vunpack.i.u.bf16.f32 v12;
	v48 =	vunpack.i.l.bf16.f32 v12;
	[tilespmem:s23+$0xFFFFFF70] =	vst.add.f32.msk $0xffff, v28  }
0x390: {  	v28 =	vadd.f32 v46, v37;
	v37 =	vunpack.i.u.bf16.f32 v29;
	v29 =	vunpack.i.l.bf16.f32 v29;
	v12 =	vld.idx.msk [tilespmem:v39+s5+$0x0], $0xffff  }
0x391: {  	[tilespmem:s23+$0xFFFFFCD0] =	vst.add.f32.msk $0xffff, v30;
	v30 =	vadd.f32 v48, v38;
	v38 =	vunpack.i.u.bf16.f32 v31;
	v31 =	vunpack.i.l.bf16.f32 v31  }
0x392: {  	[tilespmem:s23+$0xFFFFFCE0] =	vst.add.f32.msk $0xffff, v28;
	v28 =	vadd.f32 v35, v40;
	v35 =	vunpack.i.u.bf16.f32 v14;
	v14 =	vunpack.i.l.bf16.f32 v14  }
0x393: {  	v29 =	vadd.f32 v29, v41;
	v40 =	vunpack.i.u.bf16.f32 v32;
	v32 =	vunpack.i.l.bf16.f32 v32;
	[tilespmem:s23+$0xFFFFFD50] =	vst.add.f32.msk $0xffff, v30  }
0x394: {  	v30 =	vunpack.i.u.bf16.f32 v36;
	v36 =	vunpack.i.l.bf16.f32 v36;
	[tilespmem:s23+$0xFFFFFD60] =	vst.add.f32.msk $0xffff, v28;
	v28 =	vadd.f32 v37, v42  }
0x395: {  	v37 =	vmul.f32 v27, v6;
	[tilespmem:s23+$0xFFFFFDD0] =	vst.add.f32.msk $0xffff, v29;
	v29 =	vadd.f32 v31, v43;
	v31 =	vadd.f32 v38, v44  }
0x396: {  	v14 =	vadd.f32 v14, v45;
	[tilespmem:s23+$0xFFFFFDE0] =	vst.add.f32.msk $0xffff, v28;
	v28 =	vadd.f32 v35, v47;
	v35 =	vmul.f32 v26, v6  }
0x397: {  	v32 =	vadd.f32 v32, v34;
	v34 =	vadd.f32 v40, v37;
	[tilespmem:s23+$0xFFFFFE50] =	vst.add.f32.msk $0xffff, v29  }
0x398: {  	v29 =	vadd.f32 v36, v33;
	[tilespmem:s23+$0xFFFFFE60] =	vst.add.f32.msk $0xffff, v31;
	v30 =	vadd.f32 v30, v35  }
0x399: {  	[tilespmem:s23+$0xFFFFFED0] =	vst.add.f32.msk $0xffff, v14  }
0x39a: {  	v14 =	vor.u32 v3, v19;
	[tilespmem:s23+$0xFFFFFEE0] =	vst.add.f32.msk $0xffff, v28  }
0x39b: {  	v19 =	vor.u32 v3, v22;
	[tilespmem:s23+$0xFFFFFC50] =	vst.add.f32.msk $0xffff, v32  }
0x39c: {  	v23 =	vor.u32 v3, v23;
	[tilespmem:s23+$0xFFFFFC60] =	vst.add.f32.msk $0xffff, v34  }
0x39d: {  	v24 =	vor.u32 v3, v24;
	v22 =	vmov s31;
	[tilespmem:s23+$0xFFFFFFD0] =	vst.add.f32.msk $0xffff, v29  }
0x39e: {  	v25 =	vor.u32 v3, v25;
	v22 =	vand.u32 $0xFFFFFFF8, v22;
	[tilespmem:s23+$0xFFFFFFE0] =	vst.add.f32.msk $0xffff, v30  }
0x39f: {  	v15 =	vor.u32 v3, v15;
	v28 =	vmul.f32 v26, v5;
	v22 =	vbroadcast v22, $0x0;
	v14 =	vld.idx.msk [tilespmem:v14+s15+$0x0], $0xffff  }
0x3a0: {  	v13 =	vor.u32 v3, v13;
	v29 =	vmul.f32 v27, v5;
	v30 =	vmul.f32 v17, v5;
	v19 =	vld.idx.msk [tilespmem:v19+s15+$0x0], $0xffff  }
0x3a1: {  	v31 =	vmul.f32 v18, v5;
	v17 =	vmul.f32 v17, v4;
	v23 =	vld.idx.msk [tilespmem:v23+s15+$0x0], $0xffff  }
0x3a2: {  	v18 =	vmul.f32 v18, v4;
	v32 =	vmul.f32 v16, v5;
	v24 =	vld.idx.msk [tilespmem:v24+s15+$0x0], $0xffff  }
0x3a3: {  	v33 =	vmul.f32 v20, v5;
	v16 =	vmul.f32 v16, v4;
	v25 =	vld.idx.msk [tilespmem:v25+s15+$0x0], $0xffff  }
0x3a4: {  	v20 =	vmul.f32 v20, v4;
	v34 =	vmul.f32 v21, v5;
	v15 =	vld.idx.msk [tilespmem:v15+s15+$0x0], $0xffff  }
0x3a5: {  	v21 =	vmul.f32 v21, v4;
	v35 =	vunpack.i.u.bf16.f32 v14;
	v14 =	vunpack.i.l.bf16.f32 v14;
	v36 =	vld.idx.msk [tilespmem:v13+s15+$0x0], $0xffff  }
0x3a6: {  	v30 =	vadd.f32 v14, v30;
	v37 =	vunpack.i.u.bf16.f32 v19;
	v19 =	vunpack.i.l.bf16.f32 v19;
	v13 =	vld.idx.msk [tilespmem:v39+s25+$0x0], $0xffff  }
0x3a7: {  	v17 =	vadd.f32 v35, v17;
	v35 =	vunpack.i.u.bf16.f32 v23;
	v23 =	vunpack.i.l.bf16.f32 v23;
	v14 =	vld.idx.msk [tilespmem:v22+s5+$0x0], $0xffff  }
0x3a8: {  	v19 =	vadd.f32 v19, v31;
	[tilespmem:s23+$0xFFFFFCF0] =	vst.add.f32.msk $0xffff, v30;
	v30 =	vunpack.i.u.bf16.f32 v24;
	v24 =	vunpack.i.l.bf16.f32 v24  }
0x3a9: {  	[tilespmem:s23+$0xFFFFFD00] =	vst.add.f32.msk $0xffff, v17;
	v17 =	vadd.f32 v37, v18;
	v18 =	vunpack.i.u.bf16.f32 v25;
	v25 =	vunpack.i.l.bf16.f32 v25  }
0x3aa: {  	v31 =	vunpack.i.u.bf16.f32 v15;
	v15 =	vunpack.i.l.bf16.f32 v15;
	[tilespmem:s23+$0xFFFFFD70] =	vst.add.f32.msk $0xffff, v19;
	v19 =	vadd.f32 v23, v32  }
0x3ab: {  	v16 =	vadd.f32 v35, v16;
	v23 =	vunpack.i.u.bf16.f32 v36;
	v32 =	vunpack.i.l.bf16.f32 v36;
	[tilespmem:s23+$0xFFFFFD80] =	vst.add.f32.msk $0xffff, v17  }
.Ltmp7:
0x3ac: {  	v24 =	vadd.f32 v24, v33;
	v17 =	vmul.f32 v27, v4;
	v27 =	vadd.f32 v30, v20;
	[tilespmem:s23+$0xFFFFFDF0] =	vst.add.f32.msk $0xffff, v19;
	(pc) =	sbr.rel @p0 .LBB2_16-.Ltmp7, $4  }
0x3ad: {  	s0 =	sadd.s32 $0x6, s31;
	v25 =	vadd.f32 v25, v34;
	v19 =	vadd.f32 v18, v21;
	[tilespmem:s23+$0xFFFFFE00] =	vst.add.f32.msk $0xffff, v16;
	v16 =	vmul.f32 v26, v4  }
0x3ae: {  	v20 =	vadd.f32 v15, v29;
	v18 =	vmov s0;
	v17 =	vadd.f32 v31, v17;
	[tilespmem:s23+$0xFFFFFE70] =	vst.add.f32.msk $0xffff, v24  }
0x3af: {  	s0 =	sadd.s32 $0x1, s31;
	v15 =	vand.u32 $0xFFFFFFFE, v18;
	v18 =	vadd.f32 v32, v28;
	[tilespmem:s23+$0xFFFFFE80] =	vst.add.f32.msk $0xffff, v27;
	v16 =	vadd.f32 v23, v16  }
0x3b0: {  	s31 =	sadd.s32 $0x8, s31;
	v21 =	vmov s0;
	v15 =	vbroadcast v15, $0x0;
	[tilespmem:s23+$0xFFFFFEF0] =	vst.add.f32.msk $0xffff, v25  }
0x3b1: {  	[tilespmem:s23+$0xFFFFFF00] =	vst.add.f32.msk $0xffff, v19  }
0x3b2: {  	v21 =	vand.u32 $0xFFFFFFF9, v21;
	s0 =	sadd.s32 $0x2, s4;
	[tilespmem:s23+$0xFFFFFC70] =	vst.add.f32.msk $0xffff, v20  }
0x3b3: {  	[tilespmem:s23+$0xFFFFFC80] =	vst.add.f32.msk $0xffff, v17;
	v42 =	vbroadcast v21, $0x0;
	v43 =	vmov s0  }
0x3b4: {  	s31 =	sadd.s32 $0x3, s4;
	[tilespmem:s23+$0xFFFFFFF0] =	vst.add.f32.msk $0xffff, v18;
	v44 =	vand.u32 $0xFFFFFFFA, v43  }
0x3b5: {  	[tilespmem:s23+$0x0] =	vst.add.f32.msk $0xffff, v16;
	v46 =	vmov s31;
	v45 =	vbroadcast v44, $0x0  }
0x3b6: {  	s31 =	sadd.s32 $0x4, s4;
	v52 =	vld.idx.msk [tilespmem:v15+s25+$0x0], $0xffff;
	v47 =	vand.u32 $0xFFFFFFFB, v46  }
0x3b7: {  	v22 =	vld.idx.msk [tilespmem:v22+s25+$0x0], $0xffff;
	s4 =	sadd.s32 $0x5, s4;
	v48 =	vmov s31;
	v49 =	vbroadcast v47, $0x0  }
0x3b8: {  	v53 =	vld.idx.msk [tilespmem:v15+s5+$0x0], $0xffff;
	v51 =	vmov s4;
	v50 =	vand.u32 $0xFFFFFFFC, v48  }
0x3b9: {  	v20 =	vand.u32 $0xFFFFFFFD, v51;
	v18 =	vbroadcast v50, $0x0;
	v27 =	vld.idx.msk [tilespmem:v42+s5+$0x0], $0xffff  }
0x3ba: {  	v20 =	vbroadcast v20, $0x0;
	v19 =	vld.idx.msk [tilespmem:v42+s25+$0x0], $0xffff  }
0x3bb: {  	v29 =	vshll.u32 v52, $0x6;
	v28 =	vld.idx.msk [tilespmem:v45+s5+$0x0], $0xffff  }
0x3bc: {  	v26 =	vor.u32 v0, v29;
	v23 =	vld.idx.msk [tilespmem:v45+s25+$0x0], $0xffff  }
0x3bd: {  	v24 =	vld.idx.msk [tilespmem:v49+s25+$0x0], $0xffff  }
0x3be: {  	v17 =	vshll.u32 v22, $0x6;
	v16 =	vld.idx.msk [tilespmem:v49+s5+$0x0], $0xffff  }
0x3bf: {  	v13 =	vshll.u32 v13, $0x6;
	v32 =	vor.u32 v0, v17;
	v25 =	vld.idx.msk [tilespmem:v18+s25+$0x0], $0xffff  }
0x3c0: {  	v54 =	vor.u32 v0, v13;
	v30 =	vld.idx.msk [tilespmem:v20+s25+$0x0], $0xffff;
	v21 =	vshll.u32 v19, $0x6  }
0x3c1: {  	v35 =	vld.idx.msk [tilespmem:v26+s15+$0x0], $0xffff;
	v31 =	vor.u32 v0, v21;
	v22 =	vshll.u32 v23, $0x6  }
0x3c2: {  	v12 =	vcvt.s32.f32 v12;
	v33 =	vld.idx.msk [tilespmem:v18+s5+$0x0], $0xffff;
	v23 =	vshll.u32 v24, $0x6;
	v34 =	vor.u32 v0, v22  }
0x3c3: {  	v14 =	vcvt.s32.f32 v14;
	v37 =	vld.idx.msk [tilespmem:v20+s5+$0x0], $0xffff;
	v26 =	vcvt.s32.f32 v53;
	v36 =	vor.u32 v0, v23  }
0x3c4: {  	v40 =	vor.u32 v1, v29;
	v20 =	vcvt.s32.f32 v27;
	v27 =	vld.idx.msk [tilespmem:v32+s15+$0x0], $0xffff;
	v24 =	vshll.u32 v25, $0x6  }
0x3c5: {  	v58 =	vmul.f32 v26, v10;
	v25 =	vshll.u32 v30, $0x6;
	v30 =	vld.idx.msk [tilespmem:v54+s15+$0x0], $0xffff;
	v38 =	vor.u32 v0, v24  }
0x3c6: {  	v19 =	vcvt.s32.f32 v28;
	v57 =	vunpack.i.l.bf16.f32 v35;
	v35 =	vunpack.i.u.bf16.f32 v35;
	v31 =	vld.idx.msk [tilespmem:v31+s15+$0x0], $0xffff  }
0x3c7: {  	v18 =	vcvt.s32.f32 v16;
	v15 =	vmul.f32 v26, v11;
	v35 =	vadd.f32 v58, v35;
	v55 =	vld.idx.msk [tilespmem:v34+s15+$0x0], $0xffff  }
0x3c8: {  	s23 =	sadd.s32 $0x400, s23;
	v60 =	vmul.f32 v20, v11;
	v62 =	vmul.f32 v20, v10;
	v39 =	vor.u32 v0, v25;
	v56 =	vld.idx.msk [tilespmem:v36+s15+$0x0], $0xffff  }
0x3c9: {  	v16 =	vcvt.s32.f32 v33;
	v54 =	vmul.f32 v26, v9;
	v34 =	vadd.f32 v57, v15;
	[tilespmem:s23+$0xFFFFFF20] =	vst.add.f32.msk $0xffff, v35  }
0x3ca: {  	v41 =	vmul.f32 v19, v11;
	v42 =	vmul.f32 v19, v10;
	v59 =	vld.idx.msk [tilespmem:v38+s15+$0x0], $0xffff  }
0x3cb: {  	v44 =	vmul.f32 v18, v11;
	v15 =	vcvt.s32.f32 v37;
	[tilespmem:s23+$0xFFFFFF10] =	vst.add.f32.msk $0xffff, v34;
	v61 =	vunpack.i.l.bf16.f32 v31  }
0x3cc: {  	v31 =	vunpack.i.u.bf16.f32 v31;
	v45 =	vld.idx.msk [tilespmem:v40+s15+$0x0], $0xffff;
	v40 =	vmul.f32 v14, v10;
	v63 =	vadd.f32 v61, v60  }
0x3cd: {  	v37 =	vld.idx.msk [tilespmem:v39+s15+$0x0], $0xffff;
	v39 =	vunpack.i.l.bf16.f32 v27;
	v27 =	vunpack.i.u.bf16.f32 v27;
	v31 =	vadd.f32 v62, v31  }
0x3ce: {  	v47 =	vmul.f32 v18, v10;
	v43 =	vunpack.i.l.bf16.f32 v55;
	v27 =	vadd.f32 v40, v27;
	[tilespmem:s23+$0xFFFFFC90] =	vst.add.f32.msk $0xffff, v63  }
0x3cf: {  	v49 =	vmul.f32 v16, v11;
	v28 =	vunpack.i.u.bf16.f32 v55;
	v46 =	vadd.f32 v43, v41;
	[tilespmem:s23+$0xFFFFFCA0] =	vst.add.f32.msk $0xffff, v31  }
0x3d0: {  	v50 =	vmul.f32 v16, v10;
	v48 =	vunpack.i.l.bf16.f32 v56;
	v28 =	vadd.f32 v42, v28;
	[tilespmem:s23+$0xFFFFFC20] =	vst.add.f32.msk $0xffff, v27  }
0x3d1: {  	v61 =	vmul.f32 v15, v10;
	v32 =	vunpack.i.u.bf16.f32 v56;
	v31 =	vadd.f32 v48, v44;
	[tilespmem:s23+$0xFFFFFD10] =	vst.add.f32.msk $0xffff, v46  }
0x3d2: {  	v56 =	vmul.f32 v26, v8;
	v51 =	vadd.f32 v47, v32;
	v33 =	vunpack.i.l.bf16.f32 v59;
	[tilespmem:s23+$0xFFFFFD20] =	vst.add.f32.msk $0xffff, v28  }
0x3d3: {  	v52 =	vunpack.i.u.bf16.f32 v59;
	v60 =	vunpack.i.l.bf16.f32 v37;
	v53 =	vadd.f32 v33, v49;
	[tilespmem:s23+$0xFFFFFD90] =	vst.add.f32.msk $0xffff, v31  }
0x3d4: {  	v37 =	vunpack.i.u.bf16.f32 v37;
	v41 =	vmul.f32 v12, v10;
	v32 =	vadd.f32 v50, v52;
	[tilespmem:s23+$0xFFFFFDA0] =	vst.add.f32.msk $0xffff, v51  }
0x3d5: {  	v43 =	vunpack.i.l.bf16.f32 v30;
	v30 =	vunpack.i.u.bf16.f32 v30;
	v34 =	vadd.f32 v61, v37;
	[tilespmem:s23+$0xFFFFFE10] =	vst.add.f32.msk $0xffff, v53  }
0x3d6: {  	v55 =	vunpack.i.l.bf16.f32 v45;
	v58 =	vunpack.i.u.bf16.f32 v45;
	v45 =	vadd.f32 v41, v30;
	[tilespmem:s23+$0xFFFFFE20] =	vst.add.f32.msk $0xffff, v32  }
0x3d7: {  	v59 =	vmul.f32 v15, v11;
	v42 =	vor.u32 v1, v21;
	v28 =	vadd.f32 v55, v54;
	[tilespmem:s23+$0xFFFFFEA0] =	vst.add.f32.msk $0xffff, v34  }
0x3d8: {  	v57 =	vor.u32 v2, v29;
	v31 =	vadd.f32 v58, v56;
	[tilespmem:s23+$0xFFFFFFA0] =	vst.add.f32.msk $0xffff, v45  }
0x3d9: {  	v44 =	vor.u32 v1, v22;
	v32 =	vadd.f32 v60, v59;
	[tilespmem:s23+$0xFFFFFF30] =	vst.add.f32.msk $0xffff, v28  }
0x3da: {  	v50 =	vor.u32 v1, v23;
	[tilespmem:s23+$0xFFFFFF40] =	vst.add.f32.msk $0xffff, v31  }
0x3db: {  	[tilespmem:s23+$0xFFFFFE90] =	vst.add.f32.msk $0xffff, v32  }
0x3dc: {  	v63 =	vmul.f32 v14, v11;
	v49 =	vld.idx.msk [tilespmem:v42+s15+$0x0], $0xffff  }
0x3dd: {  	v62 =	vmul.f32 v12, v11;
	v53 =	vor.u32 v1, v24;
	v35 =	vld.idx.msk [tilespmem:v57+s15+$0x0], $0xffff  }
0x3de: {  	v54 =	vor.u32 v1, v25;
	v31 =	vadd.f32 v39, v63;
	v52 =	vld.idx.msk [tilespmem:v44+s15+$0x0], $0xffff  }
0x3df: {  	v28 =	vadd.f32 v43, v62;
	v33 =	vld.idx.msk [tilespmem:v50+s15+$0x0], $0xffff  }
0x3e0: {  	v58 =	vmul.f32 v20, v8;
	v57 =	vmul.f32 v20, v9;
	[tilespmem:s23+$0xFFFFFC10] =	vst.add.f32.msk $0xffff, v31  }
0x3e1: {  	v60 =	vmul.f32 v19, v9;
	[tilespmem:s23+$0xFFFFFF90] =	vst.add.f32.msk $0xffff, v28;
	v59 =	vunpack.i.l.bf16.f32 v49;
	v27 =	vunpack.i.u.bf16.f32 v49  }
0x3e2: {  	v31 =	vld.idx.msk [tilespmem:v53+s15+$0x0], $0xffff;
	v47 =	vunpack.i.l.bf16.f32 v35;
	v51 =	vunpack.i.u.bf16.f32 v35;
	v35 =	vadd.f32 v59, v57  }
0x3e3: {  	v63 =	vmul.f32 v19, v8;
	v34 =	vld.idx.msk [tilespmem:v54+s15+$0x0], $0xffff;
	v61 =	vunpack.i.l.bf16.f32 v52;
	v27 =	vadd.f32 v27, v58  }
0x3e4: {  	v46 =	vmul.f32 v26, v7;
	v30 =	vunpack.i.u.bf16.f32 v52;
	v38 =	vadd.f32 v61, v60;
	[tilespmem:s23+$0xFFFFFCB0] =	vst.add.f32.msk $0xffff, v35  }
0x3e5: {  	v48 =	vmul.f32 v26, v6;
	v55 =	vor.u32 v1, v17;
	v30 =	vadd.f32 v30, v63;
	[tilespmem:s23+$0xFFFFFCC0] =	vst.add.f32.msk $0xffff, v27  }
0x3e6: {  	v56 =	vor.u32 v1, v13;
	v28 =	vadd.f32 v47, v46;
	[tilespmem:s23+$0xFFFFFD30] =	vst.add.f32.msk $0xffff, v38  }
0x3e7: {  	v29 =	vor.u32 v3, v29;
	v32 =	vadd.f32 v51, v48;
	[tilespmem:s23+$0xFFFFFD40] =	vst.add.f32.msk $0xffff, v30  }
0x3e8: {  	[tilespmem:s23+$0xFFFFFF50] =	vst.add.f32.msk $0xffff, v28  }
0x3e9: {  	v45 =	vmul.f32 v18, v9;
	[tilespmem:s23+$0xFFFFFF60] =	vst.add.f32.msk $0xffff, v32  }
0x3ea: {  	v50 =	vmul.f32 v16, v8;
	v47 =	vmul.f32 v18, v8;
	v48 =	vunpack.i.l.bf16.f32 v33;
	v28 =	vld.idx.msk [tilespmem:v55+s15+$0x0], $0xffff  }
0x3eb: {  	v49 =	vmul.f32 v16, v9;
	v33 =	vunpack.i.u.bf16.f32 v33;
	v37 =	vadd.f32 v48, v45;
	v32 =	vld.idx.msk [tilespmem:v56+s15+$0x0], $0xffff  }
0x3ec: {  	v63 =	vor.u32 v2, v21;
	v51 =	vunpack.i.l.bf16.f32 v31;
	v33 =	vadd.f32 v33, v47;
	v29 =	vld.idx.msk [tilespmem:v29+s15+$0x0], $0xffff  }
0x3ed: {  	v31 =	vunpack.i.u.bf16.f32 v31;
	v53 =	vadd.f32 v51, v49;
	[tilespmem:s23+$0xFFFFFDB0] =	vst.add.f32.msk $0xffff, v37  }
0x3ee: {  	v52 =	vmul.f32 v15, v9;
	v27 =	vadd.f32 v31, v50;
	[tilespmem:s23+$0xFFFFFDC0] =	vst.add.f32.msk $0xffff, v33  }
0x3ef: {  	v36 =	vmul.f32 v12, v9;
	v54 =	vmul.f32 v15, v8;
	v55 =	vunpack.i.l.bf16.f32 v34;
	[tilespmem:s23+$0xFFFFFE30] =	vst.add.f32.msk $0xffff, v53  }
0x3f0: {  	v57 =	vunpack.i.u.bf16.f32 v34;
	v56 =	vmul.f32 v14, v9;
	v30 =	vadd.f32 v55, v52;
	[tilespmem:s23+$0xFFFFFE40] =	vst.add.f32.msk $0xffff, v27  }
0x3f1: {  	v58 =	vmul.f32 v14, v8;
	v33 =	vadd.f32 v57, v54;
	v41 =	vld.idx.msk [tilespmem:v63+s15+$0x0], $0xffff;
	v59 =	vunpack.i.l.bf16.f32 v28  }
0x3f2: {  	v37 =	vor.u32 v2, v23;
	[tilespmem:s23+$0xFFFFFEB0] =	vst.add.f32.msk $0xffff, v30;
	v60 =	vunpack.i.u.bf16.f32 v28;
	v31 =	vadd.f32 v59, v56  }
0x3f3: {  	v39 =	vor.u32 v2, v25;
	[tilespmem:s23+$0xFFFFFEC0] =	vst.add.f32.msk $0xffff, v33;
	v61 =	vunpack.i.l.bf16.f32 v32;
	v27 =	vadd.f32 v60, v58  }
0x3f4: {  	v28 =	vadd.f32 v61, v36;
	[tilespmem:s23+$0xFFFFFC30] =	vst.add.f32.msk $0xffff, v31  }
0x3f5: {  	v62 =	vmul.f32 v26, v4;
	v38 =	vor.u32 v2, v24;
	[tilespmem:s23+$0xFFFFFC40] =	vst.add.f32.msk $0xffff, v27  }
0x3f6: {  	v44 =	vunpack.i.u.bf16.f32 v29;
	[tilespmem:s23+$0xFFFFFFB0] =	vst.add.f32.msk $0xffff, v28  }
0x3f7: {  	v26 =	vmul.f32 v26, v5;
	v43 =	vmul.f32 v20, v7;
	v46 =	vadd.f32 v44, v62;
	v27 =	vld.idx.msk [tilespmem:v37+s15+$0x0], $0xffff  }
0x3f8: {  	v32 =	vunpack.i.u.bf16.f32 v32;
	v29 =	vunpack.i.l.bf16.f32 v29;
	v62 =	vmul.f32 v12, v8;
	v28 =	vld.idx.msk [tilespmem:v39+s15+$0x0], $0xffff  }
0x3f9: {  	v36 =	vor.u32 v2, v22;
	v26 =	vadd.f32 v29, v26;
	v45 =	vunpack.i.l.bf16.f32 v41;
	[tilespmem:s23+$0xFFFFFF80] =	vst.add.f32.msk $0xffff, v46  }
0x3fa: {  	v40 =	vor.u32 v2, v17;
	v29 =	vadd.f32 v45, v43;
	v30 =	vadd.f32 v32, v62;
	v32 =	vld.idx.msk [tilespmem:v38+s15+$0x0], $0xffff  }
0x3fb: {  	[tilespmem:s23+$0xFFFFFF70] =	vst.add.f32.msk $0xffff, v26  }
0x3fc: {  	v42 =	vor.u32 v2, v13;
	v44 =	vmul.f32 v20, v6;
	[tilespmem:s23+$0xFFFFFCD0] =	vst.add.f32.msk $0xffff, v29  }
0x3fd: {  	v21 =	vor.u32 v3, v21;
	v33 =	vunpack.i.u.bf16.f32 v41;
	[tilespmem:s23+$0xFFFFFFC0] =	vst.add.f32.msk $0xffff, v30  }
0x3fe: {  	v49 =	vadd.f32 v33, v44;
	v31 =	vld.idx.msk [tilespmem:v36+s15+$0x0], $0xffff  }
0x3ff: {  	v50 =	vmul.f32 v18, v7;
	v30 =	vld.idx.msk [tilespmem:v40+s15+$0x0], $0xffff  }
0x400: {  	v52 =	vmul.f32 v18, v6;
	v55 =	vmul.f32 v16, v7;
	[tilespmem:s23+$0xFFFFFCE0] =	vst.add.f32.msk $0xffff, v49;
	v53 =	vunpack.i.l.bf16.f32 v27  }
0x401: {  	v60 =	vmul.f32 v15, v7;
	v34 =	vld.idx.msk [tilespmem:v42+s15+$0x0], $0xffff;
	v27 =	vunpack.i.u.bf16.f32 v27;
	v56 =	vadd.f32 v53, v50  }
0x402: {  	v62 =	vmul.f32 v15, v6;
	v21 =	vld.idx.msk [tilespmem:v21+s15+$0x0], $0xffff;
	v63 =	vunpack.i.l.bf16.f32 v28;
	v59 =	vadd.f32 v27, v52  }
0x403: {  	v23 =	vor.u32 v3, v23;
	v28 =	vunpack.i.u.bf16.f32 v28;
	v27 =	vadd.f32 v63, v60;
	[tilespmem:s23+$0xFFFFFDD0] =	vst.add.f32.msk $0xffff, v56  }
0x404: {  	v57 =	vmul.f32 v16, v6;
	v58 =	vunpack.i.l.bf16.f32 v32;
	v28 =	vadd.f32 v28, v62;
	[tilespmem:s23+$0xFFFFFDE0] =	vst.add.f32.msk $0xffff, v59  }
0x405: {  	v25 =	vor.u32 v3, v25;
	v32 =	vunpack.i.u.bf16.f32 v32;
	v61 =	vadd.f32 v58, v55;
	[tilespmem:s23+$0xFFFFFED0] =	vst.add.f32.msk $0xffff, v27  }
0x406: {  	v24 =	vor.u32 v3, v24;
	v32 =	vadd.f32 v32, v57;
	[tilespmem:s23+$0xFFFFFEE0] =	vst.add.f32.msk $0xffff, v28  }
0x407: {  	[tilespmem:s23+$0xFFFFFE50] =	vst.add.f32.msk $0xffff, v61  }
0x408: {  	v46 =	vmul.f32 v19, v7;
	[tilespmem:s23+$0xFFFFFE60] =	vst.add.f32.msk $0xffff, v32  }
0x409: {  	v35 =	vmul.f32 v12, v7;
	v47 =	vmul.f32 v19, v6;
	v48 =	vunpack.i.l.bf16.f32 v31;
	v23 =	vld.idx.msk [tilespmem:v23+s15+$0x0], $0xffff  }
0x40a: {  	v38 =	vmul.f32 v14, v7;
	v31 =	vunpack.i.u.bf16.f32 v31;
	v51 =	vadd.f32 v48, v46;
	v25 =	vld.idx.msk [tilespmem:v25+s15+$0x0], $0xffff  }
0x40b: {  	v40 =	vmul.f32 v14, v6;
	v39 =	vunpack.i.l.bf16.f32 v30;
	v54 =	vadd.f32 v31, v47;
	v24 =	vld.idx.msk [tilespmem:v24+s15+$0x0], $0xffff  }
0x40c: {  	v22 =	vor.u32 v3, v22;
	v30 =	vunpack.i.u.bf16.f32 v30;
	v26 =	vadd.f32 v39, v38;
	[tilespmem:s23+$0xFFFFFD50] =	vst.add.f32.msk $0xffff, v51  }
0x40d: {  	v17 =	vor.u32 v3, v17;
	v41 =	vunpack.i.l.bf16.f32 v34;
	v42 =	vadd.f32 v30, v40;
	[tilespmem:s23+$0xFFFFFD60] =	vst.add.f32.msk $0xffff, v54  }
0x40e: {  	v27 =	vadd.f32 v41, v35;
	[tilespmem:s23+$0xFFFFFC50] =	vst.add.f32.msk $0xffff, v26  }
0x40f: {  	v13 =	vor.u32 v3, v13;
	v45 =	vmul.f32 v20, v5;
	v20 =	vmul.f32 v20, v4;
	[tilespmem:s23+$0xFFFFFC60] =	vst.add.f32.msk $0xffff, v42  }
0x410: {  	v43 =	vmul.f32 v12, v6;
	v46 =	vunpack.i.l.bf16.f32 v21;
	v21 =	vunpack.i.u.bf16.f32 v21;
	[tilespmem:s23+$0xFFFFFFD0] =	vst.add.f32.msk $0xffff, v27  }
0x411: {  	v44 =	vunpack.i.u.bf16.f32 v34;
	v20 =	vadd.f32 v21, v20;
	v22 =	vld.idx.msk [tilespmem:v22+s15+$0x0], $0xffff  }
0x412: {  	v26 =	vadd.f32 v44, v43;
	v17 =	vld.idx.msk [tilespmem:v17+s15+$0x0], $0xffff  }
0x413: {  	v49 =	vmul.f32 v18, v5;
	v18 =	vmul.f32 v18, v4;
	[tilespmem:s23+$0xFFFFFD00] =	vst.add.f32.msk $0xffff, v20  }
0x414: {  	v55 =	vmul.f32 v15, v5;
	[tilespmem:s23+$0xFFFFFFE0] =	vst.add.f32.msk $0xffff, v26;
	v26 =	vadd.f32 v46, v45;
	v51 =	vunpack.i.l.bf16.f32 v23  }
0x415: {  	v15 =	vmul.f32 v15, v4;
	v13 =	vld.idx.msk [tilespmem:v13+s15+$0x0], $0xffff;
	v53 =	vunpack.i.u.bf16.f32 v23;
	v21 =	vadd.f32 v51, v49  }
0x416: {  	v52 =	vmul.f32 v16, v5;
	v59 =	vunpack.i.u.bf16.f32 v25;
	[tilespmem:s23+$0xFFFFFCF0] =	vst.add.f32.msk $0xffff, v26;
	v18 =	vadd.f32 v53, v18  }
0x417: {  	v16 =	vmul.f32 v16, v4;
	v54 =	vunpack.i.l.bf16.f32 v24;
	v15 =	vadd.f32 v59, v15;
	[tilespmem:s23+$0xFFFFFDF0] =	vst.add.f32.msk $0xffff, v21  }
0x418: {  	v47 =	vmul.f32 v19, v5;
	v56 =	vunpack.i.u.bf16.f32 v24;
	v20 =	vadd.f32 v54, v52;
	[tilespmem:s23+$0xFFFFFE00] =	vst.add.f32.msk $0xffff, v18  }
0x419: {  	v19 =	vmul.f32 v19, v4;
	v16 =	vadd.f32 v56, v16;
	v48 =	vunpack.i.l.bf16.f32 v22;
	[tilespmem:s23+$0xFFFFFF00] =	vst.add.f32.msk $0xffff, v15  }
0x41a: {  	v58 =	vmul.f32 v14, v5;
	v22 =	vunpack.i.u.bf16.f32 v22;
	v50 =	vadd.f32 v48, v47;
	[tilespmem:s23+$0xFFFFFE70] =	vst.add.f32.msk $0xffff, v20  }
0x41b: {  	v14 =	vmul.f32 v14, v4;
	v60 =	vunpack.i.l.bf16.f32 v17;
	v19 =	vadd.f32 v22, v19;
	[tilespmem:s23+$0xFFFFFE80] =	vst.add.f32.msk $0xffff, v16  }
0x41c: {  	v17 =	vunpack.i.u.bf16.f32 v17;
	v18 =	vadd.f32 v60, v58;
	[tilespmem:s23+$0xFFFFFD70] =	vst.add.f32.msk $0xffff, v50  }
0x41d: {  	v61 =	vmul.f32 v12, v5;
	v57 =	vunpack.i.l.bf16.f32 v25;
	v14 =	vadd.f32 v17, v14;
	[tilespmem:s23+$0xFFFFFD80] =	vst.add.f32.msk $0xffff, v19  }
0x41e: {  	p0 =	seq.s32 s24, $0x1F;
	v12 =	vmul.f32 v12, v4;
	v62 =	vunpack.i.l.bf16.f32 v13;
	v19 =	vadd.f32 v57, v55;
	[tilespmem:s23+$0xFFFFFC70] =	vst.add.f32.msk $0xffff, v18  }
.Ltmp8:
0x41f: {  	v13 =	vunpack.i.u.bf16.f32 v13;
	v63 =	vadd.f32 v62, v61;
	[tilespmem:s23+$0xFFFFFC80] =	vst.add.f32.msk $0xffff, v14;
	(pc) =	sbr.rel @p0 .LBB2_19-.Ltmp8, $4  }
0x420: {  	v12 =	vadd.f32 v13, v12;
	[tilespmem:s23+$0xFFFFFEF0] =	vst.add.f32.msk $0xffff, v19  }
0x421: {  	s31 =	sshll.u32 s24, $0xD;
	[tilespmem:s23+$0xFFFFFFF0] =	vst.add.f32.msk $0xffff, v63  }
0x422: {  	s0 =	sadd.s32 s31, s17;
	[tilespmem:s23+$0x0] =	vst.add.f32.msk $0xffff, v12  }
0x423: {  	[hbm4b:s0+s5] =	stream.linear.scatter [tilespmem:s30], [sflag:$0x5], $0x8000, $0x38;
	[tilespmem:$0x1C700] =	vst v63  }
0x424: {  	s0 =	sadd.s32 s21, s13  }
0x425: {  	s0 =	sshrl.u32 s0, $0x3  }
0x426: {  	s4 =	sadd.s32 s7, s0  }
0x427: {  	[tilespmem:s5], [sflag:$0x1] =	stream.linear.gather [hbm4b:s4+s5], $0x100, $0x38;
	[tilespmem:$0x1C700] =	vst v63  }
.Ltmp9:
0x428: {  	_ = 	snop;
	(pc) =	sbr.rel .LBB2_10-.Ltmp9, $4  }
0x429: {  	s31 =	sadd.s32 s8, s0  }
0x42a: {  	[tilespmem:s25], [sflag:$0x1] =	stream.linear.gather [hbm4b:s31+s5], $0x100, $0x38;
	[tilespmem:$0x1C700] =	vst v63  }
0x42b: {  	s24 =	sadd.s32 $0x1, s24;
	s0 =	sadd.s32 s9, s0  }
0x42c: {  	[tilespmem:s26], [sflag:$0x1] =	stream.linear.gather [hbm4b:s0+s5], $0x100, $0x38;
	[tilespmem:$0x1C700] =	vst v63  }
.LBB2_19:
0x42d: {  	s0 =	simm.s32 $0x0  }
0x42e: {  	s4 =	simm.s32 $0x7;
	s31 =	simm.s32 $0x6;
	v12 =	vmov s0  }
0x42f: {  	v13 =	vmov s4;
	v14 =	vmov s31;
	v12 =	vand.u32 $0xFFFFFFF8, v12  }
0x430: {  	s11 =	simm.s32 $0x1;
	v14 =	vand.u32 $0xFFFFFFFE, v14;
	v12 =	vbroadcast v12, $0x0  }
0x431: {  	_ =	swait.ge [sflag:s16], $0x8000;
	v15 =	vmov s11;
	v14 =	vbroadcast v14, $0x0  }
0x432: {  	s12 =	simm.s32 $0x2;
	[sflag:s16] =	ssyncset.done $0x0;
	v15 =	vand.u32 $0xFFFFFFF9, v15  }
0x433: {  	v16 =	vmov s12;
	[sflag:s16] =	ssyncadd.s32 $0xFFFF8000;
	v15 =	vbroadcast v15, $0x0  }
0x434: {  	s13 =	simm.s32 $0x3;
	v16 =	vand.u32 $0xFFFFFFFA, v16;
	v25 =	vld.idx.msk [tilespmem:v13+s6+$0x0], $0xffff  }
0x435: {  	s18 =	simm.s32 $0x4;
	v17 =	vmov s13;
	v16 =	vbroadcast v16, $0x0;
	v13 =	vld.idx.msk [tilespmem:v13+s1+$0x0], $0xffff  }
0x436: {  	s21 =	simm.s32 $0x5;
	v18 =	vmov s18;
	v17 =	vand.u32 $0xFFFFFFFB, v17;
	v26 =	vld.idx.msk [tilespmem:v12+s6+$0x0], $0xffff  }
0x437: {  	v19 =	vmov s21;
	v18 =	vand.u32 $0xFFFFFFFC, v18;
	v17 =	vbroadcast v17, $0x0;
	v20 =	vld.idx.msk [tilespmem:v14+s1+$0x0], $0xffff  }
0x438: {  	v19 =	vand.u32 $0xFFFFFFFD, v19;
	v18 =	vbroadcast v18, $0x0;
	v12 =	vld.idx.msk [tilespmem:v12+s1+$0x0], $0xffff  }
0x439: {  	v19 =	vbroadcast v19, $0x0;
	v27 =	vld.idx.msk [tilespmem:v15+s6+$0x0], $0xffff  }
0x43a: {  	v15 =	vld.idx.msk [tilespmem:v15+s1+$0x0], $0xffff  }
0x43b: {  	v28 =	vld.idx.msk [tilespmem:v16+s6+$0x0], $0xffff  }
0x43c: {  	v16 =	vld.idx.msk [tilespmem:v16+s1+$0x0], $0xffff  }
0x43d: {  	v21 =	vld.idx.msk [tilespmem:v17+s1+$0x0], $0xffff  }
0x43e: {  	v23 =	vld.idx.msk [tilespmem:v18+s1+$0x0], $0xffff;
	v29 =	vshll.u32 v20, $0x6  }
0x43f: {  	v30 =	vld.idx.msk [tilespmem:v19+s1+$0x0], $0xffff;
	v13 =	vshll.u32 v13, $0x6;
	v24 =	vor.u32 v0, v29  }
0x440: {  	v32 =	vld.idx.msk [tilespmem:v17+s6+$0x0], $0xffff;
	v31 =	vor.u32 v0, v13;
	v20 =	vshll.u32 v15, $0x6  }
0x441: {  	v15 =	vld.idx.msk [tilespmem:v14+s6+$0x0], $0xffff;
	v14 =	vshll.u32 v12, $0x6;
	v12 =	vor.u32 v0, v20  }
0x442: {  	v18 =	vld.idx.msk [tilespmem:v18+s6+$0x0], $0xffff;
	v22 =	vshll.u32 v16, $0x6;
	v33 =	vor.u32 v0, v14  }
0x443: {  	v19 =	vld.idx.msk [tilespmem:v19+s6+$0x0], $0xffff;
	v21 =	vshll.u32 v21, $0x6;
	v34 =	vor.u32 v0, v22  }
0x444: {  	v23 =	vshll.u32 v23, $0x6;
	v36 =	vor.u32 v0, v21;
	v35 =	vld.idx.msk [tilespmem:v24+s15+$0x0], $0xffff  }
0x445: {  	v37 =	vor.u32 v0, v23;
	v24 =	vshll.u32 v30, $0x6;
	v30 =	vld.idx.msk [tilespmem:v31+s15+$0x0], $0xffff  }
0x446: {  	v53 =	vld.idx.msk [tilespmem:v12+s15+$0x0], $0xffff;
	v12 =	vcvt.s32.f32 v15;
	v38 =	vor.u32 v0, v24  }
0x447: {  	v17 =	vcvt.s32.f32 v27;
	v16 =	vcvt.s32.f32 v28;
	v27 =	vld.idx.msk [tilespmem:v33+s15+$0x0], $0xffff  }
0x448: {  	v18 =	vcvt.s32.f32 v18;
	v39 =	vor.u32 v1, v29;
	v54 =	vld.idx.msk [tilespmem:v34+s15+$0x0], $0xffff;
	v55 =	vmul.f32 v12, v11  }
0x449: {  	v59 =	vmul.f32 v17, v11;
	v56 =	vld.idx.msk [tilespmem:v36+s15+$0x0], $0xffff;
	v58 =	vmul.f32 v12, v10;
	v57 =	vunpack.i.l.bf16.f32 v35  }
0x44a: {  	v15 =	vcvt.s32.f32 v32;
	v37 =	vld.idx.msk [tilespmem:v37+s15+$0x0], $0xffff;
	v35 =	vunpack.i.u.bf16.f32 v35;
	v32 =	vadd.f32 v57, v55  }
0x44b: {  	s21 =	simm.s32 $0x89F0;
	v40 =	vmul.f32 v17, v10;
	v60 =	vunpack.i.l.bf16.f32 v53;
	v38 =	vld.idx.msk [tilespmem:v38+s15+$0x0], $0xffff;
	v35 =	vadd.f32 v58, v35  }
0x44c: {  	v41 =	vmul.f32 v16, v11;
	v31 =	vunpack.i.u.bf16.f32 v53;
	v61 =	vadd.f32 v60, v59;
	[tilespmem:s21+$0xFFFFFF10] =	vst.add.f32.msk $0xffff, v32  }
0x44d: {  	v62 =	vmul.f32 v16, v10;
	v63 =	vunpack.i.l.bf16.f32 v54;
	v31 =	vadd.f32 v40, v31;
	[tilespmem:s21+$0xFFFFFF20] =	vst.add.f32.msk $0xffff, v35  }
0x44e: {  	v44 =	vmul.f32 v15, v10;
	v28 =	vunpack.i.u.bf16.f32 v54;
	v43 =	vadd.f32 v63, v41;
	[tilespmem:s21+$0xFFFFFC90] =	vst.add.f32.msk $0xffff, v61  }
0x44f: {  	v46 =	vmul.f32 v18, v11;
	v47 =	vunpack.i.u.bf16.f32 v56;
	v28 =	vadd.f32 v62, v28;
	[tilespmem:s21+$0xFFFFFCA0] =	vst.add.f32.msk $0xffff, v31  }
0x450: {  	v25 =	vcvt.s32.f32 v25;
	v51 =	vunpack.i.l.bf16.f32 v37;
	v49 =	vadd.f32 v44, v47;
	[tilespmem:s21+$0xFFFFFD10] =	vst.add.f32.msk $0xffff, v43  }
0x451: {  	v48 =	vmul.f32 v18, v10;
	v42 =	vmul.f32 v15, v11;
	v52 =	vadd.f32 v51, v46;
	[tilespmem:s21+$0xFFFFFD20] =	vst.add.f32.msk $0xffff, v28  }
0x452: {  	v45 =	vunpack.i.l.bf16.f32 v56;
	v50 =	vunpack.i.u.bf16.f32 v37;
	v41 =	vmul.f32 v25, v10;
	[tilespmem:s21+$0xFFFFFDA0] =	vst.add.f32.msk $0xffff, v49  }
0x453: {  	v44 =	vor.u32 v1, v22;
	v31 =	vadd.f32 v45, v42;
	v32 =	vadd.f32 v48, v50;
	[tilespmem:s21+$0xFFFFFE10] =	vst.add.f32.msk $0xffff, v52  }
0x454: {  	v42 =	vor.u32 v1, v20;
	v43 =	vunpack.i.l.bf16.f32 v30;
	v30 =	vunpack.i.u.bf16.f32 v30;
	v39 =	vld.idx.msk [tilespmem:v39+s15+$0x0], $0xffff  }
0x455: {  	v19 =	vcvt.s32.f32 v19;
	v50 =	vor.u32 v1, v21;
	v45 =	vadd.f32 v41, v30;
	[tilespmem:s21+$0xFFFFFD90] =	vst.add.f32.msk $0xffff, v31  }
0x456: {  	[tilespmem:s21+$0xFFFFFE20] =	vst.add.f32.msk $0xffff, v32  }
0x457: {  	v26 =	vcvt.s32.f32 v26;
	v58 =	vmul.f32 v19, v11;
	[tilespmem:s21+$0xFFFFFFA0] =	vst.add.f32.msk $0xffff, v45  }
0x458: {  	v53 =	vmul.f32 v12, v9;
	v60 =	vmul.f32 v19, v10;
	v59 =	vunpack.i.l.bf16.f32 v38;
	v52 =	vld.idx.msk [tilespmem:v44+s15+$0x0], $0xffff  }
0x459: {  	v56 =	vor.u32 v2, v29;
	v63 =	vunpack.i.u.bf16.f32 v38;
	v32 =	vadd.f32 v59, v58;
	v49 =	vld.idx.msk [tilespmem:v42+s15+$0x0], $0xffff  }
0x45a: {  	v55 =	vmul.f32 v12, v8;
	v34 =	vadd.f32 v60, v63;
	v33 =	vld.idx.msk [tilespmem:v50+s15+$0x0], $0xffff;
	v54 =	vunpack.i.l.bf16.f32 v39  }
0x45b: {  	v40 =	vmul.f32 v26, v10;
	v57 =	vunpack.i.u.bf16.f32 v39;
	[tilespmem:s21+$0xFFFFFE90] =	vst.add.f32.msk $0xffff, v32;
	v28 =	vadd.f32 v54, v53  }
0x45c: {  	v39 =	vunpack.i.l.bf16.f32 v27;
	v27 =	vunpack.i.u.bf16.f32 v27;
	[tilespmem:s21+$0xFFFFFEA0] =	vst.add.f32.msk $0xffff, v34;
	v31 =	vadd.f32 v57, v55  }
0x45d: {  	v62 =	vmul.f32 v26, v11;
	v27 =	vadd.f32 v40, v27;
	[tilespmem:s21+$0xFFFFFF30] =	vst.add.f32.msk $0xffff, v28  }
0x45e: {  	v61 =	vmul.f32 v25, v11;
	[tilespmem:s21+$0xFFFFFF40] =	vst.add.f32.msk $0xffff, v31  }
0x45f: {  	v63 =	vmul.f32 v16, v8;
	v53 =	vor.u32 v1, v23;
	v31 =	vadd.f32 v39, v62;
	[tilespmem:s21+$0xFFFFFC20] =	vst.add.f32.msk $0xffff, v27  }
0x460: {  	v54 =	vor.u32 v1, v24;
	v30 =	vunpack.i.u.bf16.f32 v52;
	v28 =	vadd.f32 v43, v61;
	v35 =	vld.idx.msk [tilespmem:v56+s15+$0x0], $0xffff  }
0x461: {  	v30 =	vadd.f32 v30, v63;
	[tilespmem:s21+$0xFFFFFC10] =	vst.add.f32.msk $0xffff, v31  }
0x462: {  	v46 =	vmul.f32 v12, v7;
	v60 =	vmul.f32 v16, v9;
	[tilespmem:s21+$0xFFFFFF90] =	vst.add.f32.msk $0xffff, v28  }
0x463: {  	v48 =	vmul.f32 v12, v6;
	v58 =	vmul.f32 v17, v8;
	v61 =	vunpack.i.l.bf16.f32 v52;
	[tilespmem:s21+$0xFFFFFD40] =	vst.add.f32.msk $0xffff, v30  }
0x464: {  	v57 =	vmul.f32 v17, v9;
	v27 =	vunpack.i.u.bf16.f32 v49;
	v38 =	vadd.f32 v61, v60;
	v31 =	vld.idx.msk [tilespmem:v53+s15+$0x0], $0xffff  }
0x465: {  	v55 =	vor.u32 v1, v14;
	v59 =	vunpack.i.l.bf16.f32 v49;
	v27 =	vadd.f32 v27, v58;
	v34 =	vld.idx.msk [tilespmem:v54+s15+$0x0], $0xffff  }
0x466: {  	[tilespmem:s21+$0xFFFFFD30] =	vst.add.f32.msk $0xffff, v38;
	v47 =	vunpack.i.l.bf16.f32 v35;
	v51 =	vunpack.i.u.bf16.f32 v35;
	v35 =	vadd.f32 v59, v57  }
0x467: {  	v56 =	vor.u32 v1, v13;
	[tilespmem:s21+$0xFFFFFCC0] =	vst.add.f32.msk $0xffff, v27;
	v28 =	vadd.f32 v47, v46  }
0x468: {  	v63 =	vor.u32 v2, v20;
	v32 =	vadd.f32 v51, v48;
	[tilespmem:s21+$0xFFFFFCB0] =	vst.add.f32.msk $0xffff, v35  }
0x469: {  	v29 =	vor.u32 v3, v29;
	[tilespmem:s21+$0xFFFFFF50] =	vst.add.f32.msk $0xffff, v28  }
0x46a: {  	[tilespmem:s21+$0xFFFFFF60] =	vst.add.f32.msk $0xffff, v32  }
0x46b: {  	v45 =	vmul.f32 v15, v9;
	v28 =	vld.idx.msk [tilespmem:v55+s15+$0x0], $0xffff  }
0x46c: {  	v36 =	vmul.f32 v25, v9;
	v47 =	vmul.f32 v15, v8;
	v48 =	vunpack.i.l.bf16.f32 v33;
	v32 =	vld.idx.msk [tilespmem:v56+s15+$0x0], $0xffff  }
0x46d: {  	v49 =	vmul.f32 v18, v9;
	v33 =	vunpack.i.u.bf16.f32 v33;
	v37 =	vadd.f32 v48, v45;
	v42 =	vld.idx.msk [tilespmem:v63+s15+$0x0], $0xffff  }
0x46e: {  	v50 =	vmul.f32 v18, v8;
	v51 =	vunpack.i.l.bf16.f32 v31;
	v33 =	vadd.f32 v33, v47;
	v29 =	vld.idx.msk [tilespmem:v29+s15+$0x0], $0xffff  }
0x46f: {  	v52 =	vmul.f32 v19, v9;
	v31 =	vunpack.i.u.bf16.f32 v31;
	v53 =	vadd.f32 v51, v49;
	[tilespmem:s21+$0xFFFFFDB0] =	vst.add.f32.msk $0xffff, v37  }
0x470: {  	v54 =	vmul.f32 v19, v8;
	v55 =	vunpack.i.l.bf16.f32 v34;
	v27 =	vadd.f32 v31, v50;
	[tilespmem:s21+$0xFFFFFDC0] =	vst.add.f32.msk $0xffff, v33  }
0x471: {  	v57 =	vunpack.i.u.bf16.f32 v34;
	v56 =	vmul.f32 v26, v9;
	v30 =	vadd.f32 v55, v52;
	[tilespmem:s21+$0xFFFFFE30] =	vst.add.f32.msk $0xffff, v53  }
0x472: {  	v58 =	vmul.f32 v26, v8;
	v33 =	vadd.f32 v57, v54;
	[tilespmem:s21+$0xFFFFFE40] =	vst.add.f32.msk $0xffff, v27;
	v59 =	vunpack.i.l.bf16.f32 v28  }
0x473: {  	v37 =	vor.u32 v2, v22;
	[tilespmem:s21+$0xFFFFFEB0] =	vst.add.f32.msk $0xffff, v30;
	v60 =	vunpack.i.u.bf16.f32 v28;
	v31 =	vadd.f32 v59, v56  }
0x474: {  	v38 =	vor.u32 v2, v21;
	[tilespmem:s21+$0xFFFFFEC0] =	vst.add.f32.msk $0xffff, v33;
	v61 =	vunpack.i.l.bf16.f32 v32;
	v27 =	vadd.f32 v60, v58  }
0x475: {  	v40 =	vor.u32 v2, v24;
	v28 =	vadd.f32 v61, v36;
	[tilespmem:s21+$0xFFFFFC30] =	vst.add.f32.msk $0xffff, v31  }
0x476: {  	[tilespmem:s21+$0xFFFFFC40] =	vst.add.f32.msk $0xffff, v27  }
0x477: {  	v62 =	vmul.f32 v12, v4;
	v39 =	vor.u32 v2, v23;
	[tilespmem:s21+$0xFFFFFFB0] =	vst.add.f32.msk $0xffff, v28  }
0x478: {  	s23 =	simm.s32 $0xF;
	v44 =	vunpack.i.u.bf16.f32 v29;
	v31 =	vld.idx.msk [tilespmem:v37+s15+$0x0], $0xffff  }
0x479: {  	v12 =	vmul.f32 v12, v5;
	v35 =	vmov s23;
	v46 =	vadd.f32 v44, v62;
	v27 =	vld.idx.msk [tilespmem:v38+s15+$0x0], $0xffff  }
0x47a: {  	v29 =	vunpack.i.l.bf16.f32 v29;
	v62 =	vmul.f32 v25, v8;
	v28 =	vld.idx.msk [tilespmem:v40+s15+$0x0], $0xffff  }
0x47b: {  	v41 =	vor.u32 v2, v14;
	v32 =	vunpack.i.u.bf16.f32 v32;
	v12 =	vadd.f32 v29, v12;
	[tilespmem:s21+$0xFFFFFF80] =	vst.add.f32.msk $0xffff, v46  }
0x47c: {  	v30 =	vadd.f32 v32, v62;
	v32 =	vld.idx.msk [tilespmem:v39+s15+$0x0], $0xffff  }
0x47d: {  	v43 =	vor.u32 v2, v13;
	v44 =	vmul.f32 v17, v7;
	[tilespmem:s21+$0xFFFFFF70] =	vst.add.f32.msk $0xffff, v12  }
0x47e: {  	v47 =	vunpack.i.l.bf16.f32 v42;
	v12 =	vld.idx.msk [tilespmem:v35+s6+$0x0], $0xffff  }
0x47f: {  	v20 =	vor.u32 v3, v20;
	v46 =	vmul.f32 v17, v6;
	v29 =	vadd.f32 v47, v44;
	[tilespmem:s21+$0xFFFFFFC0] =	vst.add.f32.msk $0xffff, v30  }
0x480: {  	v33 =	vunpack.i.u.bf16.f32 v42;
	v30 =	vld.idx.msk [tilespmem:v41+s15+$0x0], $0xffff  }
0x481: {  	v21 =	vor.u32 v3, v21;
	v48 =	vmul.f32 v16, v7;
	v33 =	vadd.f32 v33, v46;
	[tilespmem:s21+$0xFFFFFCD0] =	vst.add.f32.msk $0xffff, v29  }
0x482: {  	v49 =	vmul.f32 v16, v6;
	v51 =	vmul.f32 v15, v7;
	v34 =	vld.idx.msk [tilespmem:v43+s15+$0x0], $0xffff;
	v50 =	vunpack.i.l.bf16.f32 v31  }
0x483: {  	v55 =	vmul.f32 v18, v7;
	v31 =	vunpack.i.u.bf16.f32 v31;
	[tilespmem:s21+$0xFFFFFCE0] =	vst.add.f32.msk $0xffff, v33;
	v52 =	vadd.f32 v50, v48  }
0x484: {  	v53 =	vmul.f32 v15, v6;
	v54 =	vunpack.i.l.bf16.f32 v27;
	v31 =	vadd.f32 v31, v49;
	v20 =	vld.idx.msk [tilespmem:v20+s15+$0x0], $0xffff  }
0x485: {  	v61 =	vmul.f32 v19, v6;
	v27 =	vunpack.i.u.bf16.f32 v27;
	v56 =	vadd.f32 v54, v51;
	[tilespmem:s21+$0xFFFFFD50] =	vst.add.f32.msk $0xffff, v52  }
0x486: {  	v62 =	vunpack.i.l.bf16.f32 v28;
	v28 =	vunpack.i.u.bf16.f32 v28;
	v27 =	vadd.f32 v27, v53;
	[tilespmem:s21+$0xFFFFFD60] =	vst.add.f32.msk $0xffff, v31  }
0x487: {  	v57 =	vmul.f32 v18, v6;
	v58 =	vunpack.i.l.bf16.f32 v32;
	v28 =	vadd.f32 v28, v61;
	[tilespmem:s21+$0xFFFFFDD0] =	vst.add.f32.msk $0xffff, v56  }
0x488: {  	v32 =	vunpack.i.u.bf16.f32 v32;
	v60 =	vadd.f32 v58, v55;
	[tilespmem:s21+$0xFFFFFDE0] =	vst.add.f32.msk $0xffff, v27  }
0x489: {  	v23 =	vor.u32 v3, v23;
	v59 =	vmul.f32 v19, v7;
	v32 =	vadd.f32 v32, v57;
	[tilespmem:s21+$0xFFFFFEE0] =	vst.add.f32.msk $0xffff, v28  }
0x48a: {  	[tilespmem:s21+$0xFFFFFE50] =	vst.add.f32.msk $0xffff, v60  }
0x48b: {  	v63 =	vmul.f32 v26, v7;
	v31 =	vadd.f32 v62, v59;
	[tilespmem:s21+$0xFFFFFE60] =	vst.add.f32.msk $0xffff, v32  }
0x48c: {  	v41 =	vmul.f32 v26, v6;
	v46 =	vor.u32 v3, v22;
	v40 =	vunpack.i.l.bf16.f32 v30;
	v21 =	vld.idx.msk [tilespmem:v21+s15+$0x0], $0xffff  }
0x48d: {  	v24 =	vor.u32 v3, v24;
	v30 =	vunpack.i.u.bf16.f32 v30;
	v27 =	vadd.f32 v40, v63;
	[tilespmem:s21+$0xFFFFFED0] =	vst.add.f32.msk $0xffff, v31  }
0x48e: {  	v30 =	vadd.f32 v30, v41;
	v23 =	vld.idx.msk [tilespmem:v23+s15+$0x0], $0xffff  }
0x48f: {  	v14 =	vor.u32 v3, v14;
	v13 =	vor.u32 v3, v13;
	v45 =	vmul.f32 v25, v7;
	[tilespmem:s21+$0xFFFFFC50] =	vst.add.f32.msk $0xffff, v27  }
0x490: {  	v43 =	vmul.f32 v25, v6;
	v48 =	vmul.f32 v25, v5;
	v42 =	vunpack.i.l.bf16.f32 v34;
	[tilespmem:s21+$0xFFFFFC60] =	vst.add.f32.msk $0xffff, v30  }
0x491: {  	v49 =	vmul.f32 v26, v5;
	v44 =	vunpack.i.u.bf16.f32 v34;
	v45 =	vadd.f32 v42, v45;
	v27 =	vld.idx.msk [tilespmem:v46+s15+$0x0], $0xffff  }
0x492: {  	s4 =	simm.s32 $0x8;
	v50 =	vmul.f32 v17, v5;
	v17 =	vmul.f32 v17, v4;
	v22 =	vadd.f32 v44, v43;
	v24 =	vld.idx.msk [tilespmem:v24+s15+$0x0], $0xffff  }
0x493: {  	v47 =	vmov s4;
	v51 =	vmul.f32 v16, v5;
	v16 =	vmul.f32 v16, v4;
	[tilespmem:s21+$0xFFFFFFD0] =	vst.add.f32.msk $0xffff, v45  }
0x494: {  	v53 =	vmul.f32 v18, v5;
	v18 =	vmul.f32 v18, v4;
	v28 =	vand.u32 $0xFFFFFFF8, v47;
	[tilespmem:s21+$0xFFFFFFE0] =	vst.add.f32.msk $0xffff, v22  }
0x495: {  	v52 =	vmul.f32 v15, v5;
	v15 =	vmul.f32 v15, v4;
	v56 =	vunpack.i.u.bf16.f32 v20;
	v54 =	vld.idx.msk [tilespmem:v14+s15+$0x0], $0xffff  }
0x496: {  	v22 =	vbroadcast v28, $0x0;
	v14 =	vunpack.i.l.bf16.f32 v20;
	v17 =	vadd.f32 v56, v17;
	v20 =	vld.idx.msk [tilespmem:v13+s15+$0x0], $0xffff  }
0x497: {  	v13 =	vld.idx.msk [tilespmem:v35+s1+$0x0], $0xffff;
	v30 =	vadd.f32 v14, v50;
	v58 =	vunpack.i.u.bf16.f32 v21;
	v21 =	vunpack.i.l.bf16.f32 v21  }
0x498: {  	s24 =	simm.s32 $0xE;
	v55 =	vmul.f32 v19, v5;
	v19 =	vmul.f32 v19, v4;
	[tilespmem:s21+$0xFFFFFD00] =	vst.add.f32.msk $0xffff, v17;
	v21 =	vadd.f32 v21, v52  }
0x499: {  	v63 =	vmov s24;
	[tilespmem:s21+$0xFFFFFCF0] =	vst.add.f32.msk $0xffff, v30;
	v59 =	vunpack.i.u.bf16.f32 v23;
	v15 =	vadd.f32 v58, v15  }
0x49a: {  	v23 =	vunpack.i.l.bf16.f32 v23;
	v57 =	vunpack.i.u.bf16.f32 v27;
	v27 =	vunpack.i.l.bf16.f32 v27;
	[tilespmem:s21+$0xFFFFFDF0] =	vst.add.f32.msk $0xffff, v21  }
0x49b: {  	v17 =	vunpack.i.u.bf16.f32 v24;
	v24 =	vunpack.i.l.bf16.f32 v24;
	v18 =	vadd.f32 v59, v18;
	[tilespmem:s21+$0xFFFFFE00] =	vst.add.f32.msk $0xffff, v15  }
0x49c: {  	v27 =	vadd.f32 v27, v51;
	v16 =	vadd.f32 v57, v16;
	v60 =	vunpack.i.u.bf16.f32 v54;
	v14 =	vld.idx.msk [tilespmem:v22+s6+$0x0], $0xffff  }
0x49d: {  	v61 =	vunpack.i.l.bf16.f32 v54;
	v21 =	vadd.f32 v23, v53;
	v23 =	vmul.f32 v26, v4;
	[tilespmem:s21+$0xFFFFFE80] =	vst.add.f32.msk $0xffff, v18  }
0x49e: {  	v24 =	vadd.f32 v24, v55;
	v19 =	vadd.f32 v17, v19;
	v15 =	vmul.f32 v25, v4;
	[tilespmem:s21+$0xFFFFFD70] =	vst.add.f32.msk $0xffff, v27  }
0x49f: {  	v62 =	vunpack.i.l.bf16.f32 v20;
	[tilespmem:s21+$0xFFFFFD80] =	vst.add.f32.msk $0xffff, v16;
	v16 =	vunpack.i.u.bf16.f32 v20;
	v20 =	vadd.f32 v61, v49  }
0x4a0: {  	s31 =	simm.s32 $0x9;
	[tilespmem:s21+$0xFFFFFE70] =	vst.add.f32.msk $0xffff, v21;
	v17 =	vadd.f32 v60, v23;
	v23 =	vand.u32 $0xFFFFFFFE, v63;
	v18 =	vadd.f32 v62, v48  }
0x4a1: {  	s23 =	simm.s32 $0x10;
	v21 =	vmov s31;
	[tilespmem:s21+$0xFFFFFEF0] =	vst.add.f32.msk $0xffff, v24;
	v16 =	vadd.f32 v16, v15;
	v15 =	vbroadcast v23, $0x0  }
.LBB2_20:
0x4a2: {  	p0 =	slt.u32 s23, $0xF8;
	v21 =	vand.u32 $0xFFFFFFF9, v21;
	s0 =	sadd.s32 $0x2, s4;
	[tilespmem:s21+$0xFFFFFF00] =	vst.add.f32.msk $0xffff, v19  }
0x4a3: {  	v19 =	vbroadcast v21, $0x0;
	v21 =	vmov s0;
	[tilespmem:s21+$0xFFFFFC70] =	vst.add.f32.msk $0xffff, v20  }
0x4a4: {  	s0 =	sadd.s32 $0x3, s4;
	v20 =	vand.u32 $0xFFFFFFFA, v21;
	[tilespmem:s21+$0xFFFFFC80] =	vst.add.f32.msk $0xffff, v17  }
0x4a5: {  	v17 =	vbroadcast v20, $0x0;
	v20 =	vmov s0;
	s0 =	sadd.s32 $0x4, s4;
	[tilespmem:s21+$0xFFFFFFF0] =	vst.add.f32.msk $0xffff, v18  }
0x4a6: {  	v18 =	vand.u32 $0xFFFFFFFB, v20;
	v20 =	vmov s0;
	s0 =	sadd.s32 $0x5, s4;
	[tilespmem:s21+$0x0] =	vst.add.f32.msk $0xffff, v16;
	s4 =	smov.u32 s23  }
0x4a7: {  	v16 =	vbroadcast v18, $0x0;
	v18 =	vand.u32 $0xFFFFFFFC, v20;
	v20 =	vmov s0;
	v21 =	vld.idx.msk [tilespmem:v15+s1+$0x0], $0xffff  }
0x4a8: {  	v22 =	vld.idx.msk [tilespmem:v22+s1+$0x0], $0xffff;
	v18 =	vbroadcast v18, $0x0;
	v20 =	vand.u32 $0xFFFFFFFD, v20  }
0x4a9: {  	v26 =	vld.idx.msk [tilespmem:v19+s6+$0x0], $0xffff;
	v20 =	vbroadcast v20, $0x0  }
0x4aa: {  	v19 =	vld.idx.msk [tilespmem:v19+s1+$0x0], $0xffff  }
0x4ab: {  	v27 =	vld.idx.msk [tilespmem:v17+s6+$0x0], $0xffff  }
0x4ac: {  	v17 =	vld.idx.msk [tilespmem:v17+s1+$0x0], $0xffff  }
0x4ad: {  	v30 =	vshll.u32 v21, $0x6;
	v23 =	vld.idx.msk [tilespmem:v16+s1+$0x0], $0xffff  }
0x4ae: {  	v24 =	vor.u32 v0, v30;
	v21 =	vld.idx.msk [tilespmem:v18+s1+$0x0], $0xffff  }
0x4af: {  	v13 =	vshll.u32 v13, $0x6;
	v25 =	vld.idx.msk [tilespmem:v20+s1+$0x0], $0xffff  }
0x4b0: {  	v29 =	vor.u32 v0, v13;
	v19 =	vshll.u32 v19, $0x6;
	v28 =	vld.idx.msk [tilespmem:v15+s6+$0x0], $0xffff  }
0x4b1: {  	v15 =	vshll.u32 v22, $0x6;
	v31 =	vor.u32 v0, v19;
	v16 =	vld.idx.msk [tilespmem:v16+s6+$0x0], $0xffff  }
0x4b2: {  	v32 =	vor.u32 v0, v15;
	v22 =	vshll.u32 v17, $0x6;
	v33 =	vld.idx.msk [tilespmem:v18+s6+$0x0], $0xffff  }
0x4b3: {  	v34 =	vor.u32 v0, v22;
	v23 =	vshll.u32 v23, $0x6;
	v35 =	vld.idx.msk [tilespmem:v24+s15+$0x0], $0xffff  }
0x4b4: {  	v36 =	vor.u32 v0, v23;
	v24 =	vshll.u32 v21, $0x6;
	v21 =	vld.idx.msk [tilespmem:v20+s6+$0x0], $0xffff  }
0x4b5: {  	v37 =	vor.u32 v0, v24;
	v25 =	vshll.u32 v25, $0x6;
	v38 =	vld.idx.msk [tilespmem:v29+s15+$0x0], $0xffff  }
0x4b6: {  	v17 =	vcvt.s32.f32 v26;
	v29 =	vcvt.s32.f32 v28;
	v26 =	vld.idx.msk [tilespmem:v31+s15+$0x0], $0xffff;
	v31 =	vor.u32 v0, v25  }
0x4b7: {  	v18 =	vcvt.s32.f32 v27;
	v16 =	vcvt.s32.f32 v16;
	v32 =	vld.idx.msk [tilespmem:v32+s15+$0x0], $0xffff  }
0x4b8: {  	v28 =	vmul.f32 v29, v5;
	v27 =	vld.idx.msk [tilespmem:v34+s15+$0x0], $0xffff;
	v34 =	vmul.f32 v29, v11  }
0x4b9: {  	v41 =	vor.u32 v1, v30;
	v40 =	vmul.f32 v29, v10;
	v39 =	vunpack.i.l.bf16.f32 v35;
	v36 =	vld.idx.msk [tilespmem:v36+s15+$0x0], $0xffff  }
0x4ba: {  	v20 =	vcvt.s32.f32 v33;
	v35 =	vunpack.i.u.bf16.f32 v35;
	v33 =	vld.idx.msk [tilespmem:v37+s15+$0x0], $0xffff;
	v34 =	vadd.f32 v39, v34  }
0x4bb: {  	s21 =	sadd.s32 $0x400, s21;
	v21 =	vcvt.s32.f32 v21;
	v35 =	vadd.f32 v40, v35;
	v37 =	vmul.f32 v17, v11;
	v31 =	vld.idx.msk [tilespmem:v31+s15+$0x0], $0xffff  }
0x4bc: {  	v42 =	vmul.f32 v18, v11;
	v40 =	vmul.f32 v17, v10;
	v39 =	vunpack.i.l.bf16.f32 v26;
	[tilespmem:s21+$0xFFFFFF10] =	vst.add.f32.msk $0xffff, v34  }
0x4bd: {  	v26 =	vunpack.i.u.bf16.f32 v26;
	v34 =	vadd.f32 v39, v37;
	v37 =	vmul.f32 v18, v10;
	[tilespmem:s21+$0xFFFFFF20] =	vst.add.f32.msk $0xffff, v35  }
0x4be: {  	v26 =	vadd.f32 v40, v26;
	v39 =	vmul.f32 v16, v11;
	v35 =	vunpack.i.l.bf16.f32 v27;
	v40 =	vld.idx.msk [tilespmem:v41+s15+$0x0], $0xffff  }
0x4bf: {  	v27 =	vunpack.i.u.bf16.f32 v27;
	[tilespmem:s21+$0xFFFFFC90] =	vst.add.f32.msk $0xffff, v34;
	v34 =	vadd.f32 v35, v42;
	v35 =	vmul.f32 v16, v10  }
0x4c0: {  	[tilespmem:s21+$0xFFFFFCA0] =	vst.add.f32.msk $0xffff, v26;
	v26 =	vadd.f32 v37, v27;
	v27 =	vunpack.i.l.bf16.f32 v36;
	v37 =	vmul.f32 v20, v11  }
0x4c1: {  	[tilespmem:s21+$0xFFFFFD10] =	vst.add.f32.msk $0xffff, v34;
	v34 =	vunpack.i.u.bf16.f32 v36;
	v27 =	vadd.f32 v27, v39;
	v36 =	vmul.f32 v20, v10  }
0x4c2: {  	[tilespmem:s21+$0xFFFFFD20] =	vst.add.f32.msk $0xffff, v26;
	v26 =	vadd.f32 v35, v34;
	v34 =	vunpack.i.u.bf16.f32 v33;
	v33 =	vunpack.i.l.bf16.f32 v33  }
0x4c3: {  	[tilespmem:s21+$0xFFFFFD90] =	vst.add.f32.msk $0xffff, v27;
	v27 =	vadd.f32 v33, v37;
	v33 =	vadd.f32 v36, v34;
	v34 =	vmul.f32 v29, v9  }
0x4c4: {  	v35 =	vmul.f32 v29, v8;
	v36 =	vor.u32 v2, v30;
	[tilespmem:s21+$0xFFFFFDA0] =	vst.add.f32.msk $0xffff, v26;
	v26 =	vunpack.i.l.bf16.f32 v40  }
0x4c5: {  	v37 =	vunpack.i.u.bf16.f32 v40;
	[tilespmem:s21+$0xFFFFFE10] =	vst.add.f32.msk $0xffff, v27;
	v34 =	vadd.f32 v26, v34;
	v26 =	vcvt.s32.f32 v12  }
0x4c6: {  	v27 =	vcvt.s32.f32 v14;
	v12 =	vmul.f32 v21, v11;
	v14 =	vadd.f32 v37, v35;
	[tilespmem:s21+$0xFFFFFE20] =	vst.add.f32.msk $0xffff, v33  }
0x4c7: {  	v35 =	vmul.f32 v21, v10;
	v33 =	vunpack.i.l.bf16.f32 v31;
	[tilespmem:s21+$0xFFFFFF30] =	vst.add.f32.msk $0xffff, v34;
	v34 =	vmul.f32 v26, v11  }
0x4c8: {  	v31 =	vunpack.i.u.bf16.f32 v31;
	v37 =	vmul.f32 v27, v11;
	v12 =	vadd.f32 v33, v12;
	[tilespmem:s21+$0xFFFFFF40] =	vst.add.f32.msk $0xffff, v14  }
0x4c9: {  	v33 =	vmul.f32 v27, v10;
	v31 =	vadd.f32 v35, v31;
	v14 =	vunpack.i.l.bf16.f32 v32;
	v35 =	vld.idx.msk [tilespmem:v36+s15+$0x0], $0xffff  }
0x4ca: {  	v32 =	vunpack.i.u.bf16.f32 v32;
	v14 =	vadd.f32 v14, v37;
	[tilespmem:s21+$0xFFFFFE90] =	vst.add.f32.msk $0xffff, v12;
	v12 =	vmul.f32 v26, v10  }
0x4cb: {  	v32 =	vadd.f32 v33, v32;
	v33 =	vor.u32 v1, v19;
	[tilespmem:s21+$0xFFFFFEA0] =	vst.add.f32.msk $0xffff, v31;
	v31 =	vunpack.i.l.bf16.f32 v38  }
0x4cc: {  	v36 =	vunpack.i.u.bf16.f32 v38;
	[tilespmem:s21+$0xFFFFFC10] =	vst.add.f32.msk $0xffff, v14;
	v14 =	vor.u32 v1, v22;
	v31 =	vadd.f32 v31, v34  }
0x4cd: {  	v12 =	vadd.f32 v12, v36;
	[tilespmem:s21+$0xFFFFFC20] =	vst.add.f32.msk $0xffff, v32  }
0x4ce: {  	v32 =	vmul.f32 v29, v7;
	[tilespmem:s21+$0xFFFFFF90] =	vst.add.f32.msk $0xffff, v31  }
0x4cf: {  	v30 =	vor.u32 v3, v30;
	v34 =	vmul.f32 v29, v6;
	v31 =	vunpack.i.l.bf16.f32 v35;
	[tilespmem:s21+$0xFFFFFFA0] =	vst.add.f32.msk $0xffff, v12  }
0x4d0: {  	v35 =	vunpack.i.u.bf16.f32 v35;
	v31 =	vadd.f32 v31, v32;
	v12 =	vld.idx.msk [tilespmem:v33+s15+$0x0], $0xffff;
	v33 =	vor.u32 v1, v23  }
0x4d1: {  	v32 =	vor.u32 v1, v24;
	v34 =	vadd.f32 v35, v34;
	v35 =	vmul.f32 v26, v9;
	v14 =	vld.idx.msk [tilespmem:v14+s15+$0x0], $0xffff  }
0x4d2: {  	v37 =	vmul.f32 v27, v8;
	v38 =	vor.u32 v1, v25;
	v36 =	vmul.f32 v27, v9;
	[tilespmem:s21+$0xFFFFFF50] =	vst.add.f32.msk $0xffff, v31  }
0x4d3: {  	v39 =	vmul.f32 v17, v9;
	v40 =	vmul.f32 v17, v8;
	v31 =	vor.u32 v1, v15;
	[tilespmem:s21+$0xFFFFFF60] =	vst.add.f32.msk $0xffff, v34  }
0x4d4: {  	v41 =	vmul.f32 v18, v8;
	v42 =	vor.u32 v1, v13;
	v34 =	vmul.f32 v18, v9;
	v30 =	vld.idx.msk [tilespmem:v30+s15+$0x0], $0xffff  }
0x4d5: {  	v43 =	vmul.f32 v16, v9;
	v44 =	vmul.f32 v16, v8;
	v33 =	vld.idx.msk [tilespmem:v33+s15+$0x0], $0xffff  }
0x4d6: {  	v46 =	vmul.f32 v20, v9;
	v45 =	vunpack.i.u.bf16.f32 v12;
	v12 =	vunpack.i.l.bf16.f32 v12;
	v32 =	vld.idx.msk [tilespmem:v32+s15+$0x0], $0xffff  }
0x4d7: {  	v12 =	vadd.f32 v12, v39;
	v39 =	vunpack.i.u.bf16.f32 v14;
	v14 =	vunpack.i.l.bf16.f32 v14;
	v38 =	vld.idx.msk [tilespmem:v38+s15+$0x0], $0xffff  }
0x4d8: {  	v40 =	vadd.f32 v45, v40;
	v14 =	vadd.f32 v14, v34;
	v34 =	vmul.f32 v20, v8;
	v31 =	vld.idx.msk [tilespmem:v31+s15+$0x0], $0xffff  }
0x4d9: {  	v29 =	vmul.f32 v29, v4;
	v39 =	vadd.f32 v39, v41;
	v41 =	vmul.f32 v21, v9;
	v42 =	vld.idx.msk [tilespmem:v42+s15+$0x0], $0xffff  }
0x4da: {  	v45 =	vunpack.i.u.bf16.f32 v30;
	v30 =	vunpack.i.l.bf16.f32 v30;
	[tilespmem:s21+$0xFFFFFCB0] =	vst.add.f32.msk $0xffff, v12;
	v12 =	vmul.f32 v21, v8  }
0x4db: {  	v29 =	vadd.f32 v45, v29;
	[tilespmem:s21+$0xFFFFFCC0] =	vst.add.f32.msk $0xffff, v40;
	v40 =	vunpack.i.u.bf16.f32 v33;
	v33 =	vunpack.i.l.bf16.f32 v33  }
0x4dc: {  	[tilespmem:s21+$0xFFFFFD30] =	vst.add.f32.msk $0xffff, v14;
	v14 =	vadd.f32 v33, v43;
	v33 =	vunpack.i.u.bf16.f32 v32;
	v32 =	vunpack.i.l.bf16.f32 v32  }
0x4dd: {  	v40 =	vadd.f32 v40, v44;
	v43 =	vunpack.i.u.bf16.f32 v38;
	v38 =	vunpack.i.l.bf16.f32 v38;
	[tilespmem:s21+$0xFFFFFF80] =	vst.add.f32.msk $0xffff, v29  }
0x4de: {  	v29 =	vunpack.i.u.bf16.f32 v31;
	v31 =	vunpack.i.l.bf16.f32 v31;
	v32 =	vadd.f32 v32, v46;
	[tilespmem:s21+$0xFFFFFD40] =	vst.add.f32.msk $0xffff, v39  }
0x4df: {  	[tilespmem:s21+$0xFFFFFDB0] =	vst.add.f32.msk $0xffff, v14;
	v14 =	vadd.f32 v33, v34;
	v33 =	vunpack.i.u.bf16.f32 v42;
	v34 =	vunpack.i.l.bf16.f32 v42  }
0x4e0: {  	v38 =	vadd.f32 v38, v41;
	v12 =	vadd.f32 v43, v12;
	v39 =	vmul.f32 v26, v8;
	[tilespmem:s21+$0xFFFFFDC0] =	vst.add.f32.msk $0xffff, v40  }
0x4e1: {  	v31 =	vadd.f32 v31, v36;
	v29 =	vadd.f32 v29, v37;
	[tilespmem:s21+$0xFFFFFE30] =	vst.add.f32.msk $0xffff, v32  }
0x4e2: {  	v32 =	vadd.f32 v33, v39;
	[tilespmem:s21+$0xFFFFFE40] =	vst.add.f32.msk $0xffff, v14;
	v14 =	vadd.f32 v34, v35  }
0x4e3: {  	v28 =	vadd.f32 v30, v28;
	[tilespmem:s21+$0xFFFFFEB0] =	vst.add.f32.msk $0xffff, v38  }
0x4e4: {  	v30 =	vor.u32 v2, v19;
	[tilespmem:s21+$0xFFFFFEC0] =	vst.add.f32.msk $0xffff, v12  }
0x4e5: {  	v12 =	vor.u32 v2, v22;
	[tilespmem:s21+$0xFFFFFC30] =	vst.add.f32.msk $0xffff, v31  }
0x4e6: {  	[tilespmem:s21+$0xFFFFFC40] =	vst.add.f32.msk $0xffff, v29;
	v29 =	vor.u32 v2, v23  }
0x4e7: {  	v31 =	vor.u32 v2, v24;
	[tilespmem:s21+$0xFFFFFFB0] =	vst.add.f32.msk $0xffff, v14  }
0x4e8: {  	v14 =	vor.u32 v2, v25;
	[tilespmem:s21+$0xFFFFFFC0] =	vst.add.f32.msk $0xffff, v32  }
0x4e9: {  	v33 =	vmul.f32 v26, v7;
	v32 =	vor.u32 v2, v15;
	v30 =	vld.idx.msk [tilespmem:v30+s15+$0x0], $0xffff  }
0x4ea: {  	v36 =	vor.u32 v2, v13;
	v34 =	vmul.f32 v27, v7;
	v35 =	vmul.f32 v17, v7;
	v12 =	vld.idx.msk [tilespmem:v12+s15+$0x0], $0xffff  }
0x4eb: {  	s0 =	sadd.s32 $0x7, s23;
	v37 =	vmul.f32 v17, v6;
	v38 =	vmul.f32 v18, v7;
	v29 =	vld.idx.msk [tilespmem:v29+s15+$0x0], $0xffff  }
0x4ec: {  	v41 =	vmul.f32 v16, v7;
	v40 =	vmul.f32 v18, v6;
	v39 =	vmov s0;
	v31 =	vld.idx.msk [tilespmem:v31+s15+$0x0], $0xffff  }
0x4ed: {  	v43 =	vmul.f32 v20, v7;
	v42 =	vmul.f32 v16, v6;
	v14 =	vld.idx.msk [tilespmem:v14+s15+$0x0], $0xffff  }
0x4ee: {  	v45 =	vmul.f32 v21, v7;
	v44 =	vmul.f32 v20, v6;
	v32 =	vld.idx.msk [tilespmem:v32+s15+$0x0], $0xffff  }
0x4ef: {  	v47 =	vmul.f32 v21, v6;
	v46 =	vunpack.i.u.bf16.f32 v30;
	v30 =	vunpack.i.l.bf16.f32 v30;
	v36 =	vld.idx.msk [tilespmem:v36+s15+$0x0], $0xffff  }
0x4f0: {  	v30 =	vadd.f32 v30, v35;
	v35 =	vunpack.i.u.bf16.f32 v12;
	v48 =	vunpack.i.l.bf16.f32 v12;
	[tilespmem:s21+$0xFFFFFF70] =	vst.add.f32.msk $0xffff, v28  }
0x4f1: {  	v28 =	vadd.f32 v46, v37;
	v37 =	vunpack.i.u.bf16.f32 v29;
	v29 =	vunpack.i.l.bf16.f32 v29;
	v12 =	vld.idx.msk [tilespmem:v39+s6+$0x0], $0xffff  }
0x4f2: {  	[tilespmem:s21+$0xFFFFFCD0] =	vst.add.f32.msk $0xffff, v30;
	v30 =	vadd.f32 v48, v38;
	v38 =	vunpack.i.u.bf16.f32 v31;
	v31 =	vunpack.i.l.bf16.f32 v31  }
0x4f3: {  	[tilespmem:s21+$0xFFFFFCE0] =	vst.add.f32.msk $0xffff, v28;
	v28 =	vadd.f32 v35, v40;
	v35 =	vunpack.i.u.bf16.f32 v14;
	v14 =	vunpack.i.l.bf16.f32 v14  }
0x4f4: {  	v29 =	vadd.f32 v29, v41;
	v40 =	vunpack.i.u.bf16.f32 v32;
	v32 =	vunpack.i.l.bf16.f32 v32;
	[tilespmem:s21+$0xFFFFFD50] =	vst.add.f32.msk $0xffff, v30  }
0x4f5: {  	v30 =	vunpack.i.u.bf16.f32 v36;
	v36 =	vunpack.i.l.bf16.f32 v36;
	[tilespmem:s21+$0xFFFFFD60] =	vst.add.f32.msk $0xffff, v28;
	v28 =	vadd.f32 v37, v42  }
0x4f6: {  	v37 =	vmul.f32 v27, v6;
	[tilespmem:s21+$0xFFFFFDD0] =	vst.add.f32.msk $0xffff, v29;
	v29 =	vadd.f32 v31, v43;
	v31 =	vadd.f32 v38, v44  }
0x4f7: {  	v14 =	vadd.f32 v14, v45;
	[tilespmem:s21+$0xFFFFFDE0] =	vst.add.f32.msk $0xffff, v28;
	v28 =	vadd.f32 v35, v47;
	v35 =	vmul.f32 v26, v6  }
0x4f8: {  	v32 =	vadd.f32 v32, v34;
	v34 =	vadd.f32 v40, v37;
	[tilespmem:s21+$0xFFFFFE50] =	vst.add.f32.msk $0xffff, v29  }
0x4f9: {  	v29 =	vadd.f32 v36, v33;
	[tilespmem:s21+$0xFFFFFE60] =	vst.add.f32.msk $0xffff, v31;
	v30 =	vadd.f32 v30, v35  }
0x4fa: {  	[tilespmem:s21+$0xFFFFFED0] =	vst.add.f32.msk $0xffff, v14  }
0x4fb: {  	v14 =	vor.u32 v3, v19;
	[tilespmem:s21+$0xFFFFFEE0] =	vst.add.f32.msk $0xffff, v28  }
0x4fc: {  	v19 =	vor.u32 v3, v22;
	[tilespmem:s21+$0xFFFFFC50] =	vst.add.f32.msk $0xffff, v32  }
0x4fd: {  	v23 =	vor.u32 v3, v23;
	[tilespmem:s21+$0xFFFFFC60] =	vst.add.f32.msk $0xffff, v34  }
0x4fe: {  	v24 =	vor.u32 v3, v24;
	v22 =	vmov s23;
	[tilespmem:s21+$0xFFFFFFD0] =	vst.add.f32.msk $0xffff, v29  }
0x4ff: {  	v25 =	vor.u32 v3, v25;
	v22 =	vand.u32 $0xFFFFFFF8, v22;
	[tilespmem:s21+$0xFFFFFFE0] =	vst.add.f32.msk $0xffff, v30  }
0x500: {  	v15 =	vor.u32 v3, v15;
	v28 =	vmul.f32 v26, v5;
	v22 =	vbroadcast v22, $0x0;
	v14 =	vld.idx.msk [tilespmem:v14+s15+$0x0], $0xffff  }
0x501: {  	v13 =	vor.u32 v3, v13;
	v29 =	vmul.f32 v27, v5;
	v30 =	vmul.f32 v17, v5;
	v19 =	vld.idx.msk [tilespmem:v19+s15+$0x0], $0xffff  }
0x502: {  	v31 =	vmul.f32 v18, v5;
	v17 =	vmul.f32 v17, v4;
	v23 =	vld.idx.msk [tilespmem:v23+s15+$0x0], $0xffff  }
0x503: {  	v18 =	vmul.f32 v18, v4;
	v32 =	vmul.f32 v16, v5;
	v24 =	vld.idx.msk [tilespmem:v24+s15+$0x0], $0xffff  }
0x504: {  	v33 =	vmul.f32 v20, v5;
	v16 =	vmul.f32 v16, v4;
	v25 =	vld.idx.msk [tilespmem:v25+s15+$0x0], $0xffff  }
0x505: {  	v20 =	vmul.f32 v20, v4;
	v34 =	vmul.f32 v21, v5;
	v15 =	vld.idx.msk [tilespmem:v15+s15+$0x0], $0xffff  }
0x506: {  	v21 =	vmul.f32 v21, v4;
	v35 =	vunpack.i.u.bf16.f32 v14;
	v14 =	vunpack.i.l.bf16.f32 v14;
	v36 =	vld.idx.msk [tilespmem:v13+s15+$0x0], $0xffff  }
0x507: {  	v30 =	vadd.f32 v14, v30;
	v37 =	vunpack.i.u.bf16.f32 v19;
	v19 =	vunpack.i.l.bf16.f32 v19;
	v13 =	vld.idx.msk [tilespmem:v39+s1+$0x0], $0xffff  }
0x508: {  	v17 =	vadd.f32 v35, v17;
	v35 =	vunpack.i.u.bf16.f32 v23;
	v23 =	vunpack.i.l.bf16.f32 v23;
	v14 =	vld.idx.msk [tilespmem:v22+s6+$0x0], $0xffff  }
0x509: {  	v19 =	vadd.f32 v19, v31;
	[tilespmem:s21+$0xFFFFFCF0] =	vst.add.f32.msk $0xffff, v30;
	v30 =	vunpack.i.u.bf16.f32 v24;
	v24 =	vunpack.i.l.bf16.f32 v24  }
0x50a: {  	[tilespmem:s21+$0xFFFFFD00] =	vst.add.f32.msk $0xffff, v17;
	v17 =	vadd.f32 v37, v18;
	v18 =	vunpack.i.u.bf16.f32 v25;
	v25 =	vunpack.i.l.bf16.f32 v25  }
0x50b: {  	v31 =	vunpack.i.u.bf16.f32 v15;
	v15 =	vunpack.i.l.bf16.f32 v15;
	[tilespmem:s21+$0xFFFFFD70] =	vst.add.f32.msk $0xffff, v19;
	v19 =	vadd.f32 v23, v32  }
0x50c: {  	v16 =	vadd.f32 v35, v16;
	v23 =	vunpack.i.u.bf16.f32 v36;
	v32 =	vunpack.i.l.bf16.f32 v36;
	[tilespmem:s21+$0xFFFFFD80] =	vst.add.f32.msk $0xffff, v17  }
.Ltmp10:
0x50d: {  	v24 =	vadd.f32 v24, v33;
	v17 =	vmul.f32 v27, v4;
	v27 =	vadd.f32 v30, v20;
	[tilespmem:s21+$0xFFFFFDF0] =	vst.add.f32.msk $0xffff, v19;
	(pc) =	sbr.rel @p0 .LBB2_20-.Ltmp10, $4  }
0x50e: {  	s0 =	sadd.s32 $0x6, s23;
	v25 =	vadd.f32 v25, v34;
	v19 =	vadd.f32 v18, v21;
	[tilespmem:s21+$0xFFFFFE00] =	vst.add.f32.msk $0xffff, v16;
	v16 =	vmul.f32 v26, v4  }
0x50f: {  	v20 =	vadd.f32 v15, v29;
	v18 =	vmov s0;
	v17 =	vadd.f32 v31, v17;
	[tilespmem:s21+$0xFFFFFE70] =	vst.add.f32.msk $0xffff, v24  }
0x510: {  	s0 =	sadd.s32 $0x1, s23;
	v15 =	vand.u32 $0xFFFFFFFE, v18;
	v18 =	vadd.f32 v32, v28;
	[tilespmem:s21+$0xFFFFFE80] =	vst.add.f32.msk $0xffff, v27;
	v16 =	vadd.f32 v23, v16  }
0x511: {  	s23 =	sadd.s32 $0x8, s23;
	v21 =	vmov s0;
	v15 =	vbroadcast v15, $0x0;
	[tilespmem:s21+$0xFFFFFEF0] =	vst.add.f32.msk $0xffff, v25  }
0x512: {  	[tilespmem:s21+$0xFFFFFF00] =	vst.add.f32.msk $0xffff, v19  }
0x513: {  	v21 =	vand.u32 $0xFFFFFFF9, v21;
	s0 =	sadd.s32 $0x2, s4;
	[tilespmem:s21+$0xFFFFFC70] =	vst.add.f32.msk $0xffff, v20  }
0x514: {  	[tilespmem:s21+$0xFFFFFC80] =	vst.add.f32.msk $0xffff, v17;
	v48 =	vbroadcast v21, $0x0;
	v49 =	vmov s0  }
0x515: {  	s11 =	sadd.s32 $0x3, s4;
	[tilespmem:s21+$0xFFFFFFF0] =	vst.add.f32.msk $0xffff, v18;
	v50 =	vand.u32 $0xFFFFFFFA, v49  }
0x516: {  	s12 =	sadd.s32 $0x4, s4;
	[tilespmem:s21+$0x0] =	vst.add.f32.msk $0xffff, v16;
	v52 =	vmov s11;
	v51 =	vbroadcast v50, $0x0  }
0x517: {  	s13 =	sadd.s32 $0x5, s4;
	v22 =	vld.idx.msk [tilespmem:v22+s1+$0x0], $0xffff;
	v54 =	vmov s12;
	v53 =	vand.u32 $0xFFFFFFFB, v52  }
0x518: {  	v57 =	vmov s13;
	v58 =	vld.idx.msk [tilespmem:v15+s1+$0x0], $0xffff;
	v56 =	vand.u32 $0xFFFFFFFC, v54;
	v55 =	vbroadcast v53, $0x0  }
0x519: {  	v59 =	vld.idx.msk [tilespmem:v15+s6+$0x0], $0xffff;
	v20 =	vand.u32 $0xFFFFFFFD, v57;
	v18 =	vbroadcast v56, $0x0  }
0x51a: {  	v20 =	vbroadcast v20, $0x0;
	v27 =	vld.idx.msk [tilespmem:v48+s6+$0x0], $0xffff  }
0x51b: {  	v19 =	vld.idx.msk [tilespmem:v48+s1+$0x0], $0xffff  }
0x51c: {  	v28 =	vld.idx.msk [tilespmem:v51+s6+$0x0], $0xffff  }
0x51d: {  	v23 =	vld.idx.msk [tilespmem:v51+s1+$0x0], $0xffff  }
0x51e: {  	v29 =	vshll.u32 v58, $0x6;
	v24 =	vld.idx.msk [tilespmem:v55+s1+$0x0], $0xffff  }
0x51f: {  	v17 =	vshll.u32 v22, $0x6;
	v26 =	vor.u32 v0, v29;
	v25 =	vld.idx.msk [tilespmem:v18+s1+$0x0], $0xffff  }
0x520: {  	v13 =	vshll.u32 v13, $0x6;
	v32 =	vor.u32 v0, v17;
	v30 =	vld.idx.msk [tilespmem:v20+s1+$0x0], $0xffff  }
0x521: {  	v60 =	vor.u32 v0, v13;
	v16 =	vld.idx.msk [tilespmem:v55+s6+$0x0], $0xffff;
	v21 =	vshll.u32 v19, $0x6  }
0x522: {  	v33 =	vld.idx.msk [tilespmem:v18+s6+$0x0], $0xffff;
	v31 =	vor.u32 v0, v21;
	v22 =	vshll.u32 v23, $0x6  }
0x523: {  	v37 =	vld.idx.msk [tilespmem:v20+s6+$0x0], $0xffff;
	v23 =	vshll.u32 v24, $0x6;
	v34 =	vor.u32 v0, v22  }
0x524: {  	v12 =	vcvt.s32.f32 v12;
	v35 =	vld.idx.msk [tilespmem:v26+s15+$0x0], $0xffff;
	v24 =	vshll.u32 v25, $0x6;
	v36 =	vor.u32 v0, v23  }
0x525: {  	v20 =	vcvt.s32.f32 v27;
	v27 =	vld.idx.msk [tilespmem:v32+s15+$0x0], $0xffff;
	v25 =	vshll.u32 v30, $0x6;
	v38 =	vor.u32 v0, v24  }
0x526: {  	v14 =	vcvt.s32.f32 v14;
	v26 =	vcvt.s32.f32 v59;
	v30 =	vld.idx.msk [tilespmem:v60+s15+$0x0], $0xffff;
	v39 =	vor.u32 v0, v25  }
0x527: {  	v19 =	vcvt.s32.f32 v28;
	v18 =	vcvt.s32.f32 v16;
	v31 =	vld.idx.msk [tilespmem:v31+s15+$0x0], $0xffff  }
0x528: {  	v40 =	vor.u32 v1, v29;
	v15 =	vmul.f32 v26, v11;
	v44 =	vmul.f32 v26, v10;
	v61 =	vld.idx.msk [tilespmem:v34+s15+$0x0], $0xffff  }
0x529: {  	v16 =	vcvt.s32.f32 v33;
	v63 =	vunpack.i.l.bf16.f32 v35;
	v35 =	vunpack.i.u.bf16.f32 v35;
	v62 =	vld.idx.msk [tilespmem:v36+s15+$0x0], $0xffff  }
0x52a: {  	v46 =	vmul.f32 v20, v11;
	v49 =	vmul.f32 v20, v10;
	v35 =	vadd.f32 v44, v35;
	v45 =	vld.idx.msk [tilespmem:v38+s15+$0x0], $0xffff  }
0x52b: {  	s18 =	sadd.s32 $0x400, s21;
	v41 =	vmul.f32 v19, v11;
	v51 =	vmul.f32 v19, v10;
	v34 =	vadd.f32 v63, v15;
	v47 =	vld.idx.msk [tilespmem:v39+s15+$0x0], $0xffff  }
0x52c: {  	v53 =	vmul.f32 v18, v11;
	v56 =	vmul.f32 v18, v10;
	[tilespmem:s18+$0xFFFFFF20] =	vst.add.f32.msk $0xffff, v35;
	v48 =	vunpack.i.l.bf16.f32 v31  }
0x52d: {  	v58 =	vmul.f32 v16, v11;
	[tilespmem:s18+$0xFFFFFF10] =	vst.add.f32.msk $0xffff, v34;
	v31 =	vunpack.i.u.bf16.f32 v31;
	v50 =	vadd.f32 v48, v46  }
0x52e: {  	v59 =	vmul.f32 v16, v10;
	v54 =	vld.idx.msk [tilespmem:v40+s15+$0x0], $0xffff;
	v31 =	vadd.f32 v49, v31;
	v52 =	vunpack.i.l.bf16.f32 v61  }
0x52f: {  	v15 =	vcvt.s32.f32 v37;
	v28 =	vunpack.i.u.bf16.f32 v61;
	[tilespmem:s18+$0xFFFFFC90] =	vst.add.f32.msk $0xffff, v50;
	v55 =	vadd.f32 v52, v41  }
0x530: {  	v63 =	vmul.f32 v26, v9;
	v57 =	vunpack.i.l.bf16.f32 v62;
	[tilespmem:s18+$0xFFFFFCA0] =	vst.add.f32.msk $0xffff, v31;
	v28 =	vadd.f32 v51, v28  }
0x531: {  	v42 =	vmul.f32 v15, v11;
	v32 =	vunpack.i.u.bf16.f32 v62;
	v31 =	vadd.f32 v57, v53;
	[tilespmem:s18+$0xFFFFFD10] =	vst.add.f32.msk $0xffff, v55  }
0x532: {  	v44 =	vmul.f32 v15, v10;
	v33 =	vunpack.i.l.bf16.f32 v45;
	v60 =	vadd.f32 v56, v32;
	[tilespmem:s18+$0xFFFFFD20] =	vst.add.f32.msk $0xffff, v28  }
0x533: {  	v46 =	vmul.f32 v14, v11;
	v61 =	vunpack.i.u.bf16.f32 v45;
	v62 =	vadd.f32 v33, v58;
	[tilespmem:s18+$0xFFFFFD90] =	vst.add.f32.msk $0xffff, v31  }
0x534: {  	v43 =	vunpack.i.l.bf16.f32 v47;
	v47 =	vunpack.i.u.bf16.f32 v47;
	v32 =	vadd.f32 v59, v61;
	[tilespmem:s18+$0xFFFFFDA0] =	vst.add.f32.msk $0xffff, v60  }
0x535: {  	v48 =	vunpack.i.l.bf16.f32 v27;
	v49 =	vmul.f32 v14, v10;
	v34 =	vadd.f32 v44, v47;
	[tilespmem:s18+$0xFFFFFE10] =	vst.add.f32.msk $0xffff, v62  }
0x536: {  	v27 =	vunpack.i.u.bf16.f32 v27;
	v45 =	vmul.f32 v12, v11;
	v11 =	vadd.f32 v48, v46;
	[tilespmem:s18+$0xFFFFFE20] =	vst.add.f32.msk $0xffff, v32  }
0x537: {  	v50 =	vmul.f32 v12, v10;
	v27 =	vadd.f32 v49, v27;
	v51 =	vor.u32 v1, v21;
	[tilespmem:s18+$0xFFFFFEA0] =	vst.add.f32.msk $0xffff, v34  }
0x538: {  	v52 =	vunpack.i.l.bf16.f32 v30;
	v30 =	vunpack.i.u.bf16.f32 v30;
	v32 =	vadd.f32 v43, v42;
	[tilespmem:s18+$0xFFFFFC10] =	vst.add.f32.msk $0xffff, v11  }
0x539: {  	v36 =	vunpack.i.l.bf16.f32 v54;
	[tilespmem:s18+$0xFFFFFC20] =	vst.add.f32.msk $0xffff, v27;
	v10 =	vadd.f32 v50, v30  }
0x53a: {  	v38 =	vmul.f32 v26, v8;
	v53 =	vor.u32 v1, v22;
	v28 =	vadd.f32 v36, v63;
	[tilespmem:s18+$0xFFFFFE90] =	vst.add.f32.msk $0xffff, v32  }
0x53b: {  	v58 =	vor.u32 v1, v23;
	v41 =	vunpack.i.u.bf16.f32 v54;
	[tilespmem:s18+$0xFFFFFFA0] =	vst.add.f32.msk $0xffff, v10  }
0x53c: {  	v40 =	vor.u32 v2, v29;
	v31 =	vadd.f32 v41, v38;
	[tilespmem:s18+$0xFFFFFF30] =	vst.add.f32.msk $0xffff, v28  }
0x53d: {  	v61 =	vor.u32 v1, v25;
	v57 =	vld.idx.msk [tilespmem:v51+s15+$0x0], $0xffff  }
0x53e: {  	[tilespmem:s18+$0xFFFFFF40] =	vst.add.f32.msk $0xffff, v31  }
0x53f: {  	v60 =	vor.u32 v1, v24;
	v11 =	vld.idx.msk [tilespmem:v53+s15+$0x0], $0xffff  }
0x540: {  	v31 =	vld.idx.msk [tilespmem:v58+s15+$0x0], $0xffff  }
0x541: {  	v44 =	vmul.f32 v19, v9;
	v28 =	vadd.f32 v52, v45;
	v35 =	vld.idx.msk [tilespmem:v40+s15+$0x0], $0xffff;
	v40 =	vmul.f32 v20, v9  }
0x542: {  	v47 =	vmul.f32 v19, v8;
	v42 =	vmul.f32 v20, v8;
	v32 =	vld.idx.msk [tilespmem:v61+s15+$0x0], $0xffff;
	v43 =	vunpack.i.l.bf16.f32 v57  }
0x543: {  	v49 =	vmul.f32 v18, v9;
	[tilespmem:s18+$0xFFFFFF90] =	vst.add.f32.msk $0xffff, v28;
	v10 =	vunpack.i.u.bf16.f32 v57;
	v33 =	vadd.f32 v43, v40  }
0x544: {  	v54 =	vmul.f32 v26, v7;
	v28 =	vld.idx.msk [tilespmem:v60+s15+$0x0], $0xffff;
	v45 =	vunpack.i.l.bf16.f32 v11;
	v10 =	vadd.f32 v10, v42  }
0x545: {  	v51 =	vmul.f32 v18, v8;
	v11 =	vunpack.i.u.bf16.f32 v11;
	v36 =	vadd.f32 v45, v44;
	[tilespmem:s18+$0xFFFFFCB0] =	vst.add.f32.msk $0xffff, v33  }
0x546: {  	v52 =	vunpack.i.l.bf16.f32 v31;
	v31 =	vunpack.i.u.bf16.f32 v31;
	v11 =	vadd.f32 v11, v47;
	[tilespmem:s18+$0xFFFFFCC0] =	vst.add.f32.msk $0xffff, v10  }
0x547: {  	v55 =	vunpack.i.l.bf16.f32 v35;
	v59 =	vunpack.i.u.bf16.f32 v35;
	v35 =	vadd.f32 v52, v49;
	[tilespmem:s18+$0xFFFFFD30] =	vst.add.f32.msk $0xffff, v36  }
0x548: {  	v56 =	vmul.f32 v26, v6;
	v62 =	vor.u32 v1, v17;
	v31 =	vadd.f32 v31, v51;
	[tilespmem:s18+$0xFFFFFD40] =	vst.add.f32.msk $0xffff, v11  }
0x549: {  	v63 =	vor.u32 v1, v13;
	v27 =	vadd.f32 v55, v54;
	[tilespmem:s18+$0xFFFFFDB0] =	vst.add.f32.msk $0xffff, v35  }
0x54a: {  	v29 =	vor.u32 v3, v29;
	v30 =	vadd.f32 v59, v56;
	[tilespmem:s18+$0xFFFFFDC0] =	vst.add.f32.msk $0xffff, v31  }
0x54b: {  	[tilespmem:s18+$0xFFFFFF50] =	vst.add.f32.msk $0xffff, v27  }
0x54c: {  	v53 =	vmul.f32 v16, v9;
	[tilespmem:s18+$0xFFFFFF60] =	vst.add.f32.msk $0xffff, v30  }
0x54d: {  	v38 =	vor.u32 v2, v21;
	v54 =	vmul.f32 v16, v8;
	v55 =	vunpack.i.l.bf16.f32 v28;
	v27 =	vld.idx.msk [tilespmem:v62+s15+$0x0], $0xffff  }
0x54e: {  	v56 =	vmul.f32 v15, v9;
	v28 =	vunpack.i.u.bf16.f32 v28;
	v57 =	vadd.f32 v55, v53;
	v30 =	vld.idx.msk [tilespmem:v63+s15+$0x0], $0xffff  }
0x54f: {  	v58 =	vmul.f32 v15, v8;
	v59 =	vunpack.i.l.bf16.f32 v32;
	v10 =	vadd.f32 v28, v54;
	v29 =	vld.idx.msk [tilespmem:v29+s15+$0x0], $0xffff  }
0x550: {  	v61 =	vunpack.i.u.bf16.f32 v32;
	v42 =	vor.u32 v2, v24;
	v11 =	vadd.f32 v59, v56;
	[tilespmem:s18+$0xFFFFFE30] =	vst.add.f32.msk $0xffff, v57  }
0x551: {  	v28 =	vadd.f32 v61, v58;
	[tilespmem:s18+$0xFFFFFE40] =	vst.add.f32.msk $0xffff, v10  }
0x552: {  	v60 =	vmul.f32 v14, v9;
	[tilespmem:s18+$0xFFFFFEB0] =	vst.add.f32.msk $0xffff, v11  }
0x553: {  	v37 =	vmul.f32 v12, v8;
	v62 =	vmul.f32 v14, v8;
	[tilespmem:s18+$0xFFFFFEC0] =	vst.add.f32.msk $0xffff, v28;
	v63 =	vunpack.i.l.bf16.f32 v27  }
0x554: {  	v41 =	vmul.f32 v12, v9;
	v11 =	vld.idx.msk [tilespmem:v38+s15+$0x0], $0xffff;
	v35 =	vunpack.i.u.bf16.f32 v27;
	v9 =	vadd.f32 v63, v60  }
0x555: {  	v40 =	vor.u32 v2, v22;
	v28 =	vld.idx.msk [tilespmem:v42+s15+$0x0], $0xffff;
	v36 =	vunpack.i.l.bf16.f32 v30;
	v10 =	vadd.f32 v35, v62  }
0x556: {  	v43 =	vor.u32 v2, v25;
	v39 =	vunpack.i.u.bf16.f32 v30;
	v27 =	vadd.f32 v36, v41;
	[tilespmem:s18+$0xFFFFFC30] =	vst.add.f32.msk $0xffff, v9  }
0x557: {  	v8 =	vadd.f32 v39, v37;
	[tilespmem:s18+$0xFFFFFC40] =	vst.add.f32.msk $0xffff, v10  }
0x558: {  	v46 =	vmul.f32 v26, v4;
	v44 =	vor.u32 v2, v17;
	[tilespmem:s18+$0xFFFFFFB0] =	vst.add.f32.msk $0xffff, v27  }
0x559: {  	v45 =	vor.u32 v2, v13;
	v48 =	vunpack.i.u.bf16.f32 v29;
	[tilespmem:s18+$0xFFFFFFC0] =	vst.add.f32.msk $0xffff, v8  }
0x55a: {  	v50 =	vadd.f32 v48, v46;
	v9 =	vld.idx.msk [tilespmem:v40+s15+$0x0], $0xffff  }
0x55b: {  	v26 =	vmul.f32 v26, v5;
	v41 =	vor.u32 v2, v23;
	v27 =	vld.idx.msk [tilespmem:v43+s15+$0x0], $0xffff  }
0x55c: {  	v29 =	vunpack.i.l.bf16.f32 v29;
	[tilespmem:s18+$0xFFFFFF80] =	vst.add.f32.msk $0xffff, v50  }
0x55d: {  	v58 =	vmul.f32 v16, v6;
	v26 =	vadd.f32 v29, v26;
	v46 =	vmul.f32 v20, v7;
	v8 =	vld.idx.msk [tilespmem:v44+s15+$0x0], $0xffff  }
0x55e: {  	v57 =	vmul.f32 v16, v7;
	v48 =	vmul.f32 v20, v6;
	v49 =	vunpack.i.l.bf16.f32 v11;
	v30 =	vld.idx.msk [tilespmem:v45+s15+$0x0], $0xffff  }
0x55f: {  	v11 =	vunpack.i.u.bf16.f32 v11;
	v59 =	vunpack.i.l.bf16.f32 v28;
	v29 =	vadd.f32 v49, v46;
	[tilespmem:s18+$0xFFFFFF70] =	vst.add.f32.msk $0xffff, v26  }
0x560: {  	v28 =	vunpack.i.u.bf16.f32 v28;
	v11 =	vadd.f32 v11, v48;
	v44 =	vor.u32 v3, v24;
	v10 =	vld.idx.msk [tilespmem:v41+s15+$0x0], $0xffff  }
0x561: {  	v47 =	vmul.f32 v12, v7;
	v28 =	vadd.f32 v28, v58;
	[tilespmem:s18+$0xFFFFFCD0] =	vst.add.f32.msk $0xffff, v29  }
0x562: {  	v51 =	vmul.f32 v19, v6;
	v50 =	vmul.f32 v19, v7;
	[tilespmem:s18+$0xFFFFFCE0] =	vst.add.f32.msk $0xffff, v11;
	v11 =	vadd.f32 v59, v57  }
0x563: {  	v53 =	vmul.f32 v18, v7;
	v33 =	vmul.f32 v14, v7;
	[tilespmem:s18+$0xFFFFFE60] =	vst.add.f32.msk $0xffff, v28;
	v52 =	vunpack.i.l.bf16.f32 v9  }
0x564: {  	v61 =	vmul.f32 v15, v7;
	v9 =	vunpack.i.u.bf16.f32 v9;
	[tilespmem:s18+$0xFFFFFE50] =	vst.add.f32.msk $0xffff, v11;
	v54 =	vadd.f32 v52, v50  }
0x565: {  	v36 =	vmul.f32 v14, v6;
	v9 =	vadd.f32 v9, v51;
	v35 =	vunpack.i.l.bf16.f32 v8;
	v11 =	vld.idx.msk [tilespmem:v44+s15+$0x0], $0xffff  }
0x566: {  	v39 =	vmul.f32 v12, v6;
	v8 =	vunpack.i.u.bf16.f32 v8;
	v7 =	vadd.f32 v35, v33;
	[tilespmem:s18+$0xFFFFFD50] =	vst.add.f32.msk $0xffff, v54  }
0x567: {  	v41 =	vor.u32 v3, v22;
	v38 =	vunpack.i.l.bf16.f32 v30;
	v8 =	vadd.f32 v8, v36;
	[tilespmem:s18+$0xFFFFFD60] =	vst.add.f32.msk $0xffff, v9  }
0x568: {  	v55 =	vmul.f32 v18, v6;
	v42 =	vunpack.i.u.bf16.f32 v30;
	v40 =	vadd.f32 v38, v47;
	[tilespmem:s18+$0xFFFFFC50] =	vst.add.f32.msk $0xffff, v7  }
0x569: {  	v62 =	vmul.f32 v15, v6;
	v46 =	vor.u32 v3, v17;
	v6 =	vadd.f32 v42, v39;
	[tilespmem:s18+$0xFFFFFC60] =	vst.add.f32.msk $0xffff, v8  }
0x56a: {  	v13 =	vor.u32 v3, v13;
	v34 =	vunpack.i.u.bf16.f32 v27;
	[tilespmem:s18+$0xFFFFFFD0] =	vst.add.f32.msk $0xffff, v40  }
0x56b: {  	v9 =	vadd.f32 v34, v62;
	[tilespmem:s18+$0xFFFFFFE0] =	vst.add.f32.msk $0xffff, v6  }
0x56c: {  	v37 =	vor.u32 v3, v21;
	v43 =	vor.u32 v3, v23;
	v45 =	vor.u32 v3, v25;
	v7 =	vld.idx.msk [tilespmem:v41+s15+$0x0], $0xffff  }
0x56d: {  	v49 =	vmul.f32 v19, v5;
	v19 =	vmul.f32 v19, v4;
	v56 =	vunpack.i.l.bf16.f32 v10;
	[tilespmem:s18+$0xFFFFFEE0] =	vst.add.f32.msk $0xffff, v9  }
0x56e: {  	v58 =	vmul.f32 v15, v5;
	v10 =	vunpack.i.u.bf16.f32 v10;
	v26 =	vadd.f32 v56, v53;
	v6 =	vld.idx.msk [tilespmem:v46+s15+$0x0], $0xffff  }
0x56f: {  	v15 =	vmul.f32 v15, v4;
	v63 =	vunpack.i.l.bf16.f32 v27;
	v60 =	vadd.f32 v10, v55;
	v13 =	vld.idx.msk [tilespmem:v13+s15+$0x0], $0xffff  }
0x570: {  	v51 =	vmul.f32 v18, v5;
	v18 =	vmul.f32 v18, v4;
	v10 =	vadd.f32 v63, v61;
	[tilespmem:s18+$0xFFFFFDD0] =	vst.add.f32.msk $0xffff, v26  }
0x571: {  	v47 =	vmul.f32 v20, v5;
	v20 =	vmul.f32 v20, v4;
	[tilespmem:s18+$0xFFFFFDE0] =	vst.add.f32.msk $0xffff, v60  }
0x572: {  	v54 =	vmul.f32 v16, v5;
	v16 =	vmul.f32 v16, v4;
	[tilespmem:s18+$0xFFFFFED0] =	vst.add.f32.msk $0xffff, v10  }
0x573: {  	v10 =	vld.idx.msk [tilespmem:v37+s15+$0x0], $0xffff;
	v56 =	vunpack.i.l.bf16.f32 v11;
	v11 =	vunpack.i.u.bf16.f32 v11;
	v60 =	vmul.f32 v14, v5  }
0x574: {  	v14 =	vmul.f32 v14, v4;
	v8 =	vld.idx.msk [tilespmem:v43+s15+$0x0], $0xffff;
	v11 =	vadd.f32 v11, v16;
	v50 =	vunpack.i.l.bf16.f32 v7  }
0x575: {  	v5 =	vmul.f32 v12, v5;
	v9 =	vld.idx.msk [tilespmem:v45+s15+$0x0], $0xffff;
	v7 =	vunpack.i.u.bf16.f32 v7;
	v52 =	vadd.f32 v50, v49  }
0x576: {  	[tilespmem:s18+$0xFFFFFE80] =	vst.add.f32.msk $0xffff, v11;
	v7 =	vadd.f32 v7, v19;
	v61 =	vunpack.i.l.bf16.f32 v6;
	v6 =	vunpack.i.u.bf16.f32 v6  }
0x577: {  	v4 =	vmul.f32 v12, v4;
	v62 =	vunpack.i.l.bf16.f32 v13;
	v6 =	vadd.f32 v6, v14;
	[tilespmem:s18+$0xFFFFFD70] =	vst.add.f32.msk $0xffff, v52  }
0x578: {  	v63 =	vunpack.i.u.bf16.f32 v13;
	v5 =	vadd.f32 v62, v5;
	[tilespmem:s18+$0xFFFFFD80] =	vst.add.f32.msk $0xffff, v7  }
0x579: {  	v48 =	vunpack.i.l.bf16.f32 v10;
	v4 =	vadd.f32 v63, v4;
	[tilespmem:s18+$0xFFFFFC80] =	vst.add.f32.msk $0xffff, v6  }
0x57a: {  	v10 =	vunpack.i.u.bf16.f32 v10;
	v17 =	vadd.f32 v48, v47;
	[tilespmem:s18+$0xFFFFFFF0] =	vst.add.f32.msk $0xffff, v5  }
0x57b: {  	v10 =	vadd.f32 v10, v20;
	[tilespmem:s18+$0x0] =	vst.add.f32.msk $0xffff, v4  }
0x57c: {  	v53 =	vunpack.i.l.bf16.f32 v8;
	v7 =	vadd.f32 v61, v60;
	[tilespmem:s18+$0xFFFFFCF0] =	vst.add.f32.msk $0xffff, v17  }
0x57d: {  	v8 =	vunpack.i.u.bf16.f32 v8;
	v55 =	vadd.f32 v53, v51;
	[tilespmem:s18+$0xFFFFFD00] =	vst.add.f32.msk $0xffff, v10  }
0x57e: {  	v59 =	vunpack.i.l.bf16.f32 v9;
	v57 =	vadd.f32 v8, v18;
	[tilespmem:s18+$0xFFFFFC70] =	vst.add.f32.msk $0xffff, v7  }
0x57f: {  	v9 =	vunpack.i.u.bf16.f32 v9;
	v8 =	vadd.f32 v59, v58;
	[tilespmem:s18+$0xFFFFFDF0] =	vst.add.f32.msk $0xffff, v55  }
0x580: {  	v9 =	vadd.f32 v9, v15;
	[tilespmem:s18+$0xFFFFFE00] =	vst.add.f32.msk $0xffff, v57  }
0x581: {  	v10 =	vadd.f32 v56, v54;
	[tilespmem:s18+$0xFFFFFEF0] =	vst.add.f32.msk $0xffff, v8  }
0x582: {  	[tilespmem:s18+$0xFFFFFF00] =	vst.add.f32.msk $0xffff, v9  }
0x583: {  	[tilespmem:s18+$0xFFFFFE70] =	vst.add.f32.msk $0xffff, v10  }
0x584: {  	s23 =	simm.s32 $0x8600;
	s21 =	rddreg [dreg:$0xe]  }
0x585: {  	[hbm4b:s21+s5] =	stream.linear.scatter [tilespmem:s23], [sflag:$0x6], $0x8000, $0x38;
	[tilespmem:$0x1C700] =	vst v63  }
0x586: {  	_ =	swait.ge [sflag:s20], $0x8000  }
0x587: {  	[sflag:s20] =	ssyncset.done $0x0  }
0x588: {  	s24 =	simm.s32 $0x6;
	[sflag:s20] =	ssyncadd.s32 $0xFFFF8000  }
0x589: {  	_ =	swait.ge [sflag:s24], $0x8000  }
0x58a: {  	s11 =	rddreg [dreg:$0x10]  }
0x58b: {  	s31 =	rddreg [dreg:$0xf];
	s11 =	sadd.s32 $0x1, s11  }
0x58c: {  	p0 =	sne.s32 s11, s31  }
.Ltmp11:
0x58d: {  	_ = 	snop;
	(pc) =	sbr.rel @p0 .LBB2_1-.Ltmp11, $3  }
0x58e: {  	_ =	sdelay $0x1  }
0x58f: {  	[sflag:s24] =	ssyncset.done $0x0  }
0x590: {  	[sflag:s24] =	ssyncadd.s32 $0xFFFF8000  }
0x591: {  	_ =	sfence.sel $0x180000  }
0x592: {  	[bflag:$0x0] =	sbarrier.arrive $0xFFFF  }
0x593: {  	_ =	strace $0x90000047  }
0x594: {  	s0 =	stileid.u32;
	[bflag:$0x2] =	sbarrier.arrive $0xFFFF  }
0x595: {  	p0 =	sne.s32 s0, $0x0;
	s0 =	rddreg [dreg:$0x5]  }
0x596: {  	s0 =	sadd.s32 @!p0 $0x100000, s0  }
0x597: {  	[sflag:s0] =	ssyncadd.tile.s32 @!p0 $0x1;
	_ =	shalt  }
.Lfunc_end2:
_tile_overlayer_lowered:
.L_overlay_start_2:
0x598: {  	(tag) =	ssettag $0x2  }
0x599: {  	s0 =	rddreg [dreg:$0x0];
	s2 =	stileid.u32  }
0x59a: {  	s1 =	rddreg [dreg:$0x1];
	p0 =	sne.s32 s2, $0x0  }
0x59b: {  	s3 =	rddreg [dreg:$0x2];
	[bflag:$0x3] =	sbarrier.arrive $0xFFFF;
	s2 =	simm.s32 @!p0 $0x1C07  }
0x59c: {  	[timem:s3], [sflag:s2] =	dma.local @!p0 [hbm:s0], s1  }
0x59d: {  	s0 =	simm.s32 @!p0 $0x7  }
0x59e: {  	_ =	swait.ge @!p0 [sflag:s0], s1  }
0x59f: {  	s1 =	ssub.s32 @!p0 $0x0, s1;
	[sflag:s0] =	ssyncset.done @!p0 $0x0  }
0x5a0: {  	[sflag:s0] =	ssyncadd.s32 @!p0 s1  }
0x5a1: {  	[bflag:$0x3] =	sbarrier.arrive $0xFFFF  }
0x5a2: {  	_ =	shalt  }

</sc_bundles>
